<compile_context>
chip_gen: v7x
topology: tpu7x:2x2x1
jax: 0.10.2.dev20260603
libtpu: 0.0.44.dev20260713+nightly
codegen_flags: <defaults>
</compile_context>

<pallas_src>
import functools

import jax
import jax.numpy as jnp
from jax import lax
from jax.experimental import pallas as pl
from jax.experimental.pallas import tpu as pltpu
from jax.experimental.pallas import tpu_sc as plsc

N = 100000
E = 3200000
F = 128
H = 16
C = 40

NC = 2
NS = 16
NW = NC * NS

CH = 128
RW = 784
ROWS = NW * RW
EPAD = ROWS * CH
K = 16
DEPTH = 4
NBUF = 8

NACC = 100352
RT = NACC // NS


def _sc_body(with_counts, *refs):
    if with_counts:
        (src_hbm, dst_hbm, tab_hbm, z16_hbm, z1_hbm,
         out_hbm, cnt_out_hbm,
         acc_sh, cnt_sh, sidx, didx, rows_v, ones_v, z1v,
         *sems) = refs
    else:
        (src_hbm, dst_hbm, tab_hbm, z16_hbm,
         out_hbm,
         acc_sh, sidx, didx, rows_v,
         *sems) = refs
    sem_g = sems[:NBUF]
    sem_s = sems[NBUF:2 * NBUF]
    sem_c = sems[2 * NBUF] if with_counts else None

    core = lax.axis_index("c")
    sub = lax.axis_index("s")
    w = sub * NC + core

    r0 = sub * RT

    def zinit(k, carry):
        o = r0 + k * CH
        pltpu.sync_copy(z16_hbm.at[pl.ds(o, CH)], rows_v.at[0])
        pltpu.sync_copy(rows_v.at[0], acc_sh.at[pl.ds(o, CH)])
        if with_counts:
            pltpu.sync_copy(z1_hbm.at[pl.ds(o, CH)], z1v)
            pltpu.sync_copy(z1v, cnt_sh.at[pl.ds(o, CH)])
        return carry

    lax.fori_loop(0, RT // CH, zinit, 0)
    if with_counts:
        for i in range(CH // 16):
            ones_v[pl.ds(i * 16, 16)] = jnp.ones((16,), jnp.float32)
    plsc.subcore_barrier()

    def step(i, carry):
        row = (i * NW + w) * K
        pltpu.sync_copy(src_hbm.at[pl.ds(row, K)], sidx)
        pltpu.sync_copy(dst_hbm.at[pl.ds(row, K)], didx)
        dg = {}
        dsc = {}
        dcnt = []
        for u in range(DEPTH):
            dg[u] = pltpu.async_copy(tab_hbm.at[sidx.at[u]], rows_v.at[u],
                                     sem_g[u])
        for u in range(K):
            dg[u].wait()
            dsc[u] = pltpu.async_copy(rows_v.at[u % NBUF],
                                      acc_sh.at[didx.at[u]],
                                      sem_s[u % NBUF], add=True)
            if with_counts:
                dcnt.append(pltpu.async_copy(ones_v, cnt_sh.at[didx.at[u]],
                                             sem_c, add=True))
            nu = u + DEPTH
            if nu < K:
                if nu >= NBUF:
                    dsc[nu - NBUF].wait()
                dg[nu] = pltpu.async_copy(tab_hbm.at[sidx.at[nu]],
                                          rows_v.at[nu % NBUF],
                                          sem_g[nu % NBUF])
        for u in range(K - NBUF, K):
            dsc[u].wait()
        for d in dcnt:
            d.wait()
        return carry

    lax.fori_loop(0, RW // K, step, 0)

    plsc.subcore_barrier()

    def cout(k, carry):
        o = r0 + k * CH
        pltpu.sync_copy(acc_sh.at[pl.ds(o, CH)], rows_v.at[0])
        pltpu.sync_copy(rows_v.at[0], out_hbm.at[core, pl.ds(o, CH)])
        if with_counts:
            pltpu.sync_copy(cnt_sh.at[pl.ds(o, CH)], z1v)
            pltpu.sync_copy(z1v, cnt_out_hbm.at[pl.ds(core * NACC + o, CH)])
        return carry

    lax.fori_loop(0, RT // CH, cout, 0)


def _make_sc_pass(with_counts):
    mesh = plsc.VectorSubcoreMesh(core_axis_name="c", subcore_axis_name="s",
                                  num_cores=NC, num_subcores=NS)
    if with_counts:
        out_type = (jax.ShapeDtypeStruct((NC, NACC, H), jnp.float32),
                    jax.ShapeDtypeStruct((NC * NACC,), jnp.float32))
        scratch = [
            pltpu.VMEM_SHARED((NACC, H), jnp.float32),
            pltpu.VMEM_SHARED((NACC,), jnp.float32),
            pltpu.VMEM((K, CH), jnp.int32),
            pltpu.VMEM((K, CH), jnp.int32),
            pltpu.VMEM((NBUF, CH, H), jnp.float32),
            pltpu.VMEM((CH,), jnp.float32),
            pltpu.VMEM((CH,), jnp.float32),
        ] + [pltpu.SemaphoreType.DMA] * (2 * NBUF + 1)
    else:
        out_type = jax.ShapeDtypeStruct((NC, NACC, H), jnp.float32)
        scratch = [
            pltpu.VMEM_SHARED((NACC, H), jnp.float32),
            pltpu.VMEM((K, CH), jnp.int32),
            pltpu.VMEM((K, CH), jnp.int32),
            pltpu.VMEM((NBUF, CH, H), jnp.float32),
        ] + [pltpu.SemaphoreType.DMA] * (2 * NBUF)
    return pl.kernel(functools.partial(_sc_body, with_counts),
                     out_type=out_type, mesh=mesh, scratch_types=scratch,
                     compiler_params=pltpu.CompilerParams(
                         use_tc_tiling_on_sc=False))


_sc_pass_counts = _make_sc_pass(True)
_sc_pass = _make_sc_pass(False)


ROWB = 4000
GRID1 = N // ROWB
ROWB2 = 2048
GRID2 = NACC // ROWB2


def _tc1_body(x_ref, w_ref, b_ref, o_ref):
    o_ref[...] = jnp.dot(x_ref[...], w_ref[...],
                         preferred_element_type=jnp.float32) + b_ref[...]


def _tc1(x, wt, b):
    return pl.pallas_call(
        _tc1_body,
        grid=(GRID1,),
        in_specs=[
            pl.BlockSpec((ROWB, F), lambda i: (i, 0)),
            pl.BlockSpec((F, H), lambda i: (0, 0)),
            pl.BlockSpec((1, H), lambda i: (0, 0)),
        ],
        out_specs=pl.BlockSpec((ROWB, H), lambda i: (i, 0)),
        out_shape=jax.ShapeDtypeStruct((NACC, H), jnp.float32),
    )(x, wt, b)


def _tc2_body(p_ref, h_ref, c_ref, g_ref):
    p = p_ref[...]
    cnt = c_ref[...] + 1.0
    s = (p[0] + p[1] + h_ref[...]) / cnt
    g_ref[...] = jnp.maximum(s, 0.0)


def _tc2(part, h, cb):
    return pl.pallas_call(
        _tc2_body,
        grid=(GRID2,),
        in_specs=[
            pl.BlockSpec((NC, ROWB2, H), lambda i: (0, i, 0)),
            pl.BlockSpec((ROWB2, H), lambda i: (i, 0)),
            pl.BlockSpec((ROWB2, H), lambda i: (i, 0)),
        ],
        out_specs=pl.BlockSpec((ROWB2, H), lambda i: (i, 0)),
        out_shape=jax.ShapeDtypeStruct((NACC, H), jnp.float32),
    )(part, h, cb)


def _tc3_body(p_ref, g_ref, c_ref, w_ref, b_ref, o_ref):
    p = p_ref[...]
    s = (p[0] + p[1] + g_ref[...]) / (c_ref[...] + 1.0)
    z = jnp.dot(s, w_ref[...], preferred_element_type=jnp.float32) + b_ref[...]
    m = jnp.max(z, axis=1, keepdims=True)
    lse = jnp.log(jnp.sum(jnp.exp(z - m), axis=1, keepdims=True)) + m
    o_ref[...] = z - lse


def _tc3(part, g, cb, wt, b):
    return pl.pallas_call(
        _tc3_body,
        grid=(GRID2,),
        in_specs=[
            pl.BlockSpec((NC, ROWB2, H), lambda i: (0, i, 0)),
            pl.BlockSpec((ROWB2, H), lambda i: (i, 0)),
            pl.BlockSpec((ROWB2, H), lambda i: (i, 0)),
            pl.BlockSpec((H, C), lambda i: (0, 0)),
            pl.BlockSpec((1, C), lambda i: (0, 0)),
        ],
        out_specs=pl.BlockSpec((ROWB2, C), lambda i: (i, 0)),
        out_shape=jax.ShapeDtypeStruct((NACC, C), jnp.float32),
    )(part, g, cb, wt, b)


ERWS = E // CH
PADR = ROWS - ERWS


def kernel(x, edge_index, W1, b1, W2, b2):
    ei = edge_index.astype(jnp.int32)
    s1 = ei[0].reshape(ERWS, CH)
    d1 = ei[1].reshape(ERWS, CH)
    src2 = jnp.pad(s1, ((0, PADR), (0, 0)))
    pad_dst = (jnp.arange(PADR * CH, dtype=jnp.int32) % (NACC - N)
               + N).reshape(PADR, CH)
    dst2 = jnp.concatenate([d1, pad_dst])

    z16 = jnp.zeros((NACC, H), jnp.float32)
    z1 = jnp.zeros((NACC,), jnp.float32)

    h1 = _tc1(x, W1.T, b1.reshape(1, H))

    part1, cntp = _sc_pass_counts(src2, dst2, h1, z16, z1)
    cb = jnp.broadcast_to((cntp[:NACC] + cntp[NACC:])[:, None], (NACC, H))

    g = _tc2(part1, h1, cb)

    part2 = _sc_pass(src2, dst2, g, z16)

    return _tc3(part2, g, cb, W2.T, b2.reshape(1, C))[:N]

# --- scband reference (transcript-rebuilt; emitter-appended) ---
"""Pipeline reference for scband-mpnnnet-12867722019659 (READ-ONLY COPY).

The authoritative reference and input builder live on the scoring server;
editing this copy changes nothing except your own understanding.
"""

import jax, jax.numpy as jnp
import numpy as np

N_NODES = 100000
N_EDGES = 3200000
NFEAT = 128
NHID = 16
NCLASS = 40


def setup_inputs(seed: int = 0) -> dict:
    key = jax.random.key(seed)
    k1, k2, k3, k4, k5, k6 = jax.random.split(key, 6)
    x = jax.random.normal(k1, (N_NODES, NFEAT), dtype=jnp.float32)
    edge_index = jax.random.randint(k2, (2, N_EDGES), 0, N_NODES, dtype=jnp.int64)
    W1 = jax.random.normal(k3, (NHID, NFEAT), dtype=jnp.float32) * (1.0 / np.sqrt(NFEAT))
    b1 = jax.random.normal(k4, (NHID,), dtype=jnp.float32) * 0.01
    W2 = jax.random.normal(k5, (NCLASS, NHID), dtype=jnp.float32) * (1.0 / np.sqrt(NHID))
    b2 = jax.random.normal(k6, (NCLASS,), dtype=jnp.float32) * 0.01
    return {"x": x, "edge_index": edge_index, "W1": W1, "b1": b1, "W2": W2, "b2": b2}


def _mpnn_layer(x, edge_index, W, b):
    n = x.shape[0]
    loops = jnp.arange(n, dtype=edge_index.dtype)
    src = jnp.concatenate([edge_index[0], loops])
    dst = jnp.concatenate([edge_index[1], loops])
    h = x @ W.T + b
    msg = jnp.take(h, src, axis=0)
    summed = jax.ops.segment_sum(msg, dst, num_segments=n)
    cnt = jax.ops.segment_sum(jnp.ones((dst.shape[0],), dtype=h.dtype), dst, num_segments=n)
    return summed / jnp.clip(cnt, 1.0)[:, None]


def reference(x, edge_index, W1, b1, W2, b2):
    h = _mpnn_layer(x, edge_index, W1, b1)
    h = jax.nn.relu(h)
    # dropout is identity in eval mode
    h = _mpnn_layer(h, edge_index, W2, b2)
    return jax.nn.log_softmax(h, axis=1)

if __name__ == "__main__":
    import jax
    _d = setup_inputs()
    print(jax.jit(kernel)(*tuple(_d.values())))

</pallas_src>

<mosaic_0001>
#map = affine_map<(d0, d1) -> (0, 0)>
#map1 = affine_map<(d0, d1) -> (0)>
#map2 = affine_map<(d0, d1) -> (0, 0, 0)>
module attributes {stable_mosaic.version = 14 : i64} {
  func.func @_sc_body(%arg0: i32, %arg1: i32, %arg2: memref<25088x128xi32, #tpu.memory_space<hbm>>, %arg3: memref<25088x128xi32, #tpu.memory_space<hbm>>, %arg4: memref<100352x16xf32, #tpu.memory_space<hbm>>, %arg5: memref<100352x16xf32, #tpu.memory_space<hbm>>, %arg6: memref<100352xf32, #tpu.memory_space<hbm>>, %arg7: memref<2x100352x16xf32, #tpu.memory_space<hbm>>, %arg8: memref<200704xf32, #tpu.memory_space<hbm>>, %arg9: memref<100352x16xf32, #tpu.memory_space<vmem_shared>>, %arg10: memref<100352xf32, #tpu.memory_space<vmem_shared>>, %arg11: memref<16x128xi32, #tpu.memory_space<vmem>>, %arg12: memref<16x128xi32, #tpu.memory_space<vmem>>, %arg13: memref<8x128x16xf32, #tpu.memory_space<vmem>>, %arg14: memref<128xf32, #tpu.memory_space<vmem>>, %arg15: memref<128xf32, #tpu.memory_space<vmem>>, %arg16: memref<!tpu.dma_semaphore, #tpu.memory_space<semaphore_mem>>, %arg17: memref<!tpu.dma_semaphore, #tpu.memory_space<semaphore_mem>>, %arg18: memref<!tpu.dma_semaphore, #tpu.memory_space<semaphore_mem>>, %arg19: memref<!tpu.dma_semaphore, #tpu.memory_space<semaphore_mem>>, %arg20: memref<!tpu.dma_semaphore, #tpu.memory_space<semaphore_mem>>, %arg21: memref<!tpu.dma_semaphore, #tpu.memory_space<semaphore_mem>>, %arg22: memref<!tpu.dma_semaphore, #tpu.memory_space<semaphore_mem>>, %arg23: memref<!tpu.dma_semaphore, #tpu.memory_space<semaphore_mem>>, %arg24: memref<!tpu.dma_semaphore, #tpu.memory_space<semaphore_mem>>, %arg25: memref<!tpu.dma_semaphore, #tpu.memory_space<semaphore_mem>>, %arg26: memref<!tpu.dma_semaphore, #tpu.memory_space<semaphore_mem>>, %arg27: memref<!tpu.dma_semaphore, #tpu.memory_space<semaphore_mem>>, %arg28: memref<!tpu.dma_semaphore, #tpu.memory_space<semaphore_mem>>, %arg29: memref<!tpu.dma_semaphore, #tpu.memory_space<semaphore_mem>>, %arg30: memref<!tpu.dma_semaphore, #tpu.memory_space<semaphore_mem>>, %arg31: memref<!tpu.dma_semaphore, #tpu.memory_space<semaphore_mem>>, %arg32: memref<!tpu.dma_semaphore, #tpu.memory_space<semaphore_mem>>) attributes {dimension_semantics = [#tpu.dimension_semantics<core_parallel>, #tpu.dimension_semantics<subcore_parallel>], iteration_bounds = array<i64: 2, 16>, scalar_prefetch = 0 : i64, scratch_operands = 24 : i64, tpu.core_type = #tpu.core_type<sc_vector_subcore>, window_params = [{transform_indices = #map}, {transform_indices = #map}, {transform_indices = #map}, {transform_indices = #map}, {transform_indices = #map1}, {transform_indices = #map2}, {transform_indices = #map1}]} {
    %mul3A = arith.constant 2 : i32
    %mul3A_0 = arith.muli %arg1, %mul3A : i32
    %add3A = arith.addi %mul3A_0, %arg0 : i32
    %mul3A_1 = arith.constant 6272 : i32
    %mul3A_2 = arith.muli %arg1, %mul3A_1 : i32
    %scan3A = arith.constant 0 : i32
    %scan3A_3 = arith.constant 0 : i32
    %scan3A_4 = arith.constant 49 : i32
    %scan3A_5 = arith.addi %scan3A_3, %scan3A_4 : i32
    %scan3A_6 = arith.constant 1 : i32
    scf.for %scan3A_67 = %scan3A_3 to %scan3A_5 step %scan3A_6  : i32 {
      %mul3A_68 = arith.constant 128 : i32
      %mul3A_69 = arith.muli %scan3A_67, %mul3A_68 : i32
      %add3A_70 = arith.addi %mul3A_2, %mul3A_69 : i32
      %run_scoped3A = arith.constant 0 : i32
      "tpu.region"() ({
        %run_scoped3A_72 = tpu.sem_alloc : memref<!tpu.dma_semaphore, #tpu.memory_space<semaphore_mem>>
        %dma_start3A = arith.constant 0 : i32
        %dma_start3A_73 = arith.constant 0 : i32
        %dma_start3A_74 = tpu.memref_slice %arg13[%run_scoped3A, %dma_start3A, %dma_start3A_73] : memref<8x128x16xf32, #tpu.memory_space<vmem>> -> memref<1x128x16xf32, #tpu.memory_space<vmem>>
        %dma_start3A_75 = tpu.memref_squeeze %dma_start3A_74 : memref<1x128x16xf32, #tpu.memory_space<vmem>> -> memref<128x16xf32, #tpu.memory_space<vmem>>
        %dma_start3A_76 = arith.constant 0 : i32
        %dma_start3A_77 = tpu.memref_slice %arg5[%add3A_70, %dma_start3A_76] : memref<100352x16xf32, #tpu.memory_space<hbm>> -> memref<128x16xf32, #tpu.memory_space<hbm>>
        %dma_start3A_78 = arith.constant 0 : i32
        %dma_start3A_79 = arith.constant 0 : i32
        %dma_start3A_80 = tpu.memref_slice %arg13[%run_scoped3A, %dma_start3A_78, %dma_start3A_79] : memref<8x128x16xf32, #tpu.memory_space<vmem>> -> memref<1x128x16xf32, #tpu.memory_space<vmem>>
        %dma_start3A_81 = tpu.memref_squeeze %dma_start3A_80 : memref<1x128x16xf32, #tpu.memory_space<vmem>> -> memref<128x16xf32, #tpu.memory_space<vmem>>
        %dma_start3A_82 = arith.constant 0 : i32
        %dma_start3A_83 = tpu.memref_slice %arg5[%add3A_70, %dma_start3A_82] : memref<100352x16xf32, #tpu.memory_space<hbm>> -> memref<128x16xf32, #tpu.memory_space<hbm>>
        tpu.enqueue_dma source(%dma_start3A_83 : memref<128x16xf32, #tpu.memory_space<hbm>>) target(%dma_start3A_81 : memref<128x16xf32, #tpu.memory_space<vmem>>) target_semaphore(%run_scoped3A_72 : memref<!tpu.dma_semaphore, #tpu.memory_space<semaphore_mem>>)
        %dma_wait3A = arith.constant 0 : i32
        %dma_wait3A_84 = arith.constant 0 : i32
        %dma_wait3A_85 = tpu.memref_slice %arg13[%run_scoped3A, %dma_wait3A, %dma_wait3A_84] : memref<8x128x16xf32, #tpu.memory_space<vmem>> -> memref<1x128x16xf32, #tpu.memory_space<vmem>>
        %dma_wait3A_86 = tpu.memref_squeeze %dma_wait3A_85 : memref<1x128x16xf32, #tpu.memory_space<vmem>> -> memref<128x16xf32, #tpu.memory_space<vmem>>
        %dma_wait3A_87 = arith.constant 0 : i32
        %dma_wait3A_88 = tpu.memref_slice %arg5[%add3A_70, %dma_wait3A_87] : memref<100352x16xf32, #tpu.memory_space<hbm>> -> memref<128x16xf32, #tpu.memory_space<hbm>>
        %dma_wait3A_89 = arith.constant 0 : i32
        %dma_wait3A_90 = arith.constant 0 : i32
        %dma_wait3A_91 = tpu.memref_slice %arg13[%run_scoped3A, %dma_wait3A_89, %dma_wait3A_90] : memref<8x128x16xf32, #tpu.memory_space<vmem>> -> memref<1x128x16xf32, #tpu.memory_space<vmem>>
        %dma_wait3A_92 = tpu.memref_squeeze %dma_wait3A_91 : memref<1x128x16xf32, #tpu.memory_space<vmem>> -> memref<128x16xf32, #tpu.memory_space<vmem>>
        %dma_wait3A_93 = arith.constant 0 : i32
        %dma_wait3A_94 = tpu.memref_slice %arg5[%add3A_70, %dma_wait3A_93] : memref<100352x16xf32, #tpu.memory_space<hbm>> -> memref<128x16xf32, #tpu.memory_space<hbm>>
        tpu.wait_dma2 semaphore(%run_scoped3A_72 : memref<!tpu.dma_semaphore, #tpu.memory_space<semaphore_mem>>) src(%dma_wait3A_94 : memref<128x16xf32, #tpu.memory_space<hbm>>) dst(%dma_wait3A_92 : memref<128x16xf32, #tpu.memory_space<vmem>>)
        tpu.yield
      }) : () -> ()
      %run_scoped3A_71 = arith.constant 0 : i32
      "tpu.region"() ({
        %run_scoped3A_72 = tpu.sem_alloc : memref<!tpu.dma_semaphore, #tpu.memory_space<semaphore_mem>>
        %dma_start3A = arith.constant 0 : i32
        %dma_start3A_73 = arith.constant 0 : i32
        %dma_start3A_74 = tpu.memref_slice %arg13[%run_scoped3A_71, %dma_start3A, %dma_start3A_73] : memref<8x128x16xf32, #tpu.memory_space<vmem>> -> memref<1x128x16xf32, #tpu.memory_space<vmem>>
        %dma_start3A_75 = tpu.memref_squeeze %dma_start3A_74 : memref<1x128x16xf32, #tpu.memory_space<vmem>> -> memref<128x16xf32, #tpu.memory_space<vmem>>
        %dma_start3A_76 = arith.constant 0 : i32
        %dma_start3A_77 = tpu.memref_slice %arg9[%add3A_70, %dma_start3A_76] : memref<100352x16xf32, #tpu.memory_space<vmem_shared>> -> memref<128x16xf32, #tpu.memory_space<vmem_shared>>
        %dma_start3A_78 = arith.constant 0 : i32
        %dma_start3A_79 = tpu.memref_slice %arg9[%add3A_70, %dma_start3A_78] : memref<100352x16xf32, #tpu.memory_space<vmem_shared>> -> memref<128x16xf32, #tpu.memory_space<vmem_shared>>
        %dma_start3A_80 = arith.constant 0 : i32
        %dma_start3A_81 = arith.constant 0 : i32
        %dma_start3A_82 = tpu.memref_slice %arg13[%run_scoped3A_71, %dma_start3A_80, %dma_start3A_81] : memref<8x128x16xf32, #tpu.memory_space<vmem>> -> memref<1x128x16xf32, #tpu.memory_space<vmem>>
        %dma_start3A_83 = tpu.memref_squeeze %dma_start3A_82 : memref<1x128x16xf32, #tpu.memory_space<vmem>> -> memref<128x16xf32, #tpu.memory_space<vmem>>
        tpu.enqueue_dma source(%dma_start3A_83 : memref<128x16xf32, #tpu.memory_space<vmem>>) target(%dma_start3A_79 : memref<128x16xf32, #tpu.memory_space<vmem_shared>>) target_semaphore(%run_scoped3A_72 : memref<!tpu.dma_semaphore, #tpu.memory_space<semaphore_mem>>)
        %dma_wait3A = arith.constant 0 : i32
        %dma_wait3A_84 = arith.constant 0 : i32
        %dma_wait3A_85 = tpu.memref_slice %arg13[%run_scoped3A_71, %dma_wait3A, %dma_wait3A_84] : memref<8x128x16xf32, #tpu.memory_space<vmem>> -> memref<1x128x16xf32, #tpu.memory_space<vmem>>
        %dma_wait3A_86 = tpu.memref_squeeze %dma_wait3A_85 : memref<1x128x16xf32, #tpu.memory_space<vmem>> -> memref<128x16xf32, #tpu.memory_space<vmem>>
        %dma_wait3A_87 = arith.constant 0 : i32
        %dma_wait3A_88 = tpu.memref_slice %arg9[%add3A_70, %dma_wait3A_87] : memref<100352x16xf32, #tpu.memory_space<vmem_shared>> -> memref<128x16xf32, #tpu.memory_space<vmem_shared>>
        %dma_wait3A_89 = arith.constant 0 : i32
        %dma_wait3A_90 = tpu.memref_slice %arg9[%add3A_70, %dma_wait3A_89] : memref<100352x16xf32, #tpu.memory_space<vmem_shared>> -> memref<128x16xf32, #tpu.memory_space<vmem_shared>>
        %dma_wait3A_91 = arith.constant 0 : i32
        %dma_wait3A_92 = arith.constant 0 : i32
        %dma_wait3A_93 = tpu.memref_slice %arg13[%run_scoped3A_71, %dma_wait3A_91, %dma_wait3A_92] : memref<8x128x16xf32, #tpu.memory_space<vmem>> -> memref<1x128x16xf32, #tpu.memory_space<vmem>>
        %dma_wait3A_94 = tpu.memref_squeeze %dma_wait3A_93 : memref<1x128x16xf32, #tpu.memory_space<vmem>> -> memref<128x16xf32, #tpu.memory_space<vmem>>
        tpu.wait_dma2 semaphore(%run_scoped3A_72 : memref<!tpu.dma_semaphore, #tpu.memory_space<semaphore_mem>>) src(%dma_wait3A_94 : memref<128x16xf32, #tpu.memory_space<vmem>>) dst(%dma_wait3A_90 : memref<128x16xf32, #tpu.memory_space<vmem_shared>>)
        tpu.yield
      }) : () -> ()
      "tpu.region"() ({
        %run_scoped3A_72 = tpu.sem_alloc : memref<!tpu.dma_semaphore, #tpu.memory_space<semaphore_mem>>
        %dma_start3A = tpu.memref_slice %arg6[%add3A_70] : memref<100352xf32, #tpu.memory_space<hbm>> -> memref<128xf32, #tpu.memory_space<hbm>>
        %dma_start3A_73 = tpu.memref_slice %arg6[%add3A_70] : memref<100352xf32, #tpu.memory_space<hbm>> -> memref<128xf32, #tpu.memory_space<hbm>>
        tpu.enqueue_dma source(%dma_start3A_73 : memref<128xf32, #tpu.memory_space<hbm>>) target(%arg15 : memref<128xf32, #tpu.memory_space<vmem>>) target_semaphore(%run_scoped3A_72 : memref<!tpu.dma_semaphore, #tpu.memory_space<semaphore_mem>>)
        %dma_wait3A = tpu.memref_slice %arg6[%add3A_70] : memref<100352xf32, #tpu.memory_space<hbm>> -> memref<128xf32, #tpu.memory_space<hbm>>
        %dma_wait3A_74 = tpu.memref_slice %arg6[%add3A_70] : memref<100352xf32, #tpu.memory_space<hbm>> -> memref<128xf32, #tpu.memory_space<hbm>>
        tpu.wait_dma2 semaphore(%run_scoped3A_72 : memref<!tpu.dma_semaphore, #tpu.memory_space<semaphore_mem>>) src(%dma_wait3A_74 : memref<128xf32, #tpu.memory_space<hbm>>) dst(%arg15 : memref<128xf32, #tpu.memory_space<vmem>>)
        tpu.yield
      }) : () -> ()
      "tpu.region"() ({
        %run_scoped3A_72 = tpu.sem_alloc : memref<!tpu.dma_semaphore, #tpu.memory_space<semaphore_mem>>
        %dma_start3A = tpu.memref_slice %arg10[%add3A_70] : memref<100352xf32, #tpu.memory_space<vmem_shared>> -> memref<128xf32, #tpu.memory_space<vmem_shared>>
        %dma_start3A_73 = tpu.memref_slice %arg10[%add3A_70] : memref<100352xf32, #tpu.memory_space<vmem_shared>> -> memref<128xf32, #tpu.memory_space<vmem_shared>>
        tpu.enqueue_dma source(%arg15 : memref<128xf32, #tpu.memory_space<vmem>>) target(%dma_start3A_73 : memref<128xf32, #tpu.memory_space<vmem_shared>>) target_semaphore(%run_scoped3A_72 : memref<!tpu.dma_semaphore, #tpu.memory_space<semaphore_mem>>)
        %dma_wait3A = tpu.memref_slice %arg10[%add3A_70] : memref<100352xf32, #tpu.memory_space<vmem_shared>> -> memref<128xf32, #tpu.memory_space<vmem_shared>>
        %dma_wait3A_74 = tpu.memref_slice %arg10[%add3A_70] : memref<100352xf32, #tpu.memory_space<vmem_shared>> -> memref<128xf32, #tpu.memory_space<vmem_shared>>
        tpu.wait_dma2 semaphore(%run_scoped3A_72 : memref<!tpu.dma_semaphore, #tpu.memory_space<semaphore_mem>>) src(%arg15 : memref<128xf32, #tpu.memory_space<vmem>>) dst(%dma_wait3A_74 : memref<128xf32, #tpu.memory_space<vmem_shared>>)
        tpu.yield
      }) : () -> ()
    }
    %scan3A_7 = arith.constant 49 : i32
    %broadcast_in_dim3A = arith.constant 1.000000e+00 : f32
    %broadcast_in_dim3A_8 = vector.broadcast %broadcast_in_dim3A : f32 to vector<16xf32>
    %swap3A = arith.constant 0 : index
    %swap3A_9 = tpu.vector_load %arg14[%swap3A] {strides = array<i32>} : memref<128xf32, #tpu.memory_space<vmem>>, vector<16xf32>,
    %swap3A_10 = vector.shape_cast %swap3A_9 : vector<16xf32> to vector<16xf32>
    %swap3A_11 = vector.shape_cast %broadcast_in_dim3A_8 : vector<16xf32> to vector<16xf32>
    tpu.vector_store %arg14[%swap3A], %swap3A_11 {strides = array<i32>} : memref<128xf32, #tpu.memory_space<vmem>>, vector<16xf32>,
    %broadcast_in_dim3A_12 = arith.constant 1.000000e+00 : f32
    %broadcast_in_dim3A_13 = vector.broadcast %broadcast_in_dim3A_12 : f32 to vector<16xf32>
    %swap3A_14 = arith.constant 16 : index
    %swap3A_15 = tpu.vector_load %arg14[%swap3A_14] {strides = array<i32>} : memref<128xf32, #tpu.memory_space<vmem>>, vector<16xf32>,
    %swap3A_16 = vector.shape_cast %swap3A_15 : vector<16xf32> to vector<16xf32>
    %swap3A_17 = vector.shape_cast %broadcast_in_dim3A_13 : vector<16xf32> to vector<16xf32>
    tpu.vector_store %arg14[%swap3A_14], %swap3A_17 {strides = array<i32>} : memref<128xf32, #tpu.memory_space<vmem>>, vector<16xf32>,
    %broadcast_in_dim3A_18 = arith.constant 1.000000e+00 : f32
    %broadcast_in_dim3A_19 = vector.broadcast %broadcast_in_dim3A_18 : f32 to vector<16xf32>
    %swap3A_20 = arith.constant 32 : index
    %swap3A_21 = tpu.vector_load %arg14[%swap3A_20] {strides = array<i32>} : memref<128xf32, #tpu.memory_space<vmem>>, vector<16xf32>,
    %swap3A_22 = vector.shape_cast %swap3A_21 : vector<16xf32> to vector<16xf32>
    %swap3A_23 = vector.shape_cast %broadcast_in_dim3A_19 : vector<16xf32> to vector<16xf32>
    tpu.vector_store %arg14[%swap3A_20], %swap3A_23 {strides = array<i32>} : memref<128xf32, #tpu.memory_space<vmem>>, vector<16xf32>,
    %broadcast_in_dim3A_24 = arith.constant 1.000000e+00 : f32
    %broadcast_in_dim3A_25 = vector.broadcast %broadcast_in_dim3A_24 : f32 to vector<16xf32>
    %swap3A_26 = arith.constant 48 : index
    %swap3A_27 = tpu.vector_load %arg14[%swap3A_26] {strides = array<i32>} : memref<128xf32, #tpu.memory_space<vmem>>, vector<16xf32>,
    %swap3A_28 = vector.shape_cast %swap3A_27 : vector<16xf32> to vector<16xf32>
    %swap3A_29 = vector.shape_cast %broadcast_in_dim3A_25 : vector<16xf32> to vector<16xf32>
    tpu.vector_store %arg14[%swap3A_26], %swap3A_29 {strides = array<i32>} : memref<128xf32, #tpu.memory_space<vmem>>, vector<16xf32>,
    %broadcast_in_dim3A_30 = arith.constant 1.000000e+00 : f32
    %broadcast_in_dim3A_31 = vector.broadcast %broadcast_in_dim3A_30 : f32 to vector<16xf32>
    %swap3A_32 = arith.constant 64 : index
    %swap3A_33 = tpu.vector_load %arg14[%swap3A_32] {strides = array<i32>} : memref<128xf32, #tpu.memory_space<vmem>>, vector<16xf32>,
    %swap3A_34 = vector.shape_cast %swap3A_33 : vector<16xf32> to vector<16xf32>
    %swap3A_35 = vector.shape_cast %broadcast_in_dim3A_31 : vector<16xf32> to vector<16xf32>
    tpu.vector_store %arg14[%swap3A_32], %swap3A_35 {strides = array<i32>} : memref<128xf32, #tpu.memory_space<vmem>>, vector<16xf32>,
    %broadcast_in_dim3A_36 = arith.constant 1.000000e+00 : f32
    %broadcast_in_dim3A_37 = vector.broadcast %broadcast_in_dim3A_36 : f32 to vector<16xf32>
    %swap3A_38 = arith.constant 80 : index
    %swap3A_39 = tpu.vector_load %arg14[%swap3A_38] {strides = array<i32>} : memref<128xf32, #tpu.memory_space<vmem>>, vector<16xf32>,
    %swap3A_40 = vector.shape_cast %swap3A_39 : vector<16xf32> to vector<16xf32>
    %swap3A_41 = vector.shape_cast %broadcast_in_dim3A_37 : vector<16xf32> to vector<16xf32>
    tpu.vector_store %arg14[%swap3A_38], %swap3A_41 {strides = array<i32>} : memref<128xf32, #tpu.memory_space<vmem>>, vector<16xf32>,
    %broadcast_in_dim3A_42 = arith.constant 1.000000e+00 : f32
    %broadcast_in_dim3A_43 = vector.broadcast %broadcast_in_dim3A_42 : f32 to vector<16xf32>
    %swap3A_44 = arith.constant 96 : index
    %swap3A_45 = tpu.vector_load %arg14[%swap3A_44] {strides = array<i32>} : memref<128xf32, #tpu.memory_space<vmem>>, vector<16xf32>,
    %swap3A_46 = vector.shape_cast %swap3A_45 : vector<16xf32> to vector<16xf32>
    %swap3A_47 = vector.shape_cast %broadcast_in_dim3A_43 : vector<16xf32> to vector<16xf32>
    tpu.vector_store %arg14[%swap3A_44], %swap3A_47 {strides = array<i32>} : memref<128xf32, #tpu.memory_space<vmem>>, vector<16xf32>,
    %broadcast_in_dim3A_48 = arith.constant 1.000000e+00 : f32
    %broadcast_in_dim3A_49 = vector.broadcast %broadcast_in_dim3A_48 : f32 to vector<16xf32>
    %swap3A_50 = arith.constant 112 : index
    %swap3A_51 = tpu.vector_load %arg14[%swap3A_50] {strides = array<i32>} : memref<128xf32, #tpu.memory_space<vmem>>, vector<16xf32>,
    %swap3A_52 = vector.shape_cast %swap3A_51 : vector<16xf32> to vector<16xf32>
    %swap3A_53 = vector.shape_cast %broadcast_in_dim3A_49 : vector<16xf32> to vector<16xf32>
    tpu.vector_store %arg14[%swap3A_50], %swap3A_53 {strides = array<i32>} : memref<128xf32, #tpu.memory_space<vmem>>, vector<16xf32>,
    %barrier3A = arith.constant 0 : index
    tpu.barrier barrier_id(%barrier3A)
    %scan3A_54 = arith.constant 0 : i32
    %scan3A_55 = arith.constant 0 : i32
    %scan3A_56 = arith.constant 49 : i32
    %scan3A_57 = arith.addi %scan3A_55, %scan3A_56 : i32
    %scan3A_58 = arith.constant 1 : i32
    scf.for %scan3A_67 = %scan3A_55 to %scan3A_57 step %scan3A_58  : i32 {
      %mul3A_68 = arith.constant 32 : i32
      %mul3A_69 = arith.muli %scan3A_67, %mul3A_68 : i32
      %add3A_70 = arith.addi %mul3A_69, %add3A : i32
      %mul3A_71 = arith.constant 16 : i32
      %mul3A_72 = arith.muli %add3A_70, %mul3A_71 : i32
      "tpu.region"() ({
        %run_scoped3A = tpu.sem_alloc : memref<!tpu.dma_semaphore, #tpu.memory_space<semaphore_mem>>
        %dma_start3A_1031 = arith.constant 0 : i32
        %dma_start3A_1032 = tpu.memref_slice %arg2[%mul3A_72, %dma_start3A_1031] : memref<25088x128xi32, #tpu.memory_space<hbm>> -> memref<16x128xi32, #tpu.memory_space<hbm>>
        %dma_start3A_1033 = arith.constant 0 : i32
        %dma_start3A_1034 = tpu.memref_slice %arg2[%mul3A_72, %dma_start3A_1033] : memref<25088x128xi32, #tpu.memory_space<hbm>> -> memref<16x128xi32, #tpu.memory_space<hbm>>
        tpu.enqueue_dma source(%dma_start3A_1034 : memref<16x128xi32, #tpu.memory_space<hbm>>) target(%arg11 : memref<16x128xi32, #tpu.memory_space<vmem>>) target_semaphore(%run_scoped3A : memref<!tpu.dma_semaphore, #tpu.memory_space<semaphore_mem>>)
        %dma_wait3A_1035 = arith.constant 0 : i32
        %dma_wait3A_1036 = tpu.memref_slice %arg2[%mul3A_72, %dma_wait3A_1035] : memref<25088x128xi32, #tpu.memory_space<hbm>> -> memref<16x128xi32, #tpu.memory_space<hbm>>
        %dma_wait3A_1037 = arith.constant 0 : i32
        %dma_wait3A_1038 = tpu.memref_slice %arg2[%mul3A_72, %dma_wait3A_1037] : memref<25088x128xi32, #tpu.memory_space<hbm>> -> memref<16x128xi32, #tpu.memory_space<hbm>>
        tpu.wait_dma2 semaphore(%run_scoped3A : memref<!tpu.dma_semaphore, #tpu.memory_space<semaphore_mem>>) src(%dma_wait3A_1038 : memref<16x128xi32, #tpu.memory_space<hbm>>) dst(%arg11 : memref<16x128xi32, #tpu.memory_space<vmem>>)
        tpu.yield
      }) : () -> ()
      "tpu.region"() ({
        %run_scoped3A = tpu.sem_alloc : memref<!tpu.dma_semaphore, #tpu.memory_space<semaphore_mem>>
        %dma_start3A_1031 = arith.constant 0 : i32
        %dma_start3A_1032 = tpu.memref_slice %arg3[%mul3A_72, %dma_start3A_1031] : memref<25088x128xi32, #tpu.memory_space<hbm>> -> memref<16x128xi32, #tpu.memory_space<hbm>>
        %dma_start3A_1033 = arith.constant 0 : i32
        %dma_start3A_1034 = tpu.memref_slice %arg3[%mul3A_72, %dma_start3A_1033] : memref<25088x128xi32, #tpu.memory_space<hbm>> -> memref<16x128xi32, #tpu.memory_space<hbm>>
        tpu.enqueue_dma source(%dma_start3A_1034 : memref<16x128xi32, #tpu.memory_space<hbm>>) target(%arg12 : memref<16x128xi32, #tpu.memory_space<vmem>>) target_semaphore(%run_scoped3A : memref<!tpu.dma_semaphore, #tpu.memory_space<semaphore_mem>>)
        %dma_wait3A_1035 = arith.constant 0 : i32
        %dma_wait3A_1036 = tpu.memref_slice %arg3[%mul3A_72, %dma_wait3A_1035] : memref<25088x128xi32, #tpu.memory_space<hbm>> -> memref<16x128xi32, #tpu.memory_space<hbm>>
        %dma_wait3A_1037 = arith.constant 0 : i32
        %dma_wait3A_1038 = tpu.memref_slice %arg3[%mul3A_72, %dma_wait3A_1037] : memref<25088x128xi32, #tpu.memory_space<hbm>> -> memref<16x128xi32, #tpu.memory_space<hbm>>
        tpu.wait_dma2 semaphore(%run_scoped3A : memref<!tpu.dma_semaphore, #tpu.memory_space<semaphore_mem>>) src(%dma_wait3A_1038 : memref<16x128xi32, #tpu.memory_space<hbm>>) dst(%arg12 : memref<16x128xi32, #tpu.memory_space<vmem>>)
        tpu.yield
      }) : () -> ()
      %dma_start3A = arith.constant 0 : i32
      %dma_start3A_73 = arith.constant 0 : i32
      %dma_start3A_74 = arith.constant 0 : i32
      %dma_start3A_75 = arith.constant 0 : i32
      %dma_start3A_76 = tpu.memref_slice %arg13[%dma_start3A_73, %dma_start3A_74, %dma_start3A_75] : memref<8x128x16xf32, #tpu.memory_space<vmem>> -> memref<1x128x16xf32, #tpu.memory_space<vmem>>
      %dma_start3A_77 = tpu.memref_squeeze %dma_start3A_76 : memref<1x128x16xf32, #tpu.memory_space<vmem>> -> memref<128x16xf32, #tpu.memory_space<vmem>>
      %dma_start3A_78 = arith.constant 0 : i32
      %dma_start3A_79 = tpu.memref_slice %arg11[%dma_start3A, %dma_start3A_78] : memref<16x128xi32, #tpu.memory_space<vmem>> -> memref<1x128xi32, #tpu.memory_space<vmem>>
      %dma_start3A_80 = tpu.memref_squeeze %dma_start3A_79 : memref<1x128xi32, #tpu.memory_space<vmem>> -> memref<128xi32, #tpu.memory_space<vmem>>
      %dma_start3A_81 = arith.constant 0 : i32
      %dma_start3A_82 = arith.constant 0 : i32
      %dma_start3A_83 = tpu.memref_slice %arg4[%dma_start3A_81, %dma_start3A_82] : memref<100352x16xf32, #tpu.memory_space<hbm>> -> memref<100352x16xf32, #tpu.memory_space<hbm>>
      tpu.enqueue_indirect_dma source(%dma_start3A_83 : memref<100352x16xf32, #tpu.memory_space<hbm>>) target(%dma_start3A_77 : memref<128x16xf32, #tpu.memory_space<vmem>>) offsets(%dma_start3A_80 : memref<128xi32, #tpu.memory_space<vmem>>) semaphore(%arg16 : memref<!tpu.dma_semaphore, #tpu.memory_space<semaphore_mem>>)
      %dma_start3A_84 = arith.constant 1 : i32
      %dma_start3A_85 = arith.constant 1 : i32
      %dma_start3A_86 = arith.constant 0 : i32
      %dma_start3A_87 = arith.constant 0 : i32
      %dma_start3A_88 = tpu.memref_slice %arg13[%dma_start3A_85, %dma_start3A_86, %dma_start3A_87] : memref<8x128x16xf32, #tpu.memory_space<vmem>> -> memref<1x128x16xf32, #tpu.memory_space<vmem>>
      %dma_start3A_89 = tpu.memref_squeeze %dma_start3A_88 : memref<1x128x16xf32, #tpu.memory_space<vmem>> -> memref<128x16xf32, #tpu.memory_space<vmem>>
      %dma_start3A_90 = arith.constant 0 : i32
      %dma_start3A_91 = tpu.memref_slice %arg11[%dma_start3A_84, %dma_start3A_90] : memref<16x128xi32, #tpu.memory_space<vmem>> -> memref<1x128xi32, #tpu.memory_space<vmem>>
      %dma_start3A_92 = tpu.memref_squeeze %dma_start3A_91 : memref<1x128xi32, #tpu.memory_space<vmem>> -> memref<128xi32, #tpu.memory_space<vmem>>
      %dma_start3A_93 = arith.constant 0 : i32
      %dma_start3A_94 = arith.constant 0 : i32
      %dma_start3A_95 = tpu.memref_slice %arg4[%dma_start3A_93, %dma_start3A_94] : memref<100352x16xf32, #tpu.memory_space<hbm>> -> memref<100352x16xf32, #tpu.memory_space<hbm>>
      tpu.enqueue_indirect_dma source(%dma_start3A_95 : memref<100352x16xf32, #tpu.memory_space<hbm>>) target(%dma_start3A_89 : memref<128x16xf32, #tpu.memory_space<vmem>>) offsets(%dma_start3A_92 : memref<128xi32, #tpu.memory_space<vmem>>) semaphore(%arg17 : memref<!tpu.dma_semaphore, #tpu.memory_space<semaphore_mem>>)
      %dma_start3A_96 = arith.constant 2 : i32
      %dma_start3A_97 = arith.constant 2 : i32
      %dma_start3A_98 = arith.constant 0 : i32
      %dma_start3A_99 = arith.constant 0 : i32
      %dma_start3A_100 = tpu.memref_slice %arg13[%dma_start3A_97, %dma_start3A_98, %dma_start3A_99] : memref<8x128x16xf32, #tpu.memory_space<vmem>> -> memref<1x128x16xf32, #tpu.memory_space<vmem>>
      %dma_start3A_101 = tpu.memref_squeeze %dma_start3A_100 : memref<1x128x16xf32, #tpu.memory_space<vmem>> -> memref<128x16xf32, #tpu.memory_space<vmem>>
      %dma_start3A_102 = arith.constant 0 : i32
      %dma_start3A_103 = tpu.memref_slice %arg11[%dma_start3A_96, %dma_start3A_102] : memref<16x128xi32, #tpu.memory_space<vmem>> -> memref<1x128xi32, #tpu.memory_space<vmem>>
      %dma_start3A_104 = tpu.memref_squeeze %dma_start3A_103 : memref<1x128xi32, #tpu.memory_space<vmem>> -> memref<128xi32, #tpu.memory_space<vmem>>
      %dma_start3A_105 = arith.constant 0 : i32
      %dma_start3A_106 = arith.constant 0 : i32
      %dma_start3A_107 = tpu.memref_slice %arg4[%dma_start3A_105, %dma_start3A_106] : memref<100352x16xf32, #tpu.memory_space<hbm>> -> memref<100352x16xf32, #tpu.memory_space<hbm>>
      tpu.enqueue_indirect_dma source(%dma_start3A_107 : memref<100352x16xf32, #tpu.memory_space<hbm>>) target(%dma_start3A_101 : memref<128x16xf32, #tpu.memory_space<vmem>>) offsets(%dma_start3A_104 : memref<128xi32, #tpu.memory_space<vmem>>) semaphore(%arg18 : memref<!tpu.dma_semaphore, #tpu.memory_space<semaphore_mem>>)
      %dma_start3A_108 = arith.constant 3 : i32
      %dma_start3A_109 = arith.constant 3 : i32
      %dma_start3A_110 = arith.constant 0 : i32
      %dma_start3A_111 = arith.constant 0 : i32
      %dma_start3A_112 = tpu.memref_slice %arg13[%dma_start3A_109, %dma_start3A_110, %dma_start3A_111] : memref<8x128x16xf32, #tpu.memory_space<vmem>> -> memref<1x128x16xf32, #tpu.memory_space<vmem>>
      %dma_start3A_113 = tpu.memref_squeeze %dma_start3A_112 : memref<1x128x16xf32, #tpu.memory_space<vmem>> -> memref<128x16xf32, #tpu.memory_space<vmem>>
      %dma_start3A_114 = arith.constant 0 : i32
      %dma_start3A_115 = tpu.memref_slice %arg11[%dma_start3A_108, %dma_start3A_114] : memref<16x128xi32, #tpu.memory_space<vmem>> -> memref<1x128xi32, #tpu.memory_space<vmem>>
      %dma_start3A_116 = tpu.memref_squeeze %dma_start3A_115 : memref<1x128xi32, #tpu.memory_space<vmem>> -> memref<128xi32, #tpu.memory_space<vmem>>
      %dma_start3A_117 = arith.constant 0 : i32
      %dma_start3A_118 = arith.constant 0 : i32
      %dma_start3A_119 = tpu.memref_slice %arg4[%dma_start3A_117, %dma_start3A_118] : memref<100352x16xf32, #tpu.memory_space<hbm>> -> memref<100352x16xf32, #tpu.memory_space<hbm>>
      tpu.enqueue_indirect_dma source(%dma_start3A_119 : memref<100352x16xf32, #tpu.memory_space<hbm>>) target(%dma_start3A_113 : memref<128x16xf32, #tpu.memory_space<vmem>>) offsets(%dma_start3A_116 : memref<128xi32, #tpu.memory_space<vmem>>) semaphore(%arg19 : memref<!tpu.dma_semaphore, #tpu.memory_space<semaphore_mem>>)
      %dma_wait3A = arith.constant 0 : i32
      %dma_wait3A_120 = arith.constant 0 : i32
      %dma_wait3A_121 = arith.constant 0 : i32
      %dma_wait3A_122 = arith.constant 0 : i32
      %dma_wait3A_123 = tpu.memref_slice %arg13[%dma_wait3A_120, %dma_wait3A_121, %dma_wait3A_122] : memref<8x128x16xf32, #tpu.memory_space<vmem>> -> memref<1x128x16xf32, #tpu.memory_space<vmem>>
      %dma_wait3A_124 = tpu.memref_squeeze %dma_wait3A_123 : memref<1x128x16xf32, #tpu.memory_space<vmem>> -> memref<128x16xf32, #tpu.memory_space<vmem>>
      %dma_wait3A_125 = arith.constant 0 : i32
      %dma_wait3A_126 = tpu.memref_slice %arg11[%dma_wait3A, %dma_wait3A_125] : memref<16x128xi32, #tpu.memory_space<vmem>> -> memref<1x128xi32, #tpu.memory_space<vmem>>
      %dma_wait3A_127 = tpu.memref_squeeze %dma_wait3A_126 : memref<1x128xi32, #tpu.memory_space<vmem>> -> memref<128xi32, #tpu.memory_space<vmem>>
      %dma_wait3A_128 = arith.constant 0 : i32
      %dma_wait3A_129 = arith.constant 0 : i32
      %dma_wait3A_130 = tpu.memref_slice %arg4[%dma_wait3A_128, %dma_wait3A_129] : memref<100352x16xf32, #tpu.memory_space<hbm>> -> memref<100352x16xf32, #tpu.memory_space<hbm>>
      tpu.wait_indirect_dma semaphore(%arg16 : memref<!tpu.dma_semaphore, #tpu.memory_space<semaphore_mem>>) src(%dma_wait3A_130 : memref<100352x16xf32, #tpu.memory_space<hbm>>) dst(%dma_wait3A_124 : memref<128x16xf32, #tpu.memory_space<vmem>>)
      %dma_start3A_131 = arith.constant 0 : i32
      %dma_start3A_132 = arith.constant 0 : i32
      %dma_start3A_133 = arith.constant 0 : i32
      %dma_start3A_134 = arith.constant 0 : i32
      %dma_start3A_135 = tpu.memref_slice %arg13[%dma_start3A_131, %dma_start3A_133, %dma_start3A_134] : memref<8x128x16xf32, #tpu.memory_space<vmem>> -> memref<1x128x16xf32, #tpu.memory_space<vmem>>
      %dma_start3A_136 = tpu.memref_squeeze %dma_start3A_135 : memref<1x128x16xf32, #tpu.memory_space<vmem>> -> memref<128x16xf32, #tpu.memory_space<vmem>>
      %dma_start3A_137 = arith.constant 0 : i32
      %dma_start3A_138 = tpu.memref_slice %arg12[%dma_start3A_132, %dma_start3A_137] : memref<16x128xi32, #tpu.memory_space<vmem>> -> memref<1x128xi32, #tpu.memory_space<vmem>>
      %dma_start3A_139 = tpu.memref_squeeze %dma_start3A_138 : memref<1x128xi32, #tpu.memory_space<vmem>> -> memref<128xi32, #tpu.memory_space<vmem>>
      %dma_start3A_140 = arith.constant 0 : i32
      %dma_start3A_141 = arith.constant 0 : i32
      %dma_start3A_142 = tpu.memref_slice %arg9[%dma_start3A_140, %dma_start3A_141] : memref<100352x16xf32, #tpu.memory_space<vmem_shared>> -> memref<100352x16xf32, #tpu.memory_space<vmem_shared>>
      tpu.enqueue_indirect_dma source(%dma_start3A_136 : memref<128x16xf32, #tpu.memory_space<vmem>>) target(%dma_start3A_142 : memref<100352x16xf32, #tpu.memory_space<vmem_shared>>) offsets(%dma_start3A_139 : memref<128xi32, #tpu.memory_space<vmem>>) semaphore(%arg24 : memref<!tpu.dma_semaphore, #tpu.memory_space<semaphore_mem>>) {add = true}
      %dma_start3A_143 = arith.constant 0 : i32
      %dma_start3A_144 = arith.constant 0 : i32
      %dma_start3A_145 = tpu.memref_slice %arg12[%dma_start3A_143, %dma_start3A_144] : memref<16x128xi32, #tpu.memory_space<vmem>> -> memref<1x128xi32, #tpu.memory_space<vmem>>
      %dma_start3A_146 = tpu.memref_squeeze %dma_start3A_145 : memref<1x128xi32, #tpu.memory_space<vmem>> -> memref<128xi32, #tpu.memory_space<vmem>>
      %dma_start3A_147 = arith.constant 0 : i32
      %dma_start3A_148 = tpu.memref_slice %arg10[%dma_start3A_147] : memref<100352xf32, #tpu.memory_space<vmem_shared>> -> memref<100352xf32, #tpu.memory_space<vmem_shared>>
      tpu.enqueue_indirect_dma source(%arg14 : memref<128xf32, #tpu.memory_space<vmem>>) target(%dma_start3A_148 : memref<100352xf32, #tpu.memory_space<vmem_shared>>) offsets(%dma_start3A_146 : memref<128xi32, #tpu.memory_space<vmem>>) semaphore(%arg32 : memref<!tpu.dma_semaphore, #tpu.memory_space<semaphore_mem>>) {add = true}
      %dma_start3A_149 = arith.constant 4 : i32
      %dma_start3A_150 = arith.constant 4 : i32
      %dma_start3A_151 = arith.constant 0 : i32
      %dma_start3A_152 = arith.constant 0 : i32
      %dma_start3A_153 = tpu.memref_slice %arg13[%dma_start3A_150, %dma_start3A_151, %dma_start3A_152] : memref<8x128x16xf32, #tpu.memory_space<vmem>> -> memref<1x128x16xf32, #tpu.memory_space<vmem>>
      %dma_start3A_154 = tpu.memref_squeeze %dma_start3A_153 : memref<1x128x16xf32, #tpu.memory_space<vmem>> -> memref<128x16xf32, #tpu.memory_space<vmem>>
      %dma_start3A_155 = arith.constant 0 : i32
      %dma_start3A_156 = tpu.memref_slice %arg11[%dma_start3A_149, %dma_start3A_155] : memref<16x128xi32, #tpu.memory_space<vmem>> -> memref<1x128xi32, #tpu.memory_space<vmem>>
      %dma_start3A_157 = tpu.memref_squeeze %dma_start3A_156 : memref<1x128xi32, #tpu.memory_space<vmem>> -> memref<128xi32, #tpu.memory_space<vmem>>
      %dma_start3A_158 = arith.constant 0 : i32
      %dma_start3A_159 = arith.constant 0 : i32
      %dma_start3A_160 = tpu.memref_slice %arg4[%dma_start3A_158, %dma_start3A_159] : memref<100352x16xf32, #tpu.memory_space<hbm>> -> memref<100352x16xf32, #tpu.memory_space<hbm>>
      tpu.enqueue_indirect_dma source(%dma_start3A_160 : memref<100352x16xf32, #tpu.memory_space<hbm>>) target(%dma_start3A_154 : memref<128x16xf32, #tpu.memory_space<vmem>>) offsets(%dma_start3A_157 : memref<128xi32, #tpu.memory_space<vmem>>) semaphore(%arg20 : memref<!tpu.dma_semaphore, #tpu.memory_space<semaphore_mem>>)
      %dma_wait3A_161 = arith.constant 1 : i32
      %dma_wait3A_162 = arith.constant 1 : i32
      %dma_wait3A_163 = arith.constant 0 : i32
      %dma_wait3A_164 = arith.constant 0 : i32
      %dma_wait3A_165 = tpu.memref_slice %arg13[%dma_wait3A_162, %dma_wait3A_163, %dma_wait3A_164] : memref<8x128x16xf32, #tpu.memory_space<vmem>> -> memref<1x128x16xf32, #tpu.memory_space<vmem>>
      %dma_wait3A_166 = tpu.memref_squeeze %dma_wait3A_165 : memref<1x128x16xf32, #tpu.memory_space<vmem>> -> memref<128x16xf32, #tpu.memory_space<vmem>>
      %dma_wait3A_167 = arith.constant 0 : i32
      %dma_wait3A_168 = tpu.memref_slice %arg11[%dma_wait3A_161, %dma_wait3A_167] : memref<16x128xi32, #tpu.memory_space<vmem>> -> memref<1x128xi32, #tpu.memory_space<vmem>>
      %dma_wait3A_169 = tpu.memref_squeeze %dma_wait3A_168 : memref<1x128xi32, #tpu.memory_space<vmem>> -> memref<128xi32, #tpu.memory_space<vmem>>
      %dma_wait3A_170 = arith.constant 0 : i32
      %dma_wait3A_171 = arith.constant 0 : i32
      %dma_wait3A_172 = tpu.memref_slice %arg4[%dma_wait3A_170, %dma_wait3A_171] : memref<100352x16xf32, #tpu.memory_space<hbm>> -> memref<100352x16xf32, #tpu.memory_space<hbm>>
      tpu.wait_indirect_dma semaphore(%arg17 : memref<!tpu.dma_semaphore, #tpu.memory_space<semaphore_mem>>) src(%dma_wait3A_172 : memref<100352x16xf32, #tpu.memory_space<hbm>>) dst(%dma_wait3A_166 : memref<128x16xf32, #tpu.memory_space<vmem>>)
      %dma_start3A_173 = arith.constant 1 : i32
      %dma_start3A_174 = arith.constant 1 : i32
      %dma_start3A_175 = arith.constant 0 : i32
      %dma_start3A_176 = arith.constant 0 : i32
      %dma_start3A_177 = tpu.memref_slice %arg13[%dma_start3A_173, %dma_start3A_175, %dma_start3A_176] : memref<8x128x16xf32, #tpu.memory_space<vmem>> -> memref<1x128x16xf32, #tpu.memory_space<vmem>>
      %dma_start3A_178 = tpu.memref_squeeze %dma_start3A_177 : memref<1x128x16xf32, #tpu.memory_space<vmem>> -> memref<128x16xf32, #tpu.memory_space<vmem>>
      %dma_start3A_179 = arith.constant 0 : i32
      %dma_start3A_180 = tpu.memref_slice %arg12[%dma_start3A_174, %dma_start3A_179] : memref<16x128xi32, #tpu.memory_space<vmem>> -> memref<1x128xi32, #tpu.memory_space<vmem>>
      %dma_start3A_181 = tpu.memref_squeeze %dma_start3A_180 : memref<1x128xi32, #tpu.memory_space<vmem>> -> memref<128xi32, #tpu.memory_space<vmem>>
      %dma_start3A_182 = arith.constant 0 : i32
      %dma_start3A_183 = arith.constant 0 : i32
      %dma_start3A_184 = tpu.memref_slice %arg9[%dma_start3A_182, %dma_start3A_183] : memref<100352x16xf32, #tpu.memory_space<vmem_shared>> -> memref<100352x16xf32, #tpu.memory_space<vmem_shared>>
      tpu.enqueue_indirect_dma source(%dma_start3A_178 : memref<128x16xf32, #tpu.memory_space<vmem>>) target(%dma_start3A_184 : memref<100352x16xf32, #tpu.memory_space<vmem_shared>>) offsets(%dma_start3A_181 : memref<128xi32, #tpu.memory_space<vmem>>) semaphore(%arg25 : memref<!tpu.dma_semaphore, #tpu.memory_space<semaphore_mem>>) {add = true}
      %dma_start3A_185 = arith.constant 1 : i32
      %dma_start3A_186 = arith.constant 0 : i32
      %dma_start3A_187 = tpu.memref_slice %arg12[%dma_start3A_185, %dma_start3A_186] : memref<16x128xi32, #tpu.memory_space<vmem>> -> memref<1x128xi32, #tpu.memory_space<vmem>>
      %dma_start3A_188 = tpu.memref_squeeze %dma_start3A_187 : memref<1x128xi32, #tpu.memory_space<vmem>> -> memref<128xi32, #tpu.memory_space<vmem>>
      %dma_start3A_189 = arith.constant 0 : i32
      %dma_start3A_190 = tpu.memref_slice %arg10[%dma_start3A_189] : memref<100352xf32, #tpu.memory_space<vmem_shared>> -> memref<100352xf32, #tpu.memory_space<vmem_shared>>
      tpu.enqueue_indirect_dma source(%arg14 : memref<128xf32, #tpu.memory_space<vmem>>) target(%dma_start3A_190 : memref<100352xf32, #tpu.memory_space<vmem_shared>>) offsets(%dma_start3A_188 : memref<128xi32, #tpu.memory_space<vmem>>) semaphore(%arg32 : memref<!tpu.dma_semaphore, #tpu.memory_space<semaphore_mem>>) {add = true}
      %dma_start3A_191 = arith.constant 5 : i32
      %dma_start3A_192 = arith.constant 5 : i32
      %dma_start3A_193 = arith.constant 0 : i32
      %dma_start3A_194 = arith.constant 0 : i32
      %dma_start3A_195 = tpu.memref_slice %arg13[%dma_start3A_192, %dma_start3A_193, %dma_start3A_194] : memref<8x128x16xf32, #tpu.memory_space<vmem>> -> memref<1x128x16xf32, #tpu.memory_space<vmem>>
      %dma_start3A_196 = tpu.memref_squeeze %dma_start3A_195 : memref<1x128x16xf32, #tpu.memory_space<vmem>> -> memref<128x16xf32, #tpu.memory_space<vmem>>
      %dma_start3A_197 = arith.constant 0 : i32
      %dma_start3A_198 = tpu.memref_slice %arg11[%dma_start3A_191, %dma_start3A_197] : memref<16x128xi32, #tpu.memory_space<vmem>> -> memref<1x128xi32, #tpu.memory_space<vmem>>
      %dma_start3A_199 = tpu.memref_squeeze %dma_start3A_198 : memref<1x128xi32, #tpu.memory_space<vmem>> -> memref<128xi32, #tpu.memory_space<vmem>>
      %dma_start3A_200 = arith.constant 0 : i32
      %dma_start3A_201 = arith.constant 0 : i32
      %dma_start3A_202 = tpu.memref_slice %arg4[%dma_start3A_200, %dma_start3A_201] : memref<100352x16xf32, #tpu.memory_space<hbm>> -> memref<100352x16xf32, #tpu.memory_space<hbm>>
      tpu.enqueue_indirect_dma source(%dma_start3A_202 : memref<100352x16xf32, #tpu.memory_space<hbm>>) target(%dma_start3A_196 : memref<128x16xf32, #tpu.memory_space<vmem>>) offsets(%dma_start3A_199 : memref<128xi32, #tpu.memory_space<vmem>>) semaphore(%arg21 : memref<!tpu.dma_semaphore, #tpu.memory_space<semaphore_mem>>)
      %dma_wait3A_203 = arith.constant 2 : i32
      %dma_wait3A_204 = arith.constant 2 : i32
      %dma_wait3A_205 = arith.constant 0 : i32
      %dma_wait3A_206 = arith.constant 0 : i32
      %dma_wait3A_207 = tpu.memref_slice %arg13[%dma_wait3A_204, %dma_wait3A_205, %dma_wait3A_206] : memref<8x128x16xf32, #tpu.memory_space<vmem>> -> memref<1x128x16xf32, #tpu.memory_space<vmem>>
      %dma_wait3A_208 = tpu.memref_squeeze %dma_wait3A_207 : memref<1x128x16xf32, #tpu.memory_space<vmem>> -> memref<128x16xf32, #tpu.memory_space<vmem>>
      %dma_wait3A_209 = arith.constant 0 : i32
      %dma_wait3A_210 = tpu.memref_slice %arg11[%dma_wait3A_203, %dma_wait3A_209] : memref<16x128xi32, #tpu.memory_space<vmem>> -> memref<1x128xi32, #tpu.memory_space<vmem>>
      %dma_wait3A_211 = tpu.memref_squeeze %dma_wait3A_210 : memref<1x128xi32, #tpu.memory_space<vmem>> -> memref<128xi32, #tpu.memory_space<vmem>>
      %dma_wait3A_212 = arith.constant 0 : i32
      %dma_wait3A_213 = arith.constant 0 : i32
      %dma_wait3A_214 = tpu.memref_slice %arg4[%dma_wait3A_212, %dma_wait3A_213] : memref<100352x16xf32, #tpu.memory_space<hbm>> -> memref<100352x16xf32, #tpu.memory_space<hbm>>
      tpu.wait_indirect_dma semaphore(%arg18 : memref<!tpu.dma_semaphore, #tpu.memory_space<semaphore_mem>>) src(%dma_wait3A_214 : memref<100352x16xf32, #tpu.memory_space<hbm>>) dst(%dma_wait3A_208 : memref<128x16xf32, #tpu.memory_space<vmem>>)
      %dma_start3A_215 = arith.constant 2 : i32
      %dma_start3A_216 = arith.constant 2 : i32
      %dma_start3A_217 = arith.constant 0 : i32
      %dma_start3A_218 = arith.constant 0 : i32
      %dma_start3A_219 = tpu.memref_slice %arg13[%dma_start3A_215, %dma_start3A_217, %dma_start3A_218] : memref<8x128x16xf32, #tpu.memory_space<vmem>> -> memref<1x128x16xf32, #tpu.memory_space<vmem>>
      %dma_start3A_220 = tpu.memref_squeeze %dma_start3A_219 : memref<1x128x16xf32, #tpu.memory_space<vmem>> -> memref<128x16xf32, #tpu.memory_space<vmem>>
      %dma_start3A_221 = arith.constant 0 : i32
      %dma_start3A_222 = tpu.memref_slice %arg12[%dma_start3A_216, %dma_start3A_221] : memref<16x128xi32, #tpu.memory_space<vmem>> -> memref<1x128xi32, #tpu.memory_space<vmem>>
      %dma_start3A_223 = tpu.memref_squeeze %dma_start3A_222 : memref<1x128xi32, #tpu.memory_space<vmem>> -> memref<128xi32, #tpu.memory_space<vmem>>
      %dma_start3A_224 = arith.constant 0 : i32
      %dma_start3A_225 = arith.constant 0 : i32
      %dma_start3A_226 = tpu.memref_slice %arg9[%dma_start3A_224, %dma_start3A_225] : memref<100352x16xf32, #tpu.memory_space<vmem_shared>> -> memref<100352x16xf32, #tpu.memory_space<vmem_shared>>
      tpu.enqueue_indirect_dma source(%dma_start3A_220 : memref<128x16xf32, #tpu.memory_space<vmem>>) target(%dma_start3A_226 : memref<100352x16xf32, #tpu.memory_space<vmem_shared>>) offsets(%dma_start3A_223 : memref<128xi32, #tpu.memory_space<vmem>>) semaphore(%arg26 : memref<!tpu.dma_semaphore, #tpu.memory_space<semaphore_mem>>) {add = true}
      %dma_start3A_227 = arith.constant 2 : i32
      %dma_start3A_228 = arith.constant 0 : i32
      %dma_start3A_229 = tpu.memref_slice %arg12[%dma_start3A_227, %dma_start3A_228] : memref<16x128xi32, #tpu.memory_space<vmem>> -> memref<1x128xi32, #tpu.memory_space<vmem>>
      %dma_start3A_230 = tpu.memref_squeeze %dma_start3A_229 : memref<1x128xi32, #tpu.memory_space<vmem>> -> memref<128xi32, #tpu.memory_space<vmem>>
      %dma_start3A_231 = arith.constant 0 : i32
      %dma_start3A_232 = tpu.memref_slice %arg10[%dma_start3A_231] : memref<100352xf32, #tpu.memory_space<vmem_shared>> -> memref<100352xf32, #tpu.memory_space<vmem_shared>>
      tpu.enqueue_indirect_dma source(%arg14 : memref<128xf32, #tpu.memory_space<vmem>>) target(%dma_start3A_232 : memref<100352xf32, #tpu.memory_space<vmem_shared>>) offsets(%dma_start3A_230 : memref<128xi32, #tpu.memory_space<vmem>>) semaphore(%arg32 : memref<!tpu.dma_semaphore, #tpu.memory_space<semaphore_mem>>) {add = true}
      %dma_start3A_233 = arith.constant 6 : i32
      %dma_start3A_234 = arith.constant 6 : i32
      %dma_start3A_235 = arith.constant 0 : i32
      %dma_start3A_236 = arith.constant 0 : i32
      %dma_start3A_237 = tpu.memref_slice %arg13[%dma_start3A_234, %dma_start3A_235, %dma_start3A_236] : memref<8x128x16xf32, #tpu.memory_space<vmem>> -> memref<1x128x16xf32, #tpu.memory_space<vmem>>
      %dma_start3A_238 = tpu.memref_squeeze %dma_start3A_237 : memref<1x128x16xf32, #tpu.memory_space<vmem>> -> memref<128x16xf32, #tpu.memory_space<vmem>>
      %dma_start3A_239 = arith.constant 0 : i32
      %dma_start3A_240 = tpu.memref_slice %arg11[%dma_start3A_233, %dma_start3A_239] : memref<16x128xi32, #tpu.memory_space<vmem>> -> memref<1x128xi32, #tpu.memory_space<vmem>>
      %dma_start3A_241 = tpu.memref_squeeze %dma_start3A_240 : memref<1x128xi32, #tpu.memory_space<vmem>> -> memref<128xi32, #tpu.memory_space<vmem>>
      %dma_start3A_242 = arith.constant 0 : i32
      %dma_start3A_243 = arith.constant 0 : i32
      %dma_start3A_244 = tpu.memref_slice %arg4[%dma_start3A_242, %dma_start3A_243] : memref<100352x16xf32, #tpu.memory_space<hbm>> -> memref<100352x16xf32, #tpu.memory_space<hbm>>
      tpu.enqueue_indirect_dma source(%dma_start3A_244 : memref<100352x16xf32, #tpu.memory_space<hbm>>) target(%dma_start3A_238 : memref<128x16xf32, #tpu.memory_space<vmem>>) offsets(%dma_start3A_241 : memref<128xi32, #tpu.memory_space<vmem>>) semaphore(%arg22 : memref<!tpu.dma_semaphore, #tpu.memory_space<semaphore_mem>>)
      %dma_wait3A_245 = arith.constant 3 : i32
      %dma_wait3A_246 = arith.constant 3 : i32
      %dma_wait3A_247 = arith.constant 0 : i32
      %dma_wait3A_248 = arith.constant 0 : i32
      %dma_wait3A_249 = tpu.memref_slice %arg13[%dma_wait3A_246, %dma_wait3A_247, %dma_wait3A_248] : memref<8x128x16xf32, #tpu.memory_space<vmem>> -> memref<1x128x16xf32, #tpu.memory_space<vmem>>
      %dma_wait3A_250 = tpu.memref_squeeze %dma_wait3A_249 : memref<1x128x16xf32, #tpu.memory_space<vmem>> -> memref<128x16xf32, #tpu.memory_space<vmem>>
      %dma_wait3A_251 = arith.constant 0 : i32
      %dma_wait3A_252 = tpu.memref_slice %arg11[%dma_wait3A_245, %dma_wait3A_251] : memref<16x128xi32, #tpu.memory_space<vmem>> -> memref<1x128xi32, #tpu.memory_space<vmem>>
      %dma_wait3A_253 = tpu.memref_squeeze %dma_wait3A_252 : memref<1x128xi32, #tpu.memory_space<vmem>> -> memref<128xi32, #tpu.memory_space<vmem>>
      %dma_wait3A_254 = arith.constant 0 : i32
      %dma_wait3A_255 = arith.constant 0 : i32
      %dma_wait3A_256 = tpu.memref_slice %arg4[%dma_wait3A_254, %dma_wait3A_255] : memref<100352x16xf32, #tpu.memory_space<hbm>> -> memref<100352x16xf32, #tpu.memory_space<hbm>>
      tpu.wait_indirect_dma semaphore(%arg19 : memref<!tpu.dma_semaphore, #tpu.memory_space<semaphore_mem>>) src(%dma_wait3A_256 : memref<100352x16xf32, #tpu.memory_space<hbm>>) dst(%dma_wait3A_250 : memref<128x16xf32, #tpu.memory_space<vmem>>)
      %dma_start3A_257 = arith.constant 3 : i32
      %dma_start3A_258 = arith.constant 3 : i32
      %dma_start3A_259 = arith.constant 0 : i32
      %dma_start3A_260 = arith.constant 0 : i32
      %dma_start3A_261 = tpu.memref_slice %arg13[%dma_start3A_257, %dma_start3A_259, %dma_start3A_260] : memref<8x128x16xf32, #tpu.memory_space<vmem>> -> memref<1x128x16xf32, #tpu.memory_space<vmem>>
      %dma_start3A_262 = tpu.memref_squeeze %dma_start3A_261 : memref<1x128x16xf32, #tpu.memory_space<vmem>> -> memref<128x16xf32, #tpu.memory_space<vmem>>
      %dma_start3A_263 = arith.constant 0 : i32
      %dma_start3A_264 = tpu.memref_slice %arg12[%dma_start3A_258, %dma_start3A_263] : memref<16x128xi32, #tpu.memory_space<vmem>> -> memref<1x128xi32, #tpu.memory_space<vmem>>
      %dma_start3A_265 = tpu.memref_squeeze %dma_start3A_264 : memref<1x128xi32, #tpu.memory_space<vmem>> -> memref<128xi32, #tpu.memory_space<vmem>>
      %dma_start3A_266 = arith.constant 0 : i32
      %dma_start3A_267 = arith.constant 0 : i32
      %dma_start3A_268 = tpu.memref_slice %arg9[%dma_start3A_266, %dma_start3A_267] : memref<100352x16xf32, #tpu.memory_space<vmem_shared>> -> memref<100352x16xf32, #tpu.memory_space<vmem_shared>>
      tpu.enqueue_indirect_dma source(%dma_start3A_262 : memref<128x16xf32, #tpu.memory_space<vmem>>) target(%dma_start3A_268 : memref<100352x16xf32, #tpu.memory_space<vmem_shared>>) offsets(%dma_start3A_265 : memref<128xi32, #tpu.memory_space<vmem>>) semaphore(%arg27 : memref<!tpu.dma_semaphore, #tpu.memory_space<semaphore_mem>>) {add = true}
      %dma_start3A_269 = arith.constant 3 : i32
      %dma_start3A_270 = arith.constant 0 : i32
      %dma_start3A_271 = tpu.memref_slice %arg12[%dma_start3A_269, %dma_start3A_270] : memref<16x128xi32, #tpu.memory_space<vmem>> -> memref<1x128xi32, #tpu.memory_space<vmem>>
      %dma_start3A_272 = tpu.memref_squeeze %dma_start3A_271 : memref<1x128xi32, #tpu.memory_space<vmem>> -> memref<128xi32, #tpu.memory_space<vmem>>
      %dma_start3A_273 = arith.constant 0 : i32
      %dma_start3A_274 = tpu.memref_slice %arg10[%dma_start3A_273] : memref<100352xf32, #tpu.memory_space<vmem_shared>> -> memref<100352xf32, #tpu.memory_space<vmem_shared>>
      tpu.enqueue_indirect_dma source(%arg14 : memref<128xf32, #tpu.memory_space<vmem>>) target(%dma_start3A_274 : memref<100352xf32, #tpu.memory_space<vmem_shared>>) offsets(%dma_start3A_272 : memref<128xi32, #tpu.memory_space<vmem>>) semaphore(%arg32 : memref<!tpu.dma_semaphore, #tpu.memory_space<semaphore_mem>>) {add = true}
      %dma_start3A_275 = arith.constant 7 : i32
      %dma_start3A_276 = arith.constant 7 : i32
      %dma_start3A_277 = arith.constant 0 : i32
      %dma_start3A_278 = arith.constant 0 : i32
      %dma_start3A_279 = tpu.memref_slice %arg13[%dma_start3A_276, %dma_start3A_277, %dma_start3A_278] : memref<8x128x16xf32, #tpu.memory_space<vmem>> -> memref<1x128x16xf32, #tpu.memory_space<vmem>>
      %dma_start3A_280 = tpu.memref_squeeze %dma_start3A_279 : memref<1x128x16xf32, #tpu.memory_space<vmem>> -> memref<128x16xf32, #tpu.memory_space<vmem>>
      %dma_start3A_281 = arith.constant 0 : i32
      %dma_start3A_282 = tpu.memref_slice %arg11[%dma_start3A_275, %dma_start3A_281] : memref<16x128xi32, #tpu.memory_space<vmem>> -> memref<1x128xi32, #tpu.memory_space<vmem>>
      %dma_start3A_283 = tpu.memref_squeeze %dma_start3A_282 : memref<1x128xi32, #tpu.memory_space<vmem>> -> memref<128xi32, #tpu.memory_space<vmem>>
      %dma_start3A_284 = arith.constant 0 : i32
      %dma_start3A_285 = arith.constant 0 : i32
      %dma_start3A_286 = tpu.memref_slice %arg4[%dma_start3A_284, %dma_start3A_285] : memref<100352x16xf32, #tpu.memory_space<hbm>> -> memref<100352x16xf32, #tpu.memory_space<hbm>>
      tpu.enqueue_indirect_dma source(%dma_start3A_286 : memref<100352x16xf32, #tpu.memory_space<hbm>>) target(%dma_start3A_280 : memref<128x16xf32, #tpu.memory_space<vmem>>) offsets(%dma_start3A_283 : memref<128xi32, #tpu.memory_space<vmem>>) semaphore(%arg23 : memref<!tpu.dma_semaphore, #tpu.memory_space<semaphore_mem>>)
      %dma_wait3A_287 = arith.constant 4 : i32
      %dma_wait3A_288 = arith.constant 4 : i32
      %dma_wait3A_289 = arith.constant 0 : i32
      %dma_wait3A_290 = arith.constant 0 : i32
      %dma_wait3A_291 = tpu.memref_slice %arg13[%dma_wait3A_288, %dma_wait3A_289, %dma_wait3A_290] : memref<8x128x16xf32, #tpu.memory_space<vmem>> -> memref<1x128x16xf32, #tpu.memory_space<vmem>>
      %dma_wait3A_292 = tpu.memref_squeeze %dma_wait3A_291 : memref<1x128x16xf32, #tpu.memory_space<vmem>> -> memref<128x16xf32, #tpu.memory_space<vmem>>
      %dma_wait3A_293 = arith.constant 0 : i32
      %dma_wait3A_294 = tpu.memref_slice %arg11[%dma_wait3A_287, %dma_wait3A_293] : memref<16x128xi32, #tpu.memory_space<vmem>> -> memref<1x128xi32, #tpu.memory_space<vmem>>
      %dma_wait3A_295 = tpu.memref_squeeze %dma_wait3A_294 : memref<1x128xi32, #tpu.memory_space<vmem>> -> memref<128xi32, #tpu.memory_space<vmem>>
      %dma_wait3A_296 = arith.constant 0 : i32
      %dma_wait3A_297 = arith.constant 0 : i32
      %dma_wait3A_298 = tpu.memref_slice %arg4[%dma_wait3A_296, %dma_wait3A_297] : memref<100352x16xf32, #tpu.memory_space<hbm>> -> memref<100352x16xf32, #tpu.memory_space<hbm>>
      tpu.wait_indirect_dma semaphore(%arg20 : memref<!tpu.dma_semaphore, #tpu.memory_space<semaphore_mem>>) src(%dma_wait3A_298 : memref<100352x16xf32, #tpu.memory_space<hbm>>) dst(%dma_wait3A_292 : memref<128x16xf32, #tpu.memory_space<vmem>>)
      %dma_start3A_299 = arith.constant 4 : i32
      %dma_start3A_300 = arith.constant 4 : i32
      %dma_start3A_301 = arith.constant 0 : i32
      %dma_start3A_302 = arith.constant 0 : i32
      %dma_start3A_303 = tpu.memref_slice %arg13[%dma_start3A_299, %dma_start3A_301, %dma_start3A_302] : memref<8x128x16xf32, #tpu.memory_space<vmem>> -> memref<1x128x16xf32, #tpu.memory_space<vmem>>
      %dma_start3A_304 = tpu.memref_squeeze %dma_start3A_303 : memref<1x128x16xf32, #tpu.memory_space<vmem>> -> memref<128x16xf32, #tpu.memory_space<vmem>>
      %dma_start3A_305 = arith.constant 0 : i32
      %dma_start3A_306 = tpu.memref_slice %arg12[%dma_start3A_300, %dma_start3A_305] : memref<16x128xi32, #tpu.memory_space<vmem>> -> memref<1x128xi32, #tpu.memory_space<vmem>>
      %dma_start3A_307 = tpu.memref_squeeze %dma_start3A_306 : memref<1x128xi32, #tpu.memory_space<vmem>> -> memref<128xi32, #tpu.memory_space<vmem>>
      %dma_start3A_308 = arith.constant 0 : i32
      %dma_start3A_309 = arith.constant 0 : i32
      %dma_start3A_310 = tpu.memref_slice %arg9[%dma_start3A_308, %dma_start3A_309] : memref<100352x16xf32, #tpu.memory_space<vmem_shared>> -> memref<100352x16xf32, #tpu.memory_space<vmem_shared>>
      tpu.enqueue_indirect_dma source(%dma_start3A_304 : memref<128x16xf32, #tpu.memory_space<vmem>>) target(%dma_start3A_310 : memref<100352x16xf32, #tpu.memory_space<vmem_shared>>) offsets(%dma_start3A_307 : memref<128xi32, #tpu.memory_space<vmem>>) semaphore(%arg28 : memref<!tpu.dma_semaphore, #tpu.memory_space<semaphore_mem>>) {add = true}
      %dma_start3A_311 = arith.constant 4 : i32
      %dma_start3A_312 = arith.constant 0 : i32
      %dma_start3A_313 = tpu.memref_slice %arg12[%dma_start3A_311, %dma_start3A_312] : memref<16x128xi32, #tpu.memory_space<vmem>> -> memref<1x128xi32, #tpu.memory_space<vmem>>
      %dma_start3A_314 = tpu.memref_squeeze %dma_start3A_313 : memref<1x128xi32, #tpu.memory_space<vmem>> -> memref<128xi32, #tpu.memory_space<vmem>>
      %dma_start3A_315 = arith.constant 0 : i32
      %dma_start3A_316 = tpu.memref_slice %arg10[%dma_start3A_315] : memref<100352xf32, #tpu.memory_space<vmem_shared>> -> memref<100352xf32, #tpu.memory_space<vmem_shared>>
      tpu.enqueue_indirect_dma source(%arg14 : memref<128xf32, #tpu.memory_space<vmem>>) target(%dma_start3A_316 : memref<100352xf32, #tpu.memory_space<vmem_shared>>) offsets(%dma_start3A_314 : memref<128xi32, #tpu.memory_space<vmem>>) semaphore(%arg32 : memref<!tpu.dma_semaphore, #tpu.memory_space<semaphore_mem>>) {add = true}
      %dma_wait3A_317 = arith.constant 0 : i32
      %dma_wait3A_318 = arith.constant 0 : i32
      %dma_wait3A_319 = arith.constant 0 : i32
      %dma_wait3A_320 = arith.constant 0 : i32
      %dma_wait3A_321 = tpu.memref_slice %arg13[%dma_wait3A_317, %dma_wait3A_319, %dma_wait3A_320] : memref<8x128x16xf32, #tpu.memory_space<vmem>> -> memref<1x128x16xf32, #tpu.memory_space<vmem>>
      %dma_wait3A_322 = tpu.memref_squeeze %dma_wait3A_321 : memref<1x128x16xf32, #tpu.memory_space<vmem>> -> memref<128x16xf32, #tpu.memory_space<vmem>>
      %dma_wait3A_323 = arith.constant 0 : i32
      %dma_wait3A_324 = tpu.memref_slice %arg12[%dma_wait3A_318, %dma_wait3A_323] : memref<16x128xi32, #tpu.memory_space<vmem>> -> memref<1x128xi32, #tpu.memory_space<vmem>>
      %dma_wait3A_325 = tpu.memref_squeeze %dma_wait3A_324 : memref<1x128xi32, #tpu.memory_space<vmem>> -> memref<128xi32, #tpu.memory_space<vmem>>
      %dma_wait3A_326 = arith.constant 0 : i32
      %dma_wait3A_327 = arith.constant 0 : i32
      %dma_wait3A_328 = tpu.memref_slice %arg9[%dma_wait3A_326, %dma_wait3A_327] : memref<100352x16xf32, #tpu.memory_space<vmem_shared>> -> memref<100352x16xf32, #tpu.memory_space<vmem_shared>>
      tpu.wait_indirect_dma semaphore(%arg24 : memref<!tpu.dma_semaphore, #tpu.memory_space<semaphore_mem>>) src(%dma_wait3A_322 : memref<128x16xf32, #tpu.memory_space<vmem>>) dst(%dma_wait3A_328 : memref<100352x16xf32, #tpu.memory_space<vmem_shared>>)
      %dma_start3A_329 = arith.constant 8 : i32
      %dma_start3A_330 = arith.constant 0 : i32
      %dma_start3A_331 = arith.constant 0 : i32
      %dma_start3A_332 = arith.constant 0 : i32
      %dma_start3A_333 = tpu.memref_slice %arg13[%dma_start3A_330, %dma_start3A_331, %dma_start3A_332] : memref<8x128x16xf32, #tpu.memory_space<vmem>> -> memref<1x128x16xf32, #tpu.memory_space<vmem>>
      %dma_start3A_334 = tpu.memref_squeeze %dma_start3A_333 : memref<1x128x16xf32, #tpu.memory_space<vmem>> -> memref<128x16xf32, #tpu.memory_space<vmem>>
      %dma_start3A_335 = arith.constant 0 : i32
      %dma_start3A_336 = tpu.memref_slice %arg11[%dma_start3A_329, %dma_start3A_335] : memref<16x128xi32, #tpu.memory_space<vmem>> -> memref<1x128xi32, #tpu.memory_space<vmem>>
      %dma_start3A_337 = tpu.memref_squeeze %dma_start3A_336 : memref<1x128xi32, #tpu.memory_space<vmem>> -> memref<128xi32, #tpu.memory_space<vmem>>
      %dma_start3A_338 = arith.constant 0 : i32
      %dma_start3A_339 = arith.constant 0 : i32
      %dma_start3A_340 = tpu.memref_slice %arg4[%dma_start3A_338, %dma_start3A_339] : memref<100352x16xf32, #tpu.memory_space<hbm>> -> memref<100352x16xf32, #tpu.memory_space<hbm>>
      tpu.enqueue_indirect_dma source(%dma_start3A_340 : memref<100352x16xf32, #tpu.memory_space<hbm>>) target(%dma_start3A_334 : memref<128x16xf32, #tpu.memory_space<vmem>>) offsets(%dma_start3A_337 : memref<128xi32, #tpu.memory_space<vmem>>) semaphore(%arg16 : memref<!tpu.dma_semaphore, #tpu.memory_space<semaphore_mem>>)
      %dma_wait3A_341 = arith.constant 5 : i32
      %dma_wait3A_342 = arith.constant 5 : i32
      %dma_wait3A_343 = arith.constant 0 : i32
      %dma_wait3A_344 = arith.constant 0 : i32
      %dma_wait3A_345 = tpu.memref_slice %arg13[%dma_wait3A_342, %dma_wait3A_343, %dma_wait3A_344] : memref<8x128x16xf32, #tpu.memory_space<vmem>> -> memref<1x128x16xf32, #tpu.memory_space<vmem>>
      %dma_wait3A_346 = tpu.memref_squeeze %dma_wait3A_345 : memref<1x128x16xf32, #tpu.memory_space<vmem>> -> memref<128x16xf32, #tpu.memory_space<vmem>>
      %dma_wait3A_347 = arith.constant 0 : i32
      %dma_wait3A_348 = tpu.memref_slice %arg11[%dma_wait3A_341, %dma_wait3A_347] : memref<16x128xi32, #tpu.memory_space<vmem>> -> memref<1x128xi32, #tpu.memory_space<vmem>>
      %dma_wait3A_349 = tpu.memref_squeeze %dma_wait3A_348 : memref<1x128xi32, #tpu.memory_space<vmem>> -> memref<128xi32, #tpu.memory_space<vmem>>
      %dma_wait3A_350 = arith.constant 0 : i32
      %dma_wait3A_351 = arith.constant 0 : i32
      %dma_wait3A_352 = tpu.memref_slice %arg4[%dma_wait3A_350, %dma_wait3A_351] : memref<100352x16xf32, #tpu.memory_space<hbm>> -> memref<100352x16xf32, #tpu.memory_space<hbm>>
      tpu.wait_indirect_dma semaphore(%arg21 : memref<!tpu.dma_semaphore, #tpu.memory_space<semaphore_mem>>) src(%dma_wait3A_352 : memref<100352x16xf32, #tpu.memory_space<hbm>>) dst(%dma_wait3A_346 : memref<128x16xf32, #tpu.memory_space<vmem>>)
      %dma_start3A_353 = arith.constant 5 : i32
      %dma_start3A_354 = arith.constant 5 : i32
      %dma_start3A_355 = arith.constant 0 : i32
      %dma_start3A_356 = arith.constant 0 : i32
      %dma_start3A_357 = tpu.memref_slice %arg13[%dma_start3A_353, %dma_start3A_355, %dma_start3A_356] : memref<8x128x16xf32, #tpu.memory_space<vmem>> -> memref<1x128x16xf32, #tpu.memory_space<vmem>>
      %dma_start3A_358 = tpu.memref_squeeze %dma_start3A_357 : memref<1x128x16xf32, #tpu.memory_space<vmem>> -> memref<128x16xf32, #tpu.memory_space<vmem>>
      %dma_start3A_359 = arith.constant 0 : i32
      %dma_start3A_360 = tpu.memref_slice %arg12[%dma_start3A_354, %dma_start3A_359] : memref<16x128xi32, #tpu.memory_space<vmem>> -> memref<1x128xi32, #tpu.memory_space<vmem>>
      %dma_start3A_361 = tpu.memref_squeeze %dma_start3A_360 : memref<1x128xi32, #tpu.memory_space<vmem>> -> memref<128xi32, #tpu.memory_space<vmem>>
      %dma_start3A_362 = arith.constant 0 : i32
      %dma_start3A_363 = arith.constant 0 : i32
      %dma_start3A_364 = tpu.memref_slice %arg9[%dma_start3A_362, %dma_start3A_363] : memref<100352x16xf32, #tpu.memory_space<vmem_shared>> -> memref<100352x16xf32, #tpu.memory_space<vmem_shared>>
      tpu.enqueue_indirect_dma source(%dma_start3A_358 : memref<128x16xf32, #tpu.memory_space<vmem>>) target(%dma_start3A_364 : memref<100352x16xf32, #tpu.memory_space<vmem_shared>>) offsets(%dma_start3A_361 : memref<128xi32, #tpu.memory_space<vmem>>) semaphore(%arg29 : memref<!tpu.dma_semaphore, #tpu.memory_space<semaphore_mem>>) {add = true}
      %dma_start3A_365 = arith.constant 5 : i32
      %dma_start3A_366 = arith.constant 0 : i32
      %dma_start3A_367 = tpu.memref_slice %arg12[%dma_start3A_365, %dma_start3A_366] : memref<16x128xi32, #tpu.memory_space<vmem>> -> memref<1x128xi32, #tpu.memory_space<vmem>>
      %dma_start3A_368 = tpu.memref_squeeze %dma_start3A_367 : memref<1x128xi32, #tpu.memory_space<vmem>> -> memref<128xi32, #tpu.memory_space<vmem>>
      %dma_start3A_369 = arith.constant 0 : i32
      %dma_start3A_370 = tpu.memref_slice %arg10[%dma_start3A_369] : memref<100352xf32, #tpu.memory_space<vmem_shared>> -> memref<100352xf32, #tpu.memory_space<vmem_shared>>
      tpu.enqueue_indirect_dma source(%arg14 : memref<128xf32, #tpu.memory_space<vmem>>) target(%dma_start3A_370 : memref<100352xf32, #tpu.memory_space<vmem_shared>>) offsets(%dma_start3A_368 : memref<128xi32, #tpu.memory_space<vmem>>) semaphore(%arg32 : memref<!tpu.dma_semaphore, #tpu.memory_space<semaphore_mem>>) {add = true}
      %dma_wait3A_371 = arith.constant 1 : i32
      %dma_wait3A_372 = arith.constant 1 : i32
      %dma_wait3A_373 = arith.constant 0 : i32
      %dma_wait3A_374 = arith.constant 0 : i32
      %dma_wait3A_375 = tpu.memref_slice %arg13[%dma_wait3A_371, %dma_wait3A_373, %dma_wait3A_374] : memref<8x128x16xf32, #tpu.memory_space<vmem>> -> memref<1x128x16xf32, #tpu.memory_space<vmem>>
      %dma_wait3A_376 = tpu.memref_squeeze %dma_wait3A_375 : memref<1x128x16xf32, #tpu.memory_space<vmem>> -> memref<128x16xf32, #tpu.memory_space<vmem>>
      %dma_wait3A_377 = arith.constant 0 : i32
      %dma_wait3A_378 = tpu.memref_slice %arg12[%dma_wait3A_372, %dma_wait3A_377] : memref<16x128xi32, #tpu.memory_space<vmem>> -> memref<1x128xi32, #tpu.memory_space<vmem>>
      %dma_wait3A_379 = tpu.memref_squeeze %dma_wait3A_378 : memref<1x128xi32, #tpu.memory_space<vmem>> -> memref<128xi32, #tpu.memory_space<vmem>>
      %dma_wait3A_380 = arith.constant 0 : i32
      %dma_wait3A_381 = arith.constant 0 : i32
      %dma_wait3A_382 = tpu.memref_slice %arg9[%dma_wait3A_380, %dma_wait3A_381] : memref<100352x16xf32, #tpu.memory_space<vmem_shared>> -> memref<100352x16xf32, #tpu.memory_space<vmem_shared>>
      tpu.wait_indirect_dma semaphore(%arg25 : memref<!tpu.dma_semaphore, #tpu.memory_space<semaphore_mem>>) src(%dma_wait3A_376 : memref<128x16xf32, #tpu.memory_space<vmem>>) dst(%dma_wait3A_382 : memref<100352x16xf32, #tpu.memory_space<vmem_shared>>)
      %dma_start3A_383 = arith.constant 9 : i32
      %dma_start3A_384 = arith.constant 1 : i32
      %dma_start3A_385 = arith.constant 0 : i32
      %dma_start3A_386 = arith.constant 0 : i32
      %dma_start3A_387 = tpu.memref_slice %arg13[%dma_start3A_384, %dma_start3A_385, %dma_start3A_386] : memref<8x128x16xf32, #tpu.memory_space<vmem>> -> memref<1x128x16xf32, #tpu.memory_space<vmem>>
      %dma_start3A_388 = tpu.memref_squeeze %dma_start3A_387 : memref<1x128x16xf32, #tpu.memory_space<vmem>> -> memref<128x16xf32, #tpu.memory_space<vmem>>
      %dma_start3A_389 = arith.constant 0 : i32
      %dma_start3A_390 = tpu.memref_slice %arg11[%dma_start3A_383, %dma_start3A_389] : memref<16x128xi32, #tpu.memory_space<vmem>> -> memref<1x128xi32, #tpu.memory_space<vmem>>
      %dma_start3A_391 = tpu.memref_squeeze %dma_start3A_390 : memref<1x128xi32, #tpu.memory_space<vmem>> -> memref<128xi32, #tpu.memory_space<vmem>>
      %dma_start3A_392 = arith.constant 0 : i32
      %dma_start3A_393 = arith.constant 0 : i32
      %dma_start3A_394 = tpu.memref_slice %arg4[%dma_start3A_392, %dma_start3A_393] : memref<100352x16xf32, #tpu.memory_space<hbm>> -> memref<100352x16xf32, #tpu.memory_space<hbm>>
      tpu.enqueue_indirect_dma source(%dma_start3A_394 : memref<100352x16xf32, #tpu.memory_space<hbm>>) target(%dma_start3A_388 : memref<128x16xf32, #tpu.memory_space<vmem>>) offsets(%dma_start3A_391 : memref<128xi32, #tpu.memory_space<vmem>>) semaphore(%arg17 : memref<!tpu.dma_semaphore, #tpu.memory_space<semaphore_mem>>)
      %dma_wait3A_395 = arith.constant 6 : i32
      %dma_wait3A_396 = arith.constant 6 : i32
      %dma_wait3A_397 = arith.constant 0 : i32
      %dma_wait3A_398 = arith.constant 0 : i32
      %dma_wait3A_399 = tpu.memref_slice %arg13[%dma_wait3A_396, %dma_wait3A_397, %dma_wait3A_398] : memref<8x128x16xf32, #tpu.memory_space<vmem>> -> memref<1x128x16xf32, #tpu.memory_space<vmem>>
      %dma_wait3A_400 = tpu.memref_squeeze %dma_wait3A_399 : memref<1x128x16xf32, #tpu.memory_space<vmem>> -> memref<128x16xf32, #tpu.memory_space<vmem>>
      %dma_wait3A_401 = arith.constant 0 : i32
      %dma_wait3A_402 = tpu.memref_slice %arg11[%dma_wait3A_395, %dma_wait3A_401] : memref<16x128xi32, #tpu.memory_space<vmem>> -> memref<1x128xi32, #tpu.memory_space<vmem>>
      %dma_wait3A_403 = tpu.memref_squeeze %dma_wait3A_402 : memref<1x128xi32, #tpu.memory_space<vmem>> -> memref<128xi32, #tpu.memory_space<vmem>>
      %dma_wait3A_404 = arith.constant 0 : i32
      %dma_wait3A_405 = arith.constant 0 : i32
      %dma_wait3A_406 = tpu.memref_slice %arg4[%dma_wait3A_404, %dma_wait3A_405] : memref<100352x16xf32, #tpu.memory_space<hbm>> -> memref<100352x16xf32, #tpu.memory_space<hbm>>
      tpu.wait_indirect_dma semaphore(%arg22 : memref<!tpu.dma_semaphore, #tpu.memory_space<semaphore_mem>>) src(%dma_wait3A_406 : memref<100352x16xf32, #tpu.memory_space<hbm>>) dst(%dma_wait3A_400 : memref<128x16xf32, #tpu.memory_space<vmem>>)
      %dma_start3A_407 = arith.constant 6 : i32
      %dma_start3A_408 = arith.constant 6 : i32
      %dma_start3A_409 = arith.constant 0 : i32
      %dma_start3A_410 = arith.constant 0 : i32
      %dma_start3A_411 = tpu.memref_slice %arg13[%dma_start3A_407, %dma_start3A_409, %dma_start3A_410] : memref<8x128x16xf32, #tpu.memory_space<vmem>> -> memref<1x128x16xf32, #tpu.memory_space<vmem>>
      %dma_start3A_412 = tpu.memref_squeeze %dma_start3A_411 : memref<1x128x16xf32, #tpu.memory_space<vmem>> -> memref<128x16xf32, #tpu.memory_space<vmem>>
      %dma_start3A_413 = arith.constant 0 : i32
      %dma_start3A_414 = tpu.memref_slice %arg12[%dma_start3A_408, %dma_start3A_413] : memref<16x128xi32, #tpu.memory_space<vmem>> -> memref<1x128xi32, #tpu.memory_space<vmem>>
      %dma_start3A_415 = tpu.memref_squeeze %dma_start3A_414 : memref<1x128xi32, #tpu.memory_space<vmem>> -> memref<128xi32, #tpu.memory_space<vmem>>
      %dma_start3A_416 = arith.constant 0 : i32
      %dma_start3A_417 = arith.constant 0 : i32
      %dma_start3A_418 = tpu.memref_slice %arg9[%dma_start3A_416, %dma_start3A_417] : memref<100352x16xf32, #tpu.memory_space<vmem_shared>> -> memref<100352x16xf32, #tpu.memory_space<vmem_shared>>
      tpu.enqueue_indirect_dma source(%dma_start3A_412 : memref<128x16xf32, #tpu.memory_space<vmem>>) target(%dma_start3A_418 : memref<100352x16xf32, #tpu.memory_space<vmem_shared>>) offsets(%dma_start3A_415 : memref<128xi32, #tpu.memory_space<vmem>>) semaphore(%arg30 : memref<!tpu.dma_semaphore, #tpu.memory_space<semaphore_mem>>) {add = true}
      %dma_start3A_419 = arith.constant 6 : i32
      %dma_start3A_420 = arith.constant 0 : i32
      %dma_start3A_421 = tpu.memref_slice %arg12[%dma_start3A_419, %dma_start3A_420] : memref<16x128xi32, #tpu.memory_space<vmem>> -> memref<1x128xi32, #tpu.memory_space<vmem>>
      %dma_start3A_422 = tpu.memref_squeeze %dma_start3A_421 : memref<1x128xi32, #tpu.memory_space<vmem>> -> memref<128xi32, #tpu.memory_space<vmem>>
      %dma_start3A_423 = arith.constant 0 : i32
      %dma_start3A_424 = tpu.memref_slice %arg10[%dma_start3A_423] : memref<100352xf32, #tpu.memory_space<vmem_shared>> -> memref<100352xf32, #tpu.memory_space<vmem_shared>>
      tpu.enqueue_indirect_dma source(%arg14 : memref<128xf32, #tpu.memory_space<vmem>>) target(%dma_start3A_424 : memref<100352xf32, #tpu.memory_space<vmem_shared>>) offsets(%dma_start3A_422 : memref<128xi32, #tpu.memory_space<vmem>>) semaphore(%arg32 : memref<!tpu.dma_semaphore, #tpu.memory_space<semaphore_mem>>) {add = true}
      %dma_wait3A_425 = arith.constant 2 : i32
      %dma_wait3A_426 = arith.constant 2 : i32
      %dma_wait3A_427 = arith.constant 0 : i32
      %dma_wait3A_428 = arith.constant 0 : i32
      %dma_wait3A_429 = tpu.memref_slice %arg13[%dma_wait3A_425, %dma_wait3A_427, %dma_wait3A_428] : memref<8x128x16xf32, #tpu.memory_space<vmem>> -> memref<1x128x16xf32, #tpu.memory_space<vmem>>
      %dma_wait3A_430 = tpu.memref_squeeze %dma_wait3A_429 : memref<1x128x16xf32, #tpu.memory_space<vmem>> -> memref<128x16xf32, #tpu.memory_space<vmem>>
      %dma_wait3A_431 = arith.constant 0 : i32
      %dma_wait3A_432 = tpu.memref_slice %arg12[%dma_wait3A_426, %dma_wait3A_431] : memref<16x128xi32, #tpu.memory_space<vmem>> -> memref<1x128xi32, #tpu.memory_space<vmem>>
      %dma_wait3A_433 = tpu.memref_squeeze %dma_wait3A_432 : memref<1x128xi32, #tpu.memory_space<vmem>> -> memref<128xi32, #tpu.memory_space<vmem>>
      %dma_wait3A_434 = arith.constant 0 : i32
      %dma_wait3A_435 = arith.constant 0 : i32
      %dma_wait3A_436 = tpu.memref_slice %arg9[%dma_wait3A_434, %dma_wait3A_435] : memref<100352x16xf32, #tpu.memory_space<vmem_shared>> -> memref<100352x16xf32, #tpu.memory_space<vmem_shared>>
      tpu.wait_indirect_dma semaphore(%arg26 : memref<!tpu.dma_semaphore, #tpu.memory_space<semaphore_mem>>) src(%dma_wait3A_430 : memref<128x16xf32, #tpu.memory_space<vmem>>) dst(%dma_wait3A_436 : memref<100352x16xf32, #tpu.memory_space<vmem_shared>>)
      %dma_start3A_437 = arith.constant 10 : i32
      %dma_start3A_438 = arith.constant 2 : i32
      %dma_start3A_439 = arith.constant 0 : i32
      %dma_start3A_440 = arith.constant 0 : i32
      %dma_start3A_441 = tpu.memref_slice %arg13[%dma_start3A_438, %dma_start3A_439, %dma_start3A_440] : memref<8x128x16xf32, #tpu.memory_space<vmem>> -> memref<1x128x16xf32, #tpu.memory_space<vmem>>
      %dma_start3A_442 = tpu.memref_squeeze %dma_start3A_441 : memref<1x128x16xf32, #tpu.memory_space<vmem>> -> memref<128x16xf32, #tpu.memory_space<vmem>>
      %dma_start3A_443 = arith.constant 0 : i32
      %dma_start3A_444 = tpu.memref_slice %arg11[%dma_start3A_437, %dma_start3A_443] : memref<16x128xi32, #tpu.memory_space<vmem>> -> memref<1x128xi32, #tpu.memory_space<vmem>>
      %dma_start3A_445 = tpu.memref_squeeze %dma_start3A_444 : memref<1x128xi32, #tpu.memory_space<vmem>> -> memref<128xi32, #tpu.memory_space<vmem>>
      %dma_start3A_446 = arith.constant 0 : i32
      %dma_start3A_447 = arith.constant 0 : i32
      %dma_start3A_448 = tpu.memref_slice %arg4[%dma_start3A_446, %dma_start3A_447] : memref<100352x16xf32, #tpu.memory_space<hbm>> -> memref<100352x16xf32, #tpu.memory_space<hbm>>
      tpu.enqueue_indirect_dma source(%dma_start3A_448 : memref<100352x16xf32, #tpu.memory_space<hbm>>) target(%dma_start3A_442 : memref<128x16xf32, #tpu.memory_space<vmem>>) offsets(%dma_start3A_445 : memref<128xi32, #tpu.memory_space<vmem>>) semaphore(%arg18 : memref<!tpu.dma_semaphore, #tpu.memory_space<semaphore_mem>>)
      %dma_wait3A_449 = arith.constant 7 : i32
      %dma_wait3A_450 = arith.constant 7 : i32
      %dma_wait3A_451 = arith.constant 0 : i32
      %dma_wait3A_452 = arith.constant 0 : i32
      %dma_wait3A_453 = tpu.memref_slice %arg13[%dma_wait3A_450, %dma_wait3A_451, %dma_wait3A_452] : memref<8x128x16xf32, #tpu.memory_space<vmem>> -> memref<1x128x16xf32, #tpu.memory_space<vmem>>
      %dma_wait3A_454 = tpu.memref_squeeze %dma_wait3A_453 : memref<1x128x16xf32, #tpu.memory_space<vmem>> -> memref<128x16xf32, #tpu.memory_space<vmem>>
      %dma_wait3A_455 = arith.constant 0 : i32
      %dma_wait3A_456 = tpu.memref_slice %arg11[%dma_wait3A_449, %dma_wait3A_455] : memref<16x128xi32, #tpu.memory_space<vmem>> -> memref<1x128xi32, #tpu.memory_space<vmem>>
      %dma_wait3A_457 = tpu.memref_squeeze %dma_wait3A_456 : memref<1x128xi32, #tpu.memory_space<vmem>> -> memref<128xi32, #tpu.memory_space<vmem>>
      %dma_wait3A_458 = arith.constant 0 : i32
      %dma_wait3A_459 = arith.constant 0 : i32
      %dma_wait3A_460 = tpu.memref_slice %arg4[%dma_wait3A_458, %dma_wait3A_459] : memref<100352x16xf32, #tpu.memory_space<hbm>> -> memref<100352x16xf32, #tpu.memory_space<hbm>>
      tpu.wait_indirect_dma semaphore(%arg23 : memref<!tpu.dma_semaphore, #tpu.memory_space<semaphore_mem>>) src(%dma_wait3A_460 : memref<100352x16xf32, #tpu.memory_space<hbm>>) dst(%dma_wait3A_454 : memref<128x16xf32, #tpu.memory_space<vmem>>)
      %dma_start3A_461 = arith.constant 7 : i32
      %dma_start3A_462 = arith.constant 7 : i32
      %dma_start3A_463 = arith.constant 0 : i32
      %dma_start3A_464 = arith.constant 0 : i32
      %dma_start3A_465 = tpu.memref_slice %arg13[%dma_start3A_461, %dma_start3A_463, %dma_start3A_464] : memref<8x128x16xf32, #tpu.memory_space<vmem>> -> memref<1x128x16xf32, #tpu.memory_space<vmem>>
      %dma_start3A_466 = tpu.memref_squeeze %dma_start3A_465 : memref<1x128x16xf32, #tpu.memory_space<vmem>> -> memref<128x16xf32, #tpu.memory_space<vmem>>
      %dma_start3A_467 = arith.constant 0 : i32
      %dma_start3A_468 = tpu.memref_slice %arg12[%dma_start3A_462, %dma_start3A_467] : memref<16x128xi32, #tpu.memory_space<vmem>> -> memref<1x128xi32, #tpu.memory_space<vmem>>
      %dma_start3A_469 = tpu.memref_squeeze %dma_start3A_468 : memref<1x128xi32, #tpu.memory_space<vmem>> -> memref<128xi32, #tpu.memory_space<vmem>>
      %dma_start3A_470 = arith.constant 0 : i32
      %dma_start3A_471 = arith.constant 0 : i32
      %dma_start3A_472 = tpu.memref_slice %arg9[%dma_start3A_470, %dma_start3A_471] : memref<100352x16xf32, #tpu.memory_space<vmem_shared>> -> memref<100352x16xf32, #tpu.memory_space<vmem_shared>>
      tpu.enqueue_indirect_dma source(%dma_start3A_466 : memref<128x16xf32, #tpu.memory_space<vmem>>) target(%dma_start3A_472 : memref<100352x16xf32, #tpu.memory_space<vmem_shared>>) offsets(%dma_start3A_469 : memref<128xi32, #tpu.memory_space<vmem>>) semaphore(%arg31 : memref<!tpu.dma_semaphore, #tpu.memory_space<semaphore_mem>>) {add = true}
      %dma_start3A_473 = arith.constant 7 : i32
      %dma_start3A_474 = arith.constant 0 : i32
      %dma_start3A_475 = tpu.memref_slice %arg12[%dma_start3A_473, %dma_start3A_474] : memref<16x128xi32, #tpu.memory_space<vmem>> -> memref<1x128xi32, #tpu.memory_space<vmem>>
      %dma_start3A_476 = tpu.memref_squeeze %dma_start3A_475 : memref<1x128xi32, #tpu.memory_space<vmem>> -> memref<128xi32, #tpu.memory_space<vmem>>
      %dma_start3A_477 = arith.constant 0 : i32
      %dma_start3A_478 = tpu.memref_slice %arg10[%dma_start3A_477] : memref<100352xf32, #tpu.memory_space<vmem_shared>> -> memref<100352xf32, #tpu.memory_space<vmem_shared>>
      tpu.enqueue_indirect_dma source(%arg14 : memref<128xf32, #tpu.memory_space<vmem>>) target(%dma_start3A_478 : memref<100352xf32, #tpu.memory_space<vmem_shared>>) offsets(%dma_start3A_476 : memref<128xi32, #tpu.memory_space<vmem>>) semaphore(%arg32 : memref<!tpu.dma_semaphore, #tpu.memory_space<semaphore_mem>>) {add = true}
      %dma_wait3A_479 = arith.constant 3 : i32
      %dma_wait3A_480 = arith.constant 3 : i32
      %dma_wait3A_481 = arith.constant 0 : i32
      %dma_wait3A_482 = arith.constant 0 : i32
      %dma_wait3A_483 = tpu.memref_slice %arg13[%dma_wait3A_479, %dma_wait3A_481, %dma_wait3A_482] : memref<8x128x16xf32, #tpu.memory_space<vmem>> -> memref<1x128x16xf32, #tpu.memory_space<vmem>>
      %dma_wait3A_484 = tpu.memref_squeeze %dma_wait3A_483 : memref<1x128x16xf32, #tpu.memory_space<vmem>> -> memref<128x16xf32, #tpu.memory_space<vmem>>
      %dma_wait3A_485 = arith.constant 0 : i32
      %dma_wait3A_486 = tpu.memref_slice %arg12[%dma_wait3A_480, %dma_wait3A_485] : memref<16x128xi32, #tpu.memory_space<vmem>> -> memref<1x128xi32, #tpu.memory_space<vmem>>
      %dma_wait3A_487 = tpu.memref_squeeze %dma_wait3A_486 : memref<1x128xi32, #tpu.memory_space<vmem>> -> memref<128xi32, #tpu.memory_space<vmem>>
      %dma_wait3A_488 = arith.constant 0 : i32
      %dma_wait3A_489 = arith.constant 0 : i32
      %dma_wait3A_490 = tpu.memref_slice %arg9[%dma_wait3A_488, %dma_wait3A_489] : memref<100352x16xf32, #tpu.memory_space<vmem_shared>> -> memref<100352x16xf32, #tpu.memory_space<vmem_shared>>
      tpu.wait_indirect_dma semaphore(%arg27 : memref<!tpu.dma_semaphore, #tpu.memory_space<semaphore_mem>>) src(%dma_wait3A_484 : memref<128x16xf32, #tpu.memory_space<vmem>>) dst(%dma_wait3A_490 : memref<100352x16xf32, #tpu.memory_space<vmem_shared>>)
      %dma_start3A_491 = arith.constant 11 : i32
      %dma_start3A_492 = arith.constant 3 : i32
      %dma_start3A_493 = arith.constant 0 : i32
      %dma_start3A_494 = arith.constant 0 : i32
      %dma_start3A_495 = tpu.memref_slice %arg13[%dma_start3A_492, %dma_start3A_493, %dma_start3A_494] : memref<8x128x16xf32, #tpu.memory_space<vmem>> -> memref<1x128x16xf32, #tpu.memory_space<vmem>>
      %dma_start3A_496 = tpu.memref_squeeze %dma_start3A_495 : memref<1x128x16xf32, #tpu.memory_space<vmem>> -> memref<128x16xf32, #tpu.memory_space<vmem>>
      %dma_start3A_497 = arith.constant 0 : i32
      %dma_start3A_498 = tpu.memref_slice %arg11[%dma_start3A_491, %dma_start3A_497] : memref<16x128xi32, #tpu.memory_space<vmem>> -> memref<1x128xi32, #tpu.memory_space<vmem>>
      %dma_start3A_499 = tpu.memref_squeeze %dma_start3A_498 : memref<1x128xi32, #tpu.memory_space<vmem>> -> memref<128xi32, #tpu.memory_space<vmem>>
      %dma_start3A_500 = arith.constant 0 : i32
      %dma_start3A_501 = arith.constant 0 : i32
      %dma_start3A_502 = tpu.memref_slice %arg4[%dma_start3A_500, %dma_start3A_501] : memref<100352x16xf32, #tpu.memory_space<hbm>> -> memref<100352x16xf32, #tpu.memory_space<hbm>>
      tpu.enqueue_indirect_dma source(%dma_start3A_502 : memref<100352x16xf32, #tpu.memory_space<hbm>>) target(%dma_start3A_496 : memref<128x16xf32, #tpu.memory_space<vmem>>) offsets(%dma_start3A_499 : memref<128xi32, #tpu.memory_space<vmem>>) semaphore(%arg19 : memref<!tpu.dma_semaphore, #tpu.memory_space<semaphore_mem>>)
      %dma_wait3A_503 = arith.constant 8 : i32
      %dma_wait3A_504 = arith.constant 0 : i32
      %dma_wait3A_505 = arith.constant 0 : i32
      %dma_wait3A_506 = arith.constant 0 : i32
      %dma_wait3A_507 = tpu.memref_slice %arg13[%dma_wait3A_504, %dma_wait3A_505, %dma_wait3A_506] : memref<8x128x16xf32, #tpu.memory_space<vmem>> -> memref<1x128x16xf32, #tpu.memory_space<vmem>>
      %dma_wait3A_508 = tpu.memref_squeeze %dma_wait3A_507 : memref<1x128x16xf32, #tpu.memory_space<vmem>> -> memref<128x16xf32, #tpu.memory_space<vmem>>
      %dma_wait3A_509 = arith.constant 0 : i32
      %dma_wait3A_510 = tpu.memref_slice %arg11[%dma_wait3A_503, %dma_wait3A_509] : memref<16x128xi32, #tpu.memory_space<vmem>> -> memref<1x128xi32, #tpu.memory_space<vmem>>
      %dma_wait3A_511 = tpu.memref_squeeze %dma_wait3A_510 : memref<1x128xi32, #tpu.memory_space<vmem>> -> memref<128xi32, #tpu.memory_space<vmem>>
      %dma_wait3A_512 = arith.constant 0 : i32
      %dma_wait3A_513 = arith.constant 0 : i32
      %dma_wait3A_514 = tpu.memref_slice %arg4[%dma_wait3A_512, %dma_wait3A_513] : memref<100352x16xf32, #tpu.memory_space<hbm>> -> memref<100352x16xf32, #tpu.memory_space<hbm>>
      tpu.wait_indirect_dma semaphore(%arg16 : memref<!tpu.dma_semaphore, #tpu.memory_space<semaphore_mem>>) src(%dma_wait3A_514 : memref<100352x16xf32, #tpu.memory_space<hbm>>) dst(%dma_wait3A_508 : memref<128x16xf32, #tpu.memory_space<vmem>>)
      %dma_start3A_515 = arith.constant 0 : i32
      %dma_start3A_516 = arith.constant 8 : i32
      %dma_start3A_517 = arith.constant 0 : i32
      %dma_start3A_518 = arith.constant 0 : i32
      %dma_start3A_519 = tpu.memref_slice %arg13[%dma_start3A_515, %dma_start3A_517, %dma_start3A_518] : memref<8x128x16xf32, #tpu.memory_space<vmem>> -> memref<1x128x16xf32, #tpu.memory_space<vmem>>
      %dma_start3A_520 = tpu.memref_squeeze %dma_start3A_519 : memref<1x128x16xf32, #tpu.memory_space<vmem>> -> memref<128x16xf32, #tpu.memory_space<vmem>>
      %dma_start3A_521 = arith.constant 0 : i32
      %dma_start3A_522 = tpu.memref_slice %arg12[%dma_start3A_516, %dma_start3A_521] : memref<16x128xi32, #tpu.memory_space<vmem>> -> memref<1x128xi32, #tpu.memory_space<vmem>>
      %dma_start3A_523 = tpu.memref_squeeze %dma_start3A_522 : memref<1x128xi32, #tpu.memory_space<vmem>> -> memref<128xi32, #tpu.memory_space<vmem>>
      %dma_start3A_524 = arith.constant 0 : i32
      %dma_start3A_525 = arith.constant 0 : i32
      %dma_start3A_526 = tpu.memref_slice %arg9[%dma_start3A_524, %dma_start3A_525] : memref<100352x16xf32, #tpu.memory_space<vmem_shared>> -> memref<100352x16xf32, #tpu.memory_space<vmem_shared>>
      tpu.enqueue_indirect_dma source(%dma_start3A_520 : memref<128x16xf32, #tpu.memory_space<vmem>>) target(%dma_start3A_526 : memref<100352x16xf32, #tpu.memory_space<vmem_shared>>) offsets(%dma_start3A_523 : memref<128xi32, #tpu.memory_space<vmem>>) semaphore(%arg24 : memref<!tpu.dma_semaphore, #tpu.memory_space<semaphore_mem>>) {add = true}
      %dma_start3A_527 = arith.constant 8 : i32
      %dma_start3A_528 = arith.constant 0 : i32
      %dma_start3A_529 = tpu.memref_slice %arg12[%dma_start3A_527, %dma_start3A_528] : memref<16x128xi32, #tpu.memory_space<vmem>> -> memref<1x128xi32, #tpu.memory_space<vmem>>
      %dma_start3A_530 = tpu.memref_squeeze %dma_start3A_529 : memref<1x128xi32, #tpu.memory_space<vmem>> -> memref<128xi32, #tpu.memory_space<vmem>>
      %dma_start3A_531 = arith.constant 0 : i32
      %dma_start3A_532 = tpu.memref_slice %arg10[%dma_start3A_531] : memref<100352xf32, #tpu.memory_space<vmem_shared>> -> memref<100352xf32, #tpu.memory_space<vmem_shared>>
      tpu.enqueue_indirect_dma source(%arg14 : memref<128xf32, #tpu.memory_space<vmem>>) target(%dma_start3A_532 : memref<100352xf32, #tpu.memory_space<vmem_shared>>) offsets(%dma_start3A_530 : memref<128xi32, #tpu.memory_space<vmem>>) semaphore(%arg32 : memref<!tpu.dma_semaphore, #tpu.memory_space<semaphore_mem>>) {add = true}
      %dma_wait3A_533 = arith.constant 4 : i32
      %dma_wait3A_534 = arith.constant 4 : i32
      %dma_wait3A_535 = arith.constant 0 : i32
      %dma_wait3A_536 = arith.constant 0 : i32
      %dma_wait3A_537 = tpu.memref_slice %arg13[%dma_wait3A_533, %dma_wait3A_535, %dma_wait3A_536] : memref<8x128x16xf32, #tpu.memory_space<vmem>> -> memref<1x128x16xf32, #tpu.memory_space<vmem>>
      %dma_wait3A_538 = tpu.memref_squeeze %dma_wait3A_537 : memref<1x128x16xf32, #tpu.memory_space<vmem>> -> memref<128x16xf32, #tpu.memory_space<vmem>>
      %dma_wait3A_539 = arith.constant 0 : i32
      %dma_wait3A_540 = tpu.memref_slice %arg12[%dma_wait3A_534, %dma_wait3A_539] : memref<16x128xi32, #tpu.memory_space<vmem>> -> memref<1x128xi32, #tpu.memory_space<vmem>>
      %dma_wait3A_541 = tpu.memref_squeeze %dma_wait3A_540 : memref<1x128xi32, #tpu.memory_space<vmem>> -> memref<128xi32, #tpu.memory_space<vmem>>
      %dma_wait3A_542 = arith.constant 0 : i32
      %dma_wait3A_543 = arith.constant 0 : i32
      %dma_wait3A_544 = tpu.memref_slice %arg9[%dma_wait3A_542, %dma_wait3A_543] : memref<100352x16xf32, #tpu.memory_space<vmem_shared>> -> memref<100352x16xf32, #tpu.memory_space<vmem_shared>>
      tpu.wait_indirect_dma semaphore(%arg28 : memref<!tpu.dma_semaphore, #tpu.memory_space<semaphore_mem>>) src(%dma_wait3A_538 : memref<128x16xf32, #tpu.memory_space<vmem>>) dst(%dma_wait3A_544 : memref<100352x16xf32, #tpu.memory_space<vmem_shared>>)
      %dma_start3A_545 = arith.constant 12 : i32
      %dma_start3A_546 = arith.constant 4 : i32
      %dma_start3A_547 = arith.constant 0 : i32
      %dma_start3A_548 = arith.constant 0 : i32
      %dma_start3A_549 = tpu.memref_slice %arg13[%dma_start3A_546, %dma_start3A_547, %dma_start3A_548] : memref<8x128x16xf32, #tpu.memory_space<vmem>> -> memref<1x128x16xf32, #tpu.memory_space<vmem>>
      %dma_start3A_550 = tpu.memref_squeeze %dma_start3A_549 : memref<1x128x16xf32, #tpu.memory_space<vmem>> -> memref<128x16xf32, #tpu.memory_space<vmem>>
      %dma_start3A_551 = arith.constant 0 : i32
      %dma_start3A_552 = tpu.memref_slice %arg11[%dma_start3A_545, %dma_start3A_551] : memref<16x128xi32, #tpu.memory_space<vmem>> -> memref<1x128xi32, #tpu.memory_space<vmem>>
      %dma_start3A_553 = tpu.memref_squeeze %dma_start3A_552 : memref<1x128xi32, #tpu.memory_space<vmem>> -> memref<128xi32, #tpu.memory_space<vmem>>
      %dma_start3A_554 = arith.constant 0 : i32
      %dma_start3A_555 = arith.constant 0 : i32
      %dma_start3A_556 = tpu.memref_slice %arg4[%dma_start3A_554, %dma_start3A_555] : memref<100352x16xf32, #tpu.memory_space<hbm>> -> memref<100352x16xf32, #tpu.memory_space<hbm>>
      tpu.enqueue_indirect_dma source(%dma_start3A_556 : memref<100352x16xf32, #tpu.memory_space<hbm>>) target(%dma_start3A_550 : memref<128x16xf32, #tpu.memory_space<vmem>>) offsets(%dma_start3A_553 : memref<128xi32, #tpu.memory_space<vmem>>) semaphore(%arg20 : memref<!tpu.dma_semaphore, #tpu.memory_space<semaphore_mem>>)
      %dma_wait3A_557 = arith.constant 9 : i32
      %dma_wait3A_558 = arith.constant 1 : i32
      %dma_wait3A_559 = arith.constant 0 : i32
      %dma_wait3A_560 = arith.constant 0 : i32
      %dma_wait3A_561 = tpu.memref_slice %arg13[%dma_wait3A_558, %dma_wait3A_559, %dma_wait3A_560] : memref<8x128x16xf32, #tpu.memory_space<vmem>> -> memref<1x128x16xf32, #tpu.memory_space<vmem>>
      %dma_wait3A_562 = tpu.memref_squeeze %dma_wait3A_561 : memref<1x128x16xf32, #tpu.memory_space<vmem>> -> memref<128x16xf32, #tpu.memory_space<vmem>>
      %dma_wait3A_563 = arith.constant 0 : i32
      %dma_wait3A_564 = tpu.memref_slice %arg11[%dma_wait3A_557, %dma_wait3A_563] : memref<16x128xi32, #tpu.memory_space<vmem>> -> memref<1x128xi32, #tpu.memory_space<vmem>>
      %dma_wait3A_565 = tpu.memref_squeeze %dma_wait3A_564 : memref<1x128xi32, #tpu.memory_space<vmem>> -> memref<128xi32, #tpu.memory_space<vmem>>
      %dma_wait3A_566 = arith.constant 0 : i32
      %dma_wait3A_567 = arith.constant 0 : i32
      %dma_wait3A_568 = tpu.memref_slice %arg4[%dma_wait3A_566, %dma_wait3A_567] : memref<100352x16xf32, #tpu.memory_space<hbm>> -> memref<100352x16xf32, #tpu.memory_space<hbm>>
      tpu.wait_indirect_dma semaphore(%arg17 : memref<!tpu.dma_semaphore, #tpu.memory_space<semaphore_mem>>) src(%dma_wait3A_568 : memref<100352x16xf32, #tpu.memory_space<hbm>>) dst(%dma_wait3A_562 : memref<128x16xf32, #tpu.memory_space<vmem>>)
      %dma_start3A_569 = arith.constant 1 : i32
      %dma_start3A_570 = arith.constant 9 : i32
      %dma_start3A_571 = arith.constant 0 : i32
      %dma_start3A_572 = arith.constant 0 : i32
      %dma_start3A_573 = tpu.memref_slice %arg13[%dma_start3A_569, %dma_start3A_571, %dma_start3A_572] : memref<8x128x16xf32, #tpu.memory_space<vmem>> -> memref<1x128x16xf32, #tpu.memory_space<vmem>>
      %dma_start3A_574 = tpu.memref_squeeze %dma_start3A_573 : memref<1x128x16xf32, #tpu.memory_space<vmem>> -> memref<128x16xf32, #tpu.memory_space<vmem>>
      %dma_start3A_575 = arith.constant 0 : i32
      %dma_start3A_576 = tpu.memref_slice %arg12[%dma_start3A_570, %dma_start3A_575] : memref<16x128xi32, #tpu.memory_space<vmem>> -> memref<1x128xi32, #tpu.memory_space<vmem>>
      %dma_start3A_577 = tpu.memref_squeeze %dma_start3A_576 : memref<1x128xi32, #tpu.memory_space<vmem>> -> memref<128xi32, #tpu.memory_space<vmem>>
      %dma_start3A_578 = arith.constant 0 : i32
      %dma_start3A_579 = arith.constant 0 : i32
      %dma_start3A_580 = tpu.memref_slice %arg9[%dma_start3A_578, %dma_start3A_579] : memref<100352x16xf32, #tpu.memory_space<vmem_shared>> -> memref<100352x16xf32, #tpu.memory_space<vmem_shared>>
      tpu.enqueue_indirect_dma source(%dma_start3A_574 : memref<128x16xf32, #tpu.memory_space<vmem>>) target(%dma_start3A_580 : memref<100352x16xf32, #tpu.memory_space<vmem_shared>>) offsets(%dma_start3A_577 : memref<128xi32, #tpu.memory_space<vmem>>) semaphore(%arg25 : memref<!tpu.dma_semaphore, #tpu.memory_space<semaphore_mem>>) {add = true}
      %dma_start3A_581 = arith.constant 9 : i32
      %dma_start3A_582 = arith.constant 0 : i32
      %dma_start3A_583 = tpu.memref_slice %arg12[%dma_start3A_581, %dma_start3A_582] : memref<16x128xi32, #tpu.memory_space<vmem>> -> memref<1x128xi32, #tpu.memory_space<vmem>>
      %dma_start3A_584 = tpu.memref_squeeze %dma_start3A_583 : memref<1x128xi32, #tpu.memory_space<vmem>> -> memref<128xi32, #tpu.memory_space<vmem>>
      %dma_start3A_585 = arith.constant 0 : i32
      %dma_start3A_586 = tpu.memref_slice %arg10[%dma_start3A_585] : memref<100352xf32, #tpu.memory_space<vmem_shared>> -> memref<100352xf32, #tpu.memory_space<vmem_shared>>
      tpu.enqueue_indirect_dma source(%arg14 : memref<128xf32, #tpu.memory_space<vmem>>) target(%dma_start3A_586 : memref<100352xf32, #tpu.memory_space<vmem_shared>>) offsets(%dma_start3A_584 : memref<128xi32, #tpu.memory_space<vmem>>) semaphore(%arg32 : memref<!tpu.dma_semaphore, #tpu.memory_space<semaphore_mem>>) {add = true}
      %dma_wait3A_587 = arith.constant 5 : i32
      %dma_wait3A_588 = arith.constant 5 : i32
      %dma_wait3A_589 = arith.constant 0 : i32
      %dma_wait3A_590 = arith.constant 0 : i32
      %dma_wait3A_591 = tpu.memref_slice %arg13[%dma_wait3A_587, %dma_wait3A_589, %dma_wait3A_590] : memref<8x128x16xf32, #tpu.memory_space<vmem>> -> memref<1x128x16xf32, #tpu.memory_space<vmem>>
      %dma_wait3A_592 = tpu.memref_squeeze %dma_wait3A_591 : memref<1x128x16xf32, #tpu.memory_space<vmem>> -> memref<128x16xf32, #tpu.memory_space<vmem>>
      %dma_wait3A_593 = arith.constant 0 : i32
      %dma_wait3A_594 = tpu.memref_slice %arg12[%dma_wait3A_588, %dma_wait3A_593] : memref<16x128xi32, #tpu.memory_space<vmem>> -> memref<1x128xi32, #tpu.memory_space<vmem>>
      %dma_wait3A_595 = tpu.memref_squeeze %dma_wait3A_594 : memref<1x128xi32, #tpu.memory_space<vmem>> -> memref<128xi32, #tpu.memory_space<vmem>>
      %dma_wait3A_596 = arith.constant 0 : i32
      %dma_wait3A_597 = arith.constant 0 : i32
      %dma_wait3A_598 = tpu.memref_slice %arg9[%dma_wait3A_596, %dma_wait3A_597] : memref<100352x16xf32, #tpu.memory_space<vmem_shared>> -> memref<100352x16xf32, #tpu.memory_space<vmem_shared>>
      tpu.wait_indirect_dma semaphore(%arg29 : memref<!tpu.dma_semaphore, #tpu.memory_space<semaphore_mem>>) src(%dma_wait3A_592 : memref<128x16xf32, #tpu.memory_space<vmem>>) dst(%dma_wait3A_598 : memref<100352x16xf32, #tpu.memory_space<vmem_shared>>)
      %dma_start3A_599 = arith.constant 13 : i32
      %dma_start3A_600 = arith.constant 5 : i32
      %dma_start3A_601 = arith.constant 0 : i32
      %dma_start3A_602 = arith.constant 0 : i32
      %dma_start3A_603 = tpu.memref_slice %arg13[%dma_start3A_600, %dma_start3A_601, %dma_start3A_602] : memref<8x128x16xf32, #tpu.memory_space<vmem>> -> memref<1x128x16xf32, #tpu.memory_space<vmem>>
      %dma_start3A_604 = tpu.memref_squeeze %dma_start3A_603 : memref<1x128x16xf32, #tpu.memory_space<vmem>> -> memref<128x16xf32, #tpu.memory_space<vmem>>
      %dma_start3A_605 = arith.constant 0 : i32
      %dma_start3A_606 = tpu.memref_slice %arg11[%dma_start3A_599, %dma_start3A_605] : memref<16x128xi32, #tpu.memory_space<vmem>> -> memref<1x128xi32, #tpu.memory_space<vmem>>
      %dma_start3A_607 = tpu.memref_squeeze %dma_start3A_606 : memref<1x128xi32, #tpu.memory_space<vmem>> -> memref<128xi32, #tpu.memory_space<vmem>>
      %dma_start3A_608 = arith.constant 0 : i32
      %dma_start3A_609 = arith.constant 0 : i32
      %dma_start3A_610 = tpu.memref_slice %arg4[%dma_start3A_608, %dma_start3A_609] : memref<100352x16xf32, #tpu.memory_space<hbm>> -> memref<100352x16xf32, #tpu.memory_space<hbm>>
      tpu.enqueue_indirect_dma source(%dma_start3A_610 : memref<100352x16xf32, #tpu.memory_space<hbm>>) target(%dma_start3A_604 : memref<128x16xf32, #tpu.memory_space<vmem>>) offsets(%dma_start3A_607 : memref<128xi32, #tpu.memory_space<vmem>>) semaphore(%arg21 : memref<!tpu.dma_semaphore, #tpu.memory_space<semaphore_mem>>)
      %dma_wait3A_611 = arith.constant 10 : i32
      %dma_wait3A_612 = arith.constant 2 : i32
      %dma_wait3A_613 = arith.constant 0 : i32
      %dma_wait3A_614 = arith.constant 0 : i32
      %dma_wait3A_615 = tpu.memref_slice %arg13[%dma_wait3A_612, %dma_wait3A_613, %dma_wait3A_614] : memref<8x128x16xf32, #tpu.memory_space<vmem>> -> memref<1x128x16xf32, #tpu.memory_space<vmem>>
      %dma_wait3A_616 = tpu.memref_squeeze %dma_wait3A_615 : memref<1x128x16xf32, #tpu.memory_space<vmem>> -> memref<128x16xf32, #tpu.memory_space<vmem>>
      %dma_wait3A_617 = arith.constant 0 : i32
      %dma_wait3A_618 = tpu.memref_slice %arg11[%dma_wait3A_611, %dma_wait3A_617] : memref<16x128xi32, #tpu.memory_space<vmem>> -> memref<1x128xi32, #tpu.memory_space<vmem>>
      %dma_wait3A_619 = tpu.memref_squeeze %dma_wait3A_618 : memref<1x128xi32, #tpu.memory_space<vmem>> -> memref<128xi32, #tpu.memory_space<vmem>>
      %dma_wait3A_620 = arith.constant 0 : i32
      %dma_wait3A_621 = arith.constant 0 : i32
      %dma_wait3A_622 = tpu.memref_slice %arg4[%dma_wait3A_620, %dma_wait3A_621] : memref<100352x16xf32, #tpu.memory_space<hbm>> -> memref<100352x16xf32, #tpu.memory_space<hbm>>
      tpu.wait_indirect_dma semaphore(%arg18 : memref<!tpu.dma_semaphore, #tpu.memory_space<semaphore_mem>>) src(%dma_wait3A_622 : memref<100352x16xf32, #tpu.memory_space<hbm>>) dst(%dma_wait3A_616 : memref<128x16xf32, #tpu.memory_space<vmem>>)
      %dma_start3A_623 = arith.constant 2 : i32
      %dma_start3A_624 = arith.constant 10 : i32
      %dma_start3A_625 = arith.constant 0 : i32
      %dma_start3A_626 = arith.constant 0 : i32
      %dma_start3A_627 = tpu.memref_slice %arg13[%dma_start3A_623, %dma_start3A_625, %dma_start3A_626] : memref<8x128x16xf32, #tpu.memory_space<vmem>> -> memref<1x128x16xf32, #tpu.memory_space<vmem>>
      %dma_start3A_628 = tpu.memref_squeeze %dma_start3A_627 : memref<1x128x16xf32, #tpu.memory_space<vmem>> -> memref<128x16xf32, #tpu.memory_space<vmem>>
      %dma_start3A_629 = arith.constant 0 : i32
      %dma_start3A_630 = tpu.memref_slice %arg12[%dma_start3A_624, %dma_start3A_629] : memref<16x128xi32, #tpu.memory_space<vmem>> -> memref<1x128xi32, #tpu.memory_space<vmem>>
      %dma_start3A_631 = tpu.memref_squeeze %dma_start3A_630 : memref<1x128xi32, #tpu.memory_space<vmem>> -> memref<128xi32, #tpu.memory_space<vmem>>
      %dma_start3A_632 = arith.constant 0 : i32
      %dma_start3A_633 = arith.constant 0 : i32
      %dma_start3A_634 = tpu.memref_slice %arg9[%dma_start3A_632, %dma_start3A_633] : memref<100352x16xf32, #tpu.memory_space<vmem_shared>> -> memref<100352x16xf32, #tpu.memory_space<vmem_shared>>
      tpu.enqueue_indirect_dma source(%dma_start3A_628 : memref<128x16xf32, #tpu.memory_space<vmem>>) target(%dma_start3A_634 : memref<100352x16xf32, #tpu.memory_space<vmem_shared>>) offsets(%dma_start3A_631 : memref<128xi32, #tpu.memory_space<vmem>>) semaphore(%arg26 : memref<!tpu.dma_semaphore, #tpu.memory_space<semaphore_mem>>) {add = true}
      %dma_start3A_635 = arith.constant 10 : i32
      %dma_start3A_636 = arith.constant 0 : i32
      %dma_start3A_637 = tpu.memref_slice %arg12[%dma_start3A_635, %dma_start3A_636] : memref<16x128xi32, #tpu.memory_space<vmem>> -> memref<1x128xi32, #tpu.memory_space<vmem>>
      %dma_start3A_638 = tpu.memref_squeeze %dma_start3A_637 : memref<1x128xi32, #tpu.memory_space<vmem>> -> memref<128xi32, #tpu.memory_space<vmem>>
      %dma_start3A_639 = arith.constant 0 : i32
      %dma_start3A_640 = tpu.memref_slice %arg10[%dma_start3A_639] : memref<100352xf32, #tpu.memory_space<vmem_shared>> -> memref<100352xf32, #tpu.memory_space<vmem_shared>>
      tpu.enqueue_indirect_dma source(%arg14 : memref<128xf32, #tpu.memory_space<vmem>>) target(%dma_start3A_640 : memref<100352xf32, #tpu.memory_space<vmem_shared>>) offsets(%dma_start3A_638 : memref<128xi32, #tpu.memory_space<vmem>>) semaphore(%arg32 : memref<!tpu.dma_semaphore, #tpu.memory_space<semaphore_mem>>) {add = true}
      %dma_wait3A_641 = arith.constant 6 : i32
      %dma_wait3A_642 = arith.constant 6 : i32
      %dma_wait3A_643 = arith.constant 0 : i32
      %dma_wait3A_644 = arith.constant 0 : i32
      %dma_wait3A_645 = tpu.memref_slice %arg13[%dma_wait3A_641, %dma_wait3A_643, %dma_wait3A_644] : memref<8x128x16xf32, #tpu.memory_space<vmem>> -> memref<1x128x16xf32, #tpu.memory_space<vmem>>
      %dma_wait3A_646 = tpu.memref_squeeze %dma_wait3A_645 : memref<1x128x16xf32, #tpu.memory_space<vmem>> -> memref<128x16xf32, #tpu.memory_space<vmem>>
      %dma_wait3A_647 = arith.constant 0 : i32
      %dma_wait3A_648 = tpu.memref_slice %arg12[%dma_wait3A_642, %dma_wait3A_647] : memref<16x128xi32, #tpu.memory_space<vmem>> -> memref<1x128xi32, #tpu.memory_space<vmem>>
      %dma_wait3A_649 = tpu.memref_squeeze %dma_wait3A_648 : memref<1x128xi32, #tpu.memory_space<vmem>> -> memref<128xi32, #tpu.memory_space<vmem>>
      %dma_wait3A_650 = arith.constant 0 : i32
      %dma_wait3A_651 = arith.constant 0 : i32
      %dma_wait3A_652 = tpu.memref_slice %arg9[%dma_wait3A_650, %dma_wait3A_651] : memref<100352x16xf32, #tpu.memory_space<vmem_shared>> -> memref<100352x16xf32, #tpu.memory_space<vmem_shared>>
      tpu.wait_indirect_dma semaphore(%arg30 : memref<!tpu.dma_semaphore, #tpu.memory_space<semaphore_mem>>) src(%dma_wait3A_646 : memref<128x16xf32, #tpu.memory_space<vmem>>) dst(%dma_wait3A_652 : memref<100352x16xf32, #tpu.memory_space<vmem_shared>>)
      %dma_start3A_653 = arith.constant 14 : i32
      %dma_start3A_654 = arith.constant 6 : i32
      %dma_start3A_655 = arith.constant 0 : i32
      %dma_start3A_656 = arith.constant 0 : i32
      %dma_start3A_657 = tpu.memref_slice %arg13[%dma_start3A_654, %dma_start3A_655, %dma_start3A_656] : memref<8x128x16xf32, #tpu.memory_space<vmem>> -> memref<1x128x16xf32, #tpu.memory_space<vmem>>
      %dma_start3A_658 = tpu.memref_squeeze %dma_start3A_657 : memref<1x128x16xf32, #tpu.memory_space<vmem>> -> memref<128x16xf32, #tpu.memory_space<vmem>>
      %dma_start3A_659 = arith.constant 0 : i32
      %dma_start3A_660 = tpu.memref_slice %arg11[%dma_start3A_653, %dma_start3A_659] : memref<16x128xi32, #tpu.memory_space<vmem>> -> memref<1x128xi32, #tpu.memory_space<vmem>>
      %dma_start3A_661 = tpu.memref_squeeze %dma_start3A_660 : memref<1x128xi32, #tpu.memory_space<vmem>> -> memref<128xi32, #tpu.memory_space<vmem>>
      %dma_start3A_662 = arith.constant 0 : i32
      %dma_start3A_663 = arith.constant 0 : i32
      %dma_start3A_664 = tpu.memref_slice %arg4[%dma_start3A_662, %dma_start3A_663] : memref<100352x16xf32, #tpu.memory_space<hbm>> -> memref<100352x16xf32, #tpu.memory_space<hbm>>
      tpu.enqueue_indirect_dma source(%dma_start3A_664 : memref<100352x16xf32, #tpu.memory_space<hbm>>) target(%dma_start3A_658 : memref<128x16xf32, #tpu.memory_space<vmem>>) offsets(%dma_start3A_661 : memref<128xi32, #tpu.memory_space<vmem>>) semaphore(%arg22 : memref<!tpu.dma_semaphore, #tpu.memory_space<semaphore_mem>>)
      %dma_wait3A_665 = arith.constant 11 : i32
      %dma_wait3A_666 = arith.constant 3 : i32
      %dma_wait3A_667 = arith.constant 0 : i32
      %dma_wait3A_668 = arith.constant 0 : i32
      %dma_wait3A_669 = tpu.memref_slice %arg13[%dma_wait3A_666, %dma_wait3A_667, %dma_wait3A_668] : memref<8x128x16xf32, #tpu.memory_space<vmem>> -> memref<1x128x16xf32, #tpu.memory_space<vmem>>
      %dma_wait3A_670 = tpu.memref_squeeze %dma_wait3A_669 : memref<1x128x16xf32, #tpu.memory_space<vmem>> -> memref<128x16xf32, #tpu.memory_space<vmem>>
      %dma_wait3A_671 = arith.constant 0 : i32
      %dma_wait3A_672 = tpu.memref_slice %arg11[%dma_wait3A_665, %dma_wait3A_671] : memref<16x128xi32, #tpu.memory_space<vmem>> -> memref<1x128xi32, #tpu.memory_space<vmem>>
      %dma_wait3A_673 = tpu.memref_squeeze %dma_wait3A_672 : memref<1x128xi32, #tpu.memory_space<vmem>> -> memref<128xi32, #tpu.memory_space<vmem>>
      %dma_wait3A_674 = arith.constant 0 : i32
      %dma_wait3A_675 = arith.constant 0 : i32
      %dma_wait3A_676 = tpu.memref_slice %arg4[%dma_wait3A_674, %dma_wait3A_675] : memref<100352x16xf32, #tpu.memory_space<hbm>> -> memref<100352x16xf32, #tpu.memory_space<hbm>>
      tpu.wait_indirect_dma semaphore(%arg19 : memref<!tpu.dma_semaphore, #tpu.memory_space<semaphore_mem>>) src(%dma_wait3A_676 : memref<100352x16xf32, #tpu.memory_space<hbm>>) dst(%dma_wait3A_670 : memref<128x16xf32, #tpu.memory_space<vmem>>)
      %dma_start3A_677 = arith.constant 3 : i32
      %dma_start3A_678 = arith.constant 11 : i32
      %dma_start3A_679 = arith.constant 0 : i32
      %dma_start3A_680 = arith.constant 0 : i32
      %dma_start3A_681 = tpu.memref_slice %arg13[%dma_start3A_677, %dma_start3A_679, %dma_start3A_680] : memref<8x128x16xf32, #tpu.memory_space<vmem>> -> memref<1x128x16xf32, #tpu.memory_space<vmem>>
      %dma_start3A_682 = tpu.memref_squeeze %dma_start3A_681 : memref<1x128x16xf32, #tpu.memory_space<vmem>> -> memref<128x16xf32, #tpu.memory_space<vmem>>
      %dma_start3A_683 = arith.constant 0 : i32
      %dma_start3A_684 = tpu.memref_slice %arg12[%dma_start3A_678, %dma_start3A_683] : memref<16x128xi32, #tpu.memory_space<vmem>> -> memref<1x128xi32, #tpu.memory_space<vmem>>
      %dma_start3A_685 = tpu.memref_squeeze %dma_start3A_684 : memref<1x128xi32, #tpu.memory_space<vmem>> -> memref<128xi32, #tpu.memory_space<vmem>>
      %dma_start3A_686 = arith.constant 0 : i32
      %dma_start3A_687 = arith.constant 0 : i32
      %dma_start3A_688 = tpu.memref_slice %arg9[%dma_start3A_686, %dma_start3A_687] : memref<100352x16xf32, #tpu.memory_space<vmem_shared>> -> memref<100352x16xf32, #tpu.memory_space<vmem_shared>>
      tpu.enqueue_indirect_dma source(%dma_start3A_682 : memref<128x16xf32, #tpu.memory_space<vmem>>) target(%dma_start3A_688 : memref<100352x16xf32, #tpu.memory_space<vmem_shared>>) offsets(%dma_start3A_685 : memref<128xi32, #tpu.memory_space<vmem>>) semaphore(%arg27 : memref<!tpu.dma_semaphore, #tpu.memory_space<semaphore_mem>>) {add = true}
      %dma_start3A_689 = arith.constant 11 : i32
      %dma_start3A_690 = arith.constant 0 : i32
      %dma_start3A_691 = tpu.memref_slice %arg12[%dma_start3A_689, %dma_start3A_690] : memref<16x128xi32, #tpu.memory_space<vmem>> -> memref<1x128xi32, #tpu.memory_space<vmem>>
      %dma_start3A_692 = tpu.memref_squeeze %dma_start3A_691 : memref<1x128xi32, #tpu.memory_space<vmem>> -> memref<128xi32, #tpu.memory_space<vmem>>
      %dma_start3A_693 = arith.constant 0 : i32
      %dma_start3A_694 = tpu.memref_slice %arg10[%dma_start3A_693] : memref<100352xf32, #tpu.memory_space<vmem_shared>> -> memref<100352xf32, #tpu.memory_space<vmem_shared>>
      tpu.enqueue_indirect_dma source(%arg14 : memref<128xf32, #tpu.memory_space<vmem>>) target(%dma_start3A_694 : memref<100352xf32, #tpu.memory_space<vmem_shared>>) offsets(%dma_start3A_692 : memref<128xi32, #tpu.memory_space<vmem>>) semaphore(%arg32 : memref<!tpu.dma_semaphore, #tpu.memory_space<semaphore_mem>>) {add = true}
      %dma_wait3A_695 = arith.constant 7 : i32
      %dma_wait3A_696 = arith.constant 7 : i32
      %dma_wait3A_697 = arith.constant 0 : i32
      %dma_wait3A_698 = arith.constant 0 : i32
      %dma_wait3A_699 = tpu.memref_slice %arg13[%dma_wait3A_695, %dma_wait3A_697, %dma_wait3A_698] : memref<8x128x16xf32, #tpu.memory_space<vmem>> -> memref<1x128x16xf32, #tpu.memory_space<vmem>>
      %dma_wait3A_700 = tpu.memref_squeeze %dma_wait3A_699 : memref<1x128x16xf32, #tpu.memory_space<vmem>> -> memref<128x16xf32, #tpu.memory_space<vmem>>
      %dma_wait3A_701 = arith.constant 0 : i32
      %dma_wait3A_702 = tpu.memref_slice %arg12[%dma_wait3A_696, %dma_wait3A_701] : memref<16x128xi32, #tpu.memory_space<vmem>> -> memref<1x128xi32, #tpu.memory_space<vmem>>
      %dma_wait3A_703 = tpu.memref_squeeze %dma_wait3A_702 : memref<1x128xi32, #tpu.memory_space<vmem>> -> memref<128xi32, #tpu.memory_space<vmem>>
      %dma_wait3A_704 = arith.constant 0 : i32
      %dma_wait3A_705 = arith.constant 0 : i32
      %dma_wait3A_706 = tpu.memref_slice %arg9[%dma_wait3A_704, %dma_wait3A_705] : memref<100352x16xf32, #tpu.memory_space<vmem_shared>> -> memref<100352x16xf32, #tpu.memory_space<vmem_shared>>
      tpu.wait_indirect_dma semaphore(%arg31 : memref<!tpu.dma_semaphore, #tpu.memory_space<semaphore_mem>>) src(%dma_wait3A_700 : memref<128x16xf32, #tpu.memory_space<vmem>>) dst(%dma_wait3A_706 : memref<100352x16xf32, #tpu.memory_space<vmem_shared>>)
      %dma_start3A_707 = arith.constant 15 : i32
      %dma_start3A_708 = arith.constant 7 : i32
      %dma_start3A_709 = arith.constant 0 : i32
      %dma_start3A_710 = arith.constant 0 : i32
      %dma_start3A_711 = tpu.memref_slice %arg13[%dma_start3A_708, %dma_start3A_709, %dma_start3A_710] : memref<8x128x16xf32, #tpu.memory_space<vmem>> -> memref<1x128x16xf32, #tpu.memory_space<vmem>>
      %dma_start3A_712 = tpu.memref_squeeze %dma_start3A_711 : memref<1x128x16xf32, #tpu.memory_space<vmem>> -> memref<128x16xf32, #tpu.memory_space<vmem>>
      %dma_start3A_713 = arith.constant 0 : i32
      %dma_start3A_714 = tpu.memref_slice %arg11[%dma_start3A_707, %dma_start3A_713] : memref<16x128xi32, #tpu.memory_space<vmem>> -> memref<1x128xi32, #tpu.memory_space<vmem>>
      %dma_start3A_715 = tpu.memref_squeeze %dma_start3A_714 : memref<1x128xi32, #tpu.memory_space<vmem>> -> memref<128xi32, #tpu.memory_space<vmem>>
      %dma_start3A_716 = arith.constant 0 : i32
      %dma_start3A_717 = arith.constant 0 : i32
      %dma_start3A_718 = tpu.memref_slice %arg4[%dma_start3A_716, %dma_start3A_717] : memref<100352x16xf32, #tpu.memory_space<hbm>> -> memref<100352x16xf32, #tpu.memory_space<hbm>>
      tpu.enqueue_indirect_dma source(%dma_start3A_718 : memref<100352x16xf32, #tpu.memory_space<hbm>>) target(%dma_start3A_712 : memref<128x16xf32, #tpu.memory_space<vmem>>) offsets(%dma_start3A_715 : memref<128xi32, #tpu.memory_space<vmem>>) semaphore(%arg23 : memref<!tpu.dma_semaphore, #tpu.memory_space<semaphore_mem>>)
      %dma_wait3A_719 = arith.constant 12 : i32
      %dma_wait3A_720 = arith.constant 4 : i32
      %dma_wait3A_721 = arith.constant 0 : i32
      %dma_wait3A_722 = arith.constant 0 : i32
      %dma_wait3A_723 = tpu.memref_slice %arg13[%dma_wait3A_720, %dma_wait3A_721, %dma_wait3A_722] : memref<8x128x16xf32, #tpu.memory_space<vmem>> -> memref<1x128x16xf32, #tpu.memory_space<vmem>>
      %dma_wait3A_724 = tpu.memref_squeeze %dma_wait3A_723 : memref<1x128x16xf32, #tpu.memory_space<vmem>> -> memref<128x16xf32, #tpu.memory_space<vmem>>
      %dma_wait3A_725 = arith.constant 0 : i32
      %dma_wait3A_726 = tpu.memref_slice %arg11[%dma_wait3A_719, %dma_wait3A_725] : memref<16x128xi32, #tpu.memory_space<vmem>> -> memref<1x128xi32, #tpu.memory_space<vmem>>
      %dma_wait3A_727 = tpu.memref_squeeze %dma_wait3A_726 : memref<1x128xi32, #tpu.memory_space<vmem>> -> memref<128xi32, #tpu.memory_space<vmem>>
      %dma_wait3A_728 = arith.constant 0 : i32
      %dma_wait3A_729 = arith.constant 0 : i32
      %dma_wait3A_730 = tpu.memref_slice %arg4[%dma_wait3A_728, %dma_wait3A_729] : memref<100352x16xf32, #tpu.memory_space<hbm>> -> memref<100352x16xf32, #tpu.memory_space<hbm>>
      tpu.wait_indirect_dma semaphore(%arg20 : memref<!tpu.dma_semaphore, #tpu.memory_space<semaphore_mem>>) src(%dma_wait3A_730 : memref<100352x16xf32, #tpu.memory_space<hbm>>) dst(%dma_wait3A_724 : memref<128x16xf32, #tpu.memory_space<vmem>>)
      %dma_start3A_731 = arith.constant 4 : i32
      %dma_start3A_732 = arith.constant 12 : i32
      %dma_start3A_733 = arith.constant 0 : i32
      %dma_start3A_734 = arith.constant 0 : i32
      %dma_start3A_735 = tpu.memref_slice %arg13[%dma_start3A_731, %dma_start3A_733, %dma_start3A_734] : memref<8x128x16xf32, #tpu.memory_space<vmem>> -> memref<1x128x16xf32, #tpu.memory_space<vmem>>
      %dma_start3A_736 = tpu.memref_squeeze %dma_start3A_735 : memref<1x128x16xf32, #tpu.memory_space<vmem>> -> memref<128x16xf32, #tpu.memory_space<vmem>>
      %dma_start3A_737 = arith.constant 0 : i32
      %dma_start3A_738 = tpu.memref_slice %arg12[%dma_start3A_732, %dma_start3A_737] : memref<16x128xi32, #tpu.memory_space<vmem>> -> memref<1x128xi32, #tpu.memory_space<vmem>>
      %dma_start3A_739 = tpu.memref_squeeze %dma_start3A_738 : memref<1x128xi32, #tpu.memory_space<vmem>> -> memref<128xi32, #tpu.memory_space<vmem>>
      %dma_start3A_740 = arith.constant 0 : i32
      %dma_start3A_741 = arith.constant 0 : i32
      %dma_start3A_742 = tpu.memref_slice %arg9[%dma_start3A_740, %dma_start3A_741] : memref<100352x16xf32, #tpu.memory_space<vmem_shared>> -> memref<100352x16xf32, #tpu.memory_space<vmem_shared>>
      tpu.enqueue_indirect_dma source(%dma_start3A_736 : memref<128x16xf32, #tpu.memory_space<vmem>>) target(%dma_start3A_742 : memref<100352x16xf32, #tpu.memory_space<vmem_shared>>) offsets(%dma_start3A_739 : memref<128xi32, #tpu.memory_space<vmem>>) semaphore(%arg28 : memref<!tpu.dma_semaphore, #tpu.memory_space<semaphore_mem>>) {add = true}
      %dma_start3A_743 = arith.constant 12 : i32
      %dma_start3A_744 = arith.constant 0 : i32
      %dma_start3A_745 = tpu.memref_slice %arg12[%dma_start3A_743, %dma_start3A_744] : memref<16x128xi32, #tpu.memory_space<vmem>> -> memref<1x128xi32, #tpu.memory_space<vmem>>
      %dma_start3A_746 = tpu.memref_squeeze %dma_start3A_745 : memref<1x128xi32, #tpu.memory_space<vmem>> -> memref<128xi32, #tpu.memory_space<vmem>>
      %dma_start3A_747 = arith.constant 0 : i32
      %dma_start3A_748 = tpu.memref_slice %arg10[%dma_start3A_747] : memref<100352xf32, #tpu.memory_space<vmem_shared>> -> memref<100352xf32, #tpu.memory_space<vmem_shared>>
      tpu.enqueue_indirect_dma source(%arg14 : memref<128xf32, #tpu.memory_space<vmem>>) target(%dma_start3A_748 : memref<100352xf32, #tpu.memory_space<vmem_shared>>) offsets(%dma_start3A_746 : memref<128xi32, #tpu.memory_space<vmem>>) semaphore(%arg32 : memref<!tpu.dma_semaphore, #tpu.memory_space<semaphore_mem>>) {add = true}
      %dma_wait3A_749 = arith.constant 13 : i32
      %dma_wait3A_750 = arith.constant 5 : i32
      %dma_wait3A_751 = arith.constant 0 : i32
      %dma_wait3A_752 = arith.constant 0 : i32
      %dma_wait3A_753 = tpu.memref_slice %arg13[%dma_wait3A_750, %dma_wait3A_751, %dma_wait3A_752] : memref<8x128x16xf32, #tpu.memory_space<vmem>> -> memref<1x128x16xf32, #tpu.memory_space<vmem>>
      %dma_wait3A_754 = tpu.memref_squeeze %dma_wait3A_753 : memref<1x128x16xf32, #tpu.memory_space<vmem>> -> memref<128x16xf32, #tpu.memory_space<vmem>>
      %dma_wait3A_755 = arith.constant 0 : i32
      %dma_wait3A_756 = tpu.memref_slice %arg11[%dma_wait3A_749, %dma_wait3A_755] : memref<16x128xi32, #tpu.memory_space<vmem>> -> memref<1x128xi32, #tpu.memory_space<vmem>>
      %dma_wait3A_757 = tpu.memref_squeeze %dma_wait3A_756 : memref<1x128xi32, #tpu.memory_space<vmem>> -> memref<128xi32, #tpu.memory_space<vmem>>
      %dma_wait3A_758 = arith.constant 0 : i32
      %dma_wait3A_759 = arith.constant 0 : i32
      %dma_wait3A_760 = tpu.memref_slice %arg4[%dma_wait3A_758, %dma_wait3A_759] : memref<100352x16xf32, #tpu.memory_space<hbm>> -> memref<100352x16xf32, #tpu.memory_space<hbm>>
      tpu.wait_indirect_dma semaphore(%arg21 : memref<!tpu.dma_semaphore, #tpu.memory_space<semaphore_mem>>) src(%dma_wait3A_760 : memref<100352x16xf32, #tpu.memory_space<hbm>>) dst(%dma_wait3A_754 : memref<128x16xf32, #tpu.memory_space<vmem>>)
      %dma_start3A_761 = arith.constant 5 : i32
      %dma_start3A_762 = arith.constant 13 : i32
      %dma_start3A_763 = arith.constant 0 : i32
      %dma_start3A_764 = arith.constant 0 : i32
      %dma_start3A_765 = tpu.memref_slice %arg13[%dma_start3A_761, %dma_start3A_763, %dma_start3A_764] : memref<8x128x16xf32, #tpu.memory_space<vmem>> -> memref<1x128x16xf32, #tpu.memory_space<vmem>>
      %dma_start3A_766 = tpu.memref_squeeze %dma_start3A_765 : memref<1x128x16xf32, #tpu.memory_space<vmem>> -> memref<128x16xf32, #tpu.memory_space<vmem>>
      %dma_start3A_767 = arith.constant 0 : i32
      %dma_start3A_768 = tpu.memref_slice %arg12[%dma_start3A_762, %dma_start3A_767] : memref<16x128xi32, #tpu.memory_space<vmem>> -> memref<1x128xi32, #tpu.memory_space<vmem>>
      %dma_start3A_769 = tpu.memref_squeeze %dma_start3A_768 : memref<1x128xi32, #tpu.memory_space<vmem>> -> memref<128xi32, #tpu.memory_space<vmem>>
      %dma_start3A_770 = arith.constant 0 : i32
      %dma_start3A_771 = arith.constant 0 : i32
      %dma_start3A_772 = tpu.memref_slice %arg9[%dma_start3A_770, %dma_start3A_771] : memref<100352x16xf32, #tpu.memory_space<vmem_shared>> -> memref<100352x16xf32, #tpu.memory_space<vmem_shared>>
      tpu.enqueue_indirect_dma source(%dma_start3A_766 : memref<128x16xf32, #tpu.memory_space<vmem>>) target(%dma_start3A_772 : memref<100352x16xf32, #tpu.memory_space<vmem_shared>>) offsets(%dma_start3A_769 : memref<128xi32, #tpu.memory_space<vmem>>) semaphore(%arg29 : memref<!tpu.dma_semaphore, #tpu.memory_space<semaphore_mem>>) {add = true}
      %dma_start3A_773 = arith.constant 13 : i32
      %dma_start3A_774 = arith.constant 0 : i32
      %dma_start3A_775 = tpu.memref_slice %arg12[%dma_start3A_773, %dma_start3A_774] : memref<16x128xi32, #tpu.memory_space<vmem>> -> memref<1x128xi32, #tpu.memory_space<vmem>>
      %dma_start3A_776 = tpu.memref_squeeze %dma_start3A_775 : memref<1x128xi32, #tpu.memory_space<vmem>> -> memref<128xi32, #tpu.memory_space<vmem>>
      %dma_start3A_777 = arith.constant 0 : i32
      %dma_start3A_778 = tpu.memref_slice %arg10[%dma_start3A_777] : memref<100352xf32, #tpu.memory_space<vmem_shared>> -> memref<100352xf32, #tpu.memory_space<vmem_shared>>
      tpu.enqueue_indirect_dma source(%arg14 : memref<128xf32, #tpu.memory_space<vmem>>) target(%dma_start3A_778 : memref<100352xf32, #tpu.memory_space<vmem_shared>>) offsets(%dma_start3A_776 : memref<128xi32, #tpu.memory_space<vmem>>) semaphore(%arg32 : memref<!tpu.dma_semaphore, #tpu.memory_space<semaphore_mem>>) {add = true}
      %dma_wait3A_779 = arith.constant 14 : i32
      %dma_wait3A_780 = arith.constant 6 : i32
      %dma_wait3A_781 = arith.constant 0 : i32
      %dma_wait3A_782 = arith.constant 0 : i32
      %dma_wait3A_783 = tpu.memref_slice %arg13[%dma_wait3A_780, %dma_wait3A_781, %dma_wait3A_782] : memref<8x128x16xf32, #tpu.memory_space<vmem>> -> memref<1x128x16xf32, #tpu.memory_space<vmem>>
      %dma_wait3A_784 = tpu.memref_squeeze %dma_wait3A_783 : memref<1x128x16xf32, #tpu.memory_space<vmem>> -> memref<128x16xf32, #tpu.memory_space<vmem>>
      %dma_wait3A_785 = arith.constant 0 : i32
      %dma_wait3A_786 = tpu.memref_slice %arg11[%dma_wait3A_779, %dma_wait3A_785] : memref<16x128xi32, #tpu.memory_space<vmem>> -> memref<1x128xi32, #tpu.memory_space<vmem>>
      %dma_wait3A_787 = tpu.memref_squeeze %dma_wait3A_786 : memref<1x128xi32, #tpu.memory_space<vmem>> -> memref<128xi32, #tpu.memory_space<vmem>>
      %dma_wait3A_788 = arith.constant 0 : i32
      %dma_wait3A_789 = arith.constant 0 : i32
      %dma_wait3A_790 = tpu.memref_slice %arg4[%dma_wait3A_788, %dma_wait3A_789] : memref<100352x16xf32, #tpu.memory_space<hbm>> -> memref<100352x16xf32, #tpu.memory_space<hbm>>
      tpu.wait_indirect_dma semaphore(%arg22 : memref<!tpu.dma_semaphore, #tpu.memory_space<semaphore_mem>>) src(%dma_wait3A_790 : memref<100352x16xf32, #tpu.memory_space<hbm>>) dst(%dma_wait3A_784 : memref<128x16xf32, #tpu.memory_space<vmem>>)
      %dma_start3A_791 = arith.constant 6 : i32
      %dma_start3A_792 = arith.constant 14 : i32
      %dma_start3A_793 = arith.constant 0 : i32
      %dma_start3A_794 = arith.constant 0 : i32
      %dma_start3A_795 = tpu.memref_slice %arg13[%dma_start3A_791, %dma_start3A_793, %dma_start3A_794] : memref<8x128x16xf32, #tpu.memory_space<vmem>> -> memref<1x128x16xf32, #tpu.memory_space<vmem>>
      %dma_start3A_796 = tpu.memref_squeeze %dma_start3A_795 : memref<1x128x16xf32, #tpu.memory_space<vmem>> -> memref<128x16xf32, #tpu.memory_space<vmem>>
      %dma_start3A_797 = arith.constant 0 : i32
      %dma_start3A_798 = tpu.memref_slice %arg12[%dma_start3A_792, %dma_start3A_797] : memref<16x128xi32, #tpu.memory_space<vmem>> -> memref<1x128xi32, #tpu.memory_space<vmem>>
      %dma_start3A_799 = tpu.memref_squeeze %dma_start3A_798 : memref<1x128xi32, #tpu.memory_space<vmem>> -> memref<128xi32, #tpu.memory_space<vmem>>
      %dma_start3A_800 = arith.constant 0 : i32
      %dma_start3A_801 = arith.constant 0 : i32
      %dma_start3A_802 = tpu.memref_slice %arg9[%dma_start3A_800, %dma_start3A_801] : memref<100352x16xf32, #tpu.memory_space<vmem_shared>> -> memref<100352x16xf32, #tpu.memory_space<vmem_shared>>
      tpu.enqueue_indirect_dma source(%dma_start3A_796 : memref<128x16xf32, #tpu.memory_space<vmem>>) target(%dma_start3A_802 : memref<100352x16xf32, #tpu.memory_space<vmem_shared>>) offsets(%dma_start3A_799 : memref<128xi32, #tpu.memory_space<vmem>>) semaphore(%arg30 : memref<!tpu.dma_semaphore, #tpu.memory_space<semaphore_mem>>) {add = true}
      %dma_start3A_803 = arith.constant 14 : i32
      %dma_start3A_804 = arith.constant 0 : i32
      %dma_start3A_805 = tpu.memref_slice %arg12[%dma_start3A_803, %dma_start3A_804] : memref<16x128xi32, #tpu.memory_space<vmem>> -> memref<1x128xi32, #tpu.memory_space<vmem>>
      %dma_start3A_806 = tpu.memref_squeeze %dma_start3A_805 : memref<1x128xi32, #tpu.memory_space<vmem>> -> memref<128xi32, #tpu.memory_space<vmem>>
      %dma_start3A_807 = arith.constant 0 : i32
      %dma_start3A_808 = tpu.memref_slice %arg10[%dma_start3A_807] : memref<100352xf32, #tpu.memory_space<vmem_shared>> -> memref<100352xf32, #tpu.memory_space<vmem_shared>>
      tpu.enqueue_indirect_dma source(%arg14 : memref<128xf32, #tpu.memory_space<vmem>>) target(%dma_start3A_808 : memref<100352xf32, #tpu.memory_space<vmem_shared>>) offsets(%dma_start3A_806 : memref<128xi32, #tpu.memory_space<vmem>>) semaphore(%arg32 : memref<!tpu.dma_semaphore, #tpu.memory_space<semaphore_mem>>) {add = true}
      %dma_wait3A_809 = arith.constant 15 : i32
      %dma_wait3A_810 = arith.constant 7 : i32
      %dma_wait3A_811 = arith.constant 0 : i32
      %dma_wait3A_812 = arith.constant 0 : i32
      %dma_wait3A_813 = tpu.memref_slice %arg13[%dma_wait3A_810, %dma_wait3A_811, %dma_wait3A_812] : memref<8x128x16xf32, #tpu.memory_space<vmem>> -> memref<1x128x16xf32, #tpu.memory_space<vmem>>
      %dma_wait3A_814 = tpu.memref_squeeze %dma_wait3A_813 : memref<1x128x16xf32, #tpu.memory_space<vmem>> -> memref<128x16xf32, #tpu.memory_space<vmem>>
      %dma_wait3A_815 = arith.constant 0 : i32
      %dma_wait3A_816 = tpu.memref_slice %arg11[%dma_wait3A_809, %dma_wait3A_815] : memref<16x128xi32, #tpu.memory_space<vmem>> -> memref<1x128xi32, #tpu.memory_space<vmem>>
      %dma_wait3A_817 = tpu.memref_squeeze %dma_wait3A_816 : memref<1x128xi32, #tpu.memory_space<vmem>> -> memref<128xi32, #tpu.memory_space<vmem>>
      %dma_wait3A_818 = arith.constant 0 : i32
      %dma_wait3A_819 = arith.constant 0 : i32
      %dma_wait3A_820 = tpu.memref_slice %arg4[%dma_wait3A_818, %dma_wait3A_819] : memref<100352x16xf32, #tpu.memory_space<hbm>> -> memref<100352x16xf32, #tpu.memory_space<hbm>>
      tpu.wait_indirect_dma semaphore(%arg23 : memref<!tpu.dma_semaphore, #tpu.memory_space<semaphore_mem>>) src(%dma_wait3A_820 : memref<100352x16xf32, #tpu.memory_space<hbm>>) dst(%dma_wait3A_814 : memref<128x16xf32, #tpu.memory_space<vmem>>)
      %dma_start3A_821 = arith.constant 7 : i32
      %dma_start3A_822 = arith.constant 15 : i32
      %dma_start3A_823 = arith.constant 0 : i32
      %dma_start3A_824 = arith.constant 0 : i32
      %dma_start3A_825 = tpu.memref_slice %arg13[%dma_start3A_821, %dma_start3A_823, %dma_start3A_824] : memref<8x128x16xf32, #tpu.memory_space<vmem>> -> memref<1x128x16xf32, #tpu.memory_space<vmem>>
      %dma_start3A_826 = tpu.memref_squeeze %dma_start3A_825 : memref<1x128x16xf32, #tpu.memory_space<vmem>> -> memref<128x16xf32, #tpu.memory_space<vmem>>
      %dma_start3A_827 = arith.constant 0 : i32
      %dma_start3A_828 = tpu.memref_slice %arg12[%dma_start3A_822, %dma_start3A_827] : memref<16x128xi32, #tpu.memory_space<vmem>> -> memref<1x128xi32, #tpu.memory_space<vmem>>
      %dma_start3A_829 = tpu.memref_squeeze %dma_start3A_828 : memref<1x128xi32, #tpu.memory_space<vmem>> -> memref<128xi32, #tpu.memory_space<vmem>>
      %dma_start3A_830 = arith.constant 0 : i32
      %dma_start3A_831 = arith.constant 0 : i32
      %dma_start3A_832 = tpu.memref_slice %arg9[%dma_start3A_830, %dma_start3A_831] : memref<100352x16xf32, #tpu.memory_space<vmem_shared>> -> memref<100352x16xf32, #tpu.memory_space<vmem_shared>>
      tpu.enqueue_indirect_dma source(%dma_start3A_826 : memref<128x16xf32, #tpu.memory_space<vmem>>) target(%dma_start3A_832 : memref<100352x16xf32, #tpu.memory_space<vmem_shared>>) offsets(%dma_start3A_829 : memref<128xi32, #tpu.memory_space<vmem>>) semaphore(%arg31 : memref<!tpu.dma_semaphore, #tpu.memory_space<semaphore_mem>>) {add = true}
      %dma_start3A_833 = arith.constant 15 : i32
      %dma_start3A_834 = arith.constant 0 : i32
      %dma_start3A_835 = tpu.memref_slice %arg12[%dma_start3A_833, %dma_start3A_834] : memref<16x128xi32, #tpu.memory_space<vmem>> -> memref<1x128xi32, #tpu.memory_space<vmem>>
      %dma_start3A_836 = tpu.memref_squeeze %dma_start3A_835 : memref<1x128xi32, #tpu.memory_space<vmem>> -> memref<128xi32, #tpu.memory_space<vmem>>
      %dma_start3A_837 = arith.constant 0 : i32
      %dma_start3A_838 = tpu.memref_slice %arg10[%dma_start3A_837] : memref<100352xf32, #tpu.memory_space<vmem_shared>> -> memref<100352xf32, #tpu.memory_space<vmem_shared>>
      tpu.enqueue_indirect_dma source(%arg14 : memref<128xf32, #tpu.memory_space<vmem>>) target(%dma_start3A_838 : memref<100352xf32, #tpu.memory_space<vmem_shared>>) offsets(%dma_start3A_836 : memref<128xi32, #tpu.memory_space<vmem>>) semaphore(%arg32 : memref<!tpu.dma_semaphore, #tpu.memory_space<semaphore_mem>>) {add = true}
      %dma_wait3A_839 = arith.constant 0 : i32
      %dma_wait3A_840 = arith.constant 8 : i32
      %dma_wait3A_841 = arith.constant 0 : i32
      %dma_wait3A_842 = arith.constant 0 : i32
      %dma_wait3A_843 = tpu.memref_slice %arg13[%dma_wait3A_839, %dma_wait3A_841, %dma_wait3A_842] : memref<8x128x16xf32, #tpu.memory_space<vmem>> -> memref<1x128x16xf32, #tpu.memory_space<vmem>>
      %dma_wait3A_844 = tpu.memref_squeeze %dma_wait3A_843 : memref<1x128x16xf32, #tpu.memory_space<vmem>> -> memref<128x16xf32, #tpu.memory_space<vmem>>
      %dma_wait3A_845 = arith.constant 0 : i32
      %dma_wait3A_846 = tpu.memref_slice %arg12[%dma_wait3A_840, %dma_wait3A_845] : memref<16x128xi32, #tpu.memory_space<vmem>> -> memref<1x128xi32, #tpu.memory_space<vmem>>
      %dma_wait3A_847 = tpu.memref_squeeze %dma_wait3A_846 : memref<1x128xi32, #tpu.memory_space<vmem>> -> memref<128xi32, #tpu.memory_space<vmem>>
      %dma_wait3A_848 = arith.constant 0 : i32
      %dma_wait3A_849 = arith.constant 0 : i32
      %dma_wait3A_850 = tpu.memref_slice %arg9[%dma_wait3A_848, %dma_wait3A_849] : memref<100352x16xf32, #tpu.memory_space<vmem_shared>> -> memref<100352x16xf32, #tpu.memory_space<vmem_shared>>
      tpu.wait_indirect_dma semaphore(%arg24 : memref<!tpu.dma_semaphore, #tpu.memory_space<semaphore_mem>>) src(%dma_wait3A_844 : memref<128x16xf32, #tpu.memory_space<vmem>>) dst(%dma_wait3A_850 : memref<100352x16xf32, #tpu.memory_space<vmem_shared>>)
      %dma_wait3A_851 = arith.constant 1 : i32
      %dma_wait3A_852 = arith.constant 9 : i32
      %dma_wait3A_853 = arith.constant 0 : i32
      %dma_wait3A_854 = arith.constant 0 : i32
      %dma_wait3A_855 = tpu.memref_slice %arg13[%dma_wait3A_851, %dma_wait3A_853, %dma_wait3A_854] : memref<8x128x16xf32, #tpu.memory_space<vmem>> -> memref<1x128x16xf32, #tpu.memory_space<vmem>>
      %dma_wait3A_856 = tpu.memref_squeeze %dma_wait3A_855 : memref<1x128x16xf32, #tpu.memory_space<vmem>> -> memref<128x16xf32, #tpu.memory_space<vmem>>
      %dma_wait3A_857 = arith.constant 0 : i32
      %dma_wait3A_858 = tpu.memref_slice %arg12[%dma_wait3A_852, %dma_wait3A_857] : memref<16x128xi32, #tpu.memory_space<vmem>> -> memref<1x128xi32, #tpu.memory_space<vmem>>
      %dma_wait3A_859 = tpu.memref_squeeze %dma_wait3A_858 : memref<1x128xi32, #tpu.memory_space<vmem>> -> memref<128xi32, #tpu.memory_space<vmem>>
      %dma_wait3A_860 = arith.constant 0 : i32
      %dma_wait3A_861 = arith.constant 0 : i32
      %dma_wait3A_862 = tpu.memref_slice %arg9[%dma_wait3A_860, %dma_wait3A_861] : memref<100352x16xf32, #tpu.memory_space<vmem_shared>> -> memref<100352x16xf32, #tpu.memory_space<vmem_shared>>
      tpu.wait_indirect_dma semaphore(%arg25 : memref<!tpu.dma_semaphore, #tpu.memory_space<semaphore_mem>>) src(%dma_wait3A_856 : memref<128x16xf32, #tpu.memory_space<vmem>>) dst(%dma_wait3A_862 : memref<100352x16xf32, #tpu.memory_space<vmem_shared>>)
      %dma_wait3A_863 = arith.constant 2 : i32
      %dma_wait3A_864 = arith.constant 10 : i32
      %dma_wait3A_865 = arith.constant 0 : i32
      %dma_wait3A_866 = arith.constant 0 : i32
      %dma_wait3A_867 = tpu.memref_slice %arg13[%dma_wait3A_863, %dma_wait3A_865, %dma_wait3A_866] : memref<8x128x16xf32, #tpu.memory_space<vmem>> -> memref<1x128x16xf32, #tpu.memory_space<vmem>>
      %dma_wait3A_868 = tpu.memref_squeeze %dma_wait3A_867 : memref<1x128x16xf32, #tpu.memory_space<vmem>> -> memref<128x16xf32, #tpu.memory_space<vmem>>
      %dma_wait3A_869 = arith.constant 0 : i32
      %dma_wait3A_870 = tpu.memref_slice %arg12[%dma_wait3A_864, %dma_wait3A_869] : memref<16x128xi32, #tpu.memory_space<vmem>> -> memref<1x128xi32, #tpu.memory_space<vmem>>
      %dma_wait3A_871 = tpu.memref_squeeze %dma_wait3A_870 : memref<1x128xi32, #tpu.memory_space<vmem>> -> memref<128xi32, #tpu.memory_space<vmem>>
      %dma_wait3A_872 = arith.constant 0 : i32
      %dma_wait3A_873 = arith.constant 0 : i32
      %dma_wait3A_874 = tpu.memref_slice %arg9[%dma_wait3A_872, %dma_wait3A_873] : memref<100352x16xf32, #tpu.memory_space<vmem_shared>> -> memref<100352x16xf32, #tpu.memory_space<vmem_shared>>
      tpu.wait_indirect_dma semaphore(%arg26 : memref<!tpu.dma_semaphore, #tpu.memory_space<semaphore_mem>>) src(%dma_wait3A_868 : memref<128x16xf32, #tpu.memory_space<vmem>>) dst(%dma_wait3A_874 : memref<100352x16xf32, #tpu.memory_space<vmem_shared>>)
      %dma_wait3A_875 = arith.constant 3 : i32
      %dma_wait3A_876 = arith.constant 11 : i32
      %dma_wait3A_877 = arith.constant 0 : i32
      %dma_wait3A_878 = arith.constant 0 : i32
      %dma_wait3A_879 = tpu.memref_slice %arg13[%dma_wait3A_875, %dma_wait3A_877, %dma_wait3A_878] : memref<8x128x16xf32, #tpu.memory_space<vmem>> -> memref<1x128x16xf32, #tpu.memory_space<vmem>>
      %dma_wait3A_880 = tpu.memref_squeeze %dma_wait3A_879 : memref<1x128x16xf32, #tpu.memory_space<vmem>> -> memref<128x16xf32, #tpu.memory_space<vmem>>
      %dma_wait3A_881 = arith.constant 0 : i32
      %dma_wait3A_882 = tpu.memref_slice %arg12[%dma_wait3A_876, %dma_wait3A_881] : memref<16x128xi32, #tpu.memory_space<vmem>> -> memref<1x128xi32, #tpu.memory_space<vmem>>
      %dma_wait3A_883 = tpu.memref_squeeze %dma_wait3A_882 : memref<1x128xi32, #tpu.memory_space<vmem>> -> memref<128xi32, #tpu.memory_space<vmem>>
      %dma_wait3A_884 = arith.constant 0 : i32
      %dma_wait3A_885 = arith.constant 0 : i32
      %dma_wait3A_886 = tpu.memref_slice %arg9[%dma_wait3A_884, %dma_wait3A_885] : memref<100352x16xf32, #tpu.memory_space<vmem_shared>> -> memref<100352x16xf32, #tpu.memory_space<vmem_shared>>
      tpu.wait_indirect_dma semaphore(%arg27 : memref<!tpu.dma_semaphore, #tpu.memory_space<semaphore_mem>>) src(%dma_wait3A_880 : memref<128x16xf32, #tpu.memory_space<vmem>>) dst(%dma_wait3A_886 : memref<100352x16xf32, #tpu.memory_space<vmem_shared>>)
      %dma_wait3A_887 = arith.constant 4 : i32
      %dma_wait3A_888 = arith.constant 12 : i32
      %dma_wait3A_889 = arith.constant 0 : i32
      %dma_wait3A_890 = arith.constant 0 : i32
      %dma_wait3A_891 = tpu.memref_slice %arg13[%dma_wait3A_887, %dma_wait3A_889, %dma_wait3A_890] : memref<8x128x16xf32, #tpu.memory_space<vmem>> -> memref<1x128x16xf32, #tpu.memory_space<vmem>>
      %dma_wait3A_892 = tpu.memref_squeeze %dma_wait3A_891 : memref<1x128x16xf32, #tpu.memory_space<vmem>> -> memref<128x16xf32, #tpu.memory_space<vmem>>
      %dma_wait3A_893 = arith.constant 0 : i32
      %dma_wait3A_894 = tpu.memref_slice %arg12[%dma_wait3A_888, %dma_wait3A_893] : memref<16x128xi32, #tpu.memory_space<vmem>> -> memref<1x128xi32, #tpu.memory_space<vmem>>
      %dma_wait3A_895 = tpu.memref_squeeze %dma_wait3A_894 : memref<1x128xi32, #tpu.memory_space<vmem>> -> memref<128xi32, #tpu.memory_space<vmem>>
      %dma_wait3A_896 = arith.constant 0 : i32
      %dma_wait3A_897 = arith.constant 0 : i32
      %dma_wait3A_898 = tpu.memref_slice %arg9[%dma_wait3A_896, %dma_wait3A_897] : memref<100352x16xf32, #tpu.memory_space<vmem_shared>> -> memref<100352x16xf32, #tpu.memory_space<vmem_shared>>
      tpu.wait_indirect_dma semaphore(%arg28 : memref<!tpu.dma_semaphore, #tpu.memory_space<semaphore_mem>>) src(%dma_wait3A_892 : memref<128x16xf32, #tpu.memory_space<vmem>>) dst(%dma_wait3A_898 : memref<100352x16xf32, #tpu.memory_space<vmem_shared>>)
      %dma_wait3A_899 = arith.constant 5 : i32
      %dma_wait3A_900 = arith.constant 13 : i32
      %dma_wait3A_901 = arith.constant 0 : i32
      %dma_wait3A_902 = arith.constant 0 : i32
      %dma_wait3A_903 = tpu.memref_slice %arg13[%dma_wait3A_899, %dma_wait3A_901, %dma_wait3A_902] : memref<8x128x16xf32, #tpu.memory_space<vmem>> -> memref<1x128x16xf32, #tpu.memory_space<vmem>>
      %dma_wait3A_904 = tpu.memref_squeeze %dma_wait3A_903 : memref<1x128x16xf32, #tpu.memory_space<vmem>> -> memref<128x16xf32, #tpu.memory_space<vmem>>
      %dma_wait3A_905 = arith.constant 0 : i32
      %dma_wait3A_906 = tpu.memref_slice %arg12[%dma_wait3A_900, %dma_wait3A_905] : memref<16x128xi32, #tpu.memory_space<vmem>> -> memref<1x128xi32, #tpu.memory_space<vmem>>
      %dma_wait3A_907 = tpu.memref_squeeze %dma_wait3A_906 : memref<1x128xi32, #tpu.memory_space<vmem>> -> memref<128xi32, #tpu.memory_space<vmem>>
      %dma_wait3A_908 = arith.constant 0 : i32
      %dma_wait3A_909 = arith.constant 0 : i32
      %dma_wait3A_910 = tpu.memref_slice %arg9[%dma_wait3A_908, %dma_wait3A_909] : memref<100352x16xf32, #tpu.memory_space<vmem_shared>> -> memref<100352x16xf32, #tpu.memory_space<vmem_shared>>
      tpu.wait_indirect_dma semaphore(%arg29 : memref<!tpu.dma_semaphore, #tpu.memory_space<semaphore_mem>>) src(%dma_wait3A_904 : memref<128x16xf32, #tpu.memory_space<vmem>>) dst(%dma_wait3A_910 : memref<100352x16xf32, #tpu.memory_space<vmem_shared>>)
      %dma_wait3A_911 = arith.constant 6 : i32
      %dma_wait3A_912 = arith.constant 14 : i32
      %dma_wait3A_913 = arith.constant 0 : i32
      %dma_wait3A_914 = arith.constant 0 : i32
      %dma_wait3A_915 = tpu.memref_slice %arg13[%dma_wait3A_911, %dma_wait3A_913, %dma_wait3A_914] : memref<8x128x16xf32, #tpu.memory_space<vmem>> -> memref<1x128x16xf32, #tpu.memory_space<vmem>>
      %dma_wait3A_916 = tpu.memref_squeeze %dma_wait3A_915 : memref<1x128x16xf32, #tpu.memory_space<vmem>> -> memref<128x16xf32, #tpu.memory_space<vmem>>
      %dma_wait3A_917 = arith.constant 0 : i32
      %dma_wait3A_918 = tpu.memref_slice %arg12[%dma_wait3A_912, %dma_wait3A_917] : memref<16x128xi32, #tpu.memory_space<vmem>> -> memref<1x128xi32, #tpu.memory_space<vmem>>
      %dma_wait3A_919 = tpu.memref_squeeze %dma_wait3A_918 : memref<1x128xi32, #tpu.memory_space<vmem>> -> memref<128xi32, #tpu.memory_space<vmem>>
      %dma_wait3A_920 = arith.constant 0 : i32
      %dma_wait3A_921 = arith.constant 0 : i32
      %dma_wait3A_922 = tpu.memref_slice %arg9[%dma_wait3A_920, %dma_wait3A_921] : memref<100352x16xf32, #tpu.memory_space<vmem_shared>> -> memref<100352x16xf32, #tpu.memory_space<vmem_shared>>
      tpu.wait_indirect_dma semaphore(%arg30 : memref<!tpu.dma_semaphore, #tpu.memory_space<semaphore_mem>>) src(%dma_wait3A_916 : memref<128x16xf32, #tpu.memory_space<vmem>>) dst(%dma_wait3A_922 : memref<100352x16xf32, #tpu.memory_space<vmem_shared>>)
      %dma_wait3A_923 = arith.constant 7 : i32
      %dma_wait3A_924 = arith.constant 15 : i32
      %dma_wait3A_925 = arith.constant 0 : i32
      %dma_wait3A_926 = arith.constant 0 : i32
      %dma_wait3A_927 = tpu.memref_slice %arg13[%dma_wait3A_923, %dma_wait3A_925, %dma_wait3A_926] : memref<8x128x16xf32, #tpu.memory_space<vmem>> -> memref<1x128x16xf32, #tpu.memory_space<vmem>>
      %dma_wait3A_928 = tpu.memref_squeeze %dma_wait3A_927 : memref<1x128x16xf32, #tpu.memory_space<vmem>> -> memref<128x16xf32, #tpu.memory_space<vmem>>
      %dma_wait3A_929 = arith.constant 0 : i32
      %dma_wait3A_930 = tpu.memref_slice %arg12[%dma_wait3A_924, %dma_wait3A_929] : memref<16x128xi32, #tpu.memory_space<vmem>> -> memref<1x128xi32, #tpu.memory_space<vmem>>
      %dma_wait3A_931 = tpu.memref_squeeze %dma_wait3A_930 : memref<1x128xi32, #tpu.memory_space<vmem>> -> memref<128xi32, #tpu.memory_space<vmem>>
      %dma_wait3A_932 = arith.constant 0 : i32
      %dma_wait3A_933 = arith.constant 0 : i32
      %dma_wait3A_934 = tpu.memref_slice %arg9[%dma_wait3A_932, %dma_wait3A_933] : memref<100352x16xf32, #tpu.memory_space<vmem_shared>> -> memref<100352x16xf32, #tpu.memory_space<vmem_shared>>
      tpu.wait_indirect_dma semaphore(%arg31 : memref<!tpu.dma_semaphore, #tpu.memory_space<semaphore_mem>>) src(%dma_wait3A_928 : memref<128x16xf32, #tpu.memory_space<vmem>>) dst(%dma_wait3A_934 : memref<100352x16xf32, #tpu.memory_space<vmem_shared>>)
      %dma_wait3A_935 = arith.constant 0 : i32
      %dma_wait3A_936 = arith.constant 0 : i32
      %dma_wait3A_937 = tpu.memref_slice %arg12[%dma_wait3A_935, %dma_wait3A_936] : memref<16x128xi32, #tpu.memory_space<vmem>> -> memref<1x128xi32, #tpu.memory_space<vmem>>
      %dma_wait3A_938 = tpu.memref_squeeze %dma_wait3A_937 : memref<1x128xi32, #tpu.memory_space<vmem>> -> memref<128xi32, #tpu.memory_space<vmem>>
      %dma_wait3A_939 = arith.constant 0 : i32
      %dma_wait3A_940 = tpu.memref_slice %arg10[%dma_wait3A_939] : memref<100352xf32, #tpu.memory_space<vmem_shared>> -> memref<100352xf32, #tpu.memory_space<vmem_shared>>
      tpu.wait_indirect_dma semaphore(%arg32 : memref<!tpu.dma_semaphore, #tpu.memory_space<semaphore_mem>>) src(%arg14 : memref<128xf32, #tpu.memory_space<vmem>>) dst(%dma_wait3A_940 : memref<100352xf32, #tpu.memory_space<vmem_shared>>)
      %dma_wait3A_941 = arith.constant 1 : i32
      %dma_wait3A_942 = arith.constant 0 : i32
      %dma_wait3A_943 = tpu.memref_slice %arg12[%dma_wait3A_941, %dma_wait3A_942] : memref<16x128xi32, #tpu.memory_space<vmem>> -> memref<1x128xi32, #tpu.memory_space<vmem>>
      %dma_wait3A_944 = tpu.memref_squeeze %dma_wait3A_943 : memref<1x128xi32, #tpu.memory_space<vmem>> -> memref<128xi32, #tpu.memory_space<vmem>>
      %dma_wait3A_945 = arith.constant 0 : i32
      %dma_wait3A_946 = tpu.memref_slice %arg10[%dma_wait3A_945] : memref<100352xf32, #tpu.memory_space<vmem_shared>> -> memref<100352xf32, #tpu.memory_space<vmem_shared>>
      tpu.wait_indirect_dma semaphore(%arg32 : memref<!tpu.dma_semaphore, #tpu.memory_space<semaphore_mem>>) src(%arg14 : memref<128xf32, #tpu.memory_space<vmem>>) dst(%dma_wait3A_946 : memref<100352xf32, #tpu.memory_space<vmem_shared>>)
      %dma_wait3A_947 = arith.constant 2 : i32
      %dma_wait3A_948 = arith.constant 0 : i32
      %dma_wait3A_949 = tpu.memref_slice %arg12[%dma_wait3A_947, %dma_wait3A_948] : memref<16x128xi32, #tpu.memory_space<vmem>> -> memref<1x128xi32, #tpu.memory_space<vmem>>
      %dma_wait3A_950 = tpu.memref_squeeze %dma_wait3A_949 : memref<1x128xi32, #tpu.memory_space<vmem>> -> memref<128xi32, #tpu.memory_space<vmem>>
      %dma_wait3A_951 = arith.constant 0 : i32
      %dma_wait3A_952 = tpu.memref_slice %arg10[%dma_wait3A_951] : memref<100352xf32, #tpu.memory_space<vmem_shared>> -> memref<100352xf32, #tpu.memory_space<vmem_shared>>
      tpu.wait_indirect_dma semaphore(%arg32 : memref<!tpu.dma_semaphore, #tpu.memory_space<semaphore_mem>>) src(%arg14 : memref<128xf32, #tpu.memory_space<vmem>>) dst(%dma_wait3A_952 : memref<100352xf32, #tpu.memory_space<vmem_shared>>)
      %dma_wait3A_953 = arith.constant 3 : i32
      %dma_wait3A_954 = arith.constant 0 : i32
      %dma_wait3A_955 = tpu.memref_slice %arg12[%dma_wait3A_953, %dma_wait3A_954] : memref<16x128xi32, #tpu.memory_space<vmem>> -> memref<1x128xi32, #tpu.memory_space<vmem>>
      %dma_wait3A_956 = tpu.memref_squeeze %dma_wait3A_955 : memref<1x128xi32, #tpu.memory_space<vmem>> -> memref<128xi32, #tpu.memory_space<vmem>>
      %dma_wait3A_957 = arith.constant 0 : i32
      %dma_wait3A_958 = tpu.memref_slice %arg10[%dma_wait3A_957] : memref<100352xf32, #tpu.memory_space<vmem_shared>> -> memref<100352xf32, #tpu.memory_space<vmem_shared>>
      tpu.wait_indirect_dma semaphore(%arg32 : memref<!tpu.dma_semaphore, #tpu.memory_space<semaphore_mem>>) src(%arg14 : memref<128xf32, #tpu.memory_space<vmem>>) dst(%dma_wait3A_958 : memref<100352xf32, #tpu.memory_space<vmem_shared>>)
      %dma_wait3A_959 = arith.constant 4 : i32
      %dma_wait3A_960 = arith.constant 0 : i32
      %dma_wait3A_961 = tpu.memref_slice %arg12[%dma_wait3A_959, %dma_wait3A_960] : memref<16x128xi32, #tpu.memory_space<vmem>> -> memref<1x128xi32, #tpu.memory_space<vmem>>
      %dma_wait3A_962 = tpu.memref_squeeze %dma_wait3A_961 : memref<1x128xi32, #tpu.memory_space<vmem>> -> memref<128xi32, #tpu.memory_space<vmem>>
      %dma_wait3A_963 = arith.constant 0 : i32
      %dma_wait3A_964 = tpu.memref_slice %arg10[%dma_wait3A_963] : memref<100352xf32, #tpu.memory_space<vmem_shared>> -> memref<100352xf32, #tpu.memory_space<vmem_shared>>
      tpu.wait_indirect_dma semaphore(%arg32 : memref<!tpu.dma_semaphore, #tpu.memory_space<semaphore_mem>>) src(%arg14 : memref<128xf32, #tpu.memory_space<vmem>>) dst(%dma_wait3A_964 : memref<100352xf32, #tpu.memory_space<vmem_shared>>)
      %dma_wait3A_965 = arith.constant 5 : i32
      %dma_wait3A_966 = arith.constant 0 : i32
      %dma_wait3A_967 = tpu.memref_slice %arg12[%dma_wait3A_965, %dma_wait3A_966] : memref<16x128xi32, #tpu.memory_space<vmem>> -> memref<1x128xi32, #tpu.memory_space<vmem>>
      %dma_wait3A_968 = tpu.memref_squeeze %dma_wait3A_967 : memref<1x128xi32, #tpu.memory_space<vmem>> -> memref<128xi32, #tpu.memory_space<vmem>>
      %dma_wait3A_969 = arith.constant 0 : i32
      %dma_wait3A_970 = tpu.memref_slice %arg10[%dma_wait3A_969] : memref<100352xf32, #tpu.memory_space<vmem_shared>> -> memref<100352xf32, #tpu.memory_space<vmem_shared>>
      tpu.wait_indirect_dma semaphore(%arg32 : memref<!tpu.dma_semaphore, #tpu.memory_space<semaphore_mem>>) src(%arg14 : memref<128xf32, #tpu.memory_space<vmem>>) dst(%dma_wait3A_970 : memref<100352xf32, #tpu.memory_space<vmem_shared>>)
      %dma_wait3A_971 = arith.constant 6 : i32
      %dma_wait3A_972 = arith.constant 0 : i32
      %dma_wait3A_973 = tpu.memref_slice %arg12[%dma_wait3A_971, %dma_wait3A_972] : memref<16x128xi32, #tpu.memory_space<vmem>> -> memref<1x128xi32, #tpu.memory_space<vmem>>
      %dma_wait3A_974 = tpu.memref_squeeze %dma_wait3A_973 : memref<1x128xi32, #tpu.memory_space<vmem>> -> memref<128xi32, #tpu.memory_space<vmem>>
      %dma_wait3A_975 = arith.constant 0 : i32
      %dma_wait3A_976 = tpu.memref_slice %arg10[%dma_wait3A_975] : memref<100352xf32, #tpu.memory_space<vmem_shared>> -> memref<100352xf32, #tpu.memory_space<vmem_shared>>
      tpu.wait_indirect_dma semaphore(%arg32 : memref<!tpu.dma_semaphore, #tpu.memory_space<semaphore_mem>>) src(%arg14 : memref<128xf32, #tpu.memory_space<vmem>>) dst(%dma_wait3A_976 : memref<100352xf32, #tpu.memory_space<vmem_shared>>)
      %dma_wait3A_977 = arith.constant 7 : i32
      %dma_wait3A_978 = arith.constant 0 : i32
      %dma_wait3A_979 = tpu.memref_slice %arg12[%dma_wait3A_977, %dma_wait3A_978] : memref<16x128xi32, #tpu.memory_space<vmem>> -> memref<1x128xi32, #tpu.memory_space<vmem>>
      %dma_wait3A_980 = tpu.memref_squeeze %dma_wait3A_979 : memref<1x128xi32, #tpu.memory_space<vmem>> -> memref<128xi32, #tpu.memory_space<vmem>>
      %dma_wait3A_981 = arith.constant 0 : i32
      %dma_wait3A_982 = tpu.memref_slice %arg10[%dma_wait3A_981] : memref<100352xf32, #tpu.memory_space<vmem_shared>> -> memref<100352xf32, #tpu.memory_space<vmem_shared>>
      tpu.wait_indirect_dma semaphore(%arg32 : memref<!tpu.dma_semaphore, #tpu.memory_space<semaphore_mem>>) src(%arg14 : memref<128xf32, #tpu.memory_space<vmem>>) dst(%dma_wait3A_982 : memref<100352xf32, #tpu.memory_space<vmem_shared>>)
      %dma_wait3A_983 = arith.constant 8 : i32
      %dma_wait3A_984 = arith.constant 0 : i32
      %dma_wait3A_985 = tpu.memref_slice %arg12[%dma_wait3A_983, %dma_wait3A_984] : memref<16x128xi32, #tpu.memory_space<vmem>> -> memref<1x128xi32, #tpu.memory_space<vmem>>
      %dma_wait3A_986 = tpu.memref_squeeze %dma_wait3A_985 : memref<1x128xi32, #tpu.memory_space<vmem>> -> memref<128xi32, #tpu.memory_space<vmem>>
      %dma_wait3A_987 = arith.constant 0 : i32
      %dma_wait3A_988 = tpu.memref_slice %arg10[%dma_wait3A_987] : memref<100352xf32, #tpu.memory_space<vmem_shared>> -> memref<100352xf32, #tpu.memory_space<vmem_shared>>
      tpu.wait_indirect_dma semaphore(%arg32 : memref<!tpu.dma_semaphore, #tpu.memory_space<semaphore_mem>>) src(%arg14 : memref<128xf32, #tpu.memory_space<vmem>>) dst(%dma_wait3A_988 : memref<100352xf32, #tpu.memory_space<vmem_shared>>)
      %dma_wait3A_989 = arith.constant 9 : i32
      %dma_wait3A_990 = arith.constant 0 : i32
      %dma_wait3A_991 = tpu.memref_slice %arg12[%dma_wait3A_989, %dma_wait3A_990] : memref<16x128xi32, #tpu.memory_space<vmem>> -> memref<1x128xi32, #tpu.memory_space<vmem>>
      %dma_wait3A_992 = tpu.memref_squeeze %dma_wait3A_991 : memref<1x128xi32, #tpu.memory_space<vmem>> -> memref<128xi32, #tpu.memory_space<vmem>>
      %dma_wait3A_993 = arith.constant 0 : i32
      %dma_wait3A_994 = tpu.memref_slice %arg10[%dma_wait3A_993] : memref<100352xf32, #tpu.memory_space<vmem_shared>> -> memref<100352xf32, #tpu.memory_space<vmem_shared>>
      tpu.wait_indirect_dma semaphore(%arg32 : memref<!tpu.dma_semaphore, #tpu.memory_space<semaphore_mem>>) src(%arg14 : memref<128xf32, #tpu.memory_space<vmem>>) dst(%dma_wait3A_994 : memref<100352xf32, #tpu.memory_space<vmem_shared>>)
      %dma_wait3A_995 = arith.constant 10 : i32
      %dma_wait3A_996 = arith.constant 0 : i32
      %dma_wait3A_997 = tpu.memref_slice %arg12[%dma_wait3A_995, %dma_wait3A_996] : memref<16x128xi32, #tpu.memory_space<vmem>> -> memref<1x128xi32, #tpu.memory_space<vmem>>
      %dma_wait3A_998 = tpu.memref_squeeze %dma_wait3A_997 : memref<1x128xi32, #tpu.memory_space<vmem>> -> memref<128xi32, #tpu.memory_space<vmem>>
      %dma_wait3A_999 = arith.constant 0 : i32
      %dma_wait3A_1000 = tpu.memref_slice %arg10[%dma_wait3A_999] : memref<100352xf32, #tpu.memory_space<vmem_shared>> -> memref<100352xf32, #tpu.memory_space<vmem_shared>>
      tpu.wait_indirect_dma semaphore(%arg32 : memref<!tpu.dma_semaphore, #tpu.memory_space<semaphore_mem>>) src(%arg14 : memref<128xf32, #tpu.memory_space<vmem>>) dst(%dma_wait3A_1000 : memref<100352xf32, #tpu.memory_space<vmem_shared>>)
      %dma_wait3A_1001 = arith.constant 11 : i32
      %dma_wait3A_1002 = arith.constant 0 : i32
      %dma_wait3A_1003 = tpu.memref_slice %arg12[%dma_wait3A_1001, %dma_wait3A_1002] : memref<16x128xi32, #tpu.memory_space<vmem>> -> memref<1x128xi32, #tpu.memory_space<vmem>>
      %dma_wait3A_1004 = tpu.memref_squeeze %dma_wait3A_1003 : memref<1x128xi32, #tpu.memory_space<vmem>> -> memref<128xi32, #tpu.memory_space<vmem>>
      %dma_wait3A_1005 = arith.constant 0 : i32
      %dma_wait3A_1006 = tpu.memref_slice %arg10[%dma_wait3A_1005] : memref<100352xf32, #tpu.memory_space<vmem_shared>> -> memref<100352xf32, #tpu.memory_space<vmem_shared>>
      tpu.wait_indirect_dma semaphore(%arg32 : memref<!tpu.dma_semaphore, #tpu.memory_space<semaphore_mem>>) src(%arg14 : memref<128xf32, #tpu.memory_space<vmem>>) dst(%dma_wait3A_1006 : memref<100352xf32, #tpu.memory_space<vmem_shared>>)
      %dma_wait3A_1007 = arith.constant 12 : i32
      %dma_wait3A_1008 = arith.constant 0 : i32
      %dma_wait3A_1009 = tpu.memref_slice %arg12[%dma_wait3A_1007, %dma_wait3A_1008] : memref<16x128xi32, #tpu.memory_space<vmem>> -> memref<1x128xi32, #tpu.memory_space<vmem>>
      %dma_wait3A_1010 = tpu.memref_squeeze %dma_wait3A_1009 : memref<1x128xi32, #tpu.memory_space<vmem>> -> memref<128xi32, #tpu.memory_space<vmem>>
      %dma_wait3A_1011 = arith.constant 0 : i32
      %dma_wait3A_1012 = tpu.memref_slice %arg10[%dma_wait3A_1011] : memref<100352xf32, #tpu.memory_space<vmem_shared>> -> memref<100352xf32, #tpu.memory_space<vmem_shared>>
      tpu.wait_indirect_dma semaphore(%arg32 : memref<!tpu.dma_semaphore, #tpu.memory_space<semaphore_mem>>) src(%arg14 : memref<128xf32, #tpu.memory_space<vmem>>) dst(%dma_wait3A_1012 : memref<100352xf32, #tpu.memory_space<vmem_shared>>)
      %dma_wait3A_1013 = arith.constant 13 : i32
      %dma_wait3A_1014 = arith.constant 0 : i32
      %dma_wait3A_1015 = tpu.memref_slice %arg12[%dma_wait3A_1013, %dma_wait3A_1014] : memref<16x128xi32, #tpu.memory_space<vmem>> -> memref<1x128xi32, #tpu.memory_space<vmem>>
      %dma_wait3A_1016 = tpu.memref_squeeze %dma_wait3A_1015 : memref<1x128xi32, #tpu.memory_space<vmem>> -> memref<128xi32, #tpu.memory_space<vmem>>
      %dma_wait3A_1017 = arith.constant 0 : i32
      %dma_wait3A_1018 = tpu.memref_slice %arg10[%dma_wait3A_1017] : memref<100352xf32, #tpu.memory_space<vmem_shared>> -> memref<100352xf32, #tpu.memory_space<vmem_shared>>
      tpu.wait_indirect_dma semaphore(%arg32 : memref<!tpu.dma_semaphore, #tpu.memory_space<semaphore_mem>>) src(%arg14 : memref<128xf32, #tpu.memory_space<vmem>>) dst(%dma_wait3A_1018 : memref<100352xf32, #tpu.memory_space<vmem_shared>>)
      %dma_wait3A_1019 = arith.constant 14 : i32
      %dma_wait3A_1020 = arith.constant 0 : i32
      %dma_wait3A_1021 = tpu.memref_slice %arg12[%dma_wait3A_1019, %dma_wait3A_1020] : memref<16x128xi32, #tpu.memory_space<vmem>> -> memref<1x128xi32, #tpu.memory_space<vmem>>
      %dma_wait3A_1022 = tpu.memref_squeeze %dma_wait3A_1021 : memref<1x128xi32, #tpu.memory_space<vmem>> -> memref<128xi32, #tpu.memory_space<vmem>>
      %dma_wait3A_1023 = arith.constant 0 : i32
      %dma_wait3A_1024 = tpu.memref_slice %arg10[%dma_wait3A_1023] : memref<100352xf32, #tpu.memory_space<vmem_shared>> -> memref<100352xf32, #tpu.memory_space<vmem_shared>>
      tpu.wait_indirect_dma semaphore(%arg32 : memref<!tpu.dma_semaphore, #tpu.memory_space<semaphore_mem>>) src(%arg14 : memref<128xf32, #tpu.memory_space<vmem>>) dst(%dma_wait3A_1024 : memref<100352xf32, #tpu.memory_space<vmem_shared>>)
      %dma_wait3A_1025 = arith.constant 15 : i32
      %dma_wait3A_1026 = arith.constant 0 : i32
      %dma_wait3A_1027 = tpu.memref_slice %arg12[%dma_wait3A_1025, %dma_wait3A_1026] : memref<16x128xi32, #tpu.memory_space<vmem>> -> memref<1x128xi32, #tpu.memory_space<vmem>>
      %dma_wait3A_1028 = tpu.memref_squeeze %dma_wait3A_1027 : memref<1x128xi32, #tpu.memory_space<vmem>> -> memref<128xi32, #tpu.memory_space<vmem>>
      %dma_wait3A_1029 = arith.constant 0 : i32
      %dma_wait3A_1030 = tpu.memref_slice %arg10[%dma_wait3A_1029] : memref<100352xf32, #tpu.memory_space<vmem_shared>> -> memref<100352xf32, #tpu.memory_space<vmem_shared>>
      tpu.wait_indirect_dma semaphore(%arg32 : memref<!tpu.dma_semaphore, #tpu.memory_space<semaphore_mem>>) src(%arg14 : memref<128xf32, #tpu.memory_space<vmem>>) dst(%dma_wait3A_1030 : memref<100352xf32, #tpu.memory_space<vmem_shared>>)
    }
    %scan3A_59 = arith.constant 49 : i32
    %barrier3A_60 = arith.constant 0 : index
    tpu.barrier barrier_id(%barrier3A_60)
    %scan3A_61 = arith.constant 0 : i32
    %scan3A_62 = arith.constant 0 : i32
    %scan3A_63 = arith.constant 49 : i32
    %scan3A_64 = arith.addi %scan3A_62, %scan3A_63 : i32
    %scan3A_65 = arith.constant 1 : i32
    scf.for %scan3A_67 = %scan3A_62 to %scan3A_64 step %scan3A_65  : i32 {
      %mul3A_68 = arith.constant 128 : i32
      %mul3A_69 = arith.muli %scan3A_67, %mul3A_68 : i32
      %add3A_70 = arith.addi %mul3A_2, %mul3A_69 : i32
      %run_scoped3A = arith.constant 0 : i32
      "tpu.region"() ({
        %run_scoped3A_75 = tpu.sem_alloc : memref<!tpu.dma_semaphore, #tpu.memory_space<semaphore_mem>>
        %dma_start3A = arith.constant 0 : i32
        %dma_start3A_76 = arith.constant 0 : i32
        %dma_start3A_77 = tpu.memref_slice %arg13[%run_scoped3A, %dma_start3A, %dma_start3A_76] : memref<8x128x16xf32, #tpu.memory_space<vmem>> -> memref<1x128x16xf32, #tpu.memory_space<vmem>>
        %dma_start3A_78 = tpu.memref_squeeze %dma_start3A_77 : memref<1x128x16xf32, #tpu.memory_space<vmem>> -> memref<128x16xf32, #tpu.memory_space<vmem>>
        %dma_start3A_79 = arith.constant 0 : i32
        %dma_start3A_80 = tpu.memref_slice %arg9[%add3A_70, %dma_start3A_79] : memref<100352x16xf32, #tpu.memory_space<vmem_shared>> -> memref<128x16xf32, #tpu.memory_space<vmem_shared>>
        %dma_start3A_81 = arith.constant 0 : i32
        %dma_start3A_82 = arith.constant 0 : i32
        %dma_start3A_83 = tpu.memref_slice %arg13[%run_scoped3A, %dma_start3A_81, %dma_start3A_82] : memref<8x128x16xf32, #tpu.memory_space<vmem>> -> memref<1x128x16xf32, #tpu.memory_space<vmem>>
        %dma_start3A_84 = tpu.memref_squeeze %dma_start3A_83 : memref<1x128x16xf32, #tpu.memory_space<vmem>> -> memref<128x16xf32, #tpu.memory_space<vmem>>
        %dma_start3A_85 = arith.constant 0 : i32
        %dma_start3A_86 = tpu.memref_slice %arg9[%add3A_70, %dma_start3A_85] : memref<100352x16xf32, #tpu.memory_space<vmem_shared>> -> memref<128x16xf32, #tpu.memory_space<vmem_shared>>
        tpu.enqueue_dma source(%dma_start3A_86 : memref<128x16xf32, #tpu.memory_space<vmem_shared>>) target(%dma_start3A_84 : memref<128x16xf32, #tpu.memory_space<vmem>>) target_semaphore(%run_scoped3A_75 : memref<!tpu.dma_semaphore, #tpu.memory_space<semaphore_mem>>)
        %dma_wait3A = arith.constant 0 : i32
        %dma_wait3A_87 = arith.constant 0 : i32
        %dma_wait3A_88 = tpu.memref_slice %arg13[%run_scoped3A, %dma_wait3A, %dma_wait3A_87] : memref<8x128x16xf32, #tpu.memory_space<vmem>> -> memref<1x128x16xf32, #tpu.memory_space<vmem>>
        %dma_wait3A_89 = tpu.memref_squeeze %dma_wait3A_88 : memref<1x128x16xf32, #tpu.memory_space<vmem>> -> memref<128x16xf32, #tpu.memory_space<vmem>>
        %dma_wait3A_90 = arith.constant 0 : i32
        %dma_wait3A_91 = tpu.memref_slice %arg9[%add3A_70, %dma_wait3A_90] : memref<100352x16xf32, #tpu.memory_space<vmem_shared>> -> memref<128x16xf32, #tpu.memory_space<vmem_shared>>
        %dma_wait3A_92 = arith.constant 0 : i32
        %dma_wait3A_93 = arith.constant 0 : i32
        %dma_wait3A_94 = tpu.memref_slice %arg13[%run_scoped3A, %dma_wait3A_92, %dma_wait3A_93] : memref<8x128x16xf32, #tpu.memory_space<vmem>> -> memref<1x128x16xf32, #tpu.memory_space<vmem>>
        %dma_wait3A_95 = tpu.memref_squeeze %dma_wait3A_94 : memref<1x128x16xf32, #tpu.memory_space<vmem>> -> memref<128x16xf32, #tpu.memory_space<vmem>>
        %dma_wait3A_96 = arith.constant 0 : i32
        %dma_wait3A_97 = tpu.memref_slice %arg9[%add3A_70, %dma_wait3A_96] : memref<100352x16xf32, #tpu.memory_space<vmem_shared>> -> memref<128x16xf32, #tpu.memory_space<vmem_shared>>
        tpu.wait_dma2 semaphore(%run_scoped3A_75 : memref<!tpu.dma_semaphore, #tpu.memory_space<semaphore_mem>>) src(%dma_wait3A_97 : memref<128x16xf32, #tpu.memory_space<vmem_shared>>) dst(%dma_wait3A_95 : memref<128x16xf32, #tpu.memory_space<vmem>>)
        tpu.yield
      }) : () -> ()
      %run_scoped3A_71 = arith.constant 0 : i32
      "tpu.region"() ({
        %run_scoped3A_75 = tpu.sem_alloc : memref<!tpu.dma_semaphore, #tpu.memory_space<semaphore_mem>>
        %dma_start3A = arith.constant 0 : i32
        %dma_start3A_76 = arith.constant 0 : i32
        %dma_start3A_77 = tpu.memref_slice %arg13[%run_scoped3A_71, %dma_start3A, %dma_start3A_76] : memref<8x128x16xf32, #tpu.memory_space<vmem>> -> memref<1x128x16xf32, #tpu.memory_space<vmem>>
        %dma_start3A_78 = tpu.memref_squeeze %dma_start3A_77 : memref<1x128x16xf32, #tpu.memory_space<vmem>> -> memref<128x16xf32, #tpu.memory_space<vmem>>
        %dma_start3A_79 = arith.constant 0 : i32
        %dma_start3A_80 = tpu.memref_slice %arg7[%arg0, %add3A_70, %dma_start3A_79] : memref<2x100352x16xf32, #tpu.memory_space<hbm>> -> memref<1x128x16xf32, #tpu.memory_space<hbm>>
        %dma_start3A_81 = tpu.memref_squeeze %dma_start3A_80 : memref<1x128x16xf32, #tpu.memory_space<hbm>> -> memref<128x16xf32, #tpu.memory_space<hbm>>
        %dma_start3A_82 = arith.constant 0 : i32
        %dma_start3A_83 = tpu.memref_slice %arg7[%arg0, %add3A_70, %dma_start3A_82] : memref<2x100352x16xf32, #tpu.memory_space<hbm>> -> memref<1x128x16xf32, #tpu.memory_space<hbm>>
        %dma_start3A_84 = tpu.memref_squeeze %dma_start3A_83 : memref<1x128x16xf32, #tpu.memory_space<hbm>> -> memref<128x16xf32, #tpu.memory_space<hbm>>
        %dma_start3A_85 = arith.constant 0 : i32
        %dma_start3A_86 = arith.constant 0 : i32
        %dma_start3A_87 = tpu.memref_slice %arg13[%run_scoped3A_71, %dma_start3A_85, %dma_start3A_86] : memref<8x128x16xf32, #tpu.memory_space<vmem>> -> memref<1x128x16xf32, #tpu.memory_space<vmem>>
        %dma_start3A_88 = tpu.memref_squeeze %dma_start3A_87 : memref<1x128x16xf32, #tpu.memory_space<vmem>> -> memref<128x16xf32, #tpu.memory_space<vmem>>
        tpu.enqueue_dma source(%dma_start3A_88 : memref<128x16xf32, #tpu.memory_space<vmem>>) target(%dma_start3A_84 : memref<128x16xf32, #tpu.memory_space<hbm>>) target_semaphore(%run_scoped3A_75 : memref<!tpu.dma_semaphore, #tpu.memory_space<semaphore_mem>>)
        %dma_wait3A = arith.constant 0 : i32
        %dma_wait3A_89 = arith.constant 0 : i32
        %dma_wait3A_90 = tpu.memref_slice %arg13[%run_scoped3A_71, %dma_wait3A, %dma_wait3A_89] : memref<8x128x16xf32, #tpu.memory_space<vmem>> -> memref<1x128x16xf32, #tpu.memory_space<vmem>>
        %dma_wait3A_91 = tpu.memref_squeeze %dma_wait3A_90 : memref<1x128x16xf32, #tpu.memory_space<vmem>> -> memref<128x16xf32, #tpu.memory_space<vmem>>
        %dma_wait3A_92 = arith.constant 0 : i32
        %dma_wait3A_93 = tpu.memref_slice %arg7[%arg0, %add3A_70, %dma_wait3A_92] : memref<2x100352x16xf32, #tpu.memory_space<hbm>> -> memref<1x128x16xf32, #tpu.memory_space<hbm>>
        %dma_wait3A_94 = tpu.memref_squeeze %dma_wait3A_93 : memref<1x128x16xf32, #tpu.memory_space<hbm>> -> memref<128x16xf32, #tpu.memory_space<hbm>>
        %dma_wait3A_95 = arith.constant 0 : i32
        %dma_wait3A_96 = tpu.memref_slice %arg7[%arg0, %add3A_70, %dma_wait3A_95] : memref<2x100352x16xf32, #tpu.memory_space<hbm>> -> memref<1x128x16xf32, #tpu.memory_space<hbm>>
        %dma_wait3A_97 = tpu.memref_squeeze %dma_wait3A_96 : memref<1x128x16xf32, #tpu.memory_space<hbm>> -> memref<128x16xf32, #tpu.memory_space<hbm>>
        %dma_wait3A_98 = arith.constant 0 : i32
        %dma_wait3A_99 = arith.constant 0 : i32
        %dma_wait3A_100 = tpu.memref_slice %arg13[%run_scoped3A_71, %dma_wait3A_98, %dma_wait3A_99] : memref<8x128x16xf32, #tpu.memory_space<vmem>> -> memref<1x128x16xf32, #tpu.memory_space<vmem>>
        %dma_wait3A_101 = tpu.memref_squeeze %dma_wait3A_100 : memref<1x128x16xf32, #tpu.memory_space<vmem>> -> memref<128x16xf32, #tpu.memory_space<vmem>>
        tpu.wait_dma2 semaphore(%run_scoped3A_75 : memref<!tpu.dma_semaphore, #tpu.memory_space<semaphore_mem>>) src(%dma_wait3A_101 : memref<128x16xf32, #tpu.memory_space<vmem>>) dst(%dma_wait3A_97 : memref<128x16xf32, #tpu.memory_space<hbm>>)
        tpu.yield
      }) : () -> ()
      "tpu.region"() ({
        %run_scoped3A_75 = tpu.sem_alloc : memref<!tpu.dma_semaphore, #tpu.memory_space<semaphore_mem>>
        %dma_start3A = tpu.memref_slice %arg10[%add3A_70] : memref<100352xf32, #tpu.memory_space<vmem_shared>> -> memref<128xf32, #tpu.memory_space<vmem_shared>>
        %dma_start3A_76 = tpu.memref_slice %arg10[%add3A_70] : memref<100352xf32, #tpu.memory_space<vmem_shared>> -> memref<128xf32, #tpu.memory_space<vmem_shared>>
        tpu.enqueue_dma source(%dma_start3A_76 : memref<128xf32, #tpu.memory_space<vmem_shared>>) target(%arg15 : memref<128xf32, #tpu.memory_space<vmem>>) target_semaphore(%run_scoped3A_75 : memref<!tpu.dma_semaphore, #tpu.memory_space<semaphore_mem>>)
        %dma_wait3A = tpu.memref_slice %arg10[%add3A_70] : memref<100352xf32, #tpu.memory_space<vmem_shared>> -> memref<128xf32, #tpu.memory_space<vmem_shared>>
        %dma_wait3A_77 = tpu.memref_slice %arg10[%add3A_70] : memref<100352xf32, #tpu.memory_space<vmem_shared>> -> memref<128xf32, #tpu.memory_space<vmem_shared>>
        tpu.wait_dma2 semaphore(%run_scoped3A_75 : memref<!tpu.dma_semaphore, #tpu.memory_space<semaphore_mem>>) src(%dma_wait3A_77 : memref<128xf32, #tpu.memory_space<vmem_shared>>) dst(%arg15 : memref<128xf32, #tpu.memory_space<vmem>>)
        tpu.yield
      }) : () -> ()
      %mul3A_72 = arith.constant 100352 : i32
      %mul3A_73 = arith.muli %arg0, %mul3A_72 : i32
      %add3A_74 = arith.addi %mul3A_73, %add3A_70 : i32
      "tpu.region"() ({
        %run_scoped3A_75 = tpu.sem_alloc : memref<!tpu.dma_semaphore, #tpu.memory_space<semaphore_mem>>
        %dma_start3A = tpu.memref_slice %arg8[%add3A_74] : memref<200704xf32, #tpu.memory_space<hbm>> -> memref<128xf32, #tpu.memory_space<hbm>>
        %dma_start3A_76 = tpu.memref_slice %arg8[%add3A_74] : memref<200704xf32, #tpu.memory_space<hbm>> -> memref<128xf32, #tpu.memory_space<hbm>>
        tpu.enqueue_dma source(%arg15 : memref<128xf32, #tpu.memory_space<vmem>>) target(%dma_start3A_76 : memref<128xf32, #tpu.memory_space<hbm>>) target_semaphore(%run_scoped3A_75 : memref<!tpu.dma_semaphore, #tpu.memory_space<semaphore_mem>>)
        %dma_wait3A = tpu.memref_slice %arg8[%add3A_74] : memref<200704xf32, #tpu.memory_space<hbm>> -> memref<128xf32, #tpu.memory_space<hbm>>
        %dma_wait3A_77 = tpu.memref_slice %arg8[%add3A_74] : memref<200704xf32, #tpu.memory_space<hbm>> -> memref<128xf32, #tpu.memory_space<hbm>>
        tpu.wait_dma2 semaphore(%run_scoped3A_75 : memref<!tpu.dma_semaphore, #tpu.memory_space<semaphore_mem>>) src(%arg15 : memref<128xf32, #tpu.memory_space<vmem>>) dst(%dma_wait3A_77 : memref<128xf32, #tpu.memory_space<hbm>>)
        tpu.yield
      }) : () -> ()
    }
    %scan3A_66 = arith.constant 49 : i32
    return
  }
}

#map = affine_map<(d0, d1) -> (0, 0)>
#map1 = affine_map<(d0, d1) -> (0, 0, 0)>
module attributes {stable_mosaic.version = 14 : i64} {
  func.func @_sc_body(%arg0: i32, %arg1: i32, %arg2: memref<25088x128xi32, #tpu.memory_space<hbm>>, %arg3: memref<25088x128xi32, #tpu.memory_space<hbm>>, %arg4: memref<100352x16xf32, #tpu.memory_space<hbm>>, %arg5: memref<100352x16xf32, #tpu.memory_space<hbm>>, %arg6: memref<2x100352x16xf32, #tpu.memory_space<hbm>>, %arg7: memref<100352x16xf32, #tpu.memory_space<vmem_shared>>, %arg8: memref<16x128xi32, #tpu.memory_space<vmem>>, %arg9: memref<16x128xi32, #tpu.memory_space<vmem>>, %arg10: memref<8x128x16xf32, #tpu.memory_space<vmem>>, %arg11: memref<!tpu.dma_semaphore, #tpu.memory_space<semaphore_mem>>, %arg12: memref<!tpu.dma_semaphore, #tpu.memory_space<semaphore_mem>>, %arg13: memref<!tpu.dma_semaphore, #tpu.memory_space<semaphore_mem>>, %arg14: memref<!tpu.dma_semaphore, #tpu.memory_space<semaphore_mem>>, %arg15: memref<!tpu.dma_semaphore, #tpu.memory_space<semaphore_mem>>, %arg16: memref<!tpu.dma_semaphore, #tpu.memory_space<semaphore_mem>>, %arg17: memref<!tpu.dma_semaphore, #tpu.memory_space<semaphore_mem>>, %arg18: memref<!tpu.dma_semaphore, #tpu.memory_space<semaphore_mem>>, %arg19: memref<!tpu.dma_semaphore, #tpu.memory_space<semaphore_mem>>, %arg20: memref<!tpu.dma_semaphore, #tpu.memory_space<semaphore_mem>>, %arg21: memref<!tpu.dma_semaphore, #tpu.memory_space<semaphore_mem>>, %arg22: memref<!tpu.dma_semaphore, #tpu.memory_space<semaphore_mem>>, %arg23: memref<!tpu.dma_semaphore, #tpu.memory_space<semaphore_mem>>, %arg24: memref<!tpu.dma_semaphore, #tpu.memory_space<semaphore_mem>>, %arg25: memref<!tpu.dma_semaphore, #tpu.memory_space<semaphore_mem>>, %arg26: memref<!tpu.dma_semaphore, #tpu.memory_space<semaphore_mem>>) attributes {dimension_semantics = [#tpu.dimension_semantics<core_parallel>, #tpu.dimension_semantics<subcore_parallel>], iteration_bounds = array<i64: 2, 16>, scalar_prefetch = 0 : i64, scratch_operands = 20 : i64, tpu.core_type = #tpu.core_type<sc_vector_subcore>, window_params = [{transform_indices = #map}, {transform_indices = #map}, {transform_indices = #map}, {transform_indices = #map}, {transform_indices = #map1}]} {
    %mul3A = arith.constant 2 : i32
    %mul3A_0 = arith.muli %arg1, %mul3A : i32
    %add3A = arith.addi %mul3A_0, %arg0 : i32
    %mul3A_1 = arith.constant 6272 : i32
    %mul3A_2 = arith.muli %arg1, %mul3A_1 : i32
    %scan3A = arith.constant 0 : i32
    %scan3A_3 = arith.constant 0 : i32
    %scan3A_4 = arith.constant 49 : i32
    %scan3A_5 = arith.addi %scan3A_3, %scan3A_4 : i32
    %scan3A_6 = arith.constant 1 : i32
    scf.for %scan3A_21 = %scan3A_3 to %scan3A_5 step %scan3A_6  : i32 {
      %mul3A_22 = arith.constant 128 : i32
      %mul3A_23 = arith.muli %scan3A_21, %mul3A_22 : i32
      %add3A_24 = arith.addi %mul3A_2, %mul3A_23 : i32
      %run_scoped3A = arith.constant 0 : i32
      "tpu.region"() ({
        %run_scoped3A_26 = tpu.sem_alloc : memref<!tpu.dma_semaphore, #tpu.memory_space<semaphore_mem>>
        %dma_start3A = arith.constant 0 : i32
        %dma_start3A_27 = arith.constant 0 : i32
        %dma_start3A_28 = tpu.memref_slice %arg10[%run_scoped3A, %dma_start3A, %dma_start3A_27] : memref<8x128x16xf32, #tpu.memory_space<vmem>> -> memref<1x128x16xf32, #tpu.memory_space<vmem>>
        %dma_start3A_29 = tpu.memref_squeeze %dma_start3A_28 : memref<1x128x16xf32, #tpu.memory_space<vmem>> -> memref<128x16xf32, #tpu.memory_space<vmem>>
        %dma_start3A_30 = arith.constant 0 : i32
        %dma_start3A_31 = tpu.memref_slice %arg5[%add3A_24, %dma_start3A_30] : memref<100352x16xf32, #tpu.memory_space<hbm>> -> memref<128x16xf32, #tpu.memory_space<hbm>>
        %dma_start3A_32 = arith.constant 0 : i32
        %dma_start3A_33 = arith.constant 0 : i32
        %dma_start3A_34 = tpu.memref_slice %arg10[%run_scoped3A, %dma_start3A_32, %dma_start3A_33] : memref<8x128x16xf32, #tpu.memory_space<vmem>> -> memref<1x128x16xf32, #tpu.memory_space<vmem>>
        %dma_start3A_35 = tpu.memref_squeeze %dma_start3A_34 : memref<1x128x16xf32, #tpu.memory_space<vmem>> -> memref<128x16xf32, #tpu.memory_space<vmem>>
        %dma_start3A_36 = arith.constant 0 : i32
        %dma_start3A_37 = tpu.memref_slice %arg5[%add3A_24, %dma_start3A_36] : memref<100352x16xf32, #tpu.memory_space<hbm>> -> memref<128x16xf32, #tpu.memory_space<hbm>>
        tpu.enqueue_dma source(%dma_start3A_37 : memref<128x16xf32, #tpu.memory_space<hbm>>) target(%dma_start3A_35 : memref<128x16xf32, #tpu.memory_space<vmem>>) target_semaphore(%run_scoped3A_26 : memref<!tpu.dma_semaphore, #tpu.memory_space<semaphore_mem>>)
        %dma_wait3A = arith.constant 0 : i32
        %dma_wait3A_38 = arith.constant 0 : i32
        %dma_wait3A_39 = tpu.memref_slice %arg10[%run_scoped3A, %dma_wait3A, %dma_wait3A_38] : memref<8x128x16xf32, #tpu.memory_space<vmem>> -> memref<1x128x16xf32, #tpu.memory_space<vmem>>
        %dma_wait3A_40 = tpu.memref_squeeze %dma_wait3A_39 : memref<1x128x16xf32, #tpu.memory_space<vmem>> -> memref<128x16xf32, #tpu.memory_space<vmem>>
        %dma_wait3A_41 = arith.constant 0 : i32
        %dma_wait3A_42 = tpu.memref_slice %arg5[%add3A_24, %dma_wait3A_41] : memref<100352x16xf32, #tpu.memory_space<hbm>> -> memref<128x16xf32, #tpu.memory_space<hbm>>
        %dma_wait3A_43 = arith.constant 0 : i32
        %dma_wait3A_44 = arith.constant 0 : i32
        %dma_wait3A_45 = tpu.memref_slice %arg10[%run_scoped3A, %dma_wait3A_43, %dma_wait3A_44] : memref<8x128x16xf32, #tpu.memory_space<vmem>> -> memref<1x128x16xf32, #tpu.memory_space<vmem>>
        %dma_wait3A_46 = tpu.memref_squeeze %dma_wait3A_45 : memref<1x128x16xf32, #tpu.memory_space<vmem>> -> memref<128x16xf32, #tpu.memory_space<vmem>>
        %dma_wait3A_47 = arith.constant 0 : i32
        %dma_wait3A_48 = tpu.memref_slice %arg5[%add3A_24, %dma_wait3A_47] : memref<100352x16xf32, #tpu.memory_space<hbm>> -> memref<128x16xf32, #tpu.memory_space<hbm>>
        tpu.wait_dma2 semaphore(%run_scoped3A_26 : memref<!tpu.dma_semaphore, #tpu.memory_space<semaphore_mem>>) src(%dma_wait3A_48 : memref<128x16xf32, #tpu.memory_space<hbm>>) dst(%dma_wait3A_46 : memref<128x16xf32, #tpu.memory_space<vmem>>)
        tpu.yield
      }) : () -> ()
      %run_scoped3A_25 = arith.constant 0 : i32
      "tpu.region"() ({
        %run_scoped3A_26 = tpu.sem_alloc : memref<!tpu.dma_semaphore, #tpu.memory_space<semaphore_mem>>
        %dma_start3A = arith.constant 0 : i32
        %dma_start3A_27 = arith.constant 0 : i32
        %dma_start3A_28 = tpu.memref_slice %arg10[%run_scoped3A_25, %dma_start3A, %dma_start3A_27] : memref<8x128x16xf32, #tpu.memory_space<vmem>> -> memref<1x128x16xf32, #tpu.memory_space<vmem>>
        %dma_start3A_29 = tpu.memref_squeeze %dma_start3A_28 : memref<1x128x16xf32, #tpu.memory_space<vmem>> -> memref<128x16xf32, #tpu.memory_space<vmem>>
        %dma_start3A_30 = arith.constant 0 : i32
        %dma_start3A_31 = tpu.memref_slice %arg7[%add3A_24, %dma_start3A_30] : memref<100352x16xf32, #tpu.memory_space<vmem_shared>> -> memref<128x16xf32, #tpu.memory_space<vmem_shared>>
        %dma_start3A_32 = arith.constant 0 : i32
        %dma_start3A_33 = tpu.memref_slice %arg7[%add3A_24, %dma_start3A_32] : memref<100352x16xf32, #tpu.memory_space<vmem_shared>> -> memref<128x16xf32, #tpu.memory_space<vmem_shared>>
        %dma_start3A_34 = arith.constant 0 : i32
        %dma_start3A_35 = arith.constant 0 : i32
        %dma_start3A_36 = tpu.memref_slice %arg10[%run_scoped3A_25, %dma_start3A_34, %dma_start3A_35] : memref<8x128x16xf32, #tpu.memory_space<vmem>> -> memref<1x128x16xf32, #tpu.memory_space<vmem>>
        %dma_start3A_37 = tpu.memref_squeeze %dma_start3A_36 : memref<1x128x16xf32, #tpu.memory_space<vmem>> -> memref<128x16xf32, #tpu.memory_space<vmem>>
        tpu.enqueue_dma source(%dma_start3A_37 : memref<128x16xf32, #tpu.memory_space<vmem>>) target(%dma_start3A_33 : memref<128x16xf32, #tpu.memory_space<vmem_shared>>) target_semaphore(%run_scoped3A_26 : memref<!tpu.dma_semaphore, #tpu.memory_space<semaphore_mem>>)
        %dma_wait3A = arith.constant 0 : i32
        %dma_wait3A_38 = arith.constant 0 : i32
        %dma_wait3A_39 = tpu.memref_slice %arg10[%run_scoped3A_25, %dma_wait3A, %dma_wait3A_38] : memref<8x128x16xf32, #tpu.memory_space<vmem>> -> memref<1x128x16xf32, #tpu.memory_space<vmem>>
        %dma_wait3A_40 = tpu.memref_squeeze %dma_wait3A_39 : memref<1x128x16xf32, #tpu.memory_space<vmem>> -> memref<128x16xf32, #tpu.memory_space<vmem>>
        %dma_wait3A_41 = arith.constant 0 : i32
        %dma_wait3A_42 = tpu.memref_slice %arg7[%add3A_24, %dma_wait3A_41] : memref<100352x16xf32, #tpu.memory_space<vmem_shared>> -> memref<128x16xf32, #tpu.memory_space<vmem_shared>>
        %dma_wait3A_43 = arith.constant 0 : i32
        %dma_wait3A_44 = tpu.memref_slice %arg7[%add3A_24, %dma_wait3A_43] : memref<100352x16xf32, #tpu.memory_space<vmem_shared>> -> memref<128x16xf32, #tpu.memory_space<vmem_shared>>
        %dma_wait3A_45 = arith.constant 0 : i32
        %dma_wait3A_46 = arith.constant 0 : i32
        %dma_wait3A_47 = tpu.memref_slice %arg10[%run_scoped3A_25, %dma_wait3A_45, %dma_wait3A_46] : memref<8x128x16xf32, #tpu.memory_space<vmem>> -> memref<1x128x16xf32, #tpu.memory_space<vmem>>
        %dma_wait3A_48 = tpu.memref_squeeze %dma_wait3A_47 : memref<1x128x16xf32, #tpu.memory_space<vmem>> -> memref<128x16xf32, #tpu.memory_space<vmem>>
        tpu.wait_dma2 semaphore(%run_scoped3A_26 : memref<!tpu.dma_semaphore, #tpu.memory_space<semaphore_mem>>) src(%dma_wait3A_48 : memref<128x16xf32, #tpu.memory_space<vmem>>) dst(%dma_wait3A_44 : memref<128x16xf32, #tpu.memory_space<vmem_shared>>)
        tpu.yield
      }) : () -> ()
    }
    %scan3A_7 = arith.constant 49 : i32
    %barrier3A = arith.constant 0 : index
    tpu.barrier barrier_id(%barrier3A)
    %scan3A_8 = arith.constant 0 : i32
    %scan3A_9 = arith.constant 0 : i32
    %scan3A_10 = arith.constant 49 : i32
    %scan3A_11 = arith.addi %scan3A_9, %scan3A_10 : i32
    %scan3A_12 = arith.constant 1 : i32
    scf.for %scan3A_21 = %scan3A_9 to %scan3A_11 step %scan3A_12  : i32 {
      %mul3A_22 = arith.constant 32 : i32
      %mul3A_23 = arith.muli %scan3A_21, %mul3A_22 : i32
      %add3A_24 = arith.addi %mul3A_23, %add3A : i32
      %mul3A_25 = arith.constant 16 : i32
      %mul3A_26 = arith.muli %add3A_24, %mul3A_25 : i32
      "tpu.region"() ({
        %run_scoped3A = tpu.sem_alloc : memref<!tpu.dma_semaphore, #tpu.memory_space<semaphore_mem>>
        %dma_start3A_793 = arith.constant 0 : i32
        %dma_start3A_794 = tpu.memref_slice %arg2[%mul3A_26, %dma_start3A_793] : memref<25088x128xi32, #tpu.memory_space<hbm>> -> memref<16x128xi32, #tpu.memory_space<hbm>>
        %dma_start3A_795 = arith.constant 0 : i32
        %dma_start3A_796 = tpu.memref_slice %arg2[%mul3A_26, %dma_start3A_795] : memref<25088x128xi32, #tpu.memory_space<hbm>> -> memref<16x128xi32, #tpu.memory_space<hbm>>
        tpu.enqueue_dma source(%dma_start3A_796 : memref<16x128xi32, #tpu.memory_space<hbm>>) target(%arg8 : memref<16x128xi32, #tpu.memory_space<vmem>>) target_semaphore(%run_scoped3A : memref<!tpu.dma_semaphore, #tpu.memory_space<semaphore_mem>>)
        %dma_wait3A_797 = arith.constant 0 : i32
        %dma_wait3A_798 = tpu.memref_slice %arg2[%mul3A_26, %dma_wait3A_797] : memref<25088x128xi32, #tpu.memory_space<hbm>> -> memref<16x128xi32, #tpu.memory_space<hbm>>
        %dma_wait3A_799 = arith.constant 0 : i32
        %dma_wait3A_800 = tpu.memref_slice %arg2[%mul3A_26, %dma_wait3A_799] : memref<25088x128xi32, #tpu.memory_space<hbm>> -> memref<16x128xi32, #tpu.memory_space<hbm>>
        tpu.wait_dma2 semaphore(%run_scoped3A : memref<!tpu.dma_semaphore, #tpu.memory_space<semaphore_mem>>) src(%dma_wait3A_800 : memref<16x128xi32, #tpu.memory_space<hbm>>) dst(%arg8 : memref<16x128xi32, #tpu.memory_space<vmem>>)
        tpu.yield
      }) : () -> ()
      "tpu.region"() ({
        %run_scoped3A = tpu.sem_alloc : memref<!tpu.dma_semaphore, #tpu.memory_space<semaphore_mem>>
        %dma_start3A_793 = arith.constant 0 : i32
        %dma_start3A_794 = tpu.memref_slice %arg3[%mul3A_26, %dma_start3A_793] : memref<25088x128xi32, #tpu.memory_space<hbm>> -> memref<16x128xi32, #tpu.memory_space<hbm>>
        %dma_start3A_795 = arith.constant 0 : i32
        %dma_start3A_796 = tpu.memref_slice %arg3[%mul3A_26, %dma_start3A_795] : memref<25088x128xi32, #tpu.memory_space<hbm>> -> memref<16x128xi32, #tpu.memory_space<hbm>>
        tpu.enqueue_dma source(%dma_start3A_796 : memref<16x128xi32, #tpu.memory_space<hbm>>) target(%arg9 : memref<16x128xi32, #tpu.memory_space<vmem>>) target_semaphore(%run_scoped3A : memref<!tpu.dma_semaphore, #tpu.memory_space<semaphore_mem>>)
        %dma_wait3A_797 = arith.constant 0 : i32
        %dma_wait3A_798 = tpu.memref_slice %arg3[%mul3A_26, %dma_wait3A_797] : memref<25088x128xi32, #tpu.memory_space<hbm>> -> memref<16x128xi32, #tpu.memory_space<hbm>>
        %dma_wait3A_799 = arith.constant 0 : i32
        %dma_wait3A_800 = tpu.memref_slice %arg3[%mul3A_26, %dma_wait3A_799] : memref<25088x128xi32, #tpu.memory_space<hbm>> -> memref<16x128xi32, #tpu.memory_space<hbm>>
        tpu.wait_dma2 semaphore(%run_scoped3A : memref<!tpu.dma_semaphore, #tpu.memory_space<semaphore_mem>>) src(%dma_wait3A_800 : memref<16x128xi32, #tpu.memory_space<hbm>>) dst(%arg9 : memref<16x128xi32, #tpu.memory_space<vmem>>)
        tpu.yield
      }) : () -> ()
      %dma_start3A = arith.constant 0 : i32
      %dma_start3A_27 = arith.constant 0 : i32
      %dma_start3A_28 = arith.constant 0 : i32
      %dma_start3A_29 = arith.constant 0 : i32
      %dma_start3A_30 = tpu.memref_slice %arg10[%dma_start3A_27, %dma_start3A_28, %dma_start3A_29] : memref<8x128x16xf32, #tpu.memory_space<vmem>> -> memref<1x128x16xf32, #tpu.memory_space<vmem>>
      %dma_start3A_31 = tpu.memref_squeeze %dma_start3A_30 : memref<1x128x16xf32, #tpu.memory_space<vmem>> -> memref<128x16xf32, #tpu.memory_space<vmem>>
      %dma_start3A_32 = arith.constant 0 : i32
      %dma_start3A_33 = tpu.memref_slice %arg8[%dma_start3A, %dma_start3A_32] : memref<16x128xi32, #tpu.memory_space<vmem>> -> memref<1x128xi32, #tpu.memory_space<vmem>>
      %dma_start3A_34 = tpu.memref_squeeze %dma_start3A_33 : memref<1x128xi32, #tpu.memory_space<vmem>> -> memref<128xi32, #tpu.memory_space<vmem>>
      %dma_start3A_35 = arith.constant 0 : i32
      %dma_start3A_36 = arith.constant 0 : i32
      %dma_start3A_37 = tpu.memref_slice %arg4[%dma_start3A_35, %dma_start3A_36] : memref<100352x16xf32, #tpu.memory_space<hbm>> -> memref<100352x16xf32, #tpu.memory_space<hbm>>
      tpu.enqueue_indirect_dma source(%dma_start3A_37 : memref<100352x16xf32, #tpu.memory_space<hbm>>) target(%dma_start3A_31 : memref<128x16xf32, #tpu.memory_space<vmem>>) offsets(%dma_start3A_34 : memref<128xi32, #tpu.memory_space<vmem>>) semaphore(%arg11 : memref<!tpu.dma_semaphore, #tpu.memory_space<semaphore_mem>>)
      %dma_start3A_38 = arith.constant 1 : i32
      %dma_start3A_39 = arith.constant 1 : i32
      %dma_start3A_40 = arith.constant 0 : i32
      %dma_start3A_41 = arith.constant 0 : i32
      %dma_start3A_42 = tpu.memref_slice %arg10[%dma_start3A_39, %dma_start3A_40, %dma_start3A_41] : memref<8x128x16xf32, #tpu.memory_space<vmem>> -> memref<1x128x16xf32, #tpu.memory_space<vmem>>
      %dma_start3A_43 = tpu.memref_squeeze %dma_start3A_42 : memref<1x128x16xf32, #tpu.memory_space<vmem>> -> memref<128x16xf32, #tpu.memory_space<vmem>>
      %dma_start3A_44 = arith.constant 0 : i32
      %dma_start3A_45 = tpu.memref_slice %arg8[%dma_start3A_38, %dma_start3A_44] : memref<16x128xi32, #tpu.memory_space<vmem>> -> memref<1x128xi32, #tpu.memory_space<vmem>>
      %dma_start3A_46 = tpu.memref_squeeze %dma_start3A_45 : memref<1x128xi32, #tpu.memory_space<vmem>> -> memref<128xi32, #tpu.memory_space<vmem>>
      %dma_start3A_47 = arith.constant 0 : i32
      %dma_start3A_48 = arith.constant 0 : i32
      %dma_start3A_49 = tpu.memref_slice %arg4[%dma_start3A_47, %dma_start3A_48] : memref<100352x16xf32, #tpu.memory_space<hbm>> -> memref<100352x16xf32, #tpu.memory_space<hbm>>
      tpu.enqueue_indirect_dma source(%dma_start3A_49 : memref<100352x16xf32, #tpu.memory_space<hbm>>) target(%dma_start3A_43 : memref<128x16xf32, #tpu.memory_space<vmem>>) offsets(%dma_start3A_46 : memref<128xi32, #tpu.memory_space<vmem>>) semaphore(%arg12 : memref<!tpu.dma_semaphore, #tpu.memory_space<semaphore_mem>>)
      %dma_start3A_50 = arith.constant 2 : i32
      %dma_start3A_51 = arith.constant 2 : i32
      %dma_start3A_52 = arith.constant 0 : i32
      %dma_start3A_53 = arith.constant 0 : i32
      %dma_start3A_54 = tpu.memref_slice %arg10[%dma_start3A_51, %dma_start3A_52, %dma_start3A_53] : memref<8x128x16xf32, #tpu.memory_space<vmem>> -> memref<1x128x16xf32, #tpu.memory_space<vmem>>
      %dma_start3A_55 = tpu.memref_squeeze %dma_start3A_54 : memref<1x128x16xf32, #tpu.memory_space<vmem>> -> memref<128x16xf32, #tpu.memory_space<vmem>>
      %dma_start3A_56 = arith.constant 0 : i32
      %dma_start3A_57 = tpu.memref_slice %arg8[%dma_start3A_50, %dma_start3A_56] : memref<16x128xi32, #tpu.memory_space<vmem>> -> memref<1x128xi32, #tpu.memory_space<vmem>>
      %dma_start3A_58 = tpu.memref_squeeze %dma_start3A_57 : memref<1x128xi32, #tpu.memory_space<vmem>> -> memref<128xi32, #tpu.memory_space<vmem>>
      %dma_start3A_59 = arith.constant 0 : i32
      %dma_start3A_60 = arith.constant 0 : i32
      %dma_start3A_61 = tpu.memref_slice %arg4[%dma_start3A_59, %dma_start3A_60] : memref<100352x16xf32, #tpu.memory_space<hbm>> -> memref<100352x16xf32, #tpu.memory_space<hbm>>
      tpu.enqueue_indirect_dma source(%dma_start3A_61 : memref<100352x16xf32, #tpu.memory_space<hbm>>) target(%dma_start3A_55 : memref<128x16xf32, #tpu.memory_space<vmem>>) offsets(%dma_start3A_58 : memref<128xi32, #tpu.memory_space<vmem>>) semaphore(%arg13 : memref<!tpu.dma_semaphore, #tpu.memory_space<semaphore_mem>>)
      %dma_start3A_62 = arith.constant 3 : i32
      %dma_start3A_63 = arith.constant 3 : i32
      %dma_start3A_64 = arith.constant 0 : i32
      %dma_start3A_65 = arith.constant 0 : i32
      %dma_start3A_66 = tpu.memref_slice %arg10[%dma_start3A_63, %dma_start3A_64, %dma_start3A_65] : memref<8x128x16xf32, #tpu.memory_space<vmem>> -> memref<1x128x16xf32, #tpu.memory_space<vmem>>
      %dma_start3A_67 = tpu.memref_squeeze %dma_start3A_66 : memref<1x128x16xf32, #tpu.memory_space<vmem>> -> memref<128x16xf32, #tpu.memory_space<vmem>>
      %dma_start3A_68 = arith.constant 0 : i32
      %dma_start3A_69 = tpu.memref_slice %arg8[%dma_start3A_62, %dma_start3A_68] : memref<16x128xi32, #tpu.memory_space<vmem>> -> memref<1x128xi32, #tpu.memory_space<vmem>>
      %dma_start3A_70 = tpu.memref_squeeze %dma_start3A_69 : memref<1x128xi32, #tpu.memory_space<vmem>> -> memref<128xi32, #tpu.memory_space<vmem>>
      %dma_start3A_71 = arith.constant 0 : i32
      %dma_start3A_72 = arith.constant 0 : i32
      %dma_start3A_73 = tpu.memref_slice %arg4[%dma_start3A_71, %dma_start3A_72] : memref<100352x16xf32, #tpu.memory_space<hbm>> -> memref<100352x16xf32, #tpu.memory_space<hbm>>
      tpu.enqueue_indirect_dma source(%dma_start3A_73 : memref<100352x16xf32, #tpu.memory_space<hbm>>) target(%dma_start3A_67 : memref<128x16xf32, #tpu.memory_space<vmem>>) offsets(%dma_start3A_70 : memref<128xi32, #tpu.memory_space<vmem>>) semaphore(%arg14 : memref<!tpu.dma_semaphore, #tpu.memory_space<semaphore_mem>>)
      %dma_wait3A = arith.constant 0 : i32
      %dma_wait3A_74 = arith.constant 0 : i32
      %dma_wait3A_75 = arith.constant 0 : i32
      %dma_wait3A_76 = arith.constant 0 : i32
      %dma_wait3A_77 = tpu.memref_slice %arg10[%dma_wait3A_74, %dma_wait3A_75, %dma_wait3A_76] : memref<8x128x16xf32, #tpu.memory_space<vmem>> -> memref<1x128x16xf32, #tpu.memory_space<vmem>>
      %dma_wait3A_78 = tpu.memref_squeeze %dma_wait3A_77 : memref<1x128x16xf32, #tpu.memory_space<vmem>> -> memref<128x16xf32, #tpu.memory_space<vmem>>
      %dma_wait3A_79 = arith.constant 0 : i32
      %dma_wait3A_80 = tpu.memref_slice %arg8[%dma_wait3A, %dma_wait3A_79] : memref<16x128xi32, #tpu.memory_space<vmem>> -> memref<1x128xi32, #tpu.memory_space<vmem>>
      %dma_wait3A_81 = tpu.memref_squeeze %dma_wait3A_80 : memref<1x128xi32, #tpu.memory_space<vmem>> -> memref<128xi32, #tpu.memory_space<vmem>>
      %dma_wait3A_82 = arith.constant 0 : i32
      %dma_wait3A_83 = arith.constant 0 : i32
      %dma_wait3A_84 = tpu.memref_slice %arg4[%dma_wait3A_82, %dma_wait3A_83] : memref<100352x16xf32, #tpu.memory_space<hbm>> -> memref<100352x16xf32, #tpu.memory_space<hbm>>
      tpu.wait_indirect_dma semaphore(%arg11 : memref<!tpu.dma_semaphore, #tpu.memory_space<semaphore_mem>>) src(%dma_wait3A_84 : memref<100352x16xf32, #tpu.memory_space<hbm>>) dst(%dma_wait3A_78 : memref<128x16xf32, #tpu.memory_space<vmem>>)
      %dma_start3A_85 = arith.constant 0 : i32
      %dma_start3A_86 = arith.constant 0 : i32
      %dma_start3A_87 = arith.constant 0 : i32
      %dma_start3A_88 = arith.constant 0 : i32
      %dma_start3A_89 = tpu.memref_slice %arg10[%dma_start3A_85, %dma_start3A_87, %dma_start3A_88] : memref<8x128x16xf32, #tpu.memory_space<vmem>> -> memref<1x128x16xf32, #tpu.memory_space<vmem>>
      %dma_start3A_90 = tpu.memref_squeeze %dma_start3A_89 : memref<1x128x16xf32, #tpu.memory_space<vmem>> -> memref<128x16xf32, #tpu.memory_space<vmem>>
      %dma_start3A_91 = arith.constant 0 : i32
      %dma_start3A_92 = tpu.memref_slice %arg9[%dma_start3A_86, %dma_start3A_91] : memref<16x128xi32, #tpu.memory_space<vmem>> -> memref<1x128xi32, #tpu.memory_space<vmem>>
      %dma_start3A_93 = tpu.memref_squeeze %dma_start3A_92 : memref<1x128xi32, #tpu.memory_space<vmem>> -> memref<128xi32, #tpu.memory_space<vmem>>
      %dma_start3A_94 = arith.constant 0 : i32
      %dma_start3A_95 = arith.constant 0 : i32
      %dma_start3A_96 = tpu.memref_slice %arg7[%dma_start3A_94, %dma_start3A_95] : memref<100352x16xf32, #tpu.memory_space<vmem_shared>> -> memref<100352x16xf32, #tpu.memory_space<vmem_shared>>
      tpu.enqueue_indirect_dma source(%dma_start3A_90 : memref<128x16xf32, #tpu.memory_space<vmem>>) target(%dma_start3A_96 : memref<100352x16xf32, #tpu.memory_space<vmem_shared>>) offsets(%dma_start3A_93 : memref<128xi32, #tpu.memory_space<vmem>>) semaphore(%arg19 : memref<!tpu.dma_semaphore, #tpu.memory_space<semaphore_mem>>) {add = true}
      %dma_start3A_97 = arith.constant 4 : i32
      %dma_start3A_98 = arith.constant 4 : i32
      %dma_start3A_99 = arith.constant 0 : i32
      %dma_start3A_100 = arith.constant 0 : i32
      %dma_start3A_101 = tpu.memref_slice %arg10[%dma_start3A_98, %dma_start3A_99, %dma_start3A_100] : memref<8x128x16xf32, #tpu.memory_space<vmem>> -> memref<1x128x16xf32, #tpu.memory_space<vmem>>
      %dma_start3A_102 = tpu.memref_squeeze %dma_start3A_101 : memref<1x128x16xf32, #tpu.memory_space<vmem>> -> memref<128x16xf32, #tpu.memory_space<vmem>>
      %dma_start3A_103 = arith.constant 0 : i32
      %dma_start3A_104 = tpu.memref_slice %arg8[%dma_start3A_97, %dma_start3A_103] : memref<16x128xi32, #tpu.memory_space<vmem>> -> memref<1x128xi32, #tpu.memory_space<vmem>>
      %dma_start3A_105 = tpu.memref_squeeze %dma_start3A_104 : memref<1x128xi32, #tpu.memory_space<vmem>> -> memref<128xi32, #tpu.memory_space<vmem>>
      %dma_start3A_106 = arith.constant 0 : i32
      %dma_start3A_107 = arith.constant 0 : i32
      %dma_start3A_108 = tpu.memref_slice %arg4[%dma_start3A_106, %dma_start3A_107] : memref<100352x16xf32, #tpu.memory_space<hbm>> -> memref<100352x16xf32, #tpu.memory_space<hbm>>
      tpu.enqueue_indirect_dma source(%dma_start3A_108 : memref<100352x16xf32, #tpu.memory_space<hbm>>) target(%dma_start3A_102 : memref<128x16xf32, #tpu.memory_space<vmem>>) offsets(%dma_start3A_105 : memref<128xi32, #tpu.memory_space<vmem>>) semaphore(%arg15 : memref<!tpu.dma_semaphore, #tpu.memory_space<semaphore_mem>>)
      %dma_wait3A_109 = arith.constant 1 : i32
      %dma_wait3A_110 = arith.constant 1 : i32
      %dma_wait3A_111 = arith.constant 0 : i32
      %dma_wait3A_112 = arith.constant 0 : i32
      %dma_wait3A_113 = tpu.memref_slice %arg10[%dma_wait3A_110, %dma_wait3A_111, %dma_wait3A_112] : memref<8x128x16xf32, #tpu.memory_space<vmem>> -> memref<1x128x16xf32, #tpu.memory_space<vmem>>
      %dma_wait3A_114 = tpu.memref_squeeze %dma_wait3A_113 : memref<1x128x16xf32, #tpu.memory_space<vmem>> -> memref<128x16xf32, #tpu.memory_space<vmem>>
      %dma_wait3A_115 = arith.constant 0 : i32
      %dma_wait3A_116 = tpu.memref_slice %arg8[%dma_wait3A_109, %dma_wait3A_115] : memref<16x128xi32, #tpu.memory_space<vmem>> -> memref<1x128xi32, #tpu.memory_space<vmem>>
      %dma_wait3A_117 = tpu.memref_squeeze %dma_wait3A_116 : memref<1x128xi32, #tpu.memory_space<vmem>> -> memref<128xi32, #tpu.memory_space<vmem>>
      %dma_wait3A_118 = arith.constant 0 : i32
      %dma_wait3A_119 = arith.constant 0 : i32
      %dma_wait3A_120 = tpu.memref_slice %arg4[%dma_wait3A_118, %dma_wait3A_119] : memref<100352x16xf32, #tpu.memory_space<hbm>> -> memref<100352x16xf32, #tpu.memory_space<hbm>>
      tpu.wait_indirect_dma semaphore(%arg12 : memref<!tpu.dma_semaphore, #tpu.memory_space<semaphore_mem>>) src(%dma_wait3A_120 : memref<100352x16xf32, #tpu.memory_space<hbm>>) dst(%dma_wait3A_114 : memref<128x16xf32, #tpu.memory_space<vmem>>)
      %dma_start3A_121 = arith.constant 1 : i32
      %dma_start3A_122 = arith.constant 1 : i32
      %dma_start3A_123 = arith.constant 0 : i32
      %dma_start3A_124 = arith.constant 0 : i32
      %dma_start3A_125 = tpu.memref_slice %arg10[%dma_start3A_121, %dma_start3A_123, %dma_start3A_124] : memref<8x128x16xf32, #tpu.memory_space<vmem>> -> memref<1x128x16xf32, #tpu.memory_space<vmem>>
      %dma_start3A_126 = tpu.memref_squeeze %dma_start3A_125 : memref<1x128x16xf32, #tpu.memory_space<vmem>> -> memref<128x16xf32, #tpu.memory_space<vmem>>
      %dma_start3A_127 = arith.constant 0 : i32
      %dma_start3A_128 = tpu.memref_slice %arg9[%dma_start3A_122, %dma_start3A_127] : memref<16x128xi32, #tpu.memory_space<vmem>> -> memref<1x128xi32, #tpu.memory_space<vmem>>
      %dma_start3A_129 = tpu.memref_squeeze %dma_start3A_128 : memref<1x128xi32, #tpu.memory_space<vmem>> -> memref<128xi32, #tpu.memory_space<vmem>>
      %dma_start3A_130 = arith.constant 0 : i32
      %dma_start3A_131 = arith.constant 0 : i32
      %dma_start3A_132 = tpu.memref_slice %arg7[%dma_start3A_130, %dma_start3A_131] : memref<100352x16xf32, #tpu.memory_space<vmem_shared>> -> memref<100352x16xf32, #tpu.memory_space<vmem_shared>>
      tpu.enqueue_indirect_dma source(%dma_start3A_126 : memref<128x16xf32, #tpu.memory_space<vmem>>) target(%dma_start3A_132 : memref<100352x16xf32, #tpu.memory_space<vmem_shared>>) offsets(%dma_start3A_129 : memref<128xi32, #tpu.memory_space<vmem>>) semaphore(%arg20 : memref<!tpu.dma_semaphore, #tpu.memory_space<semaphore_mem>>) {add = true}
      %dma_start3A_133 = arith.constant 5 : i32
      %dma_start3A_134 = arith.constant 5 : i32
      %dma_start3A_135 = arith.constant 0 : i32
      %dma_start3A_136 = arith.constant 0 : i32
      %dma_start3A_137 = tpu.memref_slice %arg10[%dma_start3A_134, %dma_start3A_135, %dma_start3A_136] : memref<8x128x16xf32, #tpu.memory_space<vmem>> -> memref<1x128x16xf32, #tpu.memory_space<vmem>>
      %dma_start3A_138 = tpu.memref_squeeze %dma_start3A_137 : memref<1x128x16xf32, #tpu.memory_space<vmem>> -> memref<128x16xf32, #tpu.memory_space<vmem>>
      %dma_start3A_139 = arith.constant 0 : i32
      %dma_start3A_140 = tpu.memref_slice %arg8[%dma_start3A_133, %dma_start3A_139] : memref<16x128xi32, #tpu.memory_space<vmem>> -> memref<1x128xi32, #tpu.memory_space<vmem>>
      %dma_start3A_141 = tpu.memref_squeeze %dma_start3A_140 : memref<1x128xi32, #tpu.memory_space<vmem>> -> memref<128xi32, #tpu.memory_space<vmem>>
      %dma_start3A_142 = arith.constant 0 : i32
      %dma_start3A_143 = arith.constant 0 : i32
      %dma_start3A_144 = tpu.memref_slice %arg4[%dma_start3A_142, %dma_start3A_143] : memref<100352x16xf32, #tpu.memory_space<hbm>> -> memref<100352x16xf32, #tpu.memory_space<hbm>>
      tpu.enqueue_indirect_dma source(%dma_start3A_144 : memref<100352x16xf32, #tpu.memory_space<hbm>>) target(%dma_start3A_138 : memref<128x16xf32, #tpu.memory_space<vmem>>) offsets(%dma_start3A_141 : memref<128xi32, #tpu.memory_space<vmem>>) semaphore(%arg16 : memref<!tpu.dma_semaphore, #tpu.memory_space<semaphore_mem>>)
      %dma_wait3A_145 = arith.constant 2 : i32
      %dma_wait3A_146 = arith.constant 2 : i32
      %dma_wait3A_147 = arith.constant 0 : i32
      %dma_wait3A_148 = arith.constant 0 : i32
      %dma_wait3A_149 = tpu.memref_slice %arg10[%dma_wait3A_146, %dma_wait3A_147, %dma_wait3A_148] : memref<8x128x16xf32, #tpu.memory_space<vmem>> -> memref<1x128x16xf32, #tpu.memory_space<vmem>>
      %dma_wait3A_150 = tpu.memref_squeeze %dma_wait3A_149 : memref<1x128x16xf32, #tpu.memory_space<vmem>> -> memref<128x16xf32, #tpu.memory_space<vmem>>
      %dma_wait3A_151 = arith.constant 0 : i32
      %dma_wait3A_152 = tpu.memref_slice %arg8[%dma_wait3A_145, %dma_wait3A_151] : memref<16x128xi32, #tpu.memory_space<vmem>> -> memref<1x128xi32, #tpu.memory_space<vmem>>
      %dma_wait3A_153 = tpu.memref_squeeze %dma_wait3A_152 : memref<1x128xi32, #tpu.memory_space<vmem>> -> memref<128xi32, #tpu.memory_space<vmem>>
      %dma_wait3A_154 = arith.constant 0 : i32
      %dma_wait3A_155 = arith.constant 0 : i32
      %dma_wait3A_156 = tpu.memref_slice %arg4[%dma_wait3A_154, %dma_wait3A_155] : memref<100352x16xf32, #tpu.memory_space<hbm>> -> memref<100352x16xf32, #tpu.memory_space<hbm>>
      tpu.wait_indirect_dma semaphore(%arg13 : memref<!tpu.dma_semaphore, #tpu.memory_space<semaphore_mem>>) src(%dma_wait3A_156 : memref<100352x16xf32, #tpu.memory_space<hbm>>) dst(%dma_wait3A_150 : memref<128x16xf32, #tpu.memory_space<vmem>>)
      %dma_start3A_157 = arith.constant 2 : i32
      %dma_start3A_158 = arith.constant 2 : i32
      %dma_start3A_159 = arith.constant 0 : i32
      %dma_start3A_160 = arith.constant 0 : i32
      %dma_start3A_161 = tpu.memref_slice %arg10[%dma_start3A_157, %dma_start3A_159, %dma_start3A_160] : memref<8x128x16xf32, #tpu.memory_space<vmem>> -> memref<1x128x16xf32, #tpu.memory_space<vmem>>
      %dma_start3A_162 = tpu.memref_squeeze %dma_start3A_161 : memref<1x128x16xf32, #tpu.memory_space<vmem>> -> memref<128x16xf32, #tpu.memory_space<vmem>>
      %dma_start3A_163 = arith.constant 0 : i32
      %dma_start3A_164 = tpu.memref_slice %arg9[%dma_start3A_158, %dma_start3A_163] : memref<16x128xi32, #tpu.memory_space<vmem>> -> memref<1x128xi32, #tpu.memory_space<vmem>>
      %dma_start3A_165 = tpu.memref_squeeze %dma_start3A_164 : memref<1x128xi32, #tpu.memory_space<vmem>> -> memref<128xi32, #tpu.memory_space<vmem>>
      %dma_start3A_166 = arith.constant 0 : i32
      %dma_start3A_167 = arith.constant 0 : i32
      %dma_start3A_168 = tpu.memref_slice %arg7[%dma_start3A_166, %dma_start3A_167] : memref<100352x16xf32, #tpu.memory_space<vmem_shared>> -> memref<100352x16xf32, #tpu.memory_space<vmem_shared>>
      tpu.enqueue_indirect_dma source(%dma_start3A_162 : memref<128x16xf32, #tpu.memory_space<vmem>>) target(%dma_start3A_168 : memref<100352x16xf32, #tpu.memory_space<vmem_shared>>) offsets(%dma_start3A_165 : memref<128xi32, #tpu.memory_space<vmem>>) semaphore(%arg21 : memref<!tpu.dma_semaphore, #tpu.memory_space<semaphore_mem>>) {add = true}
      %dma_start3A_169 = arith.constant 6 : i32
      %dma_start3A_170 = arith.constant 6 : i32
      %dma_start3A_171 = arith.constant 0 : i32
      %dma_start3A_172 = arith.constant 0 : i32
      %dma_start3A_173 = tpu.memref_slice %arg10[%dma_start3A_170, %dma_start3A_171, %dma_start3A_172] : memref<8x128x16xf32, #tpu.memory_space<vmem>> -> memref<1x128x16xf32, #tpu.memory_space<vmem>>
      %dma_start3A_174 = tpu.memref_squeeze %dma_start3A_173 : memref<1x128x16xf32, #tpu.memory_space<vmem>> -> memref<128x16xf32, #tpu.memory_space<vmem>>
      %dma_start3A_175 = arith.constant 0 : i32
      %dma_start3A_176 = tpu.memref_slice %arg8[%dma_start3A_169, %dma_start3A_175] : memref<16x128xi32, #tpu.memory_space<vmem>> -> memref<1x128xi32, #tpu.memory_space<vmem>>
      %dma_start3A_177 = tpu.memref_squeeze %dma_start3A_176 : memref<1x128xi32, #tpu.memory_space<vmem>> -> memref<128xi32, #tpu.memory_space<vmem>>
      %dma_start3A_178 = arith.constant 0 : i32
      %dma_start3A_179 = arith.constant 0 : i32
      %dma_start3A_180 = tpu.memref_slice %arg4[%dma_start3A_178, %dma_start3A_179] : memref<100352x16xf32, #tpu.memory_space<hbm>> -> memref<100352x16xf32, #tpu.memory_space<hbm>>
      tpu.enqueue_indirect_dma source(%dma_start3A_180 : memref<100352x16xf32, #tpu.memory_space<hbm>>) target(%dma_start3A_174 : memref<128x16xf32, #tpu.memory_space<vmem>>) offsets(%dma_start3A_177 : memref<128xi32, #tpu.memory_space<vmem>>) semaphore(%arg17 : memref<!tpu.dma_semaphore, #tpu.memory_space<semaphore_mem>>)
      %dma_wait3A_181 = arith.constant 3 : i32
      %dma_wait3A_182 = arith.constant 3 : i32
      %dma_wait3A_183 = arith.constant 0 : i32
      %dma_wait3A_184 = arith.constant 0 : i32
      %dma_wait3A_185 = tpu.memref_slice %arg10[%dma_wait3A_182, %dma_wait3A_183, %dma_wait3A_184] : memref<8x128x16xf32, #tpu.memory_space<vmem>> -> memref<1x128x16xf32, #tpu.memory_space<vmem>>
      %dma_wait3A_186 = tpu.memref_squeeze %dma_wait3A_185 : memref<1x128x16xf32, #tpu.memory_space<vmem>> -> memref<128x16xf32, #tpu.memory_space<vmem>>
      %dma_wait3A_187 = arith.constant 0 : i32
      %dma_wait3A_188 = tpu.memref_slice %arg8[%dma_wait3A_181, %dma_wait3A_187] : memref<16x128xi32, #tpu.memory_space<vmem>> -> memref<1x128xi32, #tpu.memory_space<vmem>>
      %dma_wait3A_189 = tpu.memref_squeeze %dma_wait3A_188 : memref<1x128xi32, #tpu.memory_space<vmem>> -> memref<128xi32, #tpu.memory_space<vmem>>
      %dma_wait3A_190 = arith.constant 0 : i32
      %dma_wait3A_191 = arith.constant 0 : i32
      %dma_wait3A_192 = tpu.memref_slice %arg4[%dma_wait3A_190, %dma_wait3A_191] : memref<100352x16xf32, #tpu.memory_space<hbm>> -> memref<100352x16xf32, #tpu.memory_space<hbm>>
      tpu.wait_indirect_dma semaphore(%arg14 : memref<!tpu.dma_semaphore, #tpu.memory_space<semaphore_mem>>) src(%dma_wait3A_192 : memref<100352x16xf32, #tpu.memory_space<hbm>>) dst(%dma_wait3A_186 : memref<128x16xf32, #tpu.memory_space<vmem>>)
      %dma_start3A_193 = arith.constant 3 : i32
      %dma_start3A_194 = arith.constant 3 : i32
      %dma_start3A_195 = arith.constant 0 : i32
      %dma_start3A_196 = arith.constant 0 : i32
      %dma_start3A_197 = tpu.memref_slice %arg10[%dma_start3A_193, %dma_start3A_195, %dma_start3A_196] : memref<8x128x16xf32, #tpu.memory_space<vmem>> -> memref<1x128x16xf32, #tpu.memory_space<vmem>>
      %dma_start3A_198 = tpu.memref_squeeze %dma_start3A_197 : memref<1x128x16xf32, #tpu.memory_space<vmem>> -> memref<128x16xf32, #tpu.memory_space<vmem>>
      %dma_start3A_199 = arith.constant 0 : i32
      %dma_start3A_200 = tpu.memref_slice %arg9[%dma_start3A_194, %dma_start3A_199] : memref<16x128xi32, #tpu.memory_space<vmem>> -> memref<1x128xi32, #tpu.memory_space<vmem>>
      %dma_start3A_201 = tpu.memref_squeeze %dma_start3A_200 : memref<1x128xi32, #tpu.memory_space<vmem>> -> memref<128xi32, #tpu.memory_space<vmem>>
      %dma_start3A_202 = arith.constant 0 : i32
      %dma_start3A_203 = arith.constant 0 : i32
      %dma_start3A_204 = tpu.memref_slice %arg7[%dma_start3A_202, %dma_start3A_203] : memref<100352x16xf32, #tpu.memory_space<vmem_shared>> -> memref<100352x16xf32, #tpu.memory_space<vmem_shared>>
      tpu.enqueue_indirect_dma source(%dma_start3A_198 : memref<128x16xf32, #tpu.memory_space<vmem>>) target(%dma_start3A_204 : memref<100352x16xf32, #tpu.memory_space<vmem_shared>>) offsets(%dma_start3A_201 : memref<128xi32, #tpu.memory_space<vmem>>) semaphore(%arg22 : memref<!tpu.dma_semaphore, #tpu.memory_space<semaphore_mem>>) {add = true}
      %dma_start3A_205 = arith.constant 7 : i32
      %dma_start3A_206 = arith.constant 7 : i32
      %dma_start3A_207 = arith.constant 0 : i32
      %dma_start3A_208 = arith.constant 0 : i32
      %dma_start3A_209 = tpu.memref_slice %arg10[%dma_start3A_206, %dma_start3A_207, %dma_start3A_208] : memref<8x128x16xf32, #tpu.memory_space<vmem>> -> memref<1x128x16xf32, #tpu.memory_space<vmem>>
      %dma_start3A_210 = tpu.memref_squeeze %dma_start3A_209 : memref<1x128x16xf32, #tpu.memory_space<vmem>> -> memref<128x16xf32, #tpu.memory_space<vmem>>
      %dma_start3A_211 = arith.constant 0 : i32
      %dma_start3A_212 = tpu.memref_slice %arg8[%dma_start3A_205, %dma_start3A_211] : memref<16x128xi32, #tpu.memory_space<vmem>> -> memref<1x128xi32, #tpu.memory_space<vmem>>
      %dma_start3A_213 = tpu.memref_squeeze %dma_start3A_212 : memref<1x128xi32, #tpu.memory_space<vmem>> -> memref<128xi32, #tpu.memory_space<vmem>>
      %dma_start3A_214 = arith.constant 0 : i32
      %dma_start3A_215 = arith.constant 0 : i32
      %dma_start3A_216 = tpu.memref_slice %arg4[%dma_start3A_214, %dma_start3A_215] : memref<100352x16xf32, #tpu.memory_space<hbm>> -> memref<100352x16xf32, #tpu.memory_space<hbm>>
      tpu.enqueue_indirect_dma source(%dma_start3A_216 : memref<100352x16xf32, #tpu.memory_space<hbm>>) target(%dma_start3A_210 : memref<128x16xf32, #tpu.memory_space<vmem>>) offsets(%dma_start3A_213 : memref<128xi32, #tpu.memory_space<vmem>>) semaphore(%arg18 : memref<!tpu.dma_semaphore, #tpu.memory_space<semaphore_mem>>)
      %dma_wait3A_217 = arith.constant 4 : i32
      %dma_wait3A_218 = arith.constant 4 : i32
      %dma_wait3A_219 = arith.constant 0 : i32
      %dma_wait3A_220 = arith.constant 0 : i32
      %dma_wait3A_221 = tpu.memref_slice %arg10[%dma_wait3A_218, %dma_wait3A_219, %dma_wait3A_220] : memref<8x128x16xf32, #tpu.memory_space<vmem>> -> memref<1x128x16xf32, #tpu.memory_space<vmem>>
      %dma_wait3A_222 = tpu.memref_squeeze %dma_wait3A_221 : memref<1x128x16xf32, #tpu.memory_space<vmem>> -> memref<128x16xf32, #tpu.memory_space<vmem>>
      %dma_wait3A_223 = arith.constant 0 : i32
      %dma_wait3A_224 = tpu.memref_slice %arg8[%dma_wait3A_217, %dma_wait3A_223] : memref<16x128xi32, #tpu.memory_space<vmem>> -> memref<1x128xi32, #tpu.memory_space<vmem>>
      %dma_wait3A_225 = tpu.memref_squeeze %dma_wait3A_224 : memref<1x128xi32, #tpu.memory_space<vmem>> -> memref<128xi32, #tpu.memory_space<vmem>>
      %dma_wait3A_226 = arith.constant 0 : i32
      %dma_wait3A_227 = arith.constant 0 : i32
      %dma_wait3A_228 = tpu.memref_slice %arg4[%dma_wait3A_226, %dma_wait3A_227] : memref<100352x16xf32, #tpu.memory_space<hbm>> -> memref<100352x16xf32, #tpu.memory_space<hbm>>
      tpu.wait_indirect_dma semaphore(%arg15 : memref<!tpu.dma_semaphore, #tpu.memory_space<semaphore_mem>>) src(%dma_wait3A_228 : memref<100352x16xf32, #tpu.memory_space<hbm>>) dst(%dma_wait3A_222 : memref<128x16xf32, #tpu.memory_space<vmem>>)
      %dma_start3A_229 = arith.constant 4 : i32
      %dma_start3A_230 = arith.constant 4 : i32
      %dma_start3A_231 = arith.constant 0 : i32
      %dma_start3A_232 = arith.constant 0 : i32
      %dma_start3A_233 = tpu.memref_slice %arg10[%dma_start3A_229, %dma_start3A_231, %dma_start3A_232] : memref<8x128x16xf32, #tpu.memory_space<vmem>> -> memref<1x128x16xf32, #tpu.memory_space<vmem>>
      %dma_start3A_234 = tpu.memref_squeeze %dma_start3A_233 : memref<1x128x16xf32, #tpu.memory_space<vmem>> -> memref<128x16xf32, #tpu.memory_space<vmem>>
      %dma_start3A_235 = arith.constant 0 : i32
      %dma_start3A_236 = tpu.memref_slice %arg9[%dma_start3A_230, %dma_start3A_235] : memref<16x128xi32, #tpu.memory_space<vmem>> -> memref<1x128xi32, #tpu.memory_space<vmem>>
      %dma_start3A_237 = tpu.memref_squeeze %dma_start3A_236 : memref<1x128xi32, #tpu.memory_space<vmem>> -> memref<128xi32, #tpu.memory_space<vmem>>
      %dma_start3A_238 = arith.constant 0 : i32
      %dma_start3A_239 = arith.constant 0 : i32
      %dma_start3A_240 = tpu.memref_slice %arg7[%dma_start3A_238, %dma_start3A_239] : memref<100352x16xf32, #tpu.memory_space<vmem_shared>> -> memref<100352x16xf32, #tpu.memory_space<vmem_shared>>
      tpu.enqueue_indirect_dma source(%dma_start3A_234 : memref<128x16xf32, #tpu.memory_space<vmem>>) target(%dma_start3A_240 : memref<100352x16xf32, #tpu.memory_space<vmem_shared>>) offsets(%dma_start3A_237 : memref<128xi32, #tpu.memory_space<vmem>>) semaphore(%arg23 : memref<!tpu.dma_semaphore, #tpu.memory_space<semaphore_mem>>) {add = true}
      %dma_wait3A_241 = arith.constant 0 : i32
      %dma_wait3A_242 = arith.constant 0 : i32
      %dma_wait3A_243 = arith.constant 0 : i32
      %dma_wait3A_244 = arith.constant 0 : i32
      %dma_wait3A_245 = tpu.memref_slice %arg10[%dma_wait3A_241, %dma_wait3A_243, %dma_wait3A_244] : memref<8x128x16xf32, #tpu.memory_space<vmem>> -> memref<1x128x16xf32, #tpu.memory_space<vmem>>
      %dma_wait3A_246 = tpu.memref_squeeze %dma_wait3A_245 : memref<1x128x16xf32, #tpu.memory_space<vmem>> -> memref<128x16xf32, #tpu.memory_space<vmem>>
      %dma_wait3A_247 = arith.constant 0 : i32
      %dma_wait3A_248 = tpu.memref_slice %arg9[%dma_wait3A_242, %dma_wait3A_247] : memref<16x128xi32, #tpu.memory_space<vmem>> -> memref<1x128xi32, #tpu.memory_space<vmem>>
      %dma_wait3A_249 = tpu.memref_squeeze %dma_wait3A_248 : memref<1x128xi32, #tpu.memory_space<vmem>> -> memref<128xi32, #tpu.memory_space<vmem>>
      %dma_wait3A_250 = arith.constant 0 : i32
      %dma_wait3A_251 = arith.constant 0 : i32
      %dma_wait3A_252 = tpu.memref_slice %arg7[%dma_wait3A_250, %dma_wait3A_251] : memref<100352x16xf32, #tpu.memory_space<vmem_shared>> -> memref<100352x16xf32, #tpu.memory_space<vmem_shared>>
      tpu.wait_indirect_dma semaphore(%arg19 : memref<!tpu.dma_semaphore, #tpu.memory_space<semaphore_mem>>) src(%dma_wait3A_246 : memref<128x16xf32, #tpu.memory_space<vmem>>) dst(%dma_wait3A_252 : memref<100352x16xf32, #tpu.memory_space<vmem_shared>>)
      %dma_start3A_253 = arith.constant 8 : i32
      %dma_start3A_254 = arith.constant 0 : i32
      %dma_start3A_255 = arith.constant 0 : i32
      %dma_start3A_256 = arith.constant 0 : i32
      %dma_start3A_257 = tpu.memref_slice %arg10[%dma_start3A_254, %dma_start3A_255, %dma_start3A_256] : memref<8x128x16xf32, #tpu.memory_space<vmem>> -> memref<1x128x16xf32, #tpu.memory_space<vmem>>
      %dma_start3A_258 = tpu.memref_squeeze %dma_start3A_257 : memref<1x128x16xf32, #tpu.memory_space<vmem>> -> memref<128x16xf32, #tpu.memory_space<vmem>>
      %dma_start3A_259 = arith.constant 0 : i32
      %dma_start3A_260 = tpu.memref_slice %arg8[%dma_start3A_253, %dma_start3A_259] : memref<16x128xi32, #tpu.memory_space<vmem>> -> memref<1x128xi32, #tpu.memory_space<vmem>>
      %dma_start3A_261 = tpu.memref_squeeze %dma_start3A_260 : memref<1x128xi32, #tpu.memory_space<vmem>> -> memref<128xi32, #tpu.memory_space<vmem>>
      %dma_start3A_262 = arith.constant 0 : i32
      %dma_start3A_263 = arith.constant 0 : i32
      %dma_start3A_264 = tpu.memref_slice %arg4[%dma_start3A_262, %dma_start3A_263] : memref<100352x16xf32, #tpu.memory_space<hbm>> -> memref<100352x16xf32, #tpu.memory_space<hbm>>
      tpu.enqueue_indirect_dma source(%dma_start3A_264 : memref<100352x16xf32, #tpu.memory_space<hbm>>) target(%dma_start3A_258 : memref<128x16xf32, #tpu.memory_space<vmem>>) offsets(%dma_start3A_261 : memref<128xi32, #tpu.memory_space<vmem>>) semaphore(%arg11 : memref<!tpu.dma_semaphore, #tpu.memory_space<semaphore_mem>>)
      %dma_wait3A_265 = arith.constant 5 : i32
      %dma_wait3A_266 = arith.constant 5 : i32
      %dma_wait3A_267 = arith.constant 0 : i32
      %dma_wait3A_268 = arith.constant 0 : i32
      %dma_wait3A_269 = tpu.memref_slice %arg10[%dma_wait3A_266, %dma_wait3A_267, %dma_wait3A_268] : memref<8x128x16xf32, #tpu.memory_space<vmem>> -> memref<1x128x16xf32, #tpu.memory_space<vmem>>
      %dma_wait3A_270 = tpu.memref_squeeze %dma_wait3A_269 : memref<1x128x16xf32, #tpu.memory_space<vmem>> -> memref<128x16xf32, #tpu.memory_space<vmem>>
      %dma_wait3A_271 = arith.constant 0 : i32
      %dma_wait3A_272 = tpu.memref_slice %arg8[%dma_wait3A_265, %dma_wait3A_271] : memref<16x128xi32, #tpu.memory_space<vmem>> -> memref<1x128xi32, #tpu.memory_space<vmem>>
      %dma_wait3A_273 = tpu.memref_squeeze %dma_wait3A_272 : memref<1x128xi32, #tpu.memory_space<vmem>> -> memref<128xi32, #tpu.memory_space<vmem>>
      %dma_wait3A_274 = arith.constant 0 : i32
      %dma_wait3A_275 = arith.constant 0 : i32
      %dma_wait3A_276 = tpu.memref_slice %arg4[%dma_wait3A_274, %dma_wait3A_275] : memref<100352x16xf32, #tpu.memory_space<hbm>> -> memref<100352x16xf32, #tpu.memory_space<hbm>>
      tpu.wait_indirect_dma semaphore(%arg16 : memref<!tpu.dma_semaphore, #tpu.memory_space<semaphore_mem>>) src(%dma_wait3A_276 : memref<100352x16xf32, #tpu.memory_space<hbm>>) dst(%dma_wait3A_270 : memref<128x16xf32, #tpu.memory_space<vmem>>)
      %dma_start3A_277 = arith.constant 5 : i32
      %dma_start3A_278 = arith.constant 5 : i32
      %dma_start3A_279 = arith.constant 0 : i32
      %dma_start3A_280 = arith.constant 0 : i32
      %dma_start3A_281 = tpu.memref_slice %arg10[%dma_start3A_277, %dma_start3A_279, %dma_start3A_280] : memref<8x128x16xf32, #tpu.memory_space<vmem>> -> memref<1x128x16xf32, #tpu.memory_space<vmem>>
      %dma_start3A_282 = tpu.memref_squeeze %dma_start3A_281 : memref<1x128x16xf32, #tpu.memory_space<vmem>> -> memref<128x16xf32, #tpu.memory_space<vmem>>
      %dma_start3A_283 = arith.constant 0 : i32
      %dma_start3A_284 = tpu.memref_slice %arg9[%dma_start3A_278, %dma_start3A_283] : memref<16x128xi32, #tpu.memory_space<vmem>> -> memref<1x128xi32, #tpu.memory_space<vmem>>
      %dma_start3A_285 = tpu.memref_squeeze %dma_start3A_284 : memref<1x128xi32, #tpu.memory_space<vmem>> -> memref<128xi32, #tpu.memory_space<vmem>>
      %dma_start3A_286 = arith.constant 0 : i32
      %dma_start3A_287 = arith.constant 0 : i32
      %dma_start3A_288 = tpu.memref_slice %arg7[%dma_start3A_286, %dma_start3A_287] : memref<100352x16xf32, #tpu.memory_space<vmem_shared>> -> memref<100352x16xf32, #tpu.memory_space<vmem_shared>>
      tpu.enqueue_indirect_dma source(%dma_start3A_282 : memref<128x16xf32, #tpu.memory_space<vmem>>) target(%dma_start3A_288 : memref<100352x16xf32, #tpu.memory_space<vmem_shared>>) offsets(%dma_start3A_285 : memref<128xi32, #tpu.memory_space<vmem>>) semaphore(%arg24 : memref<!tpu.dma_semaphore, #tpu.memory_space<semaphore_mem>>) {add = true}
      %dma_wait3A_289 = arith.constant 1 : i32
      %dma_wait3A_290 = arith.constant 1 : i32
      %dma_wait3A_291 = arith.constant 0 : i32
      %dma_wait3A_292 = arith.constant 0 : i32
      %dma_wait3A_293 = tpu.memref_slice %arg10[%dma_wait3A_289, %dma_wait3A_291, %dma_wait3A_292] : memref<8x128x16xf32, #tpu.memory_space<vmem>> -> memref<1x128x16xf32, #tpu.memory_space<vmem>>
      %dma_wait3A_294 = tpu.memref_squeeze %dma_wait3A_293 : memref<1x128x16xf32, #tpu.memory_space<vmem>> -> memref<128x16xf32, #tpu.memory_space<vmem>>
      %dma_wait3A_295 = arith.constant 0 : i32
      %dma_wait3A_296 = tpu.memref_slice %arg9[%dma_wait3A_290, %dma_wait3A_295] : memref<16x128xi32, #tpu.memory_space<vmem>> -> memref<1x128xi32, #tpu.memory_space<vmem>>
      %dma_wait3A_297 = tpu.memref_squeeze %dma_wait3A_296 : memref<1x128xi32, #tpu.memory_space<vmem>> -> memref<128xi32, #tpu.memory_space<vmem>>
      %dma_wait3A_298 = arith.constant 0 : i32
      %dma_wait3A_299 = arith.constant 0 : i32
      %dma_wait3A_300 = tpu.memref_slice %arg7[%dma_wait3A_298, %dma_wait3A_299] : memref<100352x16xf32, #tpu.memory_space<vmem_shared>> -> memref<100352x16xf32, #tpu.memory_space<vmem_shared>>
      tpu.wait_indirect_dma semaphore(%arg20 : memref<!tpu.dma_semaphore, #tpu.memory_space<semaphore_mem>>) src(%dma_wait3A_294 : memref<128x16xf32, #tpu.memory_space<vmem>>) dst(%dma_wait3A_300 : memref<100352x16xf32, #tpu.memory_space<vmem_shared>>)
      %dma_start3A_301 = arith.constant 9 : i32
      %dma_start3A_302 = arith.constant 1 : i32
      %dma_start3A_303 = arith.constant 0 : i32
      %dma_start3A_304 = arith.constant 0 : i32
      %dma_start3A_305 = tpu.memref_slice %arg10[%dma_start3A_302, %dma_start3A_303, %dma_start3A_304] : memref<8x128x16xf32, #tpu.memory_space<vmem>> -> memref<1x128x16xf32, #tpu.memory_space<vmem>>
      %dma_start3A_306 = tpu.memref_squeeze %dma_start3A_305 : memref<1x128x16xf32, #tpu.memory_space<vmem>> -> memref<128x16xf32, #tpu.memory_space<vmem>>
      %dma_start3A_307 = arith.constant 0 : i32
      %dma_start3A_308 = tpu.memref_slice %arg8[%dma_start3A_301, %dma_start3A_307] : memref<16x128xi32, #tpu.memory_space<vmem>> -> memref<1x128xi32, #tpu.memory_space<vmem>>
      %dma_start3A_309 = tpu.memref_squeeze %dma_start3A_308 : memref<1x128xi32, #tpu.memory_space<vmem>> -> memref<128xi32, #tpu.memory_space<vmem>>
      %dma_start3A_310 = arith.constant 0 : i32
      %dma_start3A_311 = arith.constant 0 : i32
      %dma_start3A_312 = tpu.memref_slice %arg4[%dma_start3A_310, %dma_start3A_311] : memref<100352x16xf32, #tpu.memory_space<hbm>> -> memref<100352x16xf32, #tpu.memory_space<hbm>>
      tpu.enqueue_indirect_dma source(%dma_start3A_312 : memref<100352x16xf32, #tpu.memory_space<hbm>>) target(%dma_start3A_306 : memref<128x16xf32, #tpu.memory_space<vmem>>) offsets(%dma_start3A_309 : memref<128xi32, #tpu.memory_space<vmem>>) semaphore(%arg12 : memref<!tpu.dma_semaphore, #tpu.memory_space<semaphore_mem>>)
      %dma_wait3A_313 = arith.constant 6 : i32
      %dma_wait3A_314 = arith.constant 6 : i32
      %dma_wait3A_315 = arith.constant 0 : i32
      %dma_wait3A_316 = arith.constant 0 : i32
      %dma_wait3A_317 = tpu.memref_slice %arg10[%dma_wait3A_314, %dma_wait3A_315, %dma_wait3A_316] : memref<8x128x16xf32, #tpu.memory_space<vmem>> -> memref<1x128x16xf32, #tpu.memory_space<vmem>>
      %dma_wait3A_318 = tpu.memref_squeeze %dma_wait3A_317 : memref<1x128x16xf32, #tpu.memory_space<vmem>> -> memref<128x16xf32, #tpu.memory_space<vmem>>
      %dma_wait3A_319 = arith.constant 0 : i32
      %dma_wait3A_320 = tpu.memref_slice %arg8[%dma_wait3A_313, %dma_wait3A_319] : memref<16x128xi32, #tpu.memory_space<vmem>> -> memref<1x128xi32, #tpu.memory_space<vmem>>
      %dma_wait3A_321 = tpu.memref_squeeze %dma_wait3A_320 : memref<1x128xi32, #tpu.memory_space<vmem>> -> memref<128xi32, #tpu.memory_space<vmem>>
      %dma_wait3A_322 = arith.constant 0 : i32
      %dma_wait3A_323 = arith.constant 0 : i32
      %dma_wait3A_324 = tpu.memref_slice %arg4[%dma_wait3A_322, %dma_wait3A_323] : memref<100352x16xf32, #tpu.memory_space<hbm>> -> memref<100352x16xf32, #tpu.memory_space<hbm>>
      tpu.wait_indirect_dma semaphore(%arg17 : memref<!tpu.dma_semaphore, #tpu.memory_space<semaphore_mem>>) src(%dma_wait3A_324 : memref<100352x16xf32, #tpu.memory_space<hbm>>) dst(%dma_wait3A_318 : memref<128x16xf32, #tpu.memory_space<vmem>>)
      %dma_start3A_325 = arith.constant 6 : i32
      %dma_start3A_326 = arith.constant 6 : i32
      %dma_start3A_327 = arith.constant 0 : i32
      %dma_start3A_328 = arith.constant 0 : i32
      %dma_start3A_329 = tpu.memref_slice %arg10[%dma_start3A_325, %dma_start3A_327, %dma_start3A_328] : memref<8x128x16xf32, #tpu.memory_space<vmem>> -> memref<1x128x16xf32, #tpu.memory_space<vmem>>
      %dma_start3A_330 = tpu.memref_squeeze %dma_start3A_329 : memref<1x128x16xf32, #tpu.memory_space<vmem>> -> memref<128x16xf32, #tpu.memory_space<vmem>>
      %dma_start3A_331 = arith.constant 0 : i32
      %dma_start3A_332 = tpu.memref_slice %arg9[%dma_start3A_326, %dma_start3A_331] : memref<16x128xi32, #tpu.memory_space<vmem>> -> memref<1x128xi32, #tpu.memory_space<vmem>>
      %dma_start3A_333 = tpu.memref_squeeze %dma_start3A_332 : memref<1x128xi32, #tpu.memory_space<vmem>> -> memref<128xi32, #tpu.memory_space<vmem>>
      %dma_start3A_334 = arith.constant 0 : i32
      %dma_start3A_335 = arith.constant 0 : i32
      %dma_start3A_336 = tpu.memref_slice %arg7[%dma_start3A_334, %dma_start3A_335] : memref<100352x16xf32, #tpu.memory_space<vmem_shared>> -> memref<100352x16xf32, #tpu.memory_space<vmem_shared>>
      tpu.enqueue_indirect_dma source(%dma_start3A_330 : memref<128x16xf32, #tpu.memory_space<vmem>>) target(%dma_start3A_336 : memref<100352x16xf32, #tpu.memory_space<vmem_shared>>) offsets(%dma_start3A_333 : memref<128xi32, #tpu.memory_space<vmem>>) semaphore(%arg25 : memref<!tpu.dma_semaphore, #tpu.memory_space<semaphore_mem>>) {add = true}
      %dma_wait3A_337 = arith.constant 2 : i32
      %dma_wait3A_338 = arith.constant 2 : i32
      %dma_wait3A_339 = arith.constant 0 : i32
      %dma_wait3A_340 = arith.constant 0 : i32
      %dma_wait3A_341 = tpu.memref_slice %arg10[%dma_wait3A_337, %dma_wait3A_339, %dma_wait3A_340] : memref<8x128x16xf32, #tpu.memory_space<vmem>> -> memref<1x128x16xf32, #tpu.memory_space<vmem>>
      %dma_wait3A_342 = tpu.memref_squeeze %dma_wait3A_341 : memref<1x128x16xf32, #tpu.memory_space<vmem>> -> memref<128x16xf32, #tpu.memory_space<vmem>>
      %dma_wait3A_343 = arith.constant 0 : i32
      %dma_wait3A_344 = tpu.memref_slice %arg9[%dma_wait3A_338, %dma_wait3A_343] : memref<16x128xi32, #tpu.memory_space<vmem>> -> memref<1x128xi32, #tpu.memory_space<vmem>>
      %dma_wait3A_345 = tpu.memref_squeeze %dma_wait3A_344 : memref<1x128xi32, #tpu.memory_space<vmem>> -> memref<128xi32, #tpu.memory_space<vmem>>
      %dma_wait3A_346 = arith.constant 0 : i32
      %dma_wait3A_347 = arith.constant 0 : i32
      %dma_wait3A_348 = tpu.memref_slice %arg7[%dma_wait3A_346, %dma_wait3A_347] : memref<100352x16xf32, #tpu.memory_space<vmem_shared>> -> memref<100352x16xf32, #tpu.memory_space<vmem_shared>>
      tpu.wait_indirect_dma semaphore(%arg21 : memref<!tpu.dma_semaphore, #tpu.memory_space<semaphore_mem>>) src(%dma_wait3A_342 : memref<128x16xf32, #tpu.memory_space<vmem>>) dst(%dma_wait3A_348 : memref<100352x16xf32, #tpu.memory_space<vmem_shared>>)
      %dma_start3A_349 = arith.constant 10 : i32
      %dma_start3A_350 = arith.constant 2 : i32
      %dma_start3A_351 = arith.constant 0 : i32
      %dma_start3A_352 = arith.constant 0 : i32
      %dma_start3A_353 = tpu.memref_slice %arg10[%dma_start3A_350, %dma_start3A_351, %dma_start3A_352] : memref<8x128x16xf32, #tpu.memory_space<vmem>> -> memref<1x128x16xf32, #tpu.memory_space<vmem>>
      %dma_start3A_354 = tpu.memref_squeeze %dma_start3A_353 : memref<1x128x16xf32, #tpu.memory_space<vmem>> -> memref<128x16xf32, #tpu.memory_space<vmem>>
      %dma_start3A_355 = arith.constant 0 : i32
      %dma_start3A_356 = tpu.memref_slice %arg8[%dma_start3A_349, %dma_start3A_355] : memref<16x128xi32, #tpu.memory_space<vmem>> -> memref<1x128xi32, #tpu.memory_space<vmem>>
      %dma_start3A_357 = tpu.memref_squeeze %dma_start3A_356 : memref<1x128xi32, #tpu.memory_space<vmem>> -> memref<128xi32, #tpu.memory_space<vmem>>
      %dma_start3A_358 = arith.constant 0 : i32
      %dma_start3A_359 = arith.constant 0 : i32
      %dma_start3A_360 = tpu.memref_slice %arg4[%dma_start3A_358, %dma_start3A_359] : memref<100352x16xf32, #tpu.memory_space<hbm>> -> memref<100352x16xf32, #tpu.memory_space<hbm>>
      tpu.enqueue_indirect_dma source(%dma_start3A_360 : memref<100352x16xf32, #tpu.memory_space<hbm>>) target(%dma_start3A_354 : memref<128x16xf32, #tpu.memory_space<vmem>>) offsets(%dma_start3A_357 : memref<128xi32, #tpu.memory_space<vmem>>) semaphore(%arg13 : memref<!tpu.dma_semaphore, #tpu.memory_space<semaphore_mem>>)
      %dma_wait3A_361 = arith.constant 7 : i32
      %dma_wait3A_362 = arith.constant 7 : i32
      %dma_wait3A_363 = arith.constant 0 : i32
      %dma_wait3A_364 = arith.constant 0 : i32
      %dma_wait3A_365 = tpu.memref_slice %arg10[%dma_wait3A_362, %dma_wait3A_363, %dma_wait3A_364] : memref<8x128x16xf32, #tpu.memory_space<vmem>> -> memref<1x128x16xf32, #tpu.memory_space<vmem>>
      %dma_wait3A_366 = tpu.memref_squeeze %dma_wait3A_365 : memref<1x128x16xf32, #tpu.memory_space<vmem>> -> memref<128x16xf32, #tpu.memory_space<vmem>>
      %dma_wait3A_367 = arith.constant 0 : i32
      %dma_wait3A_368 = tpu.memref_slice %arg8[%dma_wait3A_361, %dma_wait3A_367] : memref<16x128xi32, #tpu.memory_space<vmem>> -> memref<1x128xi32, #tpu.memory_space<vmem>>
      %dma_wait3A_369 = tpu.memref_squeeze %dma_wait3A_368 : memref<1x128xi32, #tpu.memory_space<vmem>> -> memref<128xi32, #tpu.memory_space<vmem>>
      %dma_wait3A_370 = arith.constant 0 : i32
      %dma_wait3A_371 = arith.constant 0 : i32
      %dma_wait3A_372 = tpu.memref_slice %arg4[%dma_wait3A_370, %dma_wait3A_371] : memref<100352x16xf32, #tpu.memory_space<hbm>> -> memref<100352x16xf32, #tpu.memory_space<hbm>>
      tpu.wait_indirect_dma semaphore(%arg18 : memref<!tpu.dma_semaphore, #tpu.memory_space<semaphore_mem>>) src(%dma_wait3A_372 : memref<100352x16xf32, #tpu.memory_space<hbm>>) dst(%dma_wait3A_366 : memref<128x16xf32, #tpu.memory_space<vmem>>)
      %dma_start3A_373 = arith.constant 7 : i32
      %dma_start3A_374 = arith.constant 7 : i32
      %dma_start3A_375 = arith.constant 0 : i32
      %dma_start3A_376 = arith.constant 0 : i32
      %dma_start3A_377 = tpu.memref_slice %arg10[%dma_start3A_373, %dma_start3A_375, %dma_start3A_376] : memref<8x128x16xf32, #tpu.memory_space<vmem>> -> memref<1x128x16xf32, #tpu.memory_space<vmem>>
      %dma_start3A_378 = tpu.memref_squeeze %dma_start3A_377 : memref<1x128x16xf32, #tpu.memory_space<vmem>> -> memref<128x16xf32, #tpu.memory_space<vmem>>
      %dma_start3A_379 = arith.constant 0 : i32
      %dma_start3A_380 = tpu.memref_slice %arg9[%dma_start3A_374, %dma_start3A_379] : memref<16x128xi32, #tpu.memory_space<vmem>> -> memref<1x128xi32, #tpu.memory_space<vmem>>
      %dma_start3A_381 = tpu.memref_squeeze %dma_start3A_380 : memref<1x128xi32, #tpu.memory_space<vmem>> -> memref<128xi32, #tpu.memory_space<vmem>>
      %dma_start3A_382 = arith.constant 0 : i32
      %dma_start3A_383 = arith.constant 0 : i32
      %dma_start3A_384 = tpu.memref_slice %arg7[%dma_start3A_382, %dma_start3A_383] : memref<100352x16xf32, #tpu.memory_space<vmem_shared>> -> memref<100352x16xf32, #tpu.memory_space<vmem_shared>>
      tpu.enqueue_indirect_dma source(%dma_start3A_378 : memref<128x16xf32, #tpu.memory_space<vmem>>) target(%dma_start3A_384 : memref<100352x16xf32, #tpu.memory_space<vmem_shared>>) offsets(%dma_start3A_381 : memref<128xi32, #tpu.memory_space<vmem>>) semaphore(%arg26 : memref<!tpu.dma_semaphore, #tpu.memory_space<semaphore_mem>>) {add = true}
      %dma_wait3A_385 = arith.constant 3 : i32
      %dma_wait3A_386 = arith.constant 3 : i32
      %dma_wait3A_387 = arith.constant 0 : i32
      %dma_wait3A_388 = arith.constant 0 : i32
      %dma_wait3A_389 = tpu.memref_slice %arg10[%dma_wait3A_385, %dma_wait3A_387, %dma_wait3A_388] : memref<8x128x16xf32, #tpu.memory_space<vmem>> -> memref<1x128x16xf32, #tpu.memory_space<vmem>>
      %dma_wait3A_390 = tpu.memref_squeeze %dma_wait3A_389 : memref<1x128x16xf32, #tpu.memory_space<vmem>> -> memref<128x16xf32, #tpu.memory_space<vmem>>
      %dma_wait3A_391 = arith.constant 0 : i32
      %dma_wait3A_392 = tpu.memref_slice %arg9[%dma_wait3A_386, %dma_wait3A_391] : memref<16x128xi32, #tpu.memory_space<vmem>> -> memref<1x128xi32, #tpu.memory_space<vmem>>
      %dma_wait3A_393 = tpu.memref_squeeze %dma_wait3A_392 : memref<1x128xi32, #tpu.memory_space<vmem>> -> memref<128xi32, #tpu.memory_space<vmem>>
      %dma_wait3A_394 = arith.constant 0 : i32
      %dma_wait3A_395 = arith.constant 0 : i32
      %dma_wait3A_396 = tpu.memref_slice %arg7[%dma_wait3A_394, %dma_wait3A_395] : memref<100352x16xf32, #tpu.memory_space<vmem_shared>> -> memref<100352x16xf32, #tpu.memory_space<vmem_shared>>
      tpu.wait_indirect_dma semaphore(%arg22 : memref<!tpu.dma_semaphore, #tpu.memory_space<semaphore_mem>>) src(%dma_wait3A_390 : memref<128x16xf32, #tpu.memory_space<vmem>>) dst(%dma_wait3A_396 : memref<100352x16xf32, #tpu.memory_space<vmem_shared>>)
      %dma_start3A_397 = arith.constant 11 : i32
      %dma_start3A_398 = arith.constant 3 : i32
      %dma_start3A_399 = arith.constant 0 : i32
      %dma_start3A_400 = arith.constant 0 : i32
      %dma_start3A_401 = tpu.memref_slice %arg10[%dma_start3A_398, %dma_start3A_399, %dma_start3A_400] : memref<8x128x16xf32, #tpu.memory_space<vmem>> -> memref<1x128x16xf32, #tpu.memory_space<vmem>>
      %dma_start3A_402 = tpu.memref_squeeze %dma_start3A_401 : memref<1x128x16xf32, #tpu.memory_space<vmem>> -> memref<128x16xf32, #tpu.memory_space<vmem>>
      %dma_start3A_403 = arith.constant 0 : i32
      %dma_start3A_404 = tpu.memref_slice %arg8[%dma_start3A_397, %dma_start3A_403] : memref<16x128xi32, #tpu.memory_space<vmem>> -> memref<1x128xi32, #tpu.memory_space<vmem>>
      %dma_start3A_405 = tpu.memref_squeeze %dma_start3A_404 : memref<1x128xi32, #tpu.memory_space<vmem>> -> memref<128xi32, #tpu.memory_space<vmem>>
      %dma_start3A_406 = arith.constant 0 : i32
      %dma_start3A_407 = arith.constant 0 : i32
      %dma_start3A_408 = tpu.memref_slice %arg4[%dma_start3A_406, %dma_start3A_407] : memref<100352x16xf32, #tpu.memory_space<hbm>> -> memref<100352x16xf32, #tpu.memory_space<hbm>>
      tpu.enqueue_indirect_dma source(%dma_start3A_408 : memref<100352x16xf32, #tpu.memory_space<hbm>>) target(%dma_start3A_402 : memref<128x16xf32, #tpu.memory_space<vmem>>) offsets(%dma_start3A_405 : memref<128xi32, #tpu.memory_space<vmem>>) semaphore(%arg14 : memref<!tpu.dma_semaphore, #tpu.memory_space<semaphore_mem>>)
      %dma_wait3A_409 = arith.constant 8 : i32
      %dma_wait3A_410 = arith.constant 0 : i32
      %dma_wait3A_411 = arith.constant 0 : i32
      %dma_wait3A_412 = arith.constant 0 : i32
      %dma_wait3A_413 = tpu.memref_slice %arg10[%dma_wait3A_410, %dma_wait3A_411, %dma_wait3A_412] : memref<8x128x16xf32, #tpu.memory_space<vmem>> -> memref<1x128x16xf32, #tpu.memory_space<vmem>>
      %dma_wait3A_414 = tpu.memref_squeeze %dma_wait3A_413 : memref<1x128x16xf32, #tpu.memory_space<vmem>> -> memref<128x16xf32, #tpu.memory_space<vmem>>
      %dma_wait3A_415 = arith.constant 0 : i32
      %dma_wait3A_416 = tpu.memref_slice %arg8[%dma_wait3A_409, %dma_wait3A_415] : memref<16x128xi32, #tpu.memory_space<vmem>> -> memref<1x128xi32, #tpu.memory_space<vmem>>
      %dma_wait3A_417 = tpu.memref_squeeze %dma_wait3A_416 : memref<1x128xi32, #tpu.memory_space<vmem>> -> memref<128xi32, #tpu.memory_space<vmem>>
      %dma_wait3A_418 = arith.constant 0 : i32
      %dma_wait3A_419 = arith.constant 0 : i32
      %dma_wait3A_420 = tpu.memref_slice %arg4[%dma_wait3A_418, %dma_wait3A_419] : memref<100352x16xf32, #tpu.memory_space<hbm>> -> memref<100352x16xf32, #tpu.memory_space<hbm>>
      tpu.wait_indirect_dma semaphore(%arg11 : memref<!tpu.dma_semaphore, #tpu.memory_space<semaphore_mem>>) src(%dma_wait3A_420 : memref<100352x16xf32, #tpu.memory_space<hbm>>) dst(%dma_wait3A_414 : memref<128x16xf32, #tpu.memory_space<vmem>>)
      %dma_start3A_421 = arith.constant 0 : i32
      %dma_start3A_422 = arith.constant 8 : i32
      %dma_start3A_423 = arith.constant 0 : i32
      %dma_start3A_424 = arith.constant 0 : i32
      %dma_start3A_425 = tpu.memref_slice %arg10[%dma_start3A_421, %dma_start3A_423, %dma_start3A_424] : memref<8x128x16xf32, #tpu.memory_space<vmem>> -> memref<1x128x16xf32, #tpu.memory_space<vmem>>
      %dma_start3A_426 = tpu.memref_squeeze %dma_start3A_425 : memref<1x128x16xf32, #tpu.memory_space<vmem>> -> memref<128x16xf32, #tpu.memory_space<vmem>>
      %dma_start3A_427 = arith.constant 0 : i32
      %dma_start3A_428 = tpu.memref_slice %arg9[%dma_start3A_422, %dma_start3A_427] : memref<16x128xi32, #tpu.memory_space<vmem>> -> memref<1x128xi32, #tpu.memory_space<vmem>>
      %dma_start3A_429 = tpu.memref_squeeze %dma_start3A_428 : memref<1x128xi32, #tpu.memory_space<vmem>> -> memref<128xi32, #tpu.memory_space<vmem>>
      %dma_start3A_430 = arith.constant 0 : i32
      %dma_start3A_431 = arith.constant 0 : i32
      %dma_start3A_432 = tpu.memref_slice %arg7[%dma_start3A_430, %dma_start3A_431] : memref<100352x16xf32, #tpu.memory_space<vmem_shared>> -> memref<100352x16xf32, #tpu.memory_space<vmem_shared>>
      tpu.enqueue_indirect_dma source(%dma_start3A_426 : memref<128x16xf32, #tpu.memory_space<vmem>>) target(%dma_start3A_432 : memref<100352x16xf32, #tpu.memory_space<vmem_shared>>) offsets(%dma_start3A_429 : memref<128xi32, #tpu.memory_space<vmem>>) semaphore(%arg19 : memref<!tpu.dma_semaphore, #tpu.memory_space<semaphore_mem>>) {add = true}
      %dma_wait3A_433 = arith.constant 4 : i32
      %dma_wait3A_434 = arith.constant 4 : i32
      %dma_wait3A_435 = arith.constant 0 : i32
      %dma_wait3A_436 = arith.constant 0 : i32
      %dma_wait3A_437 = tpu.memref_slice %arg10[%dma_wait3A_433, %dma_wait3A_435, %dma_wait3A_436] : memref<8x128x16xf32, #tpu.memory_space<vmem>> -> memref<1x128x16xf32, #tpu.memory_space<vmem>>
      %dma_wait3A_438 = tpu.memref_squeeze %dma_wait3A_437 : memref<1x128x16xf32, #tpu.memory_space<vmem>> -> memref<128x16xf32, #tpu.memory_space<vmem>>
      %dma_wait3A_439 = arith.constant 0 : i32
      %dma_wait3A_440 = tpu.memref_slice %arg9[%dma_wait3A_434, %dma_wait3A_439] : memref<16x128xi32, #tpu.memory_space<vmem>> -> memref<1x128xi32, #tpu.memory_space<vmem>>
      %dma_wait3A_441 = tpu.memref_squeeze %dma_wait3A_440 : memref<1x128xi32, #tpu.memory_space<vmem>> -> memref<128xi32, #tpu.memory_space<vmem>>
      %dma_wait3A_442 = arith.constant 0 : i32
      %dma_wait3A_443 = arith.constant 0 : i32
      %dma_wait3A_444 = tpu.memref_slice %arg7[%dma_wait3A_442, %dma_wait3A_443] : memref<100352x16xf32, #tpu.memory_space<vmem_shared>> -> memref<100352x16xf32, #tpu.memory_space<vmem_shared>>
      tpu.wait_indirect_dma semaphore(%arg23 : memref<!tpu.dma_semaphore, #tpu.memory_space<semaphore_mem>>) src(%dma_wait3A_438 : memref<128x16xf32, #tpu.memory_space<vmem>>) dst(%dma_wait3A_444 : memref<100352x16xf32, #tpu.memory_space<vmem_shared>>)
      %dma_start3A_445 = arith.constant 12 : i32
      %dma_start3A_446 = arith.constant 4 : i32
      %dma_start3A_447 = arith.constant 0 : i32
      %dma_start3A_448 = arith.constant 0 : i32
      %dma_start3A_449 = tpu.memref_slice %arg10[%dma_start3A_446, %dma_start3A_447, %dma_start3A_448] : memref<8x128x16xf32, #tpu.memory_space<vmem>> -> memref<1x128x16xf32, #tpu.memory_space<vmem>>
      %dma_start3A_450 = tpu.memref_squeeze %dma_start3A_449 : memref<1x128x16xf32, #tpu.memory_space<vmem>> -> memref<128x16xf32, #tpu.memory_space<vmem>>
      %dma_start3A_451 = arith.constant 0 : i32
      %dma_start3A_452 = tpu.memref_slice %arg8[%dma_start3A_445, %dma_start3A_451] : memref<16x128xi32, #tpu.memory_space<vmem>> -> memref<1x128xi32, #tpu.memory_space<vmem>>
      %dma_start3A_453 = tpu.memref_squeeze %dma_start3A_452 : memref<1x128xi32, #tpu.memory_space<vmem>> -> memref<128xi32, #tpu.memory_space<vmem>>
      %dma_start3A_454 = arith.constant 0 : i32
      %dma_start3A_455 = arith.constant 0 : i32
      %dma_start3A_456 = tpu.memref_slice %arg4[%dma_start3A_454, %dma_start3A_455] : memref<100352x16xf32, #tpu.memory_space<hbm>> -> memref<100352x16xf32, #tpu.memory_space<hbm>>
      tpu.enqueue_indirect_dma source(%dma_start3A_456 : memref<100352x16xf32, #tpu.memory_space<hbm>>) target(%dma_start3A_450 : memref<128x16xf32, #tpu.memory_space<vmem>>) offsets(%dma_start3A_453 : memref<128xi32, #tpu.memory_space<vmem>>) semaphore(%arg15 : memref<!tpu.dma_semaphore, #tpu.memory_space<semaphore_mem>>)
      %dma_wait3A_457 = arith.constant 9 : i32
      %dma_wait3A_458 = arith.constant 1 : i32
      %dma_wait3A_459 = arith.constant 0 : i32
      %dma_wait3A_460 = arith.constant 0 : i32
      %dma_wait3A_461 = tpu.memref_slice %arg10[%dma_wait3A_458, %dma_wait3A_459, %dma_wait3A_460] : memref<8x128x16xf32, #tpu.memory_space<vmem>> -> memref<1x128x16xf32, #tpu.memory_space<vmem>>
      %dma_wait3A_462 = tpu.memref_squeeze %dma_wait3A_461 : memref<1x128x16xf32, #tpu.memory_space<vmem>> -> memref<128x16xf32, #tpu.memory_space<vmem>>
      %dma_wait3A_463 = arith.constant 0 : i32
      %dma_wait3A_464 = tpu.memref_slice %arg8[%dma_wait3A_457, %dma_wait3A_463] : memref<16x128xi32, #tpu.memory_space<vmem>> -> memref<1x128xi32, #tpu.memory_space<vmem>>
      %dma_wait3A_465 = tpu.memref_squeeze %dma_wait3A_464 : memref<1x128xi32, #tpu.memory_space<vmem>> -> memref<128xi32, #tpu.memory_space<vmem>>
      %dma_wait3A_466 = arith.constant 0 : i32
      %dma_wait3A_467 = arith.constant 0 : i32
      %dma_wait3A_468 = tpu.memref_slice %arg4[%dma_wait3A_466, %dma_wait3A_467] : memref<100352x16xf32, #tpu.memory_space<hbm>> -> memref<100352x16xf32, #tpu.memory_space<hbm>>
      tpu.wait_indirect_dma semaphore(%arg12 : memref<!tpu.dma_semaphore, #tpu.memory_space<semaphore_mem>>) src(%dma_wait3A_468 : memref<100352x16xf32, #tpu.memory_space<hbm>>) dst(%dma_wait3A_462 : memref<128x16xf32, #tpu.memory_space<vmem>>)
      %dma_start3A_469 = arith.constant 1 : i32
      %dma_start3A_470 = arith.constant 9 : i32
      %dma_start3A_471 = arith.constant 0 : i32
      %dma_start3A_472 = arith.constant 0 : i32
      %dma_start3A_473 = tpu.memref_slice %arg10[%dma_start3A_469, %dma_start3A_471, %dma_start3A_472] : memref<8x128x16xf32, #tpu.memory_space<vmem>> -> memref<1x128x16xf32, #tpu.memory_space<vmem>>
      %dma_start3A_474 = tpu.memref_squeeze %dma_start3A_473 : memref<1x128x16xf32, #tpu.memory_space<vmem>> -> memref<128x16xf32, #tpu.memory_space<vmem>>
      %dma_start3A_475 = arith.constant 0 : i32
      %dma_start3A_476 = tpu.memref_slice %arg9[%dma_start3A_470, %dma_start3A_475] : memref<16x128xi32, #tpu.memory_space<vmem>> -> memref<1x128xi32, #tpu.memory_space<vmem>>
      %dma_start3A_477 = tpu.memref_squeeze %dma_start3A_476 : memref<1x128xi32, #tpu.memory_space<vmem>> -> memref<128xi32, #tpu.memory_space<vmem>>
      %dma_start3A_478 = arith.constant 0 : i32
      %dma_start3A_479 = arith.constant 0 : i32
      %dma_start3A_480 = tpu.memref_slice %arg7[%dma_start3A_478, %dma_start3A_479] : memref<100352x16xf32, #tpu.memory_space<vmem_shared>> -> memref<100352x16xf32, #tpu.memory_space<vmem_shared>>
      tpu.enqueue_indirect_dma source(%dma_start3A_474 : memref<128x16xf32, #tpu.memory_space<vmem>>) target(%dma_start3A_480 : memref<100352x16xf32, #tpu.memory_space<vmem_shared>>) offsets(%dma_start3A_477 : memref<128xi32, #tpu.memory_space<vmem>>) semaphore(%arg20 : memref<!tpu.dma_semaphore, #tpu.memory_space<semaphore_mem>>) {add = true}
      %dma_wait3A_481 = arith.constant 5 : i32
      %dma_wait3A_482 = arith.constant 5 : i32
      %dma_wait3A_483 = arith.constant 0 : i32
      %dma_wait3A_484 = arith.constant 0 : i32
      %dma_wait3A_485 = tpu.memref_slice %arg10[%dma_wait3A_481, %dma_wait3A_483, %dma_wait3A_484] : memref<8x128x16xf32, #tpu.memory_space<vmem>> -> memref<1x128x16xf32, #tpu.memory_space<vmem>>
      %dma_wait3A_486 = tpu.memref_squeeze %dma_wait3A_485 : memref<1x128x16xf32, #tpu.memory_space<vmem>> -> memref<128x16xf32, #tpu.memory_space<vmem>>
      %dma_wait3A_487 = arith.constant 0 : i32
      %dma_wait3A_488 = tpu.memref_slice %arg9[%dma_wait3A_482, %dma_wait3A_487] : memref<16x128xi32, #tpu.memory_space<vmem>> -> memref<1x128xi32, #tpu.memory_space<vmem>>
      %dma_wait3A_489 = tpu.memref_squeeze %dma_wait3A_488 : memref<1x128xi32, #tpu.memory_space<vmem>> -> memref<128xi32, #tpu.memory_space<vmem>>
      %dma_wait3A_490 = arith.constant 0 : i32
      %dma_wait3A_491 = arith.constant 0 : i32
      %dma_wait3A_492 = tpu.memref_slice %arg7[%dma_wait3A_490, %dma_wait3A_491] : memref<100352x16xf32, #tpu.memory_space<vmem_shared>> -> memref<100352x16xf32, #tpu.memory_space<vmem_shared>>
      tpu.wait_indirect_dma semaphore(%arg24 : memref<!tpu.dma_semaphore, #tpu.memory_space<semaphore_mem>>) src(%dma_wait3A_486 : memref<128x16xf32, #tpu.memory_space<vmem>>) dst(%dma_wait3A_492 : memref<100352x16xf32, #tpu.memory_space<vmem_shared>>)
      %dma_start3A_493 = arith.constant 13 : i32
      %dma_start3A_494 = arith.constant 5 : i32
      %dma_start3A_495 = arith.constant 0 : i32
      %dma_start3A_496 = arith.constant 0 : i32
      %dma_start3A_497 = tpu.memref_slice %arg10[%dma_start3A_494, %dma_start3A_495, %dma_start3A_496] : memref<8x128x16xf32, #tpu.memory_space<vmem>> -> memref<1x128x16xf32, #tpu.memory_space<vmem>>
      %dma_start3A_498 = tpu.memref_squeeze %dma_start3A_497 : memref<1x128x16xf32, #tpu.memory_space<vmem>> -> memref<128x16xf32, #tpu.memory_space<vmem>>
      %dma_start3A_499 = arith.constant 0 : i32
      %dma_start3A_500 = tpu.memref_slice %arg8[%dma_start3A_493, %dma_start3A_499] : memref<16x128xi32, #tpu.memory_space<vmem>> -> memref<1x128xi32, #tpu.memory_space<vmem>>
      %dma_start3A_501 = tpu.memref_squeeze %dma_start3A_500 : memref<1x128xi32, #tpu.memory_space<vmem>> -> memref<128xi32, #tpu.memory_space<vmem>>
      %dma_start3A_502 = arith.constant 0 : i32
      %dma_start3A_503 = arith.constant 0 : i32
      %dma_start3A_504 = tpu.memref_slice %arg4[%dma_start3A_502, %dma_start3A_503] : memref<100352x16xf32, #tpu.memory_space<hbm>> -> memref<100352x16xf32, #tpu.memory_space<hbm>>
      tpu.enqueue_indirect_dma source(%dma_start3A_504 : memref<100352x16xf32, #tpu.memory_space<hbm>>) target(%dma_start3A_498 : memref<128x16xf32, #tpu.memory_space<vmem>>) offsets(%dma_start3A_501 : memref<128xi32, #tpu.memory_space<vmem>>) semaphore(%arg16 : memref<!tpu.dma_semaphore, #tpu.memory_space<semaphore_mem>>)
      %dma_wait3A_505 = arith.constant 10 : i32
      %dma_wait3A_506 = arith.constant 2 : i32
      %dma_wait3A_507 = arith.constant 0 : i32
      %dma_wait3A_508 = arith.constant 0 : i32
      %dma_wait3A_509 = tpu.memref_slice %arg10[%dma_wait3A_506, %dma_wait3A_507, %dma_wait3A_508] : memref<8x128x16xf32, #tpu.memory_space<vmem>> -> memref<1x128x16xf32, #tpu.memory_space<vmem>>
      %dma_wait3A_510 = tpu.memref_squeeze %dma_wait3A_509 : memref<1x128x16xf32, #tpu.memory_space<vmem>> -> memref<128x16xf32, #tpu.memory_space<vmem>>
      %dma_wait3A_511 = arith.constant 0 : i32
      %dma_wait3A_512 = tpu.memref_slice %arg8[%dma_wait3A_505, %dma_wait3A_511] : memref<16x128xi32, #tpu.memory_space<vmem>> -> memref<1x128xi32, #tpu.memory_space<vmem>>
      %dma_wait3A_513 = tpu.memref_squeeze %dma_wait3A_512 : memref<1x128xi32, #tpu.memory_space<vmem>> -> memref<128xi32, #tpu.memory_space<vmem>>
      %dma_wait3A_514 = arith.constant 0 : i32
      %dma_wait3A_515 = arith.constant 0 : i32
      %dma_wait3A_516 = tpu.memref_slice %arg4[%dma_wait3A_514, %dma_wait3A_515] : memref<100352x16xf32, #tpu.memory_space<hbm>> -> memref<100352x16xf32, #tpu.memory_space<hbm>>
      tpu.wait_indirect_dma semaphore(%arg13 : memref<!tpu.dma_semaphore, #tpu.memory_space<semaphore_mem>>) src(%dma_wait3A_516 : memref<100352x16xf32, #tpu.memory_space<hbm>>) dst(%dma_wait3A_510 : memref<128x16xf32, #tpu.memory_space<vmem>>)
      %dma_start3A_517 = arith.constant 2 : i32
      %dma_start3A_518 = arith.constant 10 : i32
      %dma_start3A_519 = arith.constant 0 : i32
      %dma_start3A_520 = arith.constant 0 : i32
      %dma_start3A_521 = tpu.memref_slice %arg10[%dma_start3A_517, %dma_start3A_519, %dma_start3A_520] : memref<8x128x16xf32, #tpu.memory_space<vmem>> -> memref<1x128x16xf32, #tpu.memory_space<vmem>>
      %dma_start3A_522 = tpu.memref_squeeze %dma_start3A_521 : memref<1x128x16xf32, #tpu.memory_space<vmem>> -> memref<128x16xf32, #tpu.memory_space<vmem>>
      %dma_start3A_523 = arith.constant 0 : i32
      %dma_start3A_524 = tpu.memref_slice %arg9[%dma_start3A_518, %dma_start3A_523] : memref<16x128xi32, #tpu.memory_space<vmem>> -> memref<1x128xi32, #tpu.memory_space<vmem>>
      %dma_start3A_525 = tpu.memref_squeeze %dma_start3A_524 : memref<1x128xi32, #tpu.memory_space<vmem>> -> memref<128xi32, #tpu.memory_space<vmem>>
      %dma_start3A_526 = arith.constant 0 : i32
      %dma_start3A_527 = arith.constant 0 : i32
      %dma_start3A_528 = tpu.memref_slice %arg7[%dma_start3A_526, %dma_start3A_527] : memref<100352x16xf32, #tpu.memory_space<vmem_shared>> -> memref<100352x16xf32, #tpu.memory_space<vmem_shared>>
      tpu.enqueue_indirect_dma source(%dma_start3A_522 : memref<128x16xf32, #tpu.memory_space<vmem>>) target(%dma_start3A_528 : memref<100352x16xf32, #tpu.memory_space<vmem_shared>>) offsets(%dma_start3A_525 : memref<128xi32, #tpu.memory_space<vmem>>) semaphore(%arg21 : memref<!tpu.dma_semaphore, #tpu.memory_space<semaphore_mem>>) {add = true}
      %dma_wait3A_529 = arith.constant 6 : i32
      %dma_wait3A_530 = arith.constant 6 : i32
      %dma_wait3A_531 = arith.constant 0 : i32
      %dma_wait3A_532 = arith.constant 0 : i32
      %dma_wait3A_533 = tpu.memref_slice %arg10[%dma_wait3A_529, %dma_wait3A_531, %dma_wait3A_532] : memref<8x128x16xf32, #tpu.memory_space<vmem>> -> memref<1x128x16xf32, #tpu.memory_space<vmem>>
      %dma_wait3A_534 = tpu.memref_squeeze %dma_wait3A_533 : memref<1x128x16xf32, #tpu.memory_space<vmem>> -> memref<128x16xf32, #tpu.memory_space<vmem>>
      %dma_wait3A_535 = arith.constant 0 : i32
      %dma_wait3A_536 = tpu.memref_slice %arg9[%dma_wait3A_530, %dma_wait3A_535] : memref<16x128xi32, #tpu.memory_space<vmem>> -> memref<1x128xi32, #tpu.memory_space<vmem>>
      %dma_wait3A_537 = tpu.memref_squeeze %dma_wait3A_536 : memref<1x128xi32, #tpu.memory_space<vmem>> -> memref<128xi32, #tpu.memory_space<vmem>>
      %dma_wait3A_538 = arith.constant 0 : i32
      %dma_wait3A_539 = arith.constant 0 : i32
      %dma_wait3A_540 = tpu.memref_slice %arg7[%dma_wait3A_538, %dma_wait3A_539] : memref<100352x16xf32, #tpu.memory_space<vmem_shared>> -> memref<100352x16xf32, #tpu.memory_space<vmem_shared>>
      tpu.wait_indirect_dma semaphore(%arg25 : memref<!tpu.dma_semaphore, #tpu.memory_space<semaphore_mem>>) src(%dma_wait3A_534 : memref<128x16xf32, #tpu.memory_space<vmem>>) dst(%dma_wait3A_540 : memref<100352x16xf32, #tpu.memory_space<vmem_shared>>)
      %dma_start3A_541 = arith.constant 14 : i32
      %dma_start3A_542 = arith.constant 6 : i32
      %dma_start3A_543 = arith.constant 0 : i32
      %dma_start3A_544 = arith.constant 0 : i32
      %dma_start3A_545 = tpu.memref_slice %arg10[%dma_start3A_542, %dma_start3A_543, %dma_start3A_544] : memref<8x128x16xf32, #tpu.memory_space<vmem>> -> memref<1x128x16xf32, #tpu.memory_space<vmem>>
      %dma_start3A_546 = tpu.memref_squeeze %dma_start3A_545 : memref<1x128x16xf32, #tpu.memory_space<vmem>> -> memref<128x16xf32, #tpu.memory_space<vmem>>
      %dma_start3A_547 = arith.constant 0 : i32
      %dma_start3A_548 = tpu.memref_slice %arg8[%dma_start3A_541, %dma_start3A_547] : memref<16x128xi32, #tpu.memory_space<vmem>> -> memref<1x128xi32, #tpu.memory_space<vmem>>
      %dma_start3A_549 = tpu.memref_squeeze %dma_start3A_548 : memref<1x128xi32, #tpu.memory_space<vmem>> -> memref<128xi32, #tpu.memory_space<vmem>>
      %dma_start3A_550 = arith.constant 0 : i32
      %dma_start3A_551 = arith.constant 0 : i32
      %dma_start3A_552 = tpu.memref_slice %arg4[%dma_start3A_550, %dma_start3A_551] : memref<100352x16xf32, #tpu.memory_space<hbm>> -> memref<100352x16xf32, #tpu.memory_space<hbm>>
      tpu.enqueue_indirect_dma source(%dma_start3A_552 : memref<100352x16xf32, #tpu.memory_space<hbm>>) target(%dma_start3A_546 : memref<128x16xf32, #tpu.memory_space<vmem>>) offsets(%dma_start3A_549 : memref<128xi32, #tpu.memory_space<vmem>>) semaphore(%arg17 : memref<!tpu.dma_semaphore, #tpu.memory_space<semaphore_mem>>)
      %dma_wait3A_553 = arith.constant 11 : i32
      %dma_wait3A_554 = arith.constant 3 : i32
      %dma_wait3A_555 = arith.constant 0 : i32
      %dma_wait3A_556 = arith.constant 0 : i32
      %dma_wait3A_557 = tpu.memref_slice %arg10[%dma_wait3A_554, %dma_wait3A_555, %dma_wait3A_556] : memref<8x128x16xf32, #tpu.memory_space<vmem>> -> memref<1x128x16xf32, #tpu.memory_space<vmem>>
      %dma_wait3A_558 = tpu.memref_squeeze %dma_wait3A_557 : memref<1x128x16xf32, #tpu.memory_space<vmem>> -> memref<128x16xf32, #tpu.memory_space<vmem>>
      %dma_wait3A_559 = arith.constant 0 : i32
      %dma_wait3A_560 = tpu.memref_slice %arg8[%dma_wait3A_553, %dma_wait3A_559] : memref<16x128xi32, #tpu.memory_space<vmem>> -> memref<1x128xi32, #tpu.memory_space<vmem>>
      %dma_wait3A_561 = tpu.memref_squeeze %dma_wait3A_560 : memref<1x128xi32, #tpu.memory_space<vmem>> -> memref<128xi32, #tpu.memory_space<vmem>>
      %dma_wait3A_562 = arith.constant 0 : i32
      %dma_wait3A_563 = arith.constant 0 : i32
      %dma_wait3A_564 = tpu.memref_slice %arg4[%dma_wait3A_562, %dma_wait3A_563] : memref<100352x16xf32, #tpu.memory_space<hbm>> -> memref<100352x16xf32, #tpu.memory_space<hbm>>
      tpu.wait_indirect_dma semaphore(%arg14 : memref<!tpu.dma_semaphore, #tpu.memory_space<semaphore_mem>>) src(%dma_wait3A_564 : memref<100352x16xf32, #tpu.memory_space<hbm>>) dst(%dma_wait3A_558 : memref<128x16xf32, #tpu.memory_space<vmem>>)
      %dma_start3A_565 = arith.constant 3 : i32
      %dma_start3A_566 = arith.constant 11 : i32
      %dma_start3A_567 = arith.constant 0 : i32
      %dma_start3A_568 = arith.constant 0 : i32
      %dma_start3A_569 = tpu.memref_slice %arg10[%dma_start3A_565, %dma_start3A_567, %dma_start3A_568] : memref<8x128x16xf32, #tpu.memory_space<vmem>> -> memref<1x128x16xf32, #tpu.memory_space<vmem>>
      %dma_start3A_570 = tpu.memref_squeeze %dma_start3A_569 : memref<1x128x16xf32, #tpu.memory_space<vmem>> -> memref<128x16xf32, #tpu.memory_space<vmem>>
      %dma_start3A_571 = arith.constant 0 : i32
      %dma_start3A_572 = tpu.memref_slice %arg9[%dma_start3A_566, %dma_start3A_571] : memref<16x128xi32, #tpu.memory_space<vmem>> -> memref<1x128xi32, #tpu.memory_space<vmem>>
      %dma_start3A_573 = tpu.memref_squeeze %dma_start3A_572 : memref<1x128xi32, #tpu.memory_space<vmem>> -> memref<128xi32, #tpu.memory_space<vmem>>
      %dma_start3A_574 = arith.constant 0 : i32
      %dma_start3A_575 = arith.constant 0 : i32
      %dma_start3A_576 = tpu.memref_slice %arg7[%dma_start3A_574, %dma_start3A_575] : memref<100352x16xf32, #tpu.memory_space<vmem_shared>> -> memref<100352x16xf32, #tpu.memory_space<vmem_shared>>
      tpu.enqueue_indirect_dma source(%dma_start3A_570 : memref<128x16xf32, #tpu.memory_space<vmem>>) target(%dma_start3A_576 : memref<100352x16xf32, #tpu.memory_space<vmem_shared>>) offsets(%dma_start3A_573 : memref<128xi32, #tpu.memory_space<vmem>>) semaphore(%arg22 : memref<!tpu.dma_semaphore, #tpu.memory_space<semaphore_mem>>) {add = true}
      %dma_wait3A_577 = arith.constant 7 : i32
      %dma_wait3A_578 = arith.constant 7 : i32
      %dma_wait3A_579 = arith.constant 0 : i32
      %dma_wait3A_580 = arith.constant 0 : i32
      %dma_wait3A_581 = tpu.memref_slice %arg10[%dma_wait3A_577, %dma_wait3A_579, %dma_wait3A_580] : memref<8x128x16xf32, #tpu.memory_space<vmem>> -> memref<1x128x16xf32, #tpu.memory_space<vmem>>
      %dma_wait3A_582 = tpu.memref_squeeze %dma_wait3A_581 : memref<1x128x16xf32, #tpu.memory_space<vmem>> -> memref<128x16xf32, #tpu.memory_space<vmem>>
      %dma_wait3A_583 = arith.constant 0 : i32
      %dma_wait3A_584 = tpu.memref_slice %arg9[%dma_wait3A_578, %dma_wait3A_583] : memref<16x128xi32, #tpu.memory_space<vmem>> -> memref<1x128xi32, #tpu.memory_space<vmem>>
      %dma_wait3A_585 = tpu.memref_squeeze %dma_wait3A_584 : memref<1x128xi32, #tpu.memory_space<vmem>> -> memref<128xi32, #tpu.memory_space<vmem>>
      %dma_wait3A_586 = arith.constant 0 : i32
      %dma_wait3A_587 = arith.constant 0 : i32
      %dma_wait3A_588 = tpu.memref_slice %arg7[%dma_wait3A_586, %dma_wait3A_587] : memref<100352x16xf32, #tpu.memory_space<vmem_shared>> -> memref<100352x16xf32, #tpu.memory_space<vmem_shared>>
      tpu.wait_indirect_dma semaphore(%arg26 : memref<!tpu.dma_semaphore, #tpu.memory_space<semaphore_mem>>) src(%dma_wait3A_582 : memref<128x16xf32, #tpu.memory_space<vmem>>) dst(%dma_wait3A_588 : memref<100352x16xf32, #tpu.memory_space<vmem_shared>>)
      %dma_start3A_589 = arith.constant 15 : i32
      %dma_start3A_590 = arith.constant 7 : i32
      %dma_start3A_591 = arith.constant 0 : i32
      %dma_start3A_592 = arith.constant 0 : i32
      %dma_start3A_593 = tpu.memref_slice %arg10[%dma_start3A_590, %dma_start3A_591, %dma_start3A_592] : memref<8x128x16xf32, #tpu.memory_space<vmem>> -> memref<1x128x16xf32, #tpu.memory_space<vmem>>
      %dma_start3A_594 = tpu.memref_squeeze %dma_start3A_593 : memref<1x128x16xf32, #tpu.memory_space<vmem>> -> memref<128x16xf32, #tpu.memory_space<vmem>>
      %dma_start3A_595 = arith.constant 0 : i32
      %dma_start3A_596 = tpu.memref_slice %arg8[%dma_start3A_589, %dma_start3A_595] : memref<16x128xi32, #tpu.memory_space<vmem>> -> memref<1x128xi32, #tpu.memory_space<vmem>>
      %dma_start3A_597 = tpu.memref_squeeze %dma_start3A_596 : memref<1x128xi32, #tpu.memory_space<vmem>> -> memref<128xi32, #tpu.memory_space<vmem>>
      %dma_start3A_598 = arith.constant 0 : i32
      %dma_start3A_599 = arith.constant 0 : i32
      %dma_start3A_600 = tpu.memref_slice %arg4[%dma_start3A_598, %dma_start3A_599] : memref<100352x16xf32, #tpu.memory_space<hbm>> -> memref<100352x16xf32, #tpu.memory_space<hbm>>
      tpu.enqueue_indirect_dma source(%dma_start3A_600 : memref<100352x16xf32, #tpu.memory_space<hbm>>) target(%dma_start3A_594 : memref<128x16xf32, #tpu.memory_space<vmem>>) offsets(%dma_start3A_597 : memref<128xi32, #tpu.memory_space<vmem>>) semaphore(%arg18 : memref<!tpu.dma_semaphore, #tpu.memory_space<semaphore_mem>>)
      %dma_wait3A_601 = arith.constant 12 : i32
      %dma_wait3A_602 = arith.constant 4 : i32
      %dma_wait3A_603 = arith.constant 0 : i32
      %dma_wait3A_604 = arith.constant 0 : i32
      %dma_wait3A_605 = tpu.memref_slice %arg10[%dma_wait3A_602, %dma_wait3A_603, %dma_wait3A_604] : memref<8x128x16xf32, #tpu.memory_space<vmem>> -> memref<1x128x16xf32, #tpu.memory_space<vmem>>
      %dma_wait3A_606 = tpu.memref_squeeze %dma_wait3A_605 : memref<1x128x16xf32, #tpu.memory_space<vmem>> -> memref<128x16xf32, #tpu.memory_space<vmem>>
      %dma_wait3A_607 = arith.constant 0 : i32
      %dma_wait3A_608 = tpu.memref_slice %arg8[%dma_wait3A_601, %dma_wait3A_607] : memref<16x128xi32, #tpu.memory_space<vmem>> -> memref<1x128xi32, #tpu.memory_space<vmem>>
      %dma_wait3A_609 = tpu.memref_squeeze %dma_wait3A_608 : memref<1x128xi32, #tpu.memory_space<vmem>> -> memref<128xi32, #tpu.memory_space<vmem>>
      %dma_wait3A_610 = arith.constant 0 : i32
      %dma_wait3A_611 = arith.constant 0 : i32
      %dma_wait3A_612 = tpu.memref_slice %arg4[%dma_wait3A_610, %dma_wait3A_611] : memref<100352x16xf32, #tpu.memory_space<hbm>> -> memref<100352x16xf32, #tpu.memory_space<hbm>>
      tpu.wait_indirect_dma semaphore(%arg15 : memref<!tpu.dma_semaphore, #tpu.memory_space<semaphore_mem>>) src(%dma_wait3A_612 : memref<100352x16xf32, #tpu.memory_space<hbm>>) dst(%dma_wait3A_606 : memref<128x16xf32, #tpu.memory_space<vmem>>)
      %dma_start3A_613 = arith.constant 4 : i32
      %dma_start3A_614 = arith.constant 12 : i32
      %dma_start3A_615 = arith.constant 0 : i32
      %dma_start3A_616 = arith.constant 0 : i32
      %dma_start3A_617 = tpu.memref_slice %arg10[%dma_start3A_613, %dma_start3A_615, %dma_start3A_616] : memref<8x128x16xf32, #tpu.memory_space<vmem>> -> memref<1x128x16xf32, #tpu.memory_space<vmem>>
      %dma_start3A_618 = tpu.memref_squeeze %dma_start3A_617 : memref<1x128x16xf32, #tpu.memory_space<vmem>> -> memref<128x16xf32, #tpu.memory_space<vmem>>
      %dma_start3A_619 = arith.constant 0 : i32
      %dma_start3A_620 = tpu.memref_slice %arg9[%dma_start3A_614, %dma_start3A_619] : memref<16x128xi32, #tpu.memory_space<vmem>> -> memref<1x128xi32, #tpu.memory_space<vmem>>
      %dma_start3A_621 = tpu.memref_squeeze %dma_start3A_620 : memref<1x128xi32, #tpu.memory_space<vmem>> -> memref<128xi32, #tpu.memory_space<vmem>>
      %dma_start3A_622 = arith.constant 0 : i32
      %dma_start3A_623 = arith.constant 0 : i32
      %dma_start3A_624 = tpu.memref_slice %arg7[%dma_start3A_622, %dma_start3A_623] : memref<100352x16xf32, #tpu.memory_space<vmem_shared>> -> memref<100352x16xf32, #tpu.memory_space<vmem_shared>>
      tpu.enqueue_indirect_dma source(%dma_start3A_618 : memref<128x16xf32, #tpu.memory_space<vmem>>) target(%dma_start3A_624 : memref<100352x16xf32, #tpu.memory_space<vmem_shared>>) offsets(%dma_start3A_621 : memref<128xi32, #tpu.memory_space<vmem>>) semaphore(%arg23 : memref<!tpu.dma_semaphore, #tpu.memory_space<semaphore_mem>>) {add = true}
      %dma_wait3A_625 = arith.constant 13 : i32
      %dma_wait3A_626 = arith.constant 5 : i32
      %dma_wait3A_627 = arith.constant 0 : i32
      %dma_wait3A_628 = arith.constant 0 : i32
      %dma_wait3A_629 = tpu.memref_slice %arg10[%dma_wait3A_626, %dma_wait3A_627, %dma_wait3A_628] : memref<8x128x16xf32, #tpu.memory_space<vmem>> -> memref<1x128x16xf32, #tpu.memory_space<vmem>>
      %dma_wait3A_630 = tpu.memref_squeeze %dma_wait3A_629 : memref<1x128x16xf32, #tpu.memory_space<vmem>> -> memref<128x16xf32, #tpu.memory_space<vmem>>
      %dma_wait3A_631 = arith.constant 0 : i32
      %dma_wait3A_632 = tpu.memref_slice %arg8[%dma_wait3A_625, %dma_wait3A_631] : memref<16x128xi32, #tpu.memory_space<vmem>> -> memref<1x128xi32, #tpu.memory_space<vmem>>
      %dma_wait3A_633 = tpu.memref_squeeze %dma_wait3A_632 : memref<1x128xi32, #tpu.memory_space<vmem>> -> memref<128xi32, #tpu.memory_space<vmem>>
      %dma_wait3A_634 = arith.constant 0 : i32
      %dma_wait3A_635 = arith.constant 0 : i32
      %dma_wait3A_636 = tpu.memref_slice %arg4[%dma_wait3A_634, %dma_wait3A_635] : memref<100352x16xf32, #tpu.memory_space<hbm>> -> memref<100352x16xf32, #tpu.memory_space<hbm>>
      tpu.wait_indirect_dma semaphore(%arg16 : memref<!tpu.dma_semaphore, #tpu.memory_space<semaphore_mem>>) src(%dma_wait3A_636 : memref<100352x16xf32, #tpu.memory_space<hbm>>) dst(%dma_wait3A_630 : memref<128x16xf32, #tpu.memory_space<vmem>>)
      %dma_start3A_637 = arith.constant 5 : i32
      %dma_start3A_638 = arith.constant 13 : i32
      %dma_start3A_639 = arith.constant 0 : i32
      %dma_start3A_640 = arith.constant 0 : i32
      %dma_start3A_641 = tpu.memref_slice %arg10[%dma_start3A_637, %dma_start3A_639, %dma_start3A_640] : memref<8x128x16xf32, #tpu.memory_space<vmem>> -> memref<1x128x16xf32, #tpu.memory_space<vmem>>
      %dma_start3A_642 = tpu.memref_squeeze %dma_start3A_641 : memref<1x128x16xf32, #tpu.memory_space<vmem>> -> memref<128x16xf32, #tpu.memory_space<vmem>>
      %dma_start3A_643 = arith.constant 0 : i32
      %dma_start3A_644 = tpu.memref_slice %arg9[%dma_start3A_638, %dma_start3A_643] : memref<16x128xi32, #tpu.memory_space<vmem>> -> memref<1x128xi32, #tpu.memory_space<vmem>>
      %dma_start3A_645 = tpu.memref_squeeze %dma_start3A_644 : memref<1x128xi32, #tpu.memory_space<vmem>> -> memref<128xi32, #tpu.memory_space<vmem>>
      %dma_start3A_646 = arith.constant 0 : i32
      %dma_start3A_647 = arith.constant 0 : i32
      %dma_start3A_648 = tpu.memref_slice %arg7[%dma_start3A_646, %dma_start3A_647] : memref<100352x16xf32, #tpu.memory_space<vmem_shared>> -> memref<100352x16xf32, #tpu.memory_space<vmem_shared>>
      tpu.enqueue_indirect_dma source(%dma_start3A_642 : memref<128x16xf32, #tpu.memory_space<vmem>>) target(%dma_start3A_648 : memref<100352x16xf32, #tpu.memory_space<vmem_shared>>) offsets(%dma_start3A_645 : memref<128xi32, #tpu.memory_space<vmem>>) semaphore(%arg24 : memref<!tpu.dma_semaphore, #tpu.memory_space<semaphore_mem>>) {add = true}
      %dma_wait3A_649 = arith.constant 14 : i32
      %dma_wait3A_650 = arith.constant 6 : i32
      %dma_wait3A_651 = arith.constant 0 : i32
      %dma_wait3A_652 = arith.constant 0 : i32
      %dma_wait3A_653 = tpu.memref_slice %arg10[%dma_wait3A_650, %dma_wait3A_651, %dma_wait3A_652] : memref<8x128x16xf32, #tpu.memory_space<vmem>> -> memref<1x128x16xf32, #tpu.memory_space<vmem>>
      %dma_wait3A_654 = tpu.memref_squeeze %dma_wait3A_653 : memref<1x128x16xf32, #tpu.memory_space<vmem>> -> memref<128x16xf32, #tpu.memory_space<vmem>>
      %dma_wait3A_655 = arith.constant 0 : i32
      %dma_wait3A_656 = tpu.memref_slice %arg8[%dma_wait3A_649, %dma_wait3A_655] : memref<16x128xi32, #tpu.memory_space<vmem>> -> memref<1x128xi32, #tpu.memory_space<vmem>>
      %dma_wait3A_657 = tpu.memref_squeeze %dma_wait3A_656 : memref<1x128xi32, #tpu.memory_space<vmem>> -> memref<128xi32, #tpu.memory_space<vmem>>
      %dma_wait3A_658 = arith.constant 0 : i32
      %dma_wait3A_659 = arith.constant 0 : i32
      %dma_wait3A_660 = tpu.memref_slice %arg4[%dma_wait3A_658, %dma_wait3A_659] : memref<100352x16xf32, #tpu.memory_space<hbm>> -> memref<100352x16xf32, #tpu.memory_space<hbm>>
      tpu.wait_indirect_dma semaphore(%arg17 : memref<!tpu.dma_semaphore, #tpu.memory_space<semaphore_mem>>) src(%dma_wait3A_660 : memref<100352x16xf32, #tpu.memory_space<hbm>>) dst(%dma_wait3A_654 : memref<128x16xf32, #tpu.memory_space<vmem>>)
      %dma_start3A_661 = arith.constant 6 : i32
      %dma_start3A_662 = arith.constant 14 : i32
      %dma_start3A_663 = arith.constant 0 : i32
      %dma_start3A_664 = arith.constant 0 : i32
      %dma_start3A_665 = tpu.memref_slice %arg10[%dma_start3A_661, %dma_start3A_663, %dma_start3A_664] : memref<8x128x16xf32, #tpu.memory_space<vmem>> -> memref<1x128x16xf32, #tpu.memory_space<vmem>>
      %dma_start3A_666 = tpu.memref_squeeze %dma_start3A_665 : memref<1x128x16xf32, #tpu.memory_space<vmem>> -> memref<128x16xf32, #tpu.memory_space<vmem>>
      %dma_start3A_667 = arith.constant 0 : i32
      %dma_start3A_668 = tpu.memref_slice %arg9[%dma_start3A_662, %dma_start3A_667] : memref<16x128xi32, #tpu.memory_space<vmem>> -> memref<1x128xi32, #tpu.memory_space<vmem>>
      %dma_start3A_669 = tpu.memref_squeeze %dma_start3A_668 : memref<1x128xi32, #tpu.memory_space<vmem>> -> memref<128xi32, #tpu.memory_space<vmem>>
      %dma_start3A_670 = arith.constant 0 : i32
      %dma_start3A_671 = arith.constant 0 : i32
      %dma_start3A_672 = tpu.memref_slice %arg7[%dma_start3A_670, %dma_start3A_671] : memref<100352x16xf32, #tpu.memory_space<vmem_shared>> -> memref<100352x16xf32, #tpu.memory_space<vmem_shared>>
      tpu.enqueue_indirect_dma source(%dma_start3A_666 : memref<128x16xf32, #tpu.memory_space<vmem>>) target(%dma_start3A_672 : memref<100352x16xf32, #tpu.memory_space<vmem_shared>>) offsets(%dma_start3A_669 : memref<128xi32, #tpu.memory_space<vmem>>) semaphore(%arg25 : memref<!tpu.dma_semaphore, #tpu.memory_space<semaphore_mem>>) {add = true}
      %dma_wait3A_673 = arith.constant 15 : i32
      %dma_wait3A_674 = arith.constant 7 : i32
      %dma_wait3A_675 = arith.constant 0 : i32
      %dma_wait3A_676 = arith.constant 0 : i32
      %dma_wait3A_677 = tpu.memref_slice %arg10[%dma_wait3A_674, %dma_wait3A_675, %dma_wait3A_676] : memref<8x128x16xf32, #tpu.memory_space<vmem>> -> memref<1x128x16xf32, #tpu.memory_space<vmem>>
      %dma_wait3A_678 = tpu.memref_squeeze %dma_wait3A_677 : memref<1x128x16xf32, #tpu.memory_space<vmem>> -> memref<128x16xf32, #tpu.memory_space<vmem>>
      %dma_wait3A_679 = arith.constant 0 : i32
      %dma_wait3A_680 = tpu.memref_slice %arg8[%dma_wait3A_673, %dma_wait3A_679] : memref<16x128xi32, #tpu.memory_space<vmem>> -> memref<1x128xi32, #tpu.memory_space<vmem>>
      %dma_wait3A_681 = tpu.memref_squeeze %dma_wait3A_680 : memref<1x128xi32, #tpu.memory_space<vmem>> -> memref<128xi32, #tpu.memory_space<vmem>>
      %dma_wait3A_682 = arith.constant 0 : i32
      %dma_wait3A_683 = arith.constant 0 : i32
      %dma_wait3A_684 = tpu.memref_slice %arg4[%dma_wait3A_682, %dma_wait3A_683] : memref<100352x16xf32, #tpu.memory_space<hbm>> -> memref<100352x16xf32, #tpu.memory_space<hbm>>
      tpu.wait_indirect_dma semaphore(%arg18 : memref<!tpu.dma_semaphore, #tpu.memory_space<semaphore_mem>>) src(%dma_wait3A_684 : memref<100352x16xf32, #tpu.memory_space<hbm>>) dst(%dma_wait3A_678 : memref<128x16xf32, #tpu.memory_space<vmem>>)
      %dma_start3A_685 = arith.constant 7 : i32
      %dma_start3A_686 = arith.constant 15 : i32
      %dma_start3A_687 = arith.constant 0 : i32
      %dma_start3A_688 = arith.constant 0 : i32
      %dma_start3A_689 = tpu.memref_slice %arg10[%dma_start3A_685, %dma_start3A_687, %dma_start3A_688] : memref<8x128x16xf32, #tpu.memory_space<vmem>> -> memref<1x128x16xf32, #tpu.memory_space<vmem>>
      %dma_start3A_690 = tpu.memref_squeeze %dma_start3A_689 : memref<1x128x16xf32, #tpu.memory_space<vmem>> -> memref<128x16xf32, #tpu.memory_space<vmem>>
      %dma_start3A_691 = arith.constant 0 : i32
      %dma_start3A_692 = tpu.memref_slice %arg9[%dma_start3A_686, %dma_start3A_691] : memref<16x128xi32, #tpu.memory_space<vmem>> -> memref<1x128xi32, #tpu.memory_space<vmem>>
      %dma_start3A_693 = tpu.memref_squeeze %dma_start3A_692 : memref<1x128xi32, #tpu.memory_space<vmem>> -> memref<128xi32, #tpu.memory_space<vmem>>
      %dma_start3A_694 = arith.constant 0 : i32
      %dma_start3A_695 = arith.constant 0 : i32
      %dma_start3A_696 = tpu.memref_slice %arg7[%dma_start3A_694, %dma_start3A_695] : memref<100352x16xf32, #tpu.memory_space<vmem_shared>> -> memref<100352x16xf32, #tpu.memory_space<vmem_shared>>
      tpu.enqueue_indirect_dma source(%dma_start3A_690 : memref<128x16xf32, #tpu.memory_space<vmem>>) target(%dma_start3A_696 : memref<100352x16xf32, #tpu.memory_space<vmem_shared>>) offsets(%dma_start3A_693 : memref<128xi32, #tpu.memory_space<vmem>>) semaphore(%arg26 : memref<!tpu.dma_semaphore, #tpu.memory_space<semaphore_mem>>) {add = true}
      %dma_wait3A_697 = arith.constant 0 : i32
      %dma_wait3A_698 = arith.constant 8 : i32
      %dma_wait3A_699 = arith.constant 0 : i32
      %dma_wait3A_700 = arith.constant 0 : i32
      %dma_wait3A_701 = tpu.memref_slice %arg10[%dma_wait3A_697, %dma_wait3A_699, %dma_wait3A_700] : memref<8x128x16xf32, #tpu.memory_space<vmem>> -> memref<1x128x16xf32, #tpu.memory_space<vmem>>
      %dma_wait3A_702 = tpu.memref_squeeze %dma_wait3A_701 : memref<1x128x16xf32, #tpu.memory_space<vmem>> -> memref<128x16xf32, #tpu.memory_space<vmem>>
      %dma_wait3A_703 = arith.constant 0 : i32
      %dma_wait3A_704 = tpu.memref_slice %arg9[%dma_wait3A_698, %dma_wait3A_703] : memref<16x128xi32, #tpu.memory_space<vmem>> -> memref<1x128xi32, #tpu.memory_space<vmem>>
      %dma_wait3A_705 = tpu.memref_squeeze %dma_wait3A_704 : memref<1x128xi32, #tpu.memory_space<vmem>> -> memref<128xi32, #tpu.memory_space<vmem>>
      %dma_wait3A_706 = arith.constant 0 : i32
      %dma_wait3A_707 = arith.constant 0 : i32
      %dma_wait3A_708 = tpu.memref_slice %arg7[%dma_wait3A_706, %dma_wait3A_707] : memref<100352x16xf32, #tpu.memory_space<vmem_shared>> -> memref<100352x16xf32, #tpu.memory_space<vmem_shared>>
      tpu.wait_indirect_dma semaphore(%arg19 : memref<!tpu.dma_semaphore, #tpu.memory_space<semaphore_mem>>) src(%dma_wait3A_702 : memref<128x16xf32, #tpu.memory_space<vmem>>) dst(%dma_wait3A_708 : memref<100352x16xf32, #tpu.memory_space<vmem_shared>>)
      %dma_wait3A_709 = arith.constant 1 : i32
      %dma_wait3A_710 = arith.constant 9 : i32
      %dma_wait3A_711 = arith.constant 0 : i32
      %dma_wait3A_712 = arith.constant 0 : i32
      %dma_wait3A_713 = tpu.memref_slice %arg10[%dma_wait3A_709, %dma_wait3A_711, %dma_wait3A_712] : memref<8x128x16xf32, #tpu.memory_space<vmem>> -> memref<1x128x16xf32, #tpu.memory_space<vmem>>
      %dma_wait3A_714 = tpu.memref_squeeze %dma_wait3A_713 : memref<1x128x16xf32, #tpu.memory_space<vmem>> -> memref<128x16xf32, #tpu.memory_space<vmem>>
      %dma_wait3A_715 = arith.constant 0 : i32
      %dma_wait3A_716 = tpu.memref_slice %arg9[%dma_wait3A_710, %dma_wait3A_715] : memref<16x128xi32, #tpu.memory_space<vmem>> -> memref<1x128xi32, #tpu.memory_space<vmem>>
      %dma_wait3A_717 = tpu.memref_squeeze %dma_wait3A_716 : memref<1x128xi32, #tpu.memory_space<vmem>> -> memref<128xi32, #tpu.memory_space<vmem>>
      %dma_wait3A_718 = arith.constant 0 : i32
      %dma_wait3A_719 = arith.constant 0 : i32
      %dma_wait3A_720 = tpu.memref_slice %arg7[%dma_wait3A_718, %dma_wait3A_719] : memref<100352x16xf32, #tpu.memory_space<vmem_shared>> -> memref<100352x16xf32, #tpu.memory_space<vmem_shared>>
      tpu.wait_indirect_dma semaphore(%arg20 : memref<!tpu.dma_semaphore, #tpu.memory_space<semaphore_mem>>) src(%dma_wait3A_714 : memref<128x16xf32, #tpu.memory_space<vmem>>) dst(%dma_wait3A_720 : memref<100352x16xf32, #tpu.memory_space<vmem_shared>>)
      %dma_wait3A_721 = arith.constant 2 : i32
      %dma_wait3A_722 = arith.constant 10 : i32
      %dma_wait3A_723 = arith.constant 0 : i32
      %dma_wait3A_724 = arith.constant 0 : i32
      %dma_wait3A_725 = tpu.memref_slice %arg10[%dma_wait3A_721, %dma_wait3A_723, %dma_wait3A_724] : memref<8x128x16xf32, #tpu.memory_space<vmem>> -> memref<1x128x16xf32, #tpu.memory_space<vmem>>
      %dma_wait3A_726 = tpu.memref_squeeze %dma_wait3A_725 : memref<1x128x16xf32, #tpu.memory_space<vmem>> -> memref<128x16xf32, #tpu.memory_space<vmem>>
      %dma_wait3A_727 = arith.constant 0 : i32
      %dma_wait3A_728 = tpu.memref_slice %arg9[%dma_wait3A_722, %dma_wait3A_727] : memref<16x128xi32, #tpu.memory_space<vmem>> -> memref<1x128xi32, #tpu.memory_space<vmem>>
      %dma_wait3A_729 = tpu.memref_squeeze %dma_wait3A_728 : memref<1x128xi32, #tpu.memory_space<vmem>> -> memref<128xi32, #tpu.memory_space<vmem>>
      %dma_wait3A_730 = arith.constant 0 : i32
      %dma_wait3A_731 = arith.constant 0 : i32
      %dma_wait3A_732 = tpu.memref_slice %arg7[%dma_wait3A_730, %dma_wait3A_731] : memref<100352x16xf32, #tpu.memory_space<vmem_shared>> -> memref<100352x16xf32, #tpu.memory_space<vmem_shared>>
      tpu.wait_indirect_dma semaphore(%arg21 : memref<!tpu.dma_semaphore, #tpu.memory_space<semaphore_mem>>) src(%dma_wait3A_726 : memref<128x16xf32, #tpu.memory_space<vmem>>) dst(%dma_wait3A_732 : memref<100352x16xf32, #tpu.memory_space<vmem_shared>>)
      %dma_wait3A_733 = arith.constant 3 : i32
      %dma_wait3A_734 = arith.constant 11 : i32
      %dma_wait3A_735 = arith.constant 0 : i32
      %dma_wait3A_736 = arith.constant 0 : i32
      %dma_wait3A_737 = tpu.memref_slice %arg10[%dma_wait3A_733, %dma_wait3A_735, %dma_wait3A_736] : memref<8x128x16xf32, #tpu.memory_space<vmem>> -> memref<1x128x16xf32, #tpu.memory_space<vmem>>
      %dma_wait3A_738 = tpu.memref_squeeze %dma_wait3A_737 : memref<1x128x16xf32, #tpu.memory_space<vmem>> -> memref<128x16xf32, #tpu.memory_space<vmem>>
      %dma_wait3A_739 = arith.constant 0 : i32
      %dma_wait3A_740 = tpu.memref_slice %arg9[%dma_wait3A_734, %dma_wait3A_739] : memref<16x128xi32, #tpu.memory_space<vmem>> -> memref<1x128xi32, #tpu.memory_space<vmem>>
      %dma_wait3A_741 = tpu.memref_squeeze %dma_wait3A_740 : memref<1x128xi32, #tpu.memory_space<vmem>> -> memref<128xi32, #tpu.memory_space<vmem>>
      %dma_wait3A_742 = arith.constant 0 : i32
      %dma_wait3A_743 = arith.constant 0 : i32
      %dma_wait3A_744 = tpu.memref_slice %arg7[%dma_wait3A_742, %dma_wait3A_743] : memref<100352x16xf32, #tpu.memory_space<vmem_shared>> -> memref<100352x16xf32, #tpu.memory_space<vmem_shared>>
      tpu.wait_indirect_dma semaphore(%arg22 : memref<!tpu.dma_semaphore, #tpu.memory_space<semaphore_mem>>) src(%dma_wait3A_738 : memref<128x16xf32, #tpu.memory_space<vmem>>) dst(%dma_wait3A_744 : memref<100352x16xf32, #tpu.memory_space<vmem_shared>>)
      %dma_wait3A_745 = arith.constant 4 : i32
      %dma_wait3A_746 = arith.constant 12 : i32
      %dma_wait3A_747 = arith.constant 0 : i32
      %dma_wait3A_748 = arith.constant 0 : i32
      %dma_wait3A_749 = tpu.memref_slice %arg10[%dma_wait3A_745, %dma_wait3A_747, %dma_wait3A_748] : memref<8x128x16xf32, #tpu.memory_space<vmem>> -> memref<1x128x16xf32, #tpu.memory_space<vmem>>
      %dma_wait3A_750 = tpu.memref_squeeze %dma_wait3A_749 : memref<1x128x16xf32, #tpu.memory_space<vmem>> -> memref<128x16xf32, #tpu.memory_space<vmem>>
      %dma_wait3A_751 = arith.constant 0 : i32
      %dma_wait3A_752 = tpu.memref_slice %arg9[%dma_wait3A_746, %dma_wait3A_751] : memref<16x128xi32, #tpu.memory_space<vmem>> -> memref<1x128xi32, #tpu.memory_space<vmem>>
      %dma_wait3A_753 = tpu.memref_squeeze %dma_wait3A_752 : memref<1x128xi32, #tpu.memory_space<vmem>> -> memref<128xi32, #tpu.memory_space<vmem>>
      %dma_wait3A_754 = arith.constant 0 : i32
      %dma_wait3A_755 = arith.constant 0 : i32
      %dma_wait3A_756 = tpu.memref_slice %arg7[%dma_wait3A_754, %dma_wait3A_755] : memref<100352x16xf32, #tpu.memory_space<vmem_shared>> -> memref<100352x16xf32, #tpu.memory_space<vmem_shared>>
      tpu.wait_indirect_dma semaphore(%arg23 : memref<!tpu.dma_semaphore, #tpu.memory_space<semaphore_mem>>) src(%dma_wait3A_750 : memref<128x16xf32, #tpu.memory_space<vmem>>) dst(%dma_wait3A_756 : memref<100352x16xf32, #tpu.memory_space<vmem_shared>>)
      %dma_wait3A_757 = arith.constant 5 : i32
      %dma_wait3A_758 = arith.constant 13 : i32
      %dma_wait3A_759 = arith.constant 0 : i32
      %dma_wait3A_760 = arith.constant 0 : i32
      %dma_wait3A_761 = tpu.memref_slice %arg10[%dma_wait3A_757, %dma_wait3A_759, %dma_wait3A_760] : memref<8x128x16xf32, #tpu.memory_space<vmem>> -> memref<1x128x16xf32, #tpu.memory_space<vmem>>
      %dma_wait3A_762 = tpu.memref_squeeze %dma_wait3A_761 : memref<1x128x16xf32, #tpu.memory_space<vmem>> -> memref<128x16xf32, #tpu.memory_space<vmem>>
      %dma_wait3A_763 = arith.constant 0 : i32
      %dma_wait3A_764 = tpu.memref_slice %arg9[%dma_wait3A_758, %dma_wait3A_763] : memref<16x128xi32, #tpu.memory_space<vmem>> -> memref<1x128xi32, #tpu.memory_space<vmem>>
      %dma_wait3A_765 = tpu.memref_squeeze %dma_wait3A_764 : memref<1x128xi32, #tpu.memory_space<vmem>> -> memref<128xi32, #tpu.memory_space<vmem>>
      %dma_wait3A_766 = arith.constant 0 : i32
      %dma_wait3A_767 = arith.constant 0 : i32
      %dma_wait3A_768 = tpu.memref_slice %arg7[%dma_wait3A_766, %dma_wait3A_767] : memref<100352x16xf32, #tpu.memory_space<vmem_shared>> -> memref<100352x16xf32, #tpu.memory_space<vmem_shared>>
      tpu.wait_indirect_dma semaphore(%arg24 : memref<!tpu.dma_semaphore, #tpu.memory_space<semaphore_mem>>) src(%dma_wait3A_762 : memref<128x16xf32, #tpu.memory_space<vmem>>) dst(%dma_wait3A_768 : memref<100352x16xf32, #tpu.memory_space<vmem_shared>>)
      %dma_wait3A_769 = arith.constant 6 : i32
      %dma_wait3A_770 = arith.constant 14 : i32
      %dma_wait3A_771 = arith.constant 0 : i32
      %dma_wait3A_772 = arith.constant 0 : i32
      %dma_wait3A_773 = tpu.memref_slice %arg10[%dma_wait3A_769, %dma_wait3A_771, %dma_wait3A_772] : memref<8x128x16xf32, #tpu.memory_space<vmem>> -> memref<1x128x16xf32, #tpu.memory_space<vmem>>
      %dma_wait3A_774 = tpu.memref_squeeze %dma_wait3A_773 : memref<1x128x16xf32, #tpu.memory_space<vmem>> -> memref<128x16xf32, #tpu.memory_space<vmem>>
      %dma_wait3A_775 = arith.constant 0 : i32
      %dma_wait3A_776 = tpu.memref_slice %arg9[%dma_wait3A_770, %dma_wait3A_775] : memref<16x128xi32, #tpu.memory_space<vmem>> -> memref<1x128xi32, #tpu.memory_space<vmem>>
      %dma_wait3A_777 = tpu.memref_squeeze %dma_wait3A_776 : memref<1x128xi32, #tpu.memory_space<vmem>> -> memref<128xi32, #tpu.memory_space<vmem>>
      %dma_wait3A_778 = arith.constant 0 : i32
      %dma_wait3A_779 = arith.constant 0 : i32
      %dma_wait3A_780 = tpu.memref_slice %arg7[%dma_wait3A_778, %dma_wait3A_779] : memref<100352x16xf32, #tpu.memory_space<vmem_shared>> -> memref<100352x16xf32, #tpu.memory_space<vmem_shared>>
      tpu.wait_indirect_dma semaphore(%arg25 : memref<!tpu.dma_semaphore, #tpu.memory_space<semaphore_mem>>) src(%dma_wait3A_774 : memref<128x16xf32, #tpu.memory_space<vmem>>) dst(%dma_wait3A_780 : memref<100352x16xf32, #tpu.memory_space<vmem_shared>>)
      %dma_wait3A_781 = arith.constant 7 : i32
      %dma_wait3A_782 = arith.constant 15 : i32
      %dma_wait3A_783 = arith.constant 0 : i32
      %dma_wait3A_784 = arith.constant 0 : i32
      %dma_wait3A_785 = tpu.memref_slice %arg10[%dma_wait3A_781, %dma_wait3A_783, %dma_wait3A_784] : memref<8x128x16xf32, #tpu.memory_space<vmem>> -> memref<1x128x16xf32, #tpu.memory_space<vmem>>
      %dma_wait3A_786 = tpu.memref_squeeze %dma_wait3A_785 : memref<1x128x16xf32, #tpu.memory_space<vmem>> -> memref<128x16xf32, #tpu.memory_space<vmem>>
      %dma_wait3A_787 = arith.constant 0 : i32
      %dma_wait3A_788 = tpu.memref_slice %arg9[%dma_wait3A_782, %dma_wait3A_787] : memref<16x128xi32, #tpu.memory_space<vmem>> -> memref<1x128xi32, #tpu.memory_space<vmem>>
      %dma_wait3A_789 = tpu.memref_squeeze %dma_wait3A_788 : memref<1x128xi32, #tpu.memory_space<vmem>> -> memref<128xi32, #tpu.memory_space<vmem>>
      %dma_wait3A_790 = arith.constant 0 : i32
      %dma_wait3A_791 = arith.constant 0 : i32
      %dma_wait3A_792 = tpu.memref_slice %arg7[%dma_wait3A_790, %dma_wait3A_791] : memref<100352x16xf32, #tpu.memory_space<vmem_shared>> -> memref<100352x16xf32, #tpu.memory_space<vmem_shared>>
      tpu.wait_indirect_dma semaphore(%arg26 : memref<!tpu.dma_semaphore, #tpu.memory_space<semaphore_mem>>) src(%dma_wait3A_786 : memref<128x16xf32, #tpu.memory_space<vmem>>) dst(%dma_wait3A_792 : memref<100352x16xf32, #tpu.memory_space<vmem_shared>>)
    }
    %scan3A_13 = arith.constant 49 : i32
    %barrier3A_14 = arith.constant 0 : index
    tpu.barrier barrier_id(%barrier3A_14)
    %scan3A_15 = arith.constant 0 : i32
    %scan3A_16 = arith.constant 0 : i32
    %scan3A_17 = arith.constant 49 : i32
    %scan3A_18 = arith.addi %scan3A_16, %scan3A_17 : i32
    %scan3A_19 = arith.constant 1 : i32
    scf.for %scan3A_21 = %scan3A_16 to %scan3A_18 step %scan3A_19  : i32 {
      %mul3A_22 = arith.constant 128 : i32
      %mul3A_23 = arith.muli %scan3A_21, %mul3A_22 : i32
      %add3A_24 = arith.addi %mul3A_2, %mul3A_23 : i32
      %run_scoped3A = arith.constant 0 : i32
      "tpu.region"() ({
        %run_scoped3A_26 = tpu.sem_alloc : memref<!tpu.dma_semaphore, #tpu.memory_space<semaphore_mem>>
        %dma_start3A = arith.constant 0 : i32
        %dma_start3A_27 = arith.constant 0 : i32
        %dma_start3A_28 = tpu.memref_slice %arg10[%run_scoped3A, %dma_start3A, %dma_start3A_27] : memref<8x128x16xf32, #tpu.memory_space<vmem>> -> memref<1x128x16xf32, #tpu.memory_space<vmem>>
        %dma_start3A_29 = tpu.memref_squeeze %dma_start3A_28 : memref<1x128x16xf32, #tpu.memory_space<vmem>> -> memref<128x16xf32, #tpu.memory_space<vmem>>
        %dma_start3A_30 = arith.constant 0 : i32
        %dma_start3A_31 = tpu.memref_slice %arg7[%add3A_24, %dma_start3A_30] : memref<100352x16xf32, #tpu.memory_space<vmem_shared>> -> memref<128x16xf32, #tpu.memory_space<vmem_shared>>
        %dma_start3A_32 = arith.constant 0 : i32
        %dma_start3A_33 = arith.constant 0 : i32
        %dma_start3A_34 = tpu.memref_slice %arg10[%run_scoped3A, %dma_start3A_32, %dma_start3A_33] : memref<8x128x16xf32, #tpu.memory_space<vmem>> -> memref<1x128x16xf32, #tpu.memory_space<vmem>>
        %dma_start3A_35 = tpu.memref_squeeze %dma_start3A_34 : memref<1x128x16xf32, #tpu.memory_space<vmem>> -> memref<128x16xf32, #tpu.memory_space<vmem>>
        %dma_start3A_36 = arith.constant 0 : i32
        %dma_start3A_37 = tpu.memref_slice %arg7[%add3A_24, %dma_start3A_36] : memref<100352x16xf32, #tpu.memory_space<vmem_shared>> -> memref<128x16xf32, #tpu.memory_space<vmem_shared>>
        tpu.enqueue_dma source(%dma_start3A_37 : memref<128x16xf32, #tpu.memory_space<vmem_shared>>) target(%dma_start3A_35 : memref<128x16xf32, #tpu.memory_space<vmem>>) target_semaphore(%run_scoped3A_26 : memref<!tpu.dma_semaphore, #tpu.memory_space<semaphore_mem>>)
        %dma_wait3A = arith.constant 0 : i32
        %dma_wait3A_38 = arith.constant 0 : i32
        %dma_wait3A_39 = tpu.memref_slice %arg10[%run_scoped3A, %dma_wait3A, %dma_wait3A_38] : memref<8x128x16xf32, #tpu.memory_space<vmem>> -> memref<1x128x16xf32, #tpu.memory_space<vmem>>
        %dma_wait3A_40 = tpu.memref_squeeze %dma_wait3A_39 : memref<1x128x16xf32, #tpu.memory_space<vmem>> -> memref<128x16xf32, #tpu.memory_space<vmem>>
        %dma_wait3A_41 = arith.constant 0 : i32
        %dma_wait3A_42 = tpu.memref_slice %arg7[%add3A_24, %dma_wait3A_41] : memref<100352x16xf32, #tpu.memory_space<vmem_shared>> -> memref<128x16xf32, #tpu.memory_space<vmem_shared>>
        %dma_wait3A_43 = arith.constant 0 : i32
        %dma_wait3A_44 = arith.constant 0 : i32
        %dma_wait3A_45 = tpu.memref_slice %arg10[%run_scoped3A, %dma_wait3A_43, %dma_wait3A_44] : memref<8x128x16xf32, #tpu.memory_space<vmem>> -> memref<1x128x16xf32, #tpu.memory_space<vmem>>
        %dma_wait3A_46 = tpu.memref_squeeze %dma_wait3A_45 : memref<1x128x16xf32, #tpu.memory_space<vmem>> -> memref<128x16xf32, #tpu.memory_space<vmem>>
        %dma_wait3A_47 = arith.constant 0 : i32
        %dma_wait3A_48 = tpu.memref_slice %arg7[%add3A_24, %dma_wait3A_47] : memref<100352x16xf32, #tpu.memory_space<vmem_shared>> -> memref<128x16xf32, #tpu.memory_space<vmem_shared>>
        tpu.wait_dma2 semaphore(%run_scoped3A_26 : memref<!tpu.dma_semaphore, #tpu.memory_space<semaphore_mem>>) src(%dma_wait3A_48 : memref<128x16xf32, #tpu.memory_space<vmem_shared>>) dst(%dma_wait3A_46 : memref<128x16xf32, #tpu.memory_space<vmem>>)
        tpu.yield
      }) : () -> ()
      %run_scoped3A_25 = arith.constant 0 : i32
      "tpu.region"() ({
        %run_scoped3A_26 = tpu.sem_alloc : memref<!tpu.dma_semaphore, #tpu.memory_space<semaphore_mem>>
        %dma_start3A = arith.constant 0 : i32
        %dma_start3A_27 = arith.constant 0 : i32
        %dma_start3A_28 = tpu.memref_slice %arg10[%run_scoped3A_25, %dma_start3A, %dma_start3A_27] : memref<8x128x16xf32, #tpu.memory_space<vmem>> -> memref<1x128x16xf32, #tpu.memory_space<vmem>>
        %dma_start3A_29 = tpu.memref_squeeze %dma_start3A_28 : memref<1x128x16xf32, #tpu.memory_space<vmem>> -> memref<128x16xf32, #tpu.memory_space<vmem>>
        %dma_start3A_30 = arith.constant 0 : i32
        %dma_start3A_31 = tpu.memref_slice %arg6[%arg0, %add3A_24, %dma_start3A_30] : memref<2x100352x16xf32, #tpu.memory_space<hbm>> -> memref<1x128x16xf32, #tpu.memory_space<hbm>>
        %dma_start3A_32 = tpu.memref_squeeze %dma_start3A_31 : memref<1x128x16xf32, #tpu.memory_space<hbm>> -> memref<128x16xf32, #tpu.memory_space<hbm>>
        %dma_start3A_33 = arith.constant 0 : i32
        %dma_start3A_34 = tpu.memref_slice %arg6[%arg0, %add3A_24, %dma_start3A_33] : memref<2x100352x16xf32, #tpu.memory_space<hbm>> -> memref<1x128x16xf32, #tpu.memory_space<hbm>>
        %dma_start3A_35 = tpu.memref_squeeze %dma_start3A_34 : memref<1x128x16xf32, #tpu.memory_space<hbm>> -> memref<128x16xf32, #tpu.memory_space<hbm>>
        %dma_start3A_36 = arith.constant 0 : i32
        %dma_start3A_37 = arith.constant 0 : i32
        %dma_start3A_38 = tpu.memref_slice %arg10[%run_scoped3A_25, %dma_start3A_36, %dma_start3A_37] : memref<8x128x16xf32, #tpu.memory_space<vmem>> -> memref<1x128x16xf32, #tpu.memory_space<vmem>>
        %dma_start3A_39 = tpu.memref_squeeze %dma_start3A_38 : memref<1x128x16xf32, #tpu.memory_space<vmem>> -> memref<128x16xf32, #tpu.memory_space<vmem>>
        tpu.enqueue_dma source(%dma_start3A_39 : memref<128x16xf32, #tpu.memory_space<vmem>>) target(%dma_start3A_35 : memref<128x16xf32, #tpu.memory_space<hbm>>) target_semaphore(%run_scoped3A_26 : memref<!tpu.dma_semaphore, #tpu.memory_space<semaphore_mem>>)
        %dma_wait3A = arith.constant 0 : i32
        %dma_wait3A_40 = arith.constant 0 : i32
        %dma_wait3A_41 = tpu.memref_slice %arg10[%run_scoped3A_25, %dma_wait3A, %dma_wait3A_40] : memref<8x128x16xf32, #tpu.memory_space<vmem>> -> memref<1x128x16xf32, #tpu.memory_space<vmem>>
        %dma_wait3A_42 = tpu.memref_squeeze %dma_wait3A_41 : memref<1x128x16xf32, #tpu.memory_space<vmem>> -> memref<128x16xf32, #tpu.memory_space<vmem>>
        %dma_wait3A_43 = arith.constant 0 : i32
        %dma_wait3A_44 = tpu.memref_slice %arg6[%arg0, %add3A_24, %dma_wait3A_43] : memref<2x100352x16xf32, #tpu.memory_space<hbm>> -> memref<1x128x16xf32, #tpu.memory_space<hbm>>
        %dma_wait3A_45 = tpu.memref_squeeze %dma_wait3A_44 : memref<1x128x16xf32, #tpu.memory_space<hbm>> -> memref<128x16xf32, #tpu.memory_space<hbm>>
        %dma_wait3A_46 = arith.constant 0 : i32
        %dma_wait3A_47 = tpu.memref_slice %arg6[%arg0, %add3A_24, %dma_wait3A_46] : memref<2x100352x16xf32, #tpu.memory_space<hbm>> -> memref<1x128x16xf32, #tpu.memory_space<hbm>>
        %dma_wait3A_48 = tpu.memref_squeeze %dma_wait3A_47 : memref<1x128x16xf32, #tpu.memory_space<hbm>> -> memref<128x16xf32, #tpu.memory_space<hbm>>
        %dma_wait3A_49 = arith.constant 0 : i32
        %dma_wait3A_50 = arith.constant 0 : i32
        %dma_wait3A_51 = tpu.memref_slice %arg10[%run_scoped3A_25, %dma_wait3A_49, %dma_wait3A_50] : memref<8x128x16xf32, #tpu.memory_space<vmem>> -> memref<1x128x16xf32, #tpu.memory_space<vmem>>
        %dma_wait3A_52 = tpu.memref_squeeze %dma_wait3A_51 : memref<1x128x16xf32, #tpu.memory_space<vmem>> -> memref<128x16xf32, #tpu.memory_space<vmem>>
        tpu.wait_dma2 semaphore(%run_scoped3A_26 : memref<!tpu.dma_semaphore, #tpu.memory_space<semaphore_mem>>) src(%dma_wait3A_52 : memref<128x16xf32, #tpu.memory_space<vmem>>) dst(%dma_wait3A_48 : memref<128x16xf32, #tpu.memory_space<hbm>>)
        tpu.yield
      }) : () -> ()
    }
    %scan3A_20 = arith.constant 49 : i32
    return
  }
}

module attributes {stable_mosaic.version = 14 : i64} {
  func.func @_tc1_body(%arg0: i32, %arg1: memref<4000x128xf32, #tpu.memory_space<vmem>>, %arg2: memref<128x16xf32, #tpu.memory_space<vmem>>, %arg3: memref<1x16xf32, #tpu.memory_space<vmem>>, %arg4: memref<4000x16xf32, #tpu.memory_space<vmem>>) attributes {dimension_semantics = [#tpu.dimension_semantics<arbitrary>], iteration_bounds = array<i64: 25>, scalar_prefetch = 0 : i64, scratch_operands = 0 : i64, tpu.core_type = #tpu.core_type<tc>, window_params = [{transform_indices = @transform_0, window_bounds = array<i64: 4000, 128>}, {pipeline_mode = #tpu.pipeline_mode<synchronous>, transform_indices = @transform_1, window_bounds = array<i64: 128, 16>}, {pipeline_mode = #tpu.pipeline_mode<synchronous>, transform_indices = @transform_2, window_bounds = array<i64: 1, 16>}, {transform_indices = @transform_3, window_bounds = array<i64: 4000, 16>}]} {
    %get3A = arith.constant 0 : index
    %get3A_0 = arith.constant 0 : index
    %get3A_1 = vector.load %arg1[%get3A, %get3A_0] : memref<4000x128xf32, #tpu.memory_space<vmem>>, vector<4000x128xf32>
    %get3A_2 = arith.constant 0 : index
    %get3A_3 = arith.constant 0 : index
    %get3A_4 = vector.load %arg2[%get3A_2, %get3A_3] : memref<128x16xf32, #tpu.memory_space<vmem>>, vector<128x16xf32>
    %dot_general3A = arith.constant dense<0.000000e+00> : vector<4000x16xf32>
    %dot_general3A_5 = tpu.matmul %get3A_1, %get3A_4, %dot_general3A {dimension_numbers = #tpu.dot_dimension_numbers<[1], [0], [0], [1], [0, 0, 1, 1], [], []>, transpose_lhs_hint = false} : vector<4000x128xf32>, vector<128x16xf32>, vector<4000x16xf32> -> vector<4000x16xf32>
    %get3A_6 = arith.constant 0 : index
    %get3A_7 = arith.constant 0 : index
    %get3A_8 = vector.load %arg3[%get3A_6, %get3A_7] : memref<1x16xf32, #tpu.memory_space<vmem>>, vector<1x16xf32>
    %add3A = vector.broadcast %get3A_8 : vector<1x16xf32> to vector<4000x16xf32>
    %add3A_9 = arith.addf %dot_general3A_5, %add3A : vector<4000x16xf32>
    %swap3A = arith.constant 0 : index
    %swap3A_10 = arith.constant 0 : index
    %swap3A_11 = vector.load %arg4[%swap3A, %swap3A_10] : memref<4000x16xf32, #tpu.memory_space<vmem>>, vector<4000x16xf32>
    tpu.vector_store %arg4[%swap3A, %swap3A_10], %add3A_9 {strides = array<i32>} : memref<4000x16xf32, #tpu.memory_space<vmem>>, vector<4000x16xf32>,
    return
  }
  func.func @transform_0(%arg0: i32) -> (i32, i32) {
    %c0_i32 = arith.constant 0 : i32
    %c0_i32_0 = arith.constant 0 : i32
    return %arg0, %c0_i32 : i32, i32
  }
  func.func @transform_1(%arg0: i32) -> (i32, i32) {
    %c0_i32 = arith.constant 0 : i32
    %c0_i32_0 = arith.constant 0 : i32
    %c0_i32_1 = arith.constant 0 : i32
    return %c0_i32, %c0_i32_0 : i32, i32
  }
  func.func @transform_2(%arg0: i32) -> (i32, i32) {
    %c0_i32 = arith.constant 0 : i32
    %c0_i32_0 = arith.constant 0 : i32
    %c0_i32_1 = arith.constant 0 : i32
    return %c0_i32, %c0_i32_0 : i32, i32
  }
  func.func @transform_3(%arg0: i32) -> (i32, i32) {
    %c0_i32 = arith.constant 0 : i32
    %c0_i32_0 = arith.constant 0 : i32
    return %arg0, %c0_i32 : i32, i32
  }
}

module attributes {stable_mosaic.version = 14 : i64} {
  func.func @_tc2_body(%arg0: i32, %arg1: memref<2x2048x16xf32, #tpu.memory_space<vmem>>, %arg2: memref<2048x16xf32, #tpu.memory_space<vmem>>, %arg3: memref<2048x16xf32, #tpu.memory_space<vmem>>, %arg4: memref<2048x16xf32, #tpu.memory_space<vmem>>) attributes {dimension_semantics = [#tpu.dimension_semantics<arbitrary>], iteration_bounds = array<i64: 49>, scalar_prefetch = 0 : i64, scratch_operands = 0 : i64, tpu.core_type = #tpu.core_type<tc>, window_params = [{transform_indices = @transform_0, window_bounds = array<i64: 2, 2048, 16>}, {transform_indices = @transform_1, window_bounds = array<i64: 2048, 16>}, {transform_indices = @transform_2, window_bounds = array<i64: 2048, 16>}, {transform_indices = @transform_3, window_bounds = array<i64: 2048, 16>}]} {
    %get3A = arith.constant 0 : index
    %get3A_0 = arith.constant 0 : index
    %get3A_1 = arith.constant 0 : index
    %get3A_2 = vector.load %arg1[%get3A, %get3A_0, %get3A_1] : memref<2x2048x16xf32, #tpu.memory_space<vmem>>, vector<2x2048x16xf32>
    %get3A_3 = arith.constant 0 : index
    %get3A_4 = arith.constant 0 : index
    %get3A_5 = vector.load %arg3[%get3A_3, %get3A_4] : memref<2048x16xf32, #tpu.memory_space<vmem>>, vector<2048x16xf32>
    %add3A = arith.constant 1.000000e+00 : f32
    %add3A_6 = vector.broadcast %add3A : f32 to vector<2048x16xf32>
    %add3A_7 = arith.addf %get3A_5, %add3A_6 : vector<2048x16xf32>
    %slice3A = vector.extract_strided_slice %get3A_2 {offsets = [0, 0, 0], sizes = [1, 2048, 16], strides = [1, 1, 1]} : vector<2x2048x16xf32> to vector<1x2048x16xf32>
    %squeeze3A = vector.shape_cast %slice3A : vector<1x2048x16xf32> to vector<2048x16xf32>
    %slice3A_8 = vector.extract_strided_slice %get3A_2 {offsets = [1, 0, 0], sizes = [1, 2048, 16], strides = [1, 1, 1]} : vector<2x2048x16xf32> to vector<1x2048x16xf32>
    %squeeze3A_9 = vector.shape_cast %slice3A_8 : vector<1x2048x16xf32> to vector<2048x16xf32>
    %add3A_10 = arith.addf %squeeze3A, %squeeze3A_9 : vector<2048x16xf32>
    %get3A_11 = arith.constant 0 : index
    %get3A_12 = arith.constant 0 : index
    %get3A_13 = vector.load %arg2[%get3A_11, %get3A_12] : memref<2048x16xf32, #tpu.memory_space<vmem>>, vector<2048x16xf32>
    %add3A_14 = arith.addf %add3A_10, %get3A_13 : vector<2048x16xf32>
    %div3A = arith.divf %add3A_14, %add3A_7 : vector<2048x16xf32>
    %max3A = arith.constant 0.000000e+00 : f32
    %max3A_15 = vector.broadcast %max3A : f32 to vector<2048x16xf32>
    %max3A_16 = arith.maximumf %div3A, %max3A_15 : vector<2048x16xf32>
    %swap3A = arith.constant 0 : index
    %swap3A_17 = arith.constant 0 : index
    %swap3A_18 = vector.load %arg4[%swap3A, %swap3A_17] : memref<2048x16xf32, #tpu.memory_space<vmem>>, vector<2048x16xf32>
    tpu.vector_store %arg4[%swap3A, %swap3A_17], %max3A_16 {strides = array<i32>} : memref<2048x16xf32, #tpu.memory_space<vmem>>, vector<2048x16xf32>,
    return
  }
  func.func @transform_0(%arg0: i32) -> (i32, i32, i32) {
    %c0_i32 = arith.constant 0 : i32
    %c0_i32_0 = arith.constant 0 : i32
    %c0_i32_1 = arith.constant 0 : i32
    return %c0_i32, %arg0, %c0_i32_0 : i32, i32, i32
  }
  func.func @transform_1(%arg0: i32) -> (i32, i32) {
    %c0_i32 = arith.constant 0 : i32
    %c0_i32_0 = arith.constant 0 : i32
    return %arg0, %c0_i32 : i32, i32
  }
  func.func @transform_2(%arg0: i32) -> (i32, i32) {
    %c0_i32 = arith.constant 0 : i32
    %c0_i32_0 = arith.constant 0 : i32
    return %arg0, %c0_i32 : i32, i32
  }
  func.func @transform_3(%arg0: i32) -> (i32, i32) {
    %c0_i32 = arith.constant 0 : i32
    %c0_i32_0 = arith.constant 0 : i32
    return %arg0, %c0_i32 : i32, i32
  }
}

module attributes {stable_mosaic.version = 14 : i64} {
  func.func @_tc3_body(%arg0: i32, %arg1: memref<2x2048x16xf32, #tpu.memory_space<vmem>>, %arg2: memref<2048x16xf32, #tpu.memory_space<vmem>>, %arg3: memref<2048x16xf32, #tpu.memory_space<vmem>>, %arg4: memref<16x40xf32, #tpu.memory_space<vmem>>, %arg5: memref<1x40xf32, #tpu.memory_space<vmem>>, %arg6: memref<2048x40xf32, #tpu.memory_space<vmem>>) attributes {dimension_semantics = [#tpu.dimension_semantics<arbitrary>], iteration_bounds = array<i64: 49>, scalar_prefetch = 0 : i64, scratch_operands = 0 : i64, tpu.core_type = #tpu.core_type<tc>, window_params = [{transform_indices = @transform_0, window_bounds = array<i64: 2, 2048, 16>}, {transform_indices = @transform_1, window_bounds = array<i64: 2048, 16>}, {transform_indices = @transform_2, window_bounds = array<i64: 2048, 16>}, {pipeline_mode = #tpu.pipeline_mode<synchronous>, transform_indices = @transform_3, window_bounds = array<i64: 16, 40>}, {pipeline_mode = #tpu.pipeline_mode<synchronous>, transform_indices = @transform_4, window_bounds = array<i64: 1, 40>}, {transform_indices = @transform_5, window_bounds = array<i64: 2048, 40>}]} {
    %get3A = arith.constant 0 : index
    %get3A_0 = arith.constant 0 : index
    %get3A_1 = arith.constant 0 : index
    %get3A_2 = vector.load %arg1[%get3A, %get3A_0, %get3A_1] : memref<2x2048x16xf32, #tpu.memory_space<vmem>>, vector<2x2048x16xf32>
    %slice3A = vector.extract_strided_slice %get3A_2 {offsets = [0, 0, 0], sizes = [1, 2048, 16], strides = [1, 1, 1]} : vector<2x2048x16xf32> to vector<1x2048x16xf32>
    %squeeze3A = vector.shape_cast %slice3A : vector<1x2048x16xf32> to vector<2048x16xf32>
    %slice3A_3 = vector.extract_strided_slice %get3A_2 {offsets = [1, 0, 0], sizes = [1, 2048, 16], strides = [1, 1, 1]} : vector<2x2048x16xf32> to vector<1x2048x16xf32>
    %squeeze3A_4 = vector.shape_cast %slice3A_3 : vector<1x2048x16xf32> to vector<2048x16xf32>
    %add3A = arith.addf %squeeze3A, %squeeze3A_4 : vector<2048x16xf32>
    %get3A_5 = arith.constant 0 : index
    %get3A_6 = arith.constant 0 : index
    %get3A_7 = vector.load %arg2[%get3A_5, %get3A_6] : memref<2048x16xf32, #tpu.memory_space<vmem>>, vector<2048x16xf32>
    %add3A_8 = arith.addf %add3A, %get3A_7 : vector<2048x16xf32>
    %get3A_9 = arith.constant 0 : index
    %get3A_10 = arith.constant 0 : index
    %get3A_11 = vector.load %arg3[%get3A_9, %get3A_10] : memref<2048x16xf32, #tpu.memory_space<vmem>>, vector<2048x16xf32>
    %add3A_12 = arith.constant 1.000000e+00 : f32
    %add3A_13 = vector.broadcast %add3A_12 : f32 to vector<2048x16xf32>
    %add3A_14 = arith.addf %get3A_11, %add3A_13 : vector<2048x16xf32>
    %div3A = arith.divf %add3A_8, %add3A_14 : vector<2048x16xf32>
    %get3A_15 = arith.constant 0 : index
    %get3A_16 = arith.constant 0 : index
    %get3A_17 = vector.load %arg4[%get3A_15, %get3A_16] : memref<16x40xf32, #tpu.memory_space<vmem>>, vector<16x40xf32>
    %dot_general3A = arith.constant dense<0.000000e+00> : vector<2048x40xf32>
    %dot_general3A_18 = tpu.matmul %div3A, %get3A_17, %dot_general3A {dimension_numbers = #tpu.dot_dimension_numbers<[1], [0], [0], [1], [0, 0, 1, 1], [], []>, transpose_lhs_hint = false} : vector<2048x16xf32>, vector<16x40xf32>, vector<2048x40xf32> -> vector<2048x40xf32>
    %get3A_19 = arith.constant 0 : index
    %get3A_20 = arith.constant 0 : index
    %get3A_21 = vector.load %arg5[%get3A_19, %get3A_20] : memref<1x40xf32, #tpu.memory_space<vmem>>, vector<1x40xf32>
    %add3A_22 = vector.broadcast %get3A_21 : vector<1x40xf32> to vector<2048x40xf32>
    %add3A_23 = arith.addf %dot_general3A_18, %add3A_22 : vector<2048x40xf32>
    %reduce_max3A = arith.constant dense<0xFF800000> : vector<2048xf32>
    %reduce_max3A_24 = vector.multi_reduction <maximumf>, %add3A_23, %reduce_max3A [1] : vector<2048x40xf32> to vector<2048xf32>
    %broadcast_in_dim3A = vector.shape_cast %reduce_max3A_24 : vector<2048xf32> to vector<2048x1xf32>
    %sub3A = vector.broadcast %broadcast_in_dim3A : vector<2048x1xf32> to vector<2048x40xf32>
    %sub3A_25 = arith.subf %add3A_23, %sub3A : vector<2048x40xf32>
    %exp3A = math.exp %sub3A_25 : vector<2048x40xf32>
    %reduce_sum3A = arith.constant dense<0.000000e+00> : vector<2048xf32>
    %reduce_sum3A_26 = vector.multi_reduction <add>, %exp3A, %reduce_sum3A [1] : vector<2048x40xf32> to vector<2048xf32>
    %broadcast_in_dim3A_27 = vector.shape_cast %reduce_sum3A_26 : vector<2048xf32> to vector<2048x1xf32>
    %log3A = math.log %broadcast_in_dim3A_27 : vector<2048x1xf32>
    %add3A_28 = arith.addf %log3A, %broadcast_in_dim3A : vector<2048x1xf32>
    %sub3A_29 = vector.broadcast %add3A_28 : vector<2048x1xf32> to vector<2048x40xf32>
    %sub3A_30 = arith.subf %add3A_23, %sub3A_29 : vector<2048x40xf32>
    %swap3A = arith.constant 0 : index
    %swap3A_31 = arith.constant 0 : index
    %swap3A_32 = vector.load %arg6[%swap3A, %swap3A_31] : memref<2048x40xf32, #tpu.memory_space<vmem>>, vector<2048x40xf32>
    tpu.vector_store %arg6[%swap3A, %swap3A_31], %sub3A_30 {strides = array<i32>} : memref<2048x40xf32, #tpu.memory_space<vmem>>, vector<2048x40xf32>,
    return
  }
  func.func @transform_0(%arg0: i32) -> (i32, i32, i32) {
    %c0_i32 = arith.constant 0 : i32
    %c0_i32_0 = arith.constant 0 : i32
    %c0_i32_1 = arith.constant 0 : i32
    return %c0_i32, %arg0, %c0_i32_0 : i32, i32, i32
  }
  func.func @transform_1(%arg0: i32) -> (i32, i32) {
    %c0_i32 = arith.constant 0 : i32
    %c0_i32_0 = arith.constant 0 : i32
    return %arg0, %c0_i32 : i32, i32
  }
  func.func @transform_2(%arg0: i32) -> (i32, i32) {
    %c0_i32 = arith.constant 0 : i32
    %c0_i32_0 = arith.constant 0 : i32
    return %arg0, %c0_i32 : i32, i32
  }
  func.func @transform_3(%arg0: i32) -> (i32, i32) {
    %c0_i32 = arith.constant 0 : i32
    %c0_i32_0 = arith.constant 0 : i32
    %c0_i32_1 = arith.constant 0 : i32
    return %c0_i32, %c0_i32_0 : i32, i32
  }
  func.func @transform_4(%arg0: i32) -> (i32, i32) {
    %c0_i32 = arith.constant 0 : i32
    %c0_i32_0 = arith.constant 0 : i32
    %c0_i32_1 = arith.constant 0 : i32
    return %c0_i32, %c0_i32_0 : i32, i32
  }
  func.func @transform_5(%arg0: i32) -> (i32, i32) {
    %c0_i32 = arith.constant 0 : i32
    %c0_i32_0 = arith.constant 0 : i32
    return %arg0, %c0_i32 : i32, i32
  }
}

</mosaic_0001>

<sc_bundles>
// kernel: kernel.10.cloned.1.call-start
scs
__scs_entry_jumppad:
0x0: {  	(pc) =	sbr.rel $0x88, $3  }
0x1: {  	(tag) =	ssettag $0x0;
	lr =	simm.s32 $0x1  }
0x2: {  	[smem:$0x3F9B] =	sst lr;
	_ =	strace $0xD0000000  }
0x3: {  	_ = 	snop  }
0x4: {  	_ = 	snop  }
0x5: {  	_ = 	snop  }
0x6: {  	_ = 	snop  }
0x7: {  	_ = 	snop  }
__scs_overlays_trampoline_lowered:
0x8: {  	[smem:$0x3FAA] =	sst s0  }
0x9: {  	[smem:$0x3FAB] =	sst s1  }
0xa: {  	[smem:$0x3FAC] =	sst s2  }
0xb: {  	[smem:$0x3FAD] =	sst s3  }
0xc: {  	[smem:$0x3FAE] =	sst s4  }
0xd: {  	[smem:$0x3FAF] =	sst s5  }
0xe: {  	[smem:$0x3FB0] =	sst s6  }
0xf: {  	[smem:$0x3FB1] =	sst s7  }
0x10: {  	[smem:$0x3FB2] =	sst s8  }
0x11: {  	[smem:$0x3FB3] =	sst s9;
	s0 =	simm.s32 @!p0 $0x0  }
0x12: {  	s1 =	sld [smem:$0x3F99];
	s0 =	simm.s32 @p0 $0x1  }
0x13: {  	[smem:$0x3FB4] =	sst s0;
	s0 =	simm.s32 @!p1 $0x0  }
0x14: {  	s2 =	sld [smem:$0x3F98];
	s0 =	simm.s32 @p1 $0x1  }
0x15: {  	[smem:$0x3FB5] =	sst s0;
	s0 =	simm.s32 @!p2 $0x0  }
0x16: {  	s3 =	sld [smem:$0x3FDB];
	s0 =	simm.s32 @p2 $0x1  }
0x17: {  	s4 =	simm.s32 $0x1BF5;
	[smem:$0x3FB7] =	sst s0  }
0x18: {  	s0 =	sld [smem:$0x3F9A];
	_ =	swait.ge [sflag:s4], $0x0  }
0x19: {  	s7 =	sld [smem:$0x3F9B]  }
0x1a: {  	s8 =	sadd.s32 $0xFFFFE003, lr  }
0x1b: {  	s9 =	sadd.s32 $0xFFFFFEF7, lr;
	s5 =	simm.s32 $0xFFFFFFFF;
	p2 =	slt.u32 s8, $0xFFFFF086  }
0x1c: {  	p1 =	slt.u32 s9, $0xF7A;
	s5 =	simm.s32 @!p2 $0x0  }
0x1d: {  	s5 =	simm.s32 @p1 $0x1;
	p0 =	seq.s32 s7, s2  }
0x1e: {  	s7 =	smul.u32 @!p0 $0xF7A, s2;
	p2 =	seq.s32 @!p0 s5, $0x0  }
0x1f: {  	s9 =	smul.u32 $0xF7A, s1;
	s8 =	simm.s32 @!p0 $0x1BF5;
	p2 =	por !p2, p0  }
0x20: {  	[sflag:s8] =	ssyncset.s32 @!p0 $0xFFFFF086;
	s6 =	sadd.s32 @!p0 s3, s7;
	s7 =	simm.s32 @!p0 $0x108  }
0x21: {  	s3 =	sadd.s32 s3, s9;
	s6 =	sadd.s32 @!p0 $0x88, s6;
	s7 =	simm.s32 @p2 $0x1082  }
0x22: {  	[simem:s7], [sflag:s8] =	dma.local @!p0 [hbm:s6], $0xF7A  }
0x23: {  	s9 =	sor.u32 $0xD0000000, s2;
	s6 =	simm.s32 $0x108;
	_ =	swait.ge @!p0 [sflag:s8], $0x0  }
0x24: {  	s3 =	sadd.s32 $0x88, s3;
	s6 =	simm.s32 @!p1 $0x1082;
	[sflag:s4] =	ssyncset.s32 $0xFFFFF086  }
0x25: {  	[simem:s6], [sflag:s4] =	dma.local [hbm:s3], $0xF7A  }
0x26: {  	[smem:$0x3F9B] =	sst s1;
	(tag) =	ssettag s2;
	_ =	strace s9  }
0x27: {  	s1 =	sld [smem:$0x3FAB]  }
0x28: {  	s2 =	sld [smem:$0x3FAC]  }
0x29: {  	s4 =	sld [smem:$0x3FAE]  }
0x2a: {  	p0 =	seq.s32 s5, $0x0;
	s5 =	sld [smem:$0x3FAF]  }
0x2b: {  	s6 =	sld [smem:$0x3FB0]  }
0x2c: {  	s7 =	sld [smem:$0x3FB1]  }
0x2d: {  	s3 =	simm.s32 $0x108;
	s8 =	sld [smem:$0x3FB2]  }
0x2e: {  	s3 =	simm.s32 @!p0 $0x1082;
	s9 =	sld [smem:$0x3FB3]  }
0x2f: {  	lr =	sadd.s32 s0, s3;
	s0 =	sld [smem:$0x3FAA]  }
0x30: {  	s3 =	sld [smem:$0x3FAD]  }
0x31: {  	[smem:$0x3FB6] =	sst s10  }
0x32: {  	s10 =	sld [smem:$0x3FB4];
	_ =	sdelay $0x3  }
0x33: {  	p0 =	seq.s32 s10, $0x1;
	s10 =	sld [smem:$0x3FB6];
	_ =	sdelay $0x3  }
0x34: {  	[smem:$0x3FB6] =	sst s10  }
0x35: {  	s10 =	sld [smem:$0x3FB5];
	_ =	sdelay $0x3  }
0x36: {  	p1 =	seq.s32 s10, $0x1;
	s10 =	sld [smem:$0x3FB6];
	_ =	sdelay $0x3  }
0x37: {  	[smem:$0x3FB6] =	sst s10  }
0x38: {  	s10 =	sld [smem:$0x3FB7]  }
0x39: {  	_ = 	snop;
	(pc) =	sbr.ind lr, $3  }
0x3a: {  	_ = 	snop  }
0x3b: {  	_ = 	snop  }
0x3c: {  	p2 =	seq.s32 s10, $0x1;
	s10 =	sld [smem:$0x3FB6]  }
0x3d: {  	_ =	shalt  }
0x3e: {  	_ =	shalt  }
0x3f: {  	_ =	shalt  }
0x40: {  	_ =	shalt  }
0x41: {  	_ =	shalt  }
0x42: {  	_ =	shalt  }
0x43: {  	_ =	shalt  }
0x44: {  	_ =	shalt  }
0x45: {  	_ =	shalt  }
0x46: {  	_ =	shalt  }
0x47: {  	_ =	shalt  }
0x48: {  	_ =	shalt  }
0x49: {  	_ =	shalt  }
0x4a: {  	_ =	shalt  }
0x4b: {  	_ =	shalt  }
0x4c: {  	_ =	shalt  }
0x4d: {  	_ =	shalt  }
0x4e: {  	_ =	shalt  }
0x4f: {  	_ =	shalt  }
0x50: {  	_ =	shalt  }
0x51: {  	_ =	shalt  }
0x52: {  	_ =	shalt  }
0x53: {  	_ =	shalt  }
0x54: {  	_ =	shalt  }
0x55: {  	_ =	shalt  }
0x56: {  	_ =	shalt  }
0x57: {  	_ =	shalt  }
0x58: {  	_ =	shalt  }
0x59: {  	_ =	shalt  }
0x5a: {  	_ =	shalt  }
0x5b: {  	_ =	shalt  }
0x5c: {  	_ =	shalt  }
0x5d: {  	_ =	shalt  }
0x5e: {  	_ =	shalt  }
0x5f: {  	_ =	shalt  }
0x60: {  	_ =	shalt  }
0x61: {  	_ =	shalt  }
0x62: {  	_ =	shalt  }
0x63: {  	_ =	shalt  }
0x64: {  	_ =	shalt  }
0x65: {  	_ =	shalt  }
0x66: {  	_ =	shalt  }
0x67: {  	_ =	shalt  }
0x68: {  	_ =	shalt  }
0x69: {  	_ =	shalt  }
0x6a: {  	_ =	shalt  }
0x6b: {  	_ =	shalt  }
0x6c: {  	_ =	shalt  }
0x6d: {  	_ =	shalt  }
0x6e: {  	_ =	shalt  }
0x6f: {  	_ =	shalt  }
0x70: {  	_ =	shalt  }
0x71: {  	_ =	shalt  }
0x72: {  	_ =	shalt  }
0x73: {  	_ =	shalt  }
0x74: {  	_ =	shalt  }
0x75: {  	_ =	shalt  }
0x76: {  	_ =	shalt  }
0x77: {  	_ =	shalt  }
0x78: {  	_ =	shalt  }
0x79: {  	_ =	shalt  }
0x7a: {  	_ =	shalt  }
0x7b: {  	_ =	shalt  }
0x7c: {  	_ =	shalt  }
0x7d: {  	_ =	shalt  }
0x7e: {  	_ =	shalt  }
0x7f: {  	_ =	shalt  }
0x80: {  	_ =	shalt  }
0x81: {  	_ =	shalt  }
0x82: {  	_ =	shalt  }
0x83: {  	_ =	shalt  }
0x84: {  	_ =	shalt  }
0x85: {  	_ =	shalt  }
0x86: {  	_ =	shalt  }
0x87: {  	_ =	shalt  }
.Lfunc_end0:
.L_simem_size_0:
called_computation.1_lowered:
.L_overlay_start_0:
0x88: {  	s2 =	sld [smem:$0x3FD9]  }
0x89: {  	s3 =	sld [smem:$0x3FFE];
	_ =	sdelay $0x1  }
0x8a: {  	s1 =	srdreg.scid  }
0x8b: {  	s0 =	sand.u32 $0x1, s1  }
0x8c: {  	s17 =	sshll.u32 s0, $0xA;
	s2 =	sadd.s32 s3, s2  }
0x8d: {  	s2 =	sadd.s32 s2, s17  }
0x8e: {  	[smem:$0x3FC2] =	sst s2  }
0x8f: {  	_ = 	snop  }
0x90: {  	s2 =	sld [smem:$0x3FD0];
	(tm) =	ssettm $0x1  }
0x91: {  	s18 =	sld [smem:$0x3FFB];
	_ =	sdelay $0x3  }
0x92: {  	_ =	strace s18  }
0x93: {  	s3 =	sld [smem:$0x3FFC];
	_ =	sdelay $0x3  }
0x94: {  	_ =	strace s3  }
0x95: {  	s3 =	sld [smem:$0x3FFD];
	_ =	sdelay $0x3  }
0x96: {  	_ =	strace s3  }
0x97: {  	_ =	strace $0x8FFFFFFF  }
0x98: {  	s19 =	sld [smem:$0x3FDB];
	_ =	sdelay $0x1  }
0x99: {  	s4 =	simm.s32 $_scs_section_size  }
0x9a: {  	s5 =	simm.s32 $_size__tile_overlayer_lowered;
	s6 =	simm.s32 $_tile_overlayer_lowered  }
0x9b: {  	s22 =	simm.s32 $0x1BFF;
	s21 =	sshll.u32 s6, $0x1;
	s3 =	sadd.s32 s4, s19  }
0x9c: {  	s7 =	simm.s32 $0x0;
	s20 =	sshll.u32 s5, $0x1;
	s5 =	sadd.s32 s21, s3  }
0x9d: {  	[timem:s7], [sflag:s22] =	dma.local [hbm:s5], s20  }
0x9e: {  	_ =	swait.ge [sflag:s22], s20  }
0x9f: {  	s4 =	ssub.s32 $0x0, s20;
	[sflag:s22] =	ssyncset.done $0x0  }
0xa0: {  	[sflag:s22] =	ssyncadd.s32 s4;
	_ =	sdelay $0x1  }
0xa1: {  	s23 =	simm.s32 $0x1B8B  }
0xa2: {  	_ =	swait.ge [sflag:s23], $0x1  }
0xa3: {  	[sflag:s23] =	ssyncset.done $0x0  }
0xa4: {  	s25 =	simm.s32 $0x1B8E;
	s24 =	sld [smem:$0x3FFE];
	[sflag:s23] =	ssyncadd.s32 $0xFFFFFFFF  }
0xa5: {  	s26 =	simm.s32 $execute0_lowered;
	[smem:$0x3FD2] =	sst s25  }
0xa6: {  	s5 =	sshll.u32 s26, $0x1;
	_ =	strace $0x80000049;
	[dreg:$0x1] =	wrdreg $0xFFFFFFFF  }
0xa7: {  	s28 =	simm.s32 $_size_execute0_lowered;
	s3 =	sadd.s32 s3, s5;
	[dreg:$0x0] =	wrdreg $0x0  }
0xa8: {  	s5 =	sshll.u32 s28, $0x1;
	[dreg:$0x2] =	wrdreg s3  }
0xa9: {  	[dreg:$0x3] =	wrdreg s5  }
0xaa: {  	[dreg:$0x4] =	wrdreg $0xC0  }
0xab: {  	_ =	task [dreg:s7], $0x5FFFF  }
0xac: {  	[dreg:$0x1] =	wrdreg $0xFFFFFFFF  }
0xad: {  	[dreg:$0x0] =	wrdreg $0x60  }
0xae: {  	[dreg:$0x2] =	wrdreg s2  }
0xaf: {  	[dreg:$0x3] =	wrdreg s24  }
0xb0: {  	[dreg:$0x4] =	wrdreg $0x0  }
0xb1: {  	[dreg:$0x5] =	wrdreg $0x9  }
0xb2: {  	_ =	task.clear_ibuf [dreg:s7], $0x6FFFF;
	_ =	strace $0x90000049  }
0xb3: {  	s29 =	simm.s32 $0x9;
	_ =	strace $0x8000004B  }
0xb4: {  	_ =	swait.ge [sflag:s29], $0x1  }
0xb5: {  	[sflag:s29] =	ssyncadd.s32 $0xFFFFFFFF  }
0xb6: {  	_ =	strace $0x9000004B  }
0xb7: {  	_ =	sfence  }
0xb8: {  	s30 =	sld [smem:$0x0];
	_ =	sdelay $0x2  }
0xb9: {  	s31 =	sshll.u32 s1, $0xD;
	s1 =	sshrl.u32 s1, $0x2  }
0xba: {  	s3 =	sand.u32 $0x4000, s31;
	s1 =	sadd.s32 s1, s30  }
0xbb: {  	s0 =	sor.u32 s3, s0;
	s1 =	sshll.u32 s1, $0x11  }
0xbc: {  	s0 =	sor.u32 s1, s0  }
0xbd: {  	s0 =	sadd.s32 $0x8F2B, s0  }
0xbe: {  	[sflag:s0] =	ssyncadd.remote.s32 $0x1  }
0xbf: {  	_ =	sfence.sel $0xFFFF  }
0xc0: {  	[dreg:$0x0] =	wrdreg $0xFFFFFFFF;
	(pc) =	sbr.abs _section_cstart, $3  }
0xc1: {  	[dreg:$0x1] =	wrdreg $0xFFFFFFFF  }
0xc2: {  	_ =	task.clear_ibuf [dreg:s7], $0x2FFFF;
	_ =	strace $0x9FFFFFFF  }
0xc3: {  	(tm) =	ssettm $0x7FFFFFFF  }
tec
execute0_lowered:
.L_overlay_start_1:
0x0: {  	(tag) =	ssettag $0x1  }
0x1: {  	s0 =	rddreg [dreg:$0x0]  }
0x2: {  	s1 =	rddreg [dreg:$0x1]  }
0x3: {  	s2 =	rddreg [dreg:$0x2]  }
0x4: {  	s17 =	simm.s32 $0x0;
	s8 =	stileid.u32;
	s3 =	srdreg.scid  }
0x5: {  	s9 =	simm.s32 $0x18880;
	s10 =	simm.s32 $0x18900;
	s11 =	simm.s32 $0x18980  }
0x6: {  	s12 =	simm.s32 $0x18A00;
	s13 =	simm.s32 $0x19080;
	[smem:$0x7FF] =	sst s17  }
0x7: {  	s14 =	simm.s32 $0x18A80;
	_ =	strace $0x8000004A;
	[dreg:$0x6] =	wrdreg s9  }
0x8: {  	s15 =	simm.s32 $0x19100;
	s18 =	simm.s32 $0x18B00;
	[dreg:$0x7] =	wrdreg s10  }
0x9: {  	s19 =	simm.s32 $0x19180;
	s21 =	simm.s32 $0x18B80;
	[dreg:$0x8] =	wrdreg s11  }
0xa: {  	s22 =	simm.s32 $0x19200;
	s28 =	simm.s32 $0xA;
	[dreg:$0x9] =	wrdreg s12  }
0xb: {  	s29 =	simm.s32 $0x7;
	s30 =	simm.s32 $0x10;
	[dreg:$0xa] =	wrdreg s13  }
0xc: {  	s31 =	simm.s32 $0x7;
	s24 =	smul.u32 $0x3100, s8;
	[dreg:$0xb] =	wrdreg s14  }
0xd: {  	s4 =	sshll.u32 s8, $0x9;
	s26 =	smul.u32 $0x18800, s8;
	[dreg:$0xc] =	wrdreg s15  }
0xe: {  	s3 =	sand.u32 $0x1, s3;
	s20 =	smul.u32 $0x62000, s8;
	[dreg:$0xd] =	wrdreg s18  }
0xf: {  	s8 =	simm.s32 $0x19400;
	s5 =	sadd.s32 s4, s1;
	[dreg:$0xe] =	wrdreg s19  }
0x10: {  	s6 =	sshll.u32 s3, $0x8;
	s0 =	sadd.s32 s4, s0;
	[dreg:$0xf] =	wrdreg s21  }
0x11: {  	s4 =	sadd.s32 $0x1400, s1;
	s7 =	smul.u32 $0x188000, s3;
	[dreg:$0x10] =	wrdreg s22  }
0x12: {  	s3 =	ssub.s32 $0x2, s3;
	[dreg:$0x18] =	wrdreg s8;
	s11 =	simm.s32 $0x18E00  }
0x13: {  	s9 =	simm.s32 $0x19800;
	s12 =	simm.s32 $0x19480;
	[dreg:$0x19] =	wrdreg s11  }
0x14: {  	s10 =	simm.s32 $0x11;
	s15 =	simm.s32 $0x18E80;
	[dreg:$0x1a] =	wrdreg s12  }
0x15: {  	s13 =	simm.s32 $0x80;
	s19 =	simm.s32 $0x19500;
	[dreg:$0x1b] =	wrdreg s15  }
0x16: {  	s21 =	simm.s32 $0x19580;
	s22 =	simm.s32 $0x18F80;
	[dreg:$0x1c] =	wrdreg s19  }
0x17: {  	s8 =	simm.s32 $0xF;
	s0 =	sadd.s32 s6, s0;
	[dreg:$0x1e] =	wrdreg s21  }
0x18: {  	s5 =	sadd.s32 s6, s5;
	s6 =	sadd.s32 s24, s1;
	[dreg:$0x1f] =	wrdreg s22  }
0x19: {  	s16 =	sshrl.u32 s3, $0x1;
	s24 =	simm.s32 $0x18C00;
	[dreg:$0x4] =	wrdreg s0  }
0x1a: {  	s23 =	sshrl.u32 s20, $0x2;
	s20 =	simm.s32 $0x18F00;
	[dreg:$0x11] =	wrdreg s24  }
0x1b: {  	s22 =	simm.s32 $0x4;
	s25 =	sadd.s32 $0x1BA400, s5;
	[dreg:$0x1d] =	wrdreg s20  }
0x1c: {  	s5 =	sadd.s32 s26, s7;
	s26 =	simm.s32 $0x18C80;
	[dreg:$0x5] =	wrdreg s25  }
0x1d: {  	s18 =	sadd.s32 $0x21F600, s6;
	s6 =	simm.s32 $0x19380;
	[dreg:$0x13] =	wrdreg s26  }
0x1e: {  	s11 =	simm.s32 $0x0;
	s7 =	simm.s32 $0x18D80;
	[dreg:$0x16] =	wrdreg s6  }
0x1f: {  	s14 =	sadd.s32 s23, s2;
	s23 =	simm.s32 $0x19600;
	[dreg:$0x17] =	wrdreg s7  }
0x20: {  	s19 =	simm.s32 $0x1;
	s24 =	simm.s32 $0x19680;
	[smem:$0x7F7] =	sst s23  }
0x21: {  	s21 =	simm.s32 $0x2;
	s3 =	ssub.s32 s3, s16;
	[smem:$0x7F8] =	sst s24  }
0x22: {  	s20 =	simm.s32 $0x3;
	s0 =	simm.s32 $0xB;
	[smem:$0x7FB] =	sst s14  }
0x23: {  	s5 =	sshrl.u32 s5, $0x3;
	s3 =	smax.u32 s3, $0x1;
	[smem:$0x7FC] =	sst s18  }
0x24: {  	s25 =	simm.s32 $0x19280;
	s26 =	simm.s32 $0x19780;
	[smem:$0x7F6] =	sst s3  }
0x25: {  	s24 =	simm.s32 $0x5;
	s6 =	simm.s32 $0xD;
	[dreg:$0x12] =	wrdreg s25  }
0x26: {  	s7 =	simm.s32 $0xE;
	s3 =	simm.s32 $0x19300;
	[smem:$0x7FA] =	sst s26  }
0x27: {  	s1 =	sadd.s32 s5, s1;
	s5 =	simm.s32 $0x18D00;
	[dreg:$0x14] =	wrdreg s3  }
0x28: {  	s25 =	simm.s32 $0x19700;
	s26 =	simm.s32 $0x6;
	[dreg:$0x15] =	wrdreg s5  }
0x29: {  	s16 =	sadd.s32 $0x32400, s1;
	[smem:$0x7F9] =	sst s25;
	s25 =	simm.s32 $0x9  }
0x2a: {  	s1 =	simm.s32 $0x8;
	s5 =	simm.s32 $0xC;
	[smem:$0x7FD] =	sst s16  }
.LBB2_1:
0x2b: {  	[smem:$0x7F5] =	sst s11;
	s3 =	sadd.s32 $0x0, s18  }
0x2c: {  	[tilespmem:s9], [sflag:$0x11] =	stream.linear.gather [hbm4b:s3+s17], $0x800, $0x38;
	[tilespmem:$0x1D800] =	vst v63  }
0x2d: {  	_ =	swait.ge [sflag:s10], $0x800  }
0x2e: {  	[sflag:s10] =	ssyncset.done $0x0  }
0x2f: {  	[sflag:s10] =	ssyncadd.s32 $0xFFFFF800  }
0x30: {  	[spmem:s14] =	stream.linear.scatter [tilespmem:s9], [sflag:$0x11], $0x800, $0x38;
	[tilespmem:$0x1D800] =	vst v63  }
0x31: {  	s12 =	simm.s32 $0x100;
	s11 =	sadd.s32 $0x800, s14;
	_ =	swait.ge [sflag:s10], $0x800  }
0x32: {  	s16 =	simm.s32 $0x0;
	s3 =	simm.s32 $0x200;
	[sflag:s10] =	ssyncset.done $0x0  }
.LBB2_2:
0x33: {  	s14 =	sadd.s32 s12, s18  }
0x34: {  	[sflag:s10] =	ssyncadd.s32 $0xFFFFF800;
	s12 =	smov.u32 s3;
	s15 =	sadd.s32 $0x100, s3  }
0x35: {  	[tilespmem:s9], [sflag:$0x11] =	stream.linear.gather [hbm4b:s14+s16], $0x800, $0x38;
	[tilespmem:$0x1D800] =	vst v63  }
0x36: {  	p0 =	sne.s32 s3, $0x3000;
	_ =	swait.ge [sflag:s10], $0x800  }
.Ltmp0:
0x37: {  	[sflag:s10] =	ssyncset.done $0x0;
	(pc) =	sbr.rel @p0 .LBB2_2-.Ltmp0, $4  }
0x38: {  	[sflag:s10] =	ssyncadd.s32 $0xFFFFF800  }
0x39: {  	[spmem:s11] =	stream.linear.scatter [tilespmem:s9], [sflag:$0x11], $0x800, $0x38;
	[tilespmem:$0x1D800] =	vst v63  }
0x3a: {  	_ =	swait.ge [sflag:s10], $0x800  }
0x3b: {  	s3 =	smov.u32 s15;
	s11 =	sadd.s32 $0x800, s11;
	[sflag:s10] =	ssyncset.done $0x0  }
0x3c: {  	s3 =	sadd.s32 s12, s18;
	[sflag:s10] =	ssyncadd.s32 $0xFFFFF800  }
0x3d: {  	[tilespmem:s9], [sflag:$0x11] =	stream.linear.gather [hbm4b:s3+s16], $0x800, $0x38;
	[tilespmem:$0x1D800] =	vst v63  }
0x3e: {  	_ =	swait.ge [sflag:s10], $0x800  }
0x3f: {  	[sflag:s10] =	ssyncset.done $0x0  }
0x40: {  	[sflag:s10] =	ssyncadd.s32 $0xFFFFF800  }
0x41: {  	[spmem:s11] =	stream.linear.scatter [tilespmem:s9], [sflag:$0x11], $0x800, $0x38;
	[tilespmem:$0x1D800] =	vst v63  }
0x42: {  	_ =	swait.ge [sflag:s10], $0x800  }
0x43: {  	[sflag:s10] =	ssyncset.done $0x0  }
0x44: {  	[sflag:s10] =	ssyncadd.s32 $0xFFFFF800  }
0x45: {  	[bflag:$0x0] =	sbarrier.arrive $0xFFFF  }
0x46: {  	s17 =	rddreg [dreg:$0x4]  }
0x47: {  	s14 =	simm.s32 $0x18800;
	s3 =	sadd.s32 $0x0, s17  }
0x48: {  	[tilespmem:s14], [sflag:$0x11] =	stream.linear.gather [hbm4b:s3+s16], $0x800, $0x38;
	[tilespmem:$0x1D800] =	vst v63  }
0x49: {  	_ =	swait.ge [sflag:s10], $0x800  }
0x4a: {  	s18 =	rddreg [dreg:$0x5];
	[sflag:s10] =	ssyncset.done $0x0  }
0x4b: {  	s23 =	simm.s32 $0x19000;
	[sflag:s10] =	ssyncadd.s32 $0xFFFFF800;
	s3 =	sadd.s32 $0x0, s18  }
0x4c: {  	[tilespmem:s23], [sflag:$0x11] =	stream.linear.gather [hbm4b:s3+s16], $0x800, $0x38;
	[tilespmem:$0x1D800] =	vst v63  }
0x4d: {  	_ =	swait.ge [sflag:s10], $0x800  }
0x4e: {  	[sflag:s10] =	ssyncset.done $0x0  }
0x4f: {  	[sflag:s10] =	ssyncadd.s32 $0xFFFFF800  }
0x50: {  	[tilespmem:s9], [sflag:$0x1] =	stream.indirect.gather [hbm4b:s4+s13], $0x10, s14, s13, $0xb8;
	[tilespmem:$0x1D800] =	vst v63  }
0x51: {  	s23 =	simm.s32 $0x1A000;
	s11 =	rddreg [dreg:$0x6]  }
0x52: {  	[tilespmem:s23], [sflag:$0x2] =	stream.indirect.gather [hbm4b:s4+s13], $0x10, s11, s13, $0xb8;
	[tilespmem:$0x1D800] =	vst v63  }
0x53: {  	s17 =	simm.s32 $0x1A800;
	s15 =	rddreg [dreg:$0x7]  }
0x54: {  	[tilespmem:s17], [sflag:$0x3] =	stream.indirect.gather [hbm4b:s4+s13], $0x10, s15, s13, $0xb8;
	[tilespmem:$0x1D800] =	vst v63  }
0x55: {  	s18 =	simm.s32 $0x1B000;
	s16 =	rddreg [dreg:$0x8]  }
0x56: {  	[tilespmem:s18], [sflag:$0x4] =	stream.indirect.gather [hbm4b:s4+s13], $0x10, s16, s13, $0xb8;
	[tilespmem:$0x1D800] =	vst v63  }
0x57: {  	_ =	swait.ge [sflag:s19], $0x800  }
0x58: {  	[sflag:s19] =	ssyncset.done $0x0  }
0x59: {  	s12 =	simm.s32 $0x19000;
	[sflag:s19] =	ssyncadd.s32 $0xFFFFF800  }
0x5a: {  	[spmem:s2] =	stream.indirect.scatter.add.f32 [tilespmem:s9], [sflag:$0x9], $0x10, s12, s13, $0xb8;
	[tilespmem:$0x1D800] =	vst v63  }
0x5b: {  	s14 =	simm.s32 $0x1B800;
	s11 =	rddreg [dreg:$0x9]  }
0x5c: {  	[tilespmem:s14], [sflag:$0x5] =	stream.indirect.gather [hbm4b:s4+s13], $0x10, s11, s13, $0xb8;
	[tilespmem:$0x1D800] =	vst v63  }
0x5d: {  	_ =	swait.ge [sflag:s21], $0x800  }
0x5e: {  	[sflag:s21] =	ssyncset.done $0x0  }
0x5f: {  	s15 =	rddreg [dreg:$0xa];
	[sflag:s21] =	ssyncadd.s32 $0xFFFFF800  }
0x60: {  	[spmem:s2] =	stream.indirect.scatter.add.f32 [tilespmem:s23], [sflag:$0xA], $0x10, s15, s13, $0xb8;
	[tilespmem:$0x1D800] =	vst v63  }
0x61: {  	s16 =	rddreg [dreg:$0xb];
	s15 =	simm.s32 $0x1C000  }
0x62: {  	[tilespmem:s15], [sflag:$0x6] =	stream.indirect.gather [hbm4b:s4+s13], $0x10, s16, s13, $0xb8;
	[tilespmem:$0x1D800] =	vst v63  }
0x63: {  	_ =	swait.ge [sflag:s20], $0x800  }
0x64: {  	[sflag:s20] =	ssyncset.done $0x0  }
0x65: {  	s11 =	rddreg [dreg:$0xc];
	[sflag:s20] =	ssyncadd.s32 $0xFFFFF800  }
0x66: {  	[spmem:s2] =	stream.indirect.scatter.add.f32 [tilespmem:s17], [sflag:$0xB], $0x10, s11, s13, $0xb8;
	[tilespmem:$0x1D800] =	vst v63  }
0x67: {  	s16 =	simm.s32 $0x1C800;
	s12 =	rddreg [dreg:$0xd]  }
0x68: {  	[tilespmem:s16], [sflag:$0x7] =	stream.indirect.gather [hbm4b:s4+s13], $0x10, s12, s13, $0xb8;
	[tilespmem:$0x1D800] =	vst v63  }
0x69: {  	_ =	swait.ge [sflag:s22], $0x800  }
0x6a: {  	[sflag:s22] =	ssyncset.done $0x0  }
0x6b: {  	s12 =	rddreg [dreg:$0xe];
	[sflag:s22] =	ssyncadd.s32 $0xFFFFF800  }
0x6c: {  	[spmem:s2] =	stream.indirect.scatter.add.f32 [tilespmem:s18], [sflag:$0xC], $0x10, s12, s13, $0xb8;
	[tilespmem:$0x1D800] =	vst v63  }
0x6d: {  	s11 =	rddreg [dreg:$0xf];
	s12 =	simm.s32 $0x1D000  }
0x6e: {  	[tilespmem:s12], [sflag:$0x8] =	stream.indirect.gather [hbm4b:s4+s13], $0x10, s11, s13, $0xb8;
	[tilespmem:$0x1D800] =	vst v63  }
0x6f: {  	_ =	swait.ge [sflag:s24], $0x800  }
0x70: {  	[sflag:s24] =	ssyncset.done $0x0  }
0x71: {  	s11 =	rddreg [dreg:$0x10];
	[sflag:s24] =	ssyncadd.s32 $0xFFFFF800  }
0x72: {  	[spmem:s2] =	stream.indirect.scatter.add.f32 [tilespmem:s14], [sflag:$0xD], $0x10, s11, s13, $0xb8;
	[tilespmem:$0x1D800] =	vst v63  }
0x73: {  	_ =	swait.ge [sflag:s25], $0x800  }
0x74: {  	[sflag:s25] =	ssyncset.done $0x0  }
0x75: {  	s11 =	rddreg [dreg:$0x11];
	[sflag:s25] =	ssyncadd.s32 $0xFFFFF800  }
0x76: {  	[tilespmem:s9], [sflag:$0x1] =	stream.indirect.gather [hbm4b:s4+s13], $0x10, s11, s13, $0xb8;
	[tilespmem:$0x1D800] =	vst v63  }
0x77: {  	_ =	swait.ge [sflag:s26], $0x800  }
0x78: {  	[sflag:s26] =	ssyncset.done $0x0  }
0x79: {  	s11 =	rddreg [dreg:$0x12];
	[sflag:s26] =	ssyncadd.s32 $0xFFFFF800  }
0x7a: {  	[spmem:s2] =	stream.indirect.scatter.add.f32 [tilespmem:s15], [sflag:$0xE], $0x10, s11, s13, $0xb8;
	[tilespmem:$0x1D800] =	vst v63  }
0x7b: {  	_ =	swait.ge [sflag:s28], $0x800  }
0x7c: {  	[sflag:s28] =	ssyncset.done $0x0  }
0x7d: {  	s11 =	rddreg [dreg:$0x13];
	[sflag:s28] =	ssyncadd.s32 $0xFFFFF800  }
0x7e: {  	[tilespmem:s23], [sflag:$0x2] =	stream.indirect.gather [hbm4b:s4+s13], $0x10, s11, s13, $0xb8;
	[tilespmem:$0x1D800] =	vst v63  }
0x7f: {  	_ =	swait.ge [sflag:s29], $0x800  }
0x80: {  	[sflag:s29] =	ssyncset.done $0x0  }
0x81: {  	s11 =	rddreg [dreg:$0x14];
	[sflag:s29] =	ssyncadd.s32 $0xFFFFF800  }
0x82: {  	[spmem:s2] =	stream.indirect.scatter.add.f32 [tilespmem:s16], [sflag:$0xF], $0x10, s11, s13, $0xb8;
	[tilespmem:$0x1D800] =	vst v63  }
0x83: {  	_ =	swait.ge [sflag:s0], $0x800  }
0x84: {  	[sflag:s0] =	ssyncset.done $0x0  }
0x85: {  	s11 =	rddreg [dreg:$0x15];
	[sflag:s0] =	ssyncadd.s32 $0xFFFFF800  }
0x86: {  	[tilespmem:s17], [sflag:$0x3] =	stream.indirect.gather [hbm4b:s4+s13], $0x10, s11, s13, $0xb8;
	[tilespmem:$0x1D800] =	vst v63  }
0x87: {  	_ =	swait.ge [sflag:s1], $0x800  }
0x88: {  	[sflag:s1] =	ssyncset.done $0x0  }
0x89: {  	s11 =	rddreg [dreg:$0x16];
	[sflag:s1] =	ssyncadd.s32 $0xFFFFF800  }
0x8a: {  	[spmem:s2] =	stream.indirect.scatter.add.f32 [tilespmem:s12], [sflag:$0x10], $0x10, s11, s13, $0xb8;
	[tilespmem:$0x1D800] =	vst v63  }
0x8b: {  	_ =	swait.ge [sflag:s5], $0x800  }
0x8c: {  	[sflag:s5] =	ssyncset.done $0x0  }
0x8d: {  	s11 =	rddreg [dreg:$0x17];
	[sflag:s5] =	ssyncadd.s32 $0xFFFFF800  }
0x8e: {  	[tilespmem:s18], [sflag:$0x4] =	stream.indirect.gather [hbm4b:s4+s13], $0x10, s11, s13, $0xb8;
	[tilespmem:$0x1D800] =	vst v63  }
0x8f: {  	_ =	swait.ge [sflag:s19], $0x800  }
0x90: {  	[sflag:s19] =	ssyncset.done $0x0  }
0x91: {  	s11 =	rddreg [dreg:$0x18];
	[sflag:s19] =	ssyncadd.s32 $0xFFFFF800  }
0x92: {  	[spmem:s2] =	stream.indirect.scatter.add.f32 [tilespmem:s9], [sflag:$0x9], $0x10, s11, s13, $0xb8;
	[tilespmem:$0x1D800] =	vst v63  }
0x93: {  	_ =	swait.ge [sflag:s6], $0x800  }
0x94: {  	[sflag:s6] =	ssyncset.done $0x0  }
0x95: {  	s11 =	rddreg [dreg:$0x19];
	[sflag:s6] =	ssyncadd.s32 $0xFFFFF800  }
0x96: {  	[tilespmem:s14], [sflag:$0x5] =	stream.indirect.gather [hbm4b:s4+s13], $0x10, s11, s13, $0xb8;
	[tilespmem:$0x1D800] =	vst v63  }
0x97: {  	_ =	swait.ge [sflag:s21], $0x800  }
0x98: {  	[sflag:s21] =	ssyncset.done $0x0  }
0x99: {  	s11 =	rddreg [dreg:$0x1a];
	[sflag:s21] =	ssyncadd.s32 $0xFFFFF800  }
0x9a: {  	[spmem:s2] =	stream.indirect.scatter.add.f32 [tilespmem:s23], [sflag:$0xA], $0x10, s11, s13, $0xb8;
	[tilespmem:$0x1D800] =	vst v63  }
0x9b: {  	_ =	swait.ge [sflag:s7], $0x800  }
0x9c: {  	[sflag:s7] =	ssyncset.done $0x0  }
0x9d: {  	s11 =	rddreg [dreg:$0x1b];
	[sflag:s7] =	ssyncadd.s32 $0xFFFFF800  }
0x9e: {  	[tilespmem:s15], [sflag:$0x6] =	stream.indirect.gather [hbm4b:s4+s13], $0x10, s11, s13, $0xb8;
	[tilespmem:$0x1D800] =	vst v63  }
0x9f: {  	_ =	swait.ge [sflag:s20], $0x800  }
0xa0: {  	[sflag:s20] =	ssyncset.done $0x0  }
0xa1: {  	s23 =	rddreg [dreg:$0x1c];
	[sflag:s20] =	ssyncadd.s32 $0xFFFFF800  }
0xa2: {  	[spmem:s2] =	stream.indirect.scatter.add.f32 [tilespmem:s17], [sflag:$0xB], $0x10, s23, s13, $0xb8;
	[tilespmem:$0x1D800] =	vst v63  }
0xa3: {  	_ =	swait.ge [sflag:s8], $0x800  }
0xa4: {  	[sflag:s8] =	ssyncset.done $0x0  }
0xa5: {  	s11 =	rddreg [dreg:$0x1d];
	[sflag:s8] =	ssyncadd.s32 $0xFFFFF800  }
0xa6: {  	[tilespmem:s16], [sflag:$0x7] =	stream.indirect.gather [hbm4b:s4+s13], $0x10, s11, s13, $0xb8;
	[tilespmem:$0x1D800] =	vst v63  }
0xa7: {  	_ =	swait.ge [sflag:s22], $0x800  }
0xa8: {  	[sflag:s22] =	ssyncset.done $0x0  }
0xa9: {  	s17 =	rddreg [dreg:$0x1e];
	[sflag:s22] =	ssyncadd.s32 $0xFFFFF800  }
0xaa: {  	[spmem:s2] =	stream.indirect.scatter.add.f32 [tilespmem:s18], [sflag:$0xC], $0x10, s17, s13, $0xb8;
	[tilespmem:$0x1D800] =	vst v63  }
0xab: {  	_ =	swait.ge [sflag:s30], $0x800  }
0xac: {  	[sflag:s30] =	ssyncset.done $0x0  }
0xad: {  	s20 =	rddreg [dreg:$0x1f];
	[sflag:s30] =	ssyncadd.s32 $0xFFFFF800  }
0xae: {  	[tilespmem:s12], [sflag:$0x8] =	stream.indirect.gather [hbm4b:s4+s13], $0x10, s20, s13, $0xb8;
	[tilespmem:$0x1D800] =	vst v63  }
0xaf: {  	_ =	swait.ge [sflag:s24], $0x800  }
0xb0: {  	s22 =	sld [smem:$0x7F7]  }
0xb1: {  	[sflag:s24] =	ssyncset.done $0x0  }
0xb2: {  	[sflag:s24] =	ssyncadd.s32 $0xFFFFF800  }
0xb3: {  	[spmem:s2] =	stream.indirect.scatter.add.f32 [tilespmem:s14], [sflag:$0xD], $0x10, s22, s13, $0xb8;
	[tilespmem:$0x1D800] =	vst v63  }
0xb4: {  	_ =	swait.ge [sflag:s26], $0x800  }
0xb5: {  	s23 =	sld [smem:$0x7F8]  }
0xb6: {  	[sflag:s26] =	ssyncset.done $0x0  }
0xb7: {  	[sflag:s26] =	ssyncadd.s32 $0xFFFFF800  }
0xb8: {  	[spmem:s2] =	stream.indirect.scatter.add.f32 [tilespmem:s15], [sflag:$0xE], $0x10, s23, s13, $0xb8;
	[tilespmem:$0x1D800] =	vst v63  }
0xb9: {  	_ =	swait.ge [sflag:s29], $0x800  }
0xba: {  	s24 =	sld [smem:$0x7F9]  }
0xbb: {  	[sflag:s29] =	ssyncset.done $0x0  }
0xbc: {  	[sflag:s29] =	ssyncadd.s32 $0xFFFFF800  }
0xbd: {  	[spmem:s2] =	stream.indirect.scatter.add.f32 [tilespmem:s16], [sflag:$0xF], $0x10, s24, s13, $0xb8;
	[tilespmem:$0x1D800] =	vst v63  }
0xbe: {  	_ =	swait.ge [sflag:s1], $0x800  }
0xbf: {  	s26 =	sld [smem:$0x7FA]  }
0xc0: {  	[sflag:s1] =	ssyncset.done $0x0  }
0xc1: {  	[sflag:s1] =	ssyncadd.s32 $0xFFFFF800  }
0xc2: {  	[spmem:s2] =	stream.indirect.scatter.add.f32 [tilespmem:s12], [sflag:$0x10], $0x10, s26, s13, $0xb8;
	[tilespmem:$0x1D800] =	vst v63  }
0xc3: {  	_ =	swait.ge [sflag:s25], $0x800  }
0xc4: {  	[sflag:s25] =	ssyncset.done $0x0  }
0xc5: {  	[sflag:s25] =	ssyncadd.s32 $0xFFFFF800  }
0xc6: {  	_ =	swait.ge [sflag:s28], $0x800  }
0xc7: {  	[sflag:s28] =	ssyncset.done $0x0  }
0xc8: {  	[sflag:s28] =	ssyncadd.s32 $0xFFFFF800  }
0xc9: {  	_ =	swait.ge [sflag:s0], $0x800  }
0xca: {  	[sflag:s0] =	ssyncset.done $0x0  }
0xcb: {  	[sflag:s0] =	ssyncadd.s32 $0xFFFFF800  }
0xcc: {  	_ =	swait.ge [sflag:s5], $0x800  }
0xcd: {  	[sflag:s5] =	ssyncset.done $0x0  }
0xce: {  	[sflag:s5] =	ssyncadd.s32 $0xFFFFF800  }
0xcf: {  	_ =	swait.ge [sflag:s6], $0x800  }
0xd0: {  	[sflag:s6] =	ssyncset.done $0x0  }
0xd1: {  	[sflag:s6] =	ssyncadd.s32 $0xFFFFF800  }
0xd2: {  	s11 =	simm.s32 $0x2000;
	s17 =	simm.s32 $0x0;
	_ =	swait.ge [sflag:s7], $0x800  }
0xd3: {  	s23 =	simm.s32 $0x3;
	s15 =	simm.s32 $0x10;
	[sflag:s7] =	ssyncset.done $0x0  }
0xd4: {  	s29 =	simm.s32 $0x6;
	s1 =	simm.s32 $0x8;
	[sflag:s7] =	ssyncadd.s32 $0xFFFFF800  }
0xd5: {  	s12 =	simm.s32 $0x4000;
	s25 =	simm.s32 $0x4;
	_ =	swait.ge [sflag:s8], $0x800  }
0xd6: {  	s28 =	simm.s32 $0x9;
	s0 =	simm.s32 $0xB;
	[sflag:s8] =	ssyncset.done $0x0  }
0xd7: {  	s5 =	simm.s32 $0xC;
	s6 =	simm.s32 $0xD;
	[sflag:s8] =	ssyncadd.s32 $0xFFFFF800  }
0xd8: {  	s7 =	simm.s32 $0xE;
	s8 =	simm.s32 $0xF;
	_ =	swait.ge [sflag:s30], $0x800  }
0xd9: {  	s3 =	rddreg [dreg:$0x4];
	[sflag:s30] =	ssyncset.done $0x0;
	s30 =	simm.s32 $0xA  }
.LBB2_4:
0xda: {  	[sflag:s15] =	ssyncadd.s32 $0xFFFFF800;
	s3 =	sadd.s32 s11, s3;
	s18 =	simm.s32 $0x18800  }
0xdb: {  	[tilespmem:s18], [sflag:$0x11] =	stream.linear.gather [hbm4b:s3+s17], $0x800, $0x38;
	[tilespmem:$0x1D800] =	vst v63  }
0xdc: {  	_ =	swait.ge [sflag:s10], $0x800  }
0xdd: {  	s16 =	rddreg [dreg:$0x5];
	[sflag:s10] =	ssyncset.done $0x0  }
0xde: {  	[sflag:s10] =	ssyncadd.s32 $0xFFFFF800;
	s3 =	sadd.s32 s11, s16;
	s16 =	simm.s32 $0x19000  }
0xdf: {  	[tilespmem:s16], [sflag:$0x11] =	stream.linear.gather [hbm4b:s3+s17], $0x800, $0x38;
	[tilespmem:$0x1D800] =	vst v63  }
0xe0: {  	_ =	swait.ge [sflag:s10], $0x800  }
0xe1: {  	[sflag:s10] =	ssyncset.done $0x0  }
0xe2: {  	[sflag:s10] =	ssyncadd.s32 $0xFFFFF800  }
0xe3: {  	[tilespmem:s9], [sflag:$0x1] =	stream.indirect.gather [hbm4b:s4+s13], $0x10, s18, s13, $0xb8;
	[tilespmem:$0x1D800] =	vst v63  }
0xe4: {  	s26 =	simm.s32 $0x1A000;
	s17 =	rddreg [dreg:$0x6]  }
0xe5: {  	[tilespmem:s26], [sflag:$0x2] =	stream.indirect.gather [hbm4b:s4+s13], $0x10, s17, s13, $0xb8;
	[tilespmem:$0x1D800] =	vst v63  }
0xe6: {  	s18 =	rddreg [dreg:$0x7];
	s17 =	simm.s32 $0x1A800  }
0xe7: {  	[tilespmem:s17], [sflag:$0x3] =	stream.indirect.gather [hbm4b:s4+s13], $0x10, s18, s13, $0xb8;
	[tilespmem:$0x1D800] =	vst v63  }
0xe8: {  	s20 =	rddreg [dreg:$0x8];
	s18 =	simm.s32 $0x1B000  }
0xe9: {  	[tilespmem:s18], [sflag:$0x4] =	stream.indirect.gather [hbm4b:s4+s13], $0x10, s20, s13, $0xb8;
	[tilespmem:$0x1D800] =	vst v63  }
0xea: {  	_ =	swait.ge [sflag:s19], $0x800  }
0xeb: {  	[sflag:s19] =	ssyncset.done $0x0  }
0xec: {  	[sflag:s19] =	ssyncadd.s32 $0xFFFFF800  }
0xed: {  	[spmem:s2] =	stream.indirect.scatter.add.f32 [tilespmem:s9], [sflag:$0x9], $0x10, s16, s13, $0xb8;
	[tilespmem:$0x1D800] =	vst v63  }
0xee: {  	s20 =	simm.s32 $0x1B800;
	s22 =	rddreg [dreg:$0x9]  }
0xef: {  	[tilespmem:s20], [sflag:$0x5] =	stream.indirect.gather [hbm4b:s4+s13], $0x10, s22, s13, $0xb8;
	[tilespmem:$0x1D800] =	vst v63  }
0xf0: {  	_ =	swait.ge [sflag:s21], $0x800  }
0xf1: {  	s14 =	smov.u32 s12;
	[sflag:s21] =	ssyncset.done $0x0  }
0xf2: {  	s11 =	smov.u32 s14;
	s14 =	rddreg [dreg:$0xa];
	[sflag:s21] =	ssyncadd.s32 $0xFFFFF800  }
0xf3: {  	[spmem:s2] =	stream.indirect.scatter.add.f32 [tilespmem:s26], [sflag:$0xA], $0x10, s14, s13, $0xb8;
	[tilespmem:$0x1D800] =	vst v63  }
0xf4: {  	s22 =	simm.s32 $0x1C000;
	s16 =	rddreg [dreg:$0xb]  }
0xf5: {  	[tilespmem:s22], [sflag:$0x6] =	stream.indirect.gather [hbm4b:s4+s13], $0x10, s16, s13, $0xb8;
	[tilespmem:$0x1D800] =	vst v63  }
0xf6: {  	_ =	swait.ge [sflag:s23], $0x800  }
0xf7: {  	[sflag:s23] =	ssyncset.done $0x0  }
0xf8: {  	s16 =	rddreg [dreg:$0xc];
	[sflag:s23] =	ssyncadd.s32 $0xFFFFF800  }
0xf9: {  	[spmem:s2] =	stream.indirect.scatter.add.f32 [tilespmem:s17], [sflag:$0xB], $0x10, s16, s13, $0xb8;
	[tilespmem:$0x1D800] =	vst v63  }
0xfa: {  	s14 =	rddreg [dreg:$0xd];
	s16 =	simm.s32 $0x1C800  }
0xfb: {  	[tilespmem:s16], [sflag:$0x7] =	stream.indirect.gather [hbm4b:s4+s13], $0x10, s14, s13, $0xb8;
	[tilespmem:$0x1D800] =	vst v63  }
0xfc: {  	_ =	swait.ge [sflag:s25], $0x800  }
0xfd: {  	[sflag:s25] =	ssyncset.done $0x0  }
0xfe: {  	s3 =	rddreg [dreg:$0xe];
	[sflag:s25] =	ssyncadd.s32 $0xFFFFF800  }
0xff: {  	[spmem:s2] =	stream.indirect.scatter.add.f32 [tilespmem:s18], [sflag:$0xC], $0x10, s3, s13, $0xb8;
	[tilespmem:$0x1D800] =	vst v63  }
0x100: {  	s24 =	simm.s32 $0x1D000;
	s14 =	rddreg [dreg:$0xf]  }
0x101: {  	[tilespmem:s24], [sflag:$0x8] =	stream.indirect.gather [hbm4b:s4+s13], $0x10, s14, s13, $0xb8;
	[tilespmem:$0x1D800] =	vst v63  }
0x102: {  	s24 =	simm.s32 $0x5  }
0x103: {  	_ =	swait.ge [sflag:s24], $0x800  }
0x104: {  	[sflag:s24] =	ssyncset.done $0x0  }
0x105: {  	s3 =	rddreg [dreg:$0x10];
	[sflag:s24] =	ssyncadd.s32 $0xFFFFF800  }
0x106: {  	[spmem:s2] =	stream.indirect.scatter.add.f32 [tilespmem:s20], [sflag:$0xD], $0x10, s3, s13, $0xb8;
	[tilespmem:$0x1D800] =	vst v63  }
0x107: {  	_ =	swait.ge [sflag:s28], $0x800  }
0x108: {  	[sflag:s28] =	ssyncset.done $0x0  }
0x109: {  	s3 =	rddreg [dreg:$0x11];
	[sflag:s28] =	ssyncadd.s32 $0xFFFFF800  }
0x10a: {  	[tilespmem:s9], [sflag:$0x1] =	stream.indirect.gather [hbm4b:s4+s13], $0x10, s3, s13, $0xb8;
	[tilespmem:$0x1D800] =	vst v63  }
0x10b: {  	_ =	swait.ge [sflag:s29], $0x800  }
0x10c: {  	[sflag:s29] =	ssyncset.done $0x0  }
0x10d: {  	s3 =	rddreg [dreg:$0x12];
	[sflag:s29] =	ssyncadd.s32 $0xFFFFF800  }
0x10e: {  	[spmem:s2] =	stream.indirect.scatter.add.f32 [tilespmem:s22], [sflag:$0xE], $0x10, s3, s13, $0xb8;
	[tilespmem:$0x1D800] =	vst v63  }
0x10f: {  	_ =	swait.ge [sflag:s30], $0x800  }
0x110: {  	[sflag:s30] =	ssyncset.done $0x0  }
0x111: {  	s3 =	rddreg [dreg:$0x13];
	[sflag:s30] =	ssyncadd.s32 $0xFFFFF800  }
0x112: {  	[tilespmem:s26], [sflag:$0x2] =	stream.indirect.gather [hbm4b:s4+s13], $0x10, s3, s13, $0xb8;
	[tilespmem:$0x1D800] =	vst v63  }
0x113: {  	_ =	swait.ge [sflag:s31], $0x800  }
0x114: {  	[sflag:s31] =	ssyncset.done $0x0  }
0x115: {  	s3 =	rddreg [dreg:$0x14];
	[sflag:s31] =	ssyncadd.s32 $0xFFFFF800  }
0x116: {  	[spmem:s2] =	stream.indirect.scatter.add.f32 [tilespmem:s16], [sflag:$0xF], $0x10, s3, s13, $0xb8;
	[tilespmem:$0x1D800] =	vst v63  }
0x117: {  	_ =	swait.ge [sflag:s0], $0x800  }
0x118: {  	[sflag:s0] =	ssyncset.done $0x0  }
0x119: {  	s3 =	rddreg [dreg:$0x15];
	[sflag:s0] =	ssyncadd.s32 $0xFFFFF800  }
0x11a: {  	[tilespmem:s17], [sflag:$0x3] =	stream.indirect.gather [hbm4b:s4+s13], $0x10, s3, s13, $0xb8;
	[tilespmem:$0x1D800] =	vst v63  }
0x11b: {  	_ =	swait.ge [sflag:s1], $0x800  }
0x11c: {  	[sflag:s1] =	ssyncset.done $0x0  }
0x11d: {  	s14 =	simm.s32 $0x1D000;
	s3 =	rddreg [dreg:$0x16];
	[sflag:s1] =	ssyncadd.s32 $0xFFFFF800  }
0x11e: {  	[spmem:s2] =	stream.indirect.scatter.add.f32 [tilespmem:s14], [sflag:$0x10], $0x10, s3, s13, $0xb8;
	[tilespmem:$0x1D800] =	vst v63  }
0x11f: {  	_ =	swait.ge [sflag:s5], $0x800  }
0x120: {  	[sflag:s5] =	ssyncset.done $0x0  }
0x121: {  	s3 =	rddreg [dreg:$0x17];
	[sflag:s5] =	ssyncadd.s32 $0xFFFFF800  }
0x122: {  	[tilespmem:s18], [sflag:$0x4] =	stream.indirect.gather [hbm4b:s4+s13], $0x10, s3, s13, $0xb8;
	[tilespmem:$0x1D800] =	vst v63  }
0x123: {  	_ =	swait.ge [sflag:s19], $0x800  }
0x124: {  	[sflag:s19] =	ssyncset.done $0x0  }
0x125: {  	s3 =	rddreg [dreg:$0x18];
	[sflag:s19] =	ssyncadd.s32 $0xFFFFF800  }
0x126: {  	[spmem:s2] =	stream.indirect.scatter.add.f32 [tilespmem:s9], [sflag:$0x9], $0x10, s3, s13, $0xb8;
	[tilespmem:$0x1D800] =	vst v63  }
0x127: {  	_ =	swait.ge [sflag:s6], $0x800  }
0x128: {  	[sflag:s6] =	ssyncset.done $0x0  }
0x129: {  	s3 =	rddreg [dreg:$0x19];
	[sflag:s6] =	ssyncadd.s32 $0xFFFFF800  }
0x12a: {  	[tilespmem:s20], [sflag:$0x5] =	stream.indirect.gather [hbm4b:s4+s13], $0x10, s3, s13, $0xb8;
	[tilespmem:$0x1D800] =	vst v63  }
0x12b: {  	_ =	swait.ge [sflag:s21], $0x800  }
0x12c: {  	[sflag:s21] =	ssyncset.done $0x0  }
0x12d: {  	s3 =	rddreg [dreg:$0x1a];
	[sflag:s21] =	ssyncadd.s32 $0xFFFFF800  }
0x12e: {  	[spmem:s2] =	stream.indirect.scatter.add.f32 [tilespmem:s26], [sflag:$0xA], $0x10, s3, s13, $0xb8;
	[tilespmem:$0x1D800] =	vst v63  }
0x12f: {  	_ =	swait.ge [sflag:s7], $0x800  }
0x130: {  	[sflag:s7] =	ssyncset.done $0x0  }
0x131: {  	s26 =	rddreg [dreg:$0x1b];
	[sflag:s7] =	ssyncadd.s32 $0xFFFFF800  }
0x132: {  	[tilespmem:s22], [sflag:$0x6] =	stream.indirect.gather [hbm4b:s4+s13], $0x10, s26, s13, $0xb8;
	[tilespmem:$0x1D800] =	vst v63  }
0x133: {  	_ =	swait.ge [sflag:s23], $0x800  }
0x134: {  	[sflag:s23] =	ssyncset.done $0x0  }
0x135: {  	s26 =	rddreg [dreg:$0x1c];
	[sflag:s23] =	ssyncadd.s32 $0xFFFFF800  }
0x136: {  	[spmem:s2] =	stream.indirect.scatter.add.f32 [tilespmem:s17], [sflag:$0xB], $0x10, s26, s13, $0xb8;
	[tilespmem:$0x1D800] =	vst v63  }
0x137: {  	_ =	swait.ge [sflag:s8], $0x800  }
0x138: {  	[sflag:s8] =	ssyncset.done $0x0  }
0x139: {  	s26 =	rddreg [dreg:$0x1d];
	[sflag:s8] =	ssyncadd.s32 $0xFFFFF800  }
0x13a: {  	[tilespmem:s16], [sflag:$0x7] =	stream.indirect.gather [hbm4b:s4+s13], $0x10, s26, s13, $0xb8;
	[tilespmem:$0x1D800] =	vst v63  }
0x13b: {  	_ =	swait.ge [sflag:s25], $0x800  }
0x13c: {  	[sflag:s25] =	ssyncset.done $0x0  }
0x13d: {  	s26 =	rddreg [dreg:$0x1e];
	[sflag:s25] =	ssyncadd.s32 $0xFFFFF800  }
0x13e: {  	[spmem:s2] =	stream.indirect.scatter.add.f32 [tilespmem:s18], [sflag:$0xC], $0x10, s26, s13, $0xb8;
	[tilespmem:$0x1D800] =	vst v63  }
0x13f: {  	_ =	swait.ge [sflag:s15], $0x800  }
0x140: {  	[sflag:s15] =	ssyncset.done $0x0  }
0x141: {  	s26 =	rddreg [dreg:$0x1f];
	[sflag:s15] =	ssyncadd.s32 $0xFFFFF800  }
0x142: {  	[tilespmem:s14], [sflag:$0x8] =	stream.indirect.gather [hbm4b:s4+s13], $0x10, s26, s13, $0xb8;
	[tilespmem:$0x1D800] =	vst v63  }
0x143: {  	_ =	swait.ge [sflag:s24], $0x800  }
0x144: {  	s18 =	sld [smem:$0x7F7]  }
0x145: {  	[sflag:s24] =	ssyncset.done $0x0  }
0x146: {  	[sflag:s24] =	ssyncadd.s32 $0xFFFFF800  }
0x147: {  	[spmem:s2] =	stream.indirect.scatter.add.f32 [tilespmem:s20], [sflag:$0xD], $0x10, s18, s13, $0xb8;
	[tilespmem:$0x1D800] =	vst v63  }
0x148: {  	_ =	swait.ge [sflag:s29], $0x800  }
0x149: {  	s20 =	sld [smem:$0x7F8]  }
0x14a: {  	[sflag:s29] =	ssyncset.done $0x0  }
0x14b: {  	[sflag:s29] =	ssyncadd.s32 $0xFFFFF800  }
0x14c: {  	[spmem:s2] =	stream.indirect.scatter.add.f32 [tilespmem:s22], [sflag:$0xE], $0x10, s20, s13, $0xb8;
	[tilespmem:$0x1D800] =	vst v63  }
0x14d: {  	_ =	swait.ge [sflag:s31], $0x800  }
0x14e: {  	s22 =	sld [smem:$0x7F9]  }
0x14f: {  	[sflag:s31] =	ssyncset.done $0x0  }
0x150: {  	[sflag:s31] =	ssyncadd.s32 $0xFFFFF800  }
0x151: {  	[spmem:s2] =	stream.indirect.scatter.add.f32 [tilespmem:s16], [sflag:$0xF], $0x10, s22, s13, $0xb8;
	[tilespmem:$0x1D800] =	vst v63  }
0x152: {  	_ =	swait.ge [sflag:s1], $0x800  }
0x153: {  	s26 =	sld [smem:$0x7FA]  }
0x154: {  	[sflag:s1] =	ssyncset.done $0x0  }
0x155: {  	[sflag:s1] =	ssyncadd.s32 $0xFFFFF800  }
0x156: {  	[spmem:s2] =	stream.indirect.scatter.add.f32 [tilespmem:s14], [sflag:$0x10], $0x10, s26, s13, $0xb8;
	[tilespmem:$0x1D800] =	vst v63  }
0x157: {  	_ =	swait.ge [sflag:s28], $0x800  }
0x158: {  	[sflag:s28] =	ssyncset.done $0x0  }
0x159: {  	[sflag:s28] =	ssyncadd.s32 $0xFFFFF800  }
0x15a: {  	_ =	swait.ge [sflag:s30], $0x800  }
0x15b: {  	[sflag:s30] =	ssyncset.done $0x0  }
0x15c: {  	[sflag:s30] =	ssyncadd.s32 $0xFFFFF800  }
0x15d: {  	_ =	swait.ge [sflag:s0], $0x800  }
0x15e: {  	[sflag:s0] =	ssyncset.done $0x0  }
0x15f: {  	[sflag:s0] =	ssyncadd.s32 $0xFFFFF800  }
0x160: {  	_ =	swait.ge [sflag:s5], $0x800  }
0x161: {  	[sflag:s5] =	ssyncset.done $0x0  }
0x162: {  	[sflag:s5] =	ssyncadd.s32 $0xFFFFF800  }
0x163: {  	_ =	swait.ge [sflag:s6], $0x800  }
0x164: {  	[sflag:s6] =	ssyncset.done $0x0  }
0x165: {  	[sflag:s6] =	ssyncadd.s32 $0xFFFFF800  }
0x166: {  	_ =	swait.ge [sflag:s7], $0x800  }
0x167: {  	[sflag:s7] =	ssyncset.done $0x0  }
0x168: {  	p0 =	sne.s32 s12, $0x60000;
	[sflag:s7] =	ssyncadd.s32 $0xFFFFF800  }
.Ltmp1:
0x169: {  	_ =	swait.ge [sflag:s8], $0x800;
	(pc) =	sbr.rel @p0 .LBB2_4-.Ltmp1, $4  }
0x16a: {  	[sflag:s8] =	ssyncset.done $0x0  }
0x16b: {  	[sflag:s8] =	ssyncadd.s32 $0xFFFFF800  }
0x16c: {  	s12 =	sadd.s32 $0x2000, s12;
	_ =	swait.ge [sflag:s15], $0x800  }
0x16d: {  	s17 =	simm.s32 $0x0;
	s3 =	rddreg [dreg:$0x4];
	[sflag:s15] =	ssyncset.done $0x0  }
0x16e: {  	[sflag:s15] =	ssyncadd.s32 $0xFFFFF800;
	s3 =	sadd.s32 s11, s3;
	s16 =	simm.s32 $0x18800  }
0x16f: {  	[tilespmem:s16], [sflag:$0x11] =	stream.linear.gather [hbm4b:s3+s17], $0x800, $0x38;
	[tilespmem:$0x1D800] =	vst v63  }
0x170: {  	_ =	swait.ge [sflag:s10], $0x800  }
0x171: {  	s12 =	rddreg [dreg:$0x5];
	[sflag:s10] =	ssyncset.done $0x0  }
0x172: {  	[sflag:s10] =	ssyncadd.s32 $0xFFFFF800;
	s3 =	sadd.s32 s11, s12;
	s12 =	simm.s32 $0x19000  }
0x173: {  	[tilespmem:s12], [sflag:$0x11] =	stream.linear.gather [hbm4b:s3+s17], $0x800, $0x38;
	[tilespmem:$0x1D800] =	vst v63  }
0x174: {  	_ =	swait.ge [sflag:s10], $0x800  }
0x175: {  	[sflag:s10] =	ssyncset.done $0x0  }
0x176: {  	[sflag:s10] =	ssyncadd.s32 $0xFFFFF800  }
0x177: {  	[tilespmem:s9], [sflag:$0x1] =	stream.indirect.gather [hbm4b:s4+s13], $0x10, s16, s13, $0xb8;
	[tilespmem:$0x1D800] =	vst v63  }
0x178: {  	s22 =	simm.s32 $0x1A000;
	s18 =	rddreg [dreg:$0x6]  }
0x179: {  	[tilespmem:s22], [sflag:$0x2] =	stream.indirect.gather [hbm4b:s4+s13], $0x10, s18, s13, $0xb8;
	[tilespmem:$0x1D800] =	vst v63  }
0x17a: {  	s17 =	simm.s32 $0x1A800;
	s20 =	rddreg [dreg:$0x7]  }
0x17b: {  	[tilespmem:s17], [sflag:$0x3] =	stream.indirect.gather [hbm4b:s4+s13], $0x10, s20, s13, $0xb8;
	[tilespmem:$0x1D800] =	vst v63  }
0x17c: {  	s26 =	rddreg [dreg:$0x8];
	s18 =	simm.s32 $0x1B000  }
0x17d: {  	[tilespmem:s18], [sflag:$0x4] =	stream.indirect.gather [hbm4b:s4+s13], $0x10, s26, s13, $0xb8;
	[tilespmem:$0x1D800] =	vst v63  }
0x17e: {  	_ =	swait.ge [sflag:s19], $0x800  }
0x17f: {  	[sflag:s19] =	ssyncset.done $0x0  }
0x180: {  	[sflag:s19] =	ssyncadd.s32 $0xFFFFF800  }
0x181: {  	[spmem:s2] =	stream.indirect.scatter.add.f32 [tilespmem:s9], [sflag:$0x9], $0x10, s12, s13, $0xb8;
	[tilespmem:$0x1D800] =	vst v63  }
0x182: {  	s16 =	rddreg [dreg:$0x9];
	s12 =	simm.s32 $0x1B800  }
0x183: {  	[tilespmem:s12], [sflag:$0x5] =	stream.indirect.gather [hbm4b:s4+s13], $0x10, s16, s13, $0xb8;
	[tilespmem:$0x1D800] =	vst v63  }
0x184: {  	_ =	swait.ge [sflag:s21], $0x800  }
0x185: {  	[sflag:s21] =	ssyncset.done $0x0  }
0x186: {  	s20 =	rddreg [dreg:$0xa];
	[sflag:s21] =	ssyncadd.s32 $0xFFFFF800  }
0x187: {  	[spmem:s2] =	stream.indirect.scatter.add.f32 [tilespmem:s22], [sflag:$0xA], $0x10, s20, s13, $0xb8;
	[tilespmem:$0x1D800] =	vst v63  }
0x188: {  	s26 =	rddreg [dreg:$0xb];
	s20 =	simm.s32 $0x1C000  }
0x189: {  	[tilespmem:s20], [sflag:$0x6] =	stream.indirect.gather [hbm4b:s4+s13], $0x10, s26, s13, $0xb8;
	[tilespmem:$0x1D800] =	vst v63  }
0x18a: {  	_ =	swait.ge [sflag:s23], $0x800  }
0x18b: {  	[sflag:s23] =	ssyncset.done $0x0  }
0x18c: {  	s16 =	rddreg [dreg:$0xc];
	[sflag:s23] =	ssyncadd.s32 $0xFFFFF800  }
0x18d: {  	[spmem:s2] =	stream.indirect.scatter.add.f32 [tilespmem:s17], [sflag:$0xB], $0x10, s16, s13, $0xb8;
	[tilespmem:$0x1D800] =	vst v63  }
0x18e: {  	s26 =	rddreg [dreg:$0xd];
	s16 =	simm.s32 $0x1C800  }
0x18f: {  	[tilespmem:s16], [sflag:$0x7] =	stream.indirect.gather [hbm4b:s4+s13], $0x10, s26, s13, $0xb8;
	[tilespmem:$0x1D800] =	vst v63  }
0x190: {  	_ =	swait.ge [sflag:s25], $0x800  }
0x191: {  	[sflag:s25] =	ssyncset.done $0x0  }
0x192: {  	s11 =	rddreg [dreg:$0xe];
	[sflag:s25] =	ssyncadd.s32 $0xFFFFF800  }
0x193: {  	[spmem:s2] =	stream.indirect.scatter.add.f32 [tilespmem:s18], [sflag:$0xC], $0x10, s11, s13, $0xb8;
	[tilespmem:$0x1D800] =	vst v63  }
0x194: {  	s26 =	rddreg [dreg:$0xf]  }
0x195: {  	[tilespmem:s14], [sflag:$0x8] =	stream.indirect.gather [hbm4b:s4+s13], $0x10, s26, s13, $0xb8;
	[tilespmem:$0x1D800] =	vst v63  }
0x196: {  	_ =	swait.ge [sflag:s24], $0x800  }
0x197: {  	[sflag:s24] =	ssyncset.done $0x0  }
0x198: {  	s26 =	rddreg [dreg:$0x10];
	[sflag:s24] =	ssyncadd.s32 $0xFFFFF800  }
0x199: {  	[spmem:s2] =	stream.indirect.scatter.add.f32 [tilespmem:s12], [sflag:$0xD], $0x10, s26, s13, $0xb8;
	[tilespmem:$0x1D800] =	vst v63  }
0x19a: {  	_ =	swait.ge [sflag:s28], $0x800  }
0x19b: {  	[sflag:s28] =	ssyncset.done $0x0  }
0x19c: {  	s11 =	rddreg [dreg:$0x11];
	[sflag:s28] =	ssyncadd.s32 $0xFFFFF800  }
0x19d: {  	[tilespmem:s9], [sflag:$0x1] =	stream.indirect.gather [hbm4b:s4+s13], $0x10, s11, s13, $0xb8;
	[tilespmem:$0x1D800] =	vst v63  }
0x19e: {  	_ =	swait.ge [sflag:s29], $0x800  }
0x19f: {  	[sflag:s29] =	ssyncset.done $0x0  }
0x1a0: {  	s26 =	rddreg [dreg:$0x12];
	[sflag:s29] =	ssyncadd.s32 $0xFFFFF800  }
0x1a1: {  	[spmem:s2] =	stream.indirect.scatter.add.f32 [tilespmem:s20], [sflag:$0xE], $0x10, s26, s13, $0xb8;
	[tilespmem:$0x1D800] =	vst v63  }
0x1a2: {  	_ =	swait.ge [sflag:s30], $0x800  }
0x1a3: {  	[sflag:s30] =	ssyncset.done $0x0  }
0x1a4: {  	s11 =	rddreg [dreg:$0x13];
	[sflag:s30] =	ssyncadd.s32 $0xFFFFF800  }
0x1a5: {  	[tilespmem:s22], [sflag:$0x2] =	stream.indirect.gather [hbm4b:s4+s13], $0x10, s11, s13, $0xb8;
	[tilespmem:$0x1D800] =	vst v63  }
0x1a6: {  	_ =	swait.ge [sflag:s31], $0x800  }
0x1a7: {  	[sflag:s31] =	ssyncset.done $0x0  }
0x1a8: {  	s26 =	rddreg [dreg:$0x14];
	[sflag:s31] =	ssyncadd.s32 $0xFFFFF800  }
0x1a9: {  	[spmem:s2] =	stream.indirect.scatter.add.f32 [tilespmem:s16], [sflag:$0xF], $0x10, s26, s13, $0xb8;
	[tilespmem:$0x1D800] =	vst v63  }
0x1aa: {  	_ =	swait.ge [sflag:s0], $0x800  }
0x1ab: {  	[sflag:s0] =	ssyncset.done $0x0  }
0x1ac: {  	s11 =	rddreg [dreg:$0x15];
	[sflag:s0] =	ssyncadd.s32 $0xFFFFF800  }
0x1ad: {  	[tilespmem:s17], [sflag:$0x3] =	stream.indirect.gather [hbm4b:s4+s13], $0x10, s11, s13, $0xb8;
	[tilespmem:$0x1D800] =	vst v63  }
0x1ae: {  	_ =	swait.ge [sflag:s1], $0x800  }
0x1af: {  	[sflag:s1] =	ssyncset.done $0x0  }
0x1b0: {  	s26 =	rddreg [dreg:$0x16];
	[sflag:s1] =	ssyncadd.s32 $0xFFFFF800  }
0x1b1: {  	[spmem:s2] =	stream.indirect.scatter.add.f32 [tilespmem:s14], [sflag:$0x10], $0x10, s26, s13, $0xb8;
	[tilespmem:$0x1D800] =	vst v63  }
0x1b2: {  	_ =	swait.ge [sflag:s5], $0x800  }
0x1b3: {  	[sflag:s5] =	ssyncset.done $0x0  }
0x1b4: {  	s11 =	rddreg [dreg:$0x17];
	[sflag:s5] =	ssyncadd.s32 $0xFFFFF800  }
0x1b5: {  	[tilespmem:s18], [sflag:$0x4] =	stream.indirect.gather [hbm4b:s4+s13], $0x10, s11, s13, $0xb8;
	[tilespmem:$0x1D800] =	vst v63  }
0x1b6: {  	_ =	swait.ge [sflag:s19], $0x800  }
0x1b7: {  	[sflag:s19] =	ssyncset.done $0x0  }
0x1b8: {  	s26 =	rddreg [dreg:$0x18];
	[sflag:s19] =	ssyncadd.s32 $0xFFFFF800  }
0x1b9: {  	[spmem:s2] =	stream.indirect.scatter.add.f32 [tilespmem:s9], [sflag:$0x9], $0x10, s26, s13, $0xb8;
	[tilespmem:$0x1D800] =	vst v63  }
0x1ba: {  	_ =	swait.ge [sflag:s6], $0x800  }
0x1bb: {  	[sflag:s6] =	ssyncset.done $0x0  }
0x1bc: {  	s11 =	rddreg [dreg:$0x19];
	[sflag:s6] =	ssyncadd.s32 $0xFFFFF800  }
0x1bd: {  	[tilespmem:s12], [sflag:$0x5] =	stream.indirect.gather [hbm4b:s4+s13], $0x10, s11, s13, $0xb8;
	[tilespmem:$0x1D800] =	vst v63  }
0x1be: {  	_ =	swait.ge [sflag:s21], $0x800  }
0x1bf: {  	[sflag:s21] =	ssyncset.done $0x0  }
0x1c0: {  	s26 =	rddreg [dreg:$0x1a];
	[sflag:s21] =	ssyncadd.s32 $0xFFFFF800  }
0x1c1: {  	[spmem:s2] =	stream.indirect.scatter.add.f32 [tilespmem:s22], [sflag:$0xA], $0x10, s26, s13, $0xb8;
	[tilespmem:$0x1D800] =	vst v63  }
0x1c2: {  	_ =	swait.ge [sflag:s7], $0x800  }
0x1c3: {  	[sflag:s7] =	ssyncset.done $0x0  }
0x1c4: {  	s11 =	rddreg [dreg:$0x1b];
	[sflag:s7] =	ssyncadd.s32 $0xFFFFF800  }
0x1c5: {  	[tilespmem:s20], [sflag:$0x6] =	stream.indirect.gather [hbm4b:s4+s13], $0x10, s11, s13, $0xb8;
	[tilespmem:$0x1D800] =	vst v63  }
0x1c6: {  	_ =	swait.ge [sflag:s23], $0x800  }
0x1c7: {  	[sflag:s23] =	ssyncset.done $0x0  }
0x1c8: {  	s22 =	rddreg [dreg:$0x1c];
	[sflag:s23] =	ssyncadd.s32 $0xFFFFF800  }
0x1c9: {  	[spmem:s2] =	stream.indirect.scatter.add.f32 [tilespmem:s17], [sflag:$0xB], $0x10, s22, s13, $0xb8;
	[tilespmem:$0x1D800] =	vst v63  }
0x1ca: {  	_ =	swait.ge [sflag:s8], $0x800  }
0x1cb: {  	[sflag:s8] =	ssyncset.done $0x0  }
0x1cc: {  	s23 =	rddreg [dreg:$0x1d];
	[sflag:s8] =	ssyncadd.s32 $0xFFFFF800  }
0x1cd: {  	[tilespmem:s16], [sflag:$0x7] =	stream.indirect.gather [hbm4b:s4+s13], $0x10, s23, s13, $0xb8;
	[tilespmem:$0x1D800] =	vst v63  }
0x1ce: {  	_ =	swait.ge [sflag:s25], $0x800  }
0x1cf: {  	[sflag:s25] =	ssyncset.done $0x0  }
0x1d0: {  	s26 =	rddreg [dreg:$0x1e];
	[sflag:s25] =	ssyncadd.s32 $0xFFFFF800  }
0x1d1: {  	[spmem:s2] =	stream.indirect.scatter.add.f32 [tilespmem:s18], [sflag:$0xC], $0x10, s26, s13, $0xb8;
	[tilespmem:$0x1D800] =	vst v63  }
0x1d2: {  	_ =	swait.ge [sflag:s15], $0x800  }
0x1d3: {  	[sflag:s15] =	ssyncset.done $0x0  }
0x1d4: {  	s11 =	rddreg [dreg:$0x1f];
	[sflag:s15] =	ssyncadd.s32 $0xFFFFF800  }
0x1d5: {  	[tilespmem:s14], [sflag:$0x8] =	stream.indirect.gather [hbm4b:s4+s13], $0x10, s11, s13, $0xb8;
	[tilespmem:$0x1D800] =	vst v63  }
0x1d6: {  	_ =	swait.ge [sflag:s24], $0x800  }
0x1d7: {  	s18 =	sld [smem:$0x7F7]  }
0x1d8: {  	[sflag:s24] =	ssyncset.done $0x0  }
0x1d9: {  	[sflag:s24] =	ssyncadd.s32 $0xFFFFF800  }
0x1da: {  	[spmem:s2] =	stream.indirect.scatter.add.f32 [tilespmem:s12], [sflag:$0xD], $0x10, s18, s13, $0xb8;
	[tilespmem:$0x1D800] =	vst v63  }
0x1db: {  	_ =	swait.ge [sflag:s29], $0x800  }
0x1dc: {  	s22 =	sld [smem:$0x7F8]  }
0x1dd: {  	[sflag:s29] =	ssyncset.done $0x0  }
0x1de: {  	[sflag:s29] =	ssyncadd.s32 $0xFFFFF800  }
0x1df: {  	[spmem:s2] =	stream.indirect.scatter.add.f32 [tilespmem:s20], [sflag:$0xE], $0x10, s22, s13, $0xb8;
	[tilespmem:$0x1D800] =	vst v63  }
0x1e0: {  	_ =	swait.ge [sflag:s31], $0x800  }
0x1e1: {  	s23 =	sld [smem:$0x7F9]  }
0x1e2: {  	[sflag:s31] =	ssyncset.done $0x0  }
0x1e3: {  	[sflag:s31] =	ssyncadd.s32 $0xFFFFF800  }
0x1e4: {  	[spmem:s2] =	stream.indirect.scatter.add.f32 [tilespmem:s16], [sflag:$0xF], $0x10, s23, s13, $0xb8;
	[tilespmem:$0x1D800] =	vst v63  }
0x1e5: {  	_ =	swait.ge [sflag:s1], $0x800  }
0x1e6: {  	s25 =	sld [smem:$0x7FA]  }
0x1e7: {  	[sflag:s1] =	ssyncset.done $0x0  }
0x1e8: {  	[sflag:s1] =	ssyncadd.s32 $0xFFFFF800  }
0x1e9: {  	[spmem:s2] =	stream.indirect.scatter.add.f32 [tilespmem:s14], [sflag:$0x10], $0x10, s25, s13, $0xb8;
	[tilespmem:$0x1D800] =	vst v63  }
0x1ea: {  	_ =	swait.ge [sflag:s28], $0x800  }
0x1eb: {  	[sflag:s28] =	ssyncset.done $0x0  }
0x1ec: {  	[sflag:s28] =	ssyncadd.s32 $0xFFFFF800  }
0x1ed: {  	_ =	swait.ge [sflag:s30], $0x800  }
0x1ee: {  	[sflag:s30] =	ssyncset.done $0x0  }
0x1ef: {  	[sflag:s30] =	ssyncadd.s32 $0xFFFFF800  }
0x1f0: {  	_ =	swait.ge [sflag:s0], $0x800  }
0x1f1: {  	[sflag:s0] =	ssyncset.done $0x0  }
0x1f2: {  	[sflag:s0] =	ssyncadd.s32 $0xFFFFF800  }
0x1f3: {  	_ =	swait.ge [sflag:s5], $0x800  }
0x1f4: {  	[sflag:s5] =	ssyncset.done $0x0  }
0x1f5: {  	[sflag:s5] =	ssyncadd.s32 $0xFFFFF800  }
0x1f6: {  	_ =	swait.ge [sflag:s6], $0x800  }
0x1f7: {  	[sflag:s6] =	ssyncset.done $0x0  }
0x1f8: {  	[sflag:s6] =	ssyncadd.s32 $0xFFFFF800  }
0x1f9: {  	_ =	swait.ge [sflag:s7], $0x800  }
0x1fa: {  	[sflag:s7] =	ssyncset.done $0x0  }
0x1fb: {  	[sflag:s7] =	ssyncadd.s32 $0xFFFFF800  }
0x1fc: {  	_ =	swait.ge [sflag:s8], $0x800  }
0x1fd: {  	[sflag:s8] =	ssyncset.done $0x0  }
0x1fe: {  	[sflag:s8] =	ssyncadd.s32 $0xFFFFF800  }
0x1ff: {  	_ =	swait.ge [sflag:s15], $0x800  }
0x200: {  	[sflag:s15] =	ssyncset.done $0x0  }
0x201: {  	[sflag:s15] =	ssyncadd.s32 $0xFFFFF800  }
0x202: {  	[bflag:$0x0] =	sbarrier.arrive $0xFFFF  }
0x203: {  	s14 =	sld [smem:$0x7FB];
	_ =	sdelay $0x1  }
0x204: {  	s17 =	simm.s32 $0x0  }
0x205: {  	[tilespmem:s9], [sflag:$0x11] =	stream.linear.gather [spmem:s14], $0x800, $0x38;
	[tilespmem:$0x1D800] =	vst v63  }
0x206: {  	s11 =	simm.s32 $0x100;
	s29 =	simm.s32 $0x7;
	_ =	swait.ge [sflag:s10], $0x800  }
0x207: {  	s20 =	simm.s32 $0x3;
	s22 =	simm.s32 $0x4;
	s16 =	sld [smem:$0x7FD]  }
0x208: {  	s1 =	simm.s32 $0x8;
	s25 =	simm.s32 $0x9;
	s28 =	simm.s32 $0xA  }
0x209: {  	s30 =	simm.s32 $0x10;
	s0 =	simm.s32 $0xB;
	[sflag:s10] =	ssyncset.done $0x0  }
0x20a: {  	s5 =	simm.s32 $0xC;
	[sflag:s10] =	ssyncadd.s32 $0xFFFFF800;
	s26 =	sadd.s32 $0x0, s16  }
0x20b: {  	[hbm4b:s26+s17] =	stream.linear.scatter [tilespmem:s9], [sflag:$0x11], $0x800, $0x38;
	[tilespmem:$0x1D800] =	vst v63  }
0x20c: {  	s6 =	simm.s32 $0xD;
	s7 =	simm.s32 $0xE;
	_ =	swait.ge [sflag:s10], $0x800  }
0x20d: {  	s8 =	simm.s32 $0xF;
	s12 =	smov.u32 s14;
	[sflag:s10] =	ssyncset.done $0x0  }
.LBB2_6:
0x20e: {  	p0 =	sne.s32 s11, $0x3000;
	[sflag:s10] =	ssyncadd.s32 $0xFFFFF800;
	s12 =	sadd.s32 $0x800, s12  }
0x20f: {  	[tilespmem:s9], [sflag:$0x11] =	stream.linear.gather [spmem:s12], $0x800, $0x38;
	[tilespmem:$0x1D800] =	vst v63  }
0x210: {  	s3 =	smov.u32 s11;
	s11 =	sadd.s32 $0x100, s11;
	_ =	swait.ge [sflag:s10], $0x800  }
.Ltmp2:
0x211: {  	[sflag:s10] =	ssyncset.done $0x0;
	(pc) =	sbr.rel @p0 .LBB2_6-.Ltmp2, $4  }
0x212: {  	s3 =	sadd.s32 s3, s16;
	[sflag:s10] =	ssyncadd.s32 $0xFFFFF800  }
0x213: {  	[hbm4b:s3+s17] =	stream.linear.scatter [tilespmem:s9], [sflag:$0x11], $0x800, $0x38;
	[tilespmem:$0x1D800] =	vst v63  }
0x214: {  	_ =	swait.ge [sflag:s10], $0x800  }
0x215: {  	[sflag:s10] =	ssyncset.done $0x0  }
0x216: {  	s11 =	sld [smem:$0x7F5]  }
0x217: {  	s3 =	sld [smem:$0x7F6];
	_ =	sdelay $0x1  }
0x218: {  	s11 =	sadd.s32 $0x1, s11  }
0x219: {  	p0 =	sne.s32 s11, s3  }
.Ltmp3:
0x21a: {  	_ = 	snop;
	(pc) =	sbr.rel @p0 .LBB2_1-.Ltmp3, $3  }
0x21b: {  	_ = 	snop  }
0x21c: {  	s18 =	sld [smem:$0x7FC];
	_ =	sdelay $0x1  }
0x21d: {  	[sflag:s10] =	ssyncadd.s32 $0xFFFFF800;
	s26 =	simm.s32 $0x6  }
0x21e: {  	_ =	sfence.sel $0x180000  }
0x21f: {  	[bflag:$0x0] =	sbarrier.arrive $0xFFFF  }
0x220: {  	_ =	strace $0x9000004A  }
0x221: {  	s0 =	stileid.u32;
	[bflag:$0x2] =	sbarrier.arrive $0xFFFF  }
0x222: {  	p0 =	sne.s32 s0, $0x0;
	s0 =	rddreg [dreg:$0x3]  }
0x223: {  	s0 =	sadd.s32 @!p0 $0x100000, s0  }
0x224: {  	[sflag:s0] =	ssyncadd.tile.s32 @!p0 $0x1;
	_ =	shalt  }
.Lfunc_end2:
_tile_overlayer_lowered:
.L_overlay_start_2:
0x225: {  	(tag) =	ssettag $0x2  }
0x226: {  	s0 =	rddreg [dreg:$0x0];
	s2 =	stileid.u32  }
0x227: {  	s1 =	rddreg [dreg:$0x1];
	p0 =	sne.s32 s2, $0x0  }
0x228: {  	s3 =	rddreg [dreg:$0x2];
	[bflag:$0x3] =	sbarrier.arrive $0xFFFF;
	s2 =	simm.s32 @!p0 $0x1C11  }
0x229: {  	[timem:s3], [sflag:s2] =	dma.local @!p0 [hbm:s0], s1  }
0x22a: {  	s0 =	simm.s32 @!p0 $0x11  }
0x22b: {  	_ =	swait.ge @!p0 [sflag:s0], s1  }
0x22c: {  	s1 =	ssub.s32 @!p0 $0x0, s1;
	[sflag:s0] =	ssyncset.done @!p0 $0x0  }
0x22d: {  	[sflag:s0] =	ssyncadd.s32 @!p0 s1  }
0x22e: {  	[bflag:$0x3] =	sbarrier.arrive $0xFFFF  }
0x22f: {  	_ =	shalt  }

// kernel: kernel.7.cloned.1.call-start
scs
__scs_entry_jumppad:
0x0: {  	(pc) =	sbr.rel $0x88, $3  }
0x1: {  	(tag) =	ssettag $0x0;
	lr =	simm.s32 $0x1  }
0x2: {  	[smem:$0x3F9B] =	sst lr;
	_ =	strace $0xD0000000  }
0x3: {  	_ = 	snop  }
0x4: {  	_ = 	snop  }
0x5: {  	_ = 	snop  }
0x6: {  	_ = 	snop  }
0x7: {  	_ = 	snop  }
__scs_overlays_trampoline_lowered:
0x8: {  	[smem:$0x3FAA] =	sst s0  }
0x9: {  	[smem:$0x3FAB] =	sst s1  }
0xa: {  	[smem:$0x3FAC] =	sst s2  }
0xb: {  	[smem:$0x3FAD] =	sst s3  }
0xc: {  	[smem:$0x3FAE] =	sst s4  }
0xd: {  	[smem:$0x3FAF] =	sst s5  }
0xe: {  	[smem:$0x3FB0] =	sst s6  }
0xf: {  	[smem:$0x3FB1] =	sst s7  }
0x10: {  	[smem:$0x3FB2] =	sst s8  }
0x11: {  	[smem:$0x3FB3] =	sst s9;
	s0 =	simm.s32 @!p0 $0x0  }
0x12: {  	s1 =	sld [smem:$0x3F99];
	s0 =	simm.s32 @p0 $0x1  }
0x13: {  	[smem:$0x3FB4] =	sst s0;
	s0 =	simm.s32 @!p1 $0x0  }
0x14: {  	s2 =	sld [smem:$0x3F98];
	s0 =	simm.s32 @p1 $0x1  }
0x15: {  	[smem:$0x3FB5] =	sst s0;
	s0 =	simm.s32 @!p2 $0x0  }
0x16: {  	s3 =	sld [smem:$0x3FDB];
	s0 =	simm.s32 @p2 $0x1  }
0x17: {  	s4 =	simm.s32 $0x1BF5;
	[smem:$0x3FB7] =	sst s0  }
0x18: {  	s0 =	sld [smem:$0x3F9A];
	_ =	swait.ge [sflag:s4], $0x0  }
0x19: {  	s7 =	sld [smem:$0x3F9B]  }
0x1a: {  	s8 =	sadd.s32 $0xFFFFE003, lr  }
0x1b: {  	s9 =	sadd.s32 $0xFFFFFEF7, lr;
	s5 =	simm.s32 $0xFFFFFFFF;
	p2 =	slt.u32 s8, $0xFFFFF086  }
0x1c: {  	p1 =	slt.u32 s9, $0xF7A;
	s5 =	simm.s32 @!p2 $0x0  }
0x1d: {  	s5 =	simm.s32 @p1 $0x1;
	p0 =	seq.s32 s7, s2  }
0x1e: {  	s7 =	smul.u32 @!p0 $0xF7A, s2;
	p2 =	seq.s32 @!p0 s5, $0x0  }
0x1f: {  	s9 =	smul.u32 $0xF7A, s1;
	s8 =	simm.s32 @!p0 $0x1BF5;
	p2 =	por !p2, p0  }
0x20: {  	[sflag:s8] =	ssyncset.s32 @!p0 $0xFFFFF086;
	s6 =	sadd.s32 @!p0 s3, s7;
	s7 =	simm.s32 @!p0 $0x108  }
0x21: {  	s3 =	sadd.s32 s3, s9;
	s6 =	sadd.s32 @!p0 $0x88, s6;
	s7 =	simm.s32 @p2 $0x1082  }
0x22: {  	[simem:s7], [sflag:s8] =	dma.local @!p0 [hbm:s6], $0xF7A  }
0x23: {  	s9 =	sor.u32 $0xD0000000, s2;
	s6 =	simm.s32 $0x108;
	_ =	swait.ge @!p0 [sflag:s8], $0x0  }
0x24: {  	s3 =	sadd.s32 $0x88, s3;
	s6 =	simm.s32 @!p1 $0x1082;
	[sflag:s4] =	ssyncset.s32 $0xFFFFF086  }
0x25: {  	[simem:s6], [sflag:s4] =	dma.local [hbm:s3], $0xF7A  }
0x26: {  	[smem:$0x3F9B] =	sst s1;
	(tag) =	ssettag s2;
	_ =	strace s9  }
0x27: {  	s1 =	sld [smem:$0x3FAB]  }
0x28: {  	s2 =	sld [smem:$0x3FAC]  }
0x29: {  	s4 =	sld [smem:$0x3FAE]  }
0x2a: {  	p0 =	seq.s32 s5, $0x0;
	s5 =	sld [smem:$0x3FAF]  }
0x2b: {  	s6 =	sld [smem:$0x3FB0]  }
0x2c: {  	s7 =	sld [smem:$0x3FB1]  }
0x2d: {  	s3 =	simm.s32 $0x108;
	s8 =	sld [smem:$0x3FB2]  }
0x2e: {  	s3 =	simm.s32 @!p0 $0x1082;
	s9 =	sld [smem:$0x3FB3]  }
0x2f: {  	lr =	sadd.s32 s0, s3;
	s0 =	sld [smem:$0x3FAA]  }
0x30: {  	s3 =	sld [smem:$0x3FAD]  }
0x31: {  	[smem:$0x3FB6] =	sst s10  }
0x32: {  	s10 =	sld [smem:$0x3FB4];
	_ =	sdelay $0x3  }
0x33: {  	p0 =	seq.s32 s10, $0x1;
	s10 =	sld [smem:$0x3FB6];
	_ =	sdelay $0x3  }
0x34: {  	[smem:$0x3FB6] =	sst s10  }
0x35: {  	s10 =	sld [smem:$0x3FB5];
	_ =	sdelay $0x3  }
0x36: {  	p1 =	seq.s32 s10, $0x1;
	s10 =	sld [smem:$0x3FB6];
	_ =	sdelay $0x3  }
0x37: {  	[smem:$0x3FB6] =	sst s10  }
0x38: {  	s10 =	sld [smem:$0x3FB7]  }
0x39: {  	_ = 	snop;
	(pc) =	sbr.ind lr, $3  }
0x3a: {  	_ = 	snop  }
0x3b: {  	_ = 	snop  }
0x3c: {  	p2 =	seq.s32 s10, $0x1;
	s10 =	sld [smem:$0x3FB6]  }
0x3d: {  	_ =	shalt  }
0x3e: {  	_ =	shalt  }
0x3f: {  	_ =	shalt  }
0x40: {  	_ =	shalt  }
0x41: {  	_ =	shalt  }
0x42: {  	_ =	shalt  }
0x43: {  	_ =	shalt  }
0x44: {  	_ =	shalt  }
0x45: {  	_ =	shalt  }
0x46: {  	_ =	shalt  }
0x47: {  	_ =	shalt  }
0x48: {  	_ =	shalt  }
0x49: {  	_ =	shalt  }
0x4a: {  	_ =	shalt  }
0x4b: {  	_ =	shalt  }
0x4c: {  	_ =	shalt  }
0x4d: {  	_ =	shalt  }
0x4e: {  	_ =	shalt  }
0x4f: {  	_ =	shalt  }
0x50: {  	_ =	shalt  }
0x51: {  	_ =	shalt  }
0x52: {  	_ =	shalt  }
0x53: {  	_ =	shalt  }
0x54: {  	_ =	shalt  }
0x55: {  	_ =	shalt  }
0x56: {  	_ =	shalt  }
0x57: {  	_ =	shalt  }
0x58: {  	_ =	shalt  }
0x59: {  	_ =	shalt  }
0x5a: {  	_ =	shalt  }
0x5b: {  	_ =	shalt  }
0x5c: {  	_ =	shalt  }
0x5d: {  	_ =	shalt  }
0x5e: {  	_ =	shalt  }
0x5f: {  	_ =	shalt  }
0x60: {  	_ =	shalt  }
0x61: {  	_ =	shalt  }
0x62: {  	_ =	shalt  }
0x63: {  	_ =	shalt  }
0x64: {  	_ =	shalt  }
0x65: {  	_ =	shalt  }
0x66: {  	_ =	shalt  }
0x67: {  	_ =	shalt  }
0x68: {  	_ =	shalt  }
0x69: {  	_ =	shalt  }
0x6a: {  	_ =	shalt  }
0x6b: {  	_ =	shalt  }
0x6c: {  	_ =	shalt  }
0x6d: {  	_ =	shalt  }
0x6e: {  	_ =	shalt  }
0x6f: {  	_ =	shalt  }
0x70: {  	_ =	shalt  }
0x71: {  	_ =	shalt  }
0x72: {  	_ =	shalt  }
0x73: {  	_ =	shalt  }
0x74: {  	_ =	shalt  }
0x75: {  	_ =	shalt  }
0x76: {  	_ =	shalt  }
0x77: {  	_ =	shalt  }
0x78: {  	_ =	shalt  }
0x79: {  	_ =	shalt  }
0x7a: {  	_ =	shalt  }
0x7b: {  	_ =	shalt  }
0x7c: {  	_ =	shalt  }
0x7d: {  	_ =	shalt  }
0x7e: {  	_ =	shalt  }
0x7f: {  	_ =	shalt  }
0x80: {  	_ =	shalt  }
0x81: {  	_ =	shalt  }
0x82: {  	_ =	shalt  }
0x83: {  	_ =	shalt  }
0x84: {  	_ =	shalt  }
0x85: {  	_ =	shalt  }
0x86: {  	_ =	shalt  }
0x87: {  	_ =	shalt  }
.Lfunc_end0:
.L_simem_size_0:
called_computation_lowered:
.L_overlay_start_0:
0x88: {  	s2 =	sld [smem:$0x3FD9]  }
0x89: {  	s3 =	sld [smem:$0x3FFE];
	_ =	sdelay $0x1  }
0x8a: {  	s1 =	srdreg.scid  }
0x8b: {  	s0 =	sand.u32 $0x1, s1  }
0x8c: {  	s17 =	sshll.u32 s0, $0xA;
	s2 =	sadd.s32 s3, s2  }
0x8d: {  	s2 =	sadd.s32 s2, s17  }
0x8e: {  	[smem:$0x3FC2] =	sst s2  }
0x8f: {  	_ = 	snop  }
0x90: {  	s2 =	sld [smem:$0x3FD0];
	(tm) =	ssettm $0x1  }
0x91: {  	s18 =	sld [smem:$0x3FFB];
	_ =	sdelay $0x3  }
0x92: {  	_ =	strace s18  }
0x93: {  	s3 =	sld [smem:$0x3FFC];
	_ =	sdelay $0x3  }
0x94: {  	_ =	strace s3  }
0x95: {  	s3 =	sld [smem:$0x3FFD];
	_ =	sdelay $0x3  }
0x96: {  	_ =	strace s3  }
0x97: {  	_ =	strace $0x8FFFFFFF  }
0x98: {  	s19 =	sld [smem:$0x3FDB];
	_ =	sdelay $0x1  }
0x99: {  	s4 =	simm.s32 $_scs_section_size  }
0x9a: {  	s5 =	simm.s32 $_size__tile_overlayer_lowered;
	s6 =	simm.s32 $_tile_overlayer_lowered  }
0x9b: {  	s22 =	simm.s32 $0x1BFF;
	s21 =	sshll.u32 s6, $0x1;
	s3 =	sadd.s32 s4, s19  }
0x9c: {  	s7 =	simm.s32 $0x0;
	s20 =	sshll.u32 s5, $0x1;
	s5 =	sadd.s32 s21, s3  }
0x9d: {  	[timem:s7], [sflag:s22] =	dma.local [hbm:s5], s20  }
0x9e: {  	_ =	swait.ge [sflag:s22], s20  }
0x9f: {  	s4 =	ssub.s32 $0x0, s20;
	[sflag:s22] =	ssyncset.done $0x0  }
0xa0: {  	[sflag:s22] =	ssyncadd.s32 s4;
	_ =	sdelay $0x1  }
0xa1: {  	s23 =	simm.s32 $0x1B8B  }
0xa2: {  	_ =	swait.ge [sflag:s23], $0x1  }
0xa3: {  	[sflag:s23] =	ssyncset.done $0x0  }
0xa4: {  	s25 =	simm.s32 $0x1B8E;
	s24 =	sld [smem:$0x3FFE];
	[sflag:s23] =	ssyncadd.s32 $0xFFFFFFFF  }
0xa5: {  	s26 =	simm.s32 $execute0_lowered;
	[smem:$0x3FD2] =	sst s25  }
0xa6: {  	s5 =	sshll.u32 s26, $0x1;
	_ =	strace $0x80000046;
	[dreg:$0x1] =	wrdreg $0xFFFFFFFF  }
0xa7: {  	s28 =	simm.s32 $_size_execute0_lowered;
	s3 =	sadd.s32 s3, s5;
	[dreg:$0x0] =	wrdreg $0x0  }
0xa8: {  	s5 =	sshll.u32 s28, $0x1;
	[dreg:$0x2] =	wrdreg s3  }
0xa9: {  	[dreg:$0x3] =	wrdreg s5  }
0xaa: {  	[dreg:$0x4] =	wrdreg $0xC0  }
0xab: {  	_ =	task [dreg:s7], $0x5FFFF  }
0xac: {  	[dreg:$0x1] =	wrdreg $0xFFFFFFFF  }
0xad: {  	[dreg:$0x0] =	wrdreg $0x60  }
0xae: {  	[dreg:$0x2] =	wrdreg s2  }
0xaf: {  	[dreg:$0x3] =	wrdreg s24  }
0xb0: {  	[dreg:$0x4] =	wrdreg $0x0  }
0xb1: {  	[dreg:$0x5] =	wrdreg $0x188000  }
0xb2: {  	[dreg:$0x6] =	wrdreg $0x9  }
0xb3: {  	_ =	task.clear_ibuf [dreg:s7], $0x7FFFF;
	_ =	strace $0x90000046  }
0xb4: {  	s29 =	simm.s32 $0x9;
	_ =	strace $0x80000048  }
0xb5: {  	_ =	swait.ge [sflag:s29], $0x1  }
0xb6: {  	[sflag:s29] =	ssyncadd.s32 $0xFFFFFFFF  }
0xb7: {  	_ =	strace $0x90000048  }
0xb8: {  	_ =	sfence  }
0xb9: {  	s30 =	sld [smem:$0x0];
	_ =	sdelay $0x2  }
0xba: {  	s31 =	sshll.u32 s1, $0xD;
	s1 =	sshrl.u32 s1, $0x2  }
0xbb: {  	s3 =	sand.u32 $0x4000, s31;
	s1 =	sadd.s32 s1, s30  }
0xbc: {  	s0 =	sor.u32 s3, s0;
	s1 =	sshll.u32 s1, $0x11  }
0xbd: {  	s0 =	sor.u32 s1, s0  }
0xbe: {  	s0 =	sadd.s32 $0x8F2B, s0  }
0xbf: {  	[sflag:s0] =	ssyncadd.remote.s32 $0x1  }
0xc0: {  	_ =	sfence.sel $0xFFFF  }
0xc1: {  	[dreg:$0x0] =	wrdreg $0xFFFFFFFF;
	(pc) =	sbr.abs _section_cstart, $3  }
0xc2: {  	[dreg:$0x1] =	wrdreg $0xFFFFFFFF  }
0xc3: {  	_ =	task.clear_ibuf [dreg:s7], $0x2FFFF;
	_ =	strace $0x9FFFFFFF  }
0xc4: {  	(tm) =	ssettm $0x7FFFFFFF  }
0xc5: {  	_ =	shalt  }
tec
execute0_lowered:
.L_overlay_start_1:
0x0: {  	(tag) =	ssettag $0x1  }
0x1: {  	s0 =	rddreg [dreg:$0x0]  }
0x2: {  	s2 =	rddreg [dreg:$0x1]  }
0x3: {  	s1 =	rddreg [dreg:$0x2];
	s16 =	stileid.u32  }
0x4: {  	s4 =	srdreg.scid;
	s6 =	smul.u32 $0x3100, s16  }
0x5: {  	s3 =	rddreg [dreg:$0x3];
	s17 =	simm.s32 $0x1A300;
	s7 =	smul.u32 $0x310, s16  }
0x6: {  	s18 =	simm.s32 $0x1A380;
	s19 =	simm.s32 $0x1A400;
	s11 =	smul.u32 $0x18800, s16  }
0x7: {  	s22 =	simm.s32 $0x1A480;
	s8 =	sand.u32 $0x1, s4;
	s13 =	smul.u32 $0x1880, s16  }
0x8: {  	s4 =	simm.s32 $0x0;
	s10 =	sshll.u32 s16, $0x9;
	s15 =	smul.u32 $0x62000, s16  }
0x9: {  	s30 =	smul.u32 $0x6200, s16;
	s16 =	simm.s32 $0x1A280;
	[smem:$0x7FF] =	sst s4  }
0xa: {  	s23 =	simm.s32 $0x1A500;
	_ =	strace $0x80000047;
	[dreg:$0xa] =	wrdreg s16  }
0xb: {  	s9 =	smul.u32 $0x188000, s8;
	s12 =	sadd.s32 s10, s2;
	[dreg:$0xb] =	wrdreg s17  }
0xc: {  	s24 =	smul.u32 $0x18800, s8;
	s25 =	ssub.s32 $0x2, s8;
	[dreg:$0xc] =	wrdreg s18  }
0xd: {  	s8 =	sshll.u32 s8, $0x8;
	s0 =	sadd.s32 s10, s0;
	[dreg:$0xd] =	wrdreg s19  }
0xe: {  	s6 =	sadd.s32 s6, s2;
	s7 =	sadd.s32 s7, s2;
	[dreg:$0xe] =	wrdreg s22  }
0xf: {  	s14 =	sshrl.u32 s25, $0x1;
	s0 =	sadd.s32 s8, s0;
	[dreg:$0xf] =	wrdreg s23  }
0x10: {  	s31 =	sadd.s32 s8, s12;
	s8 =	simm.s32 $0x1A100;
	[dreg:$0x5] =	wrdreg s0  }
0x11: {  	s28 =	sshrl.u32 s15, $0x2;
	s15 =	simm.s32 $0x1A200;
	[dreg:$0x7] =	wrdreg s8  }
0x12: {  	s9 =	sadd.s32 s11, s9;
	s6 =	sadd.s32 $0x21F600, s6;
	[dreg:$0x9] =	wrdreg s15  }
0x13: {  	s20 =	sadd.s32 $0x21C400, s7;
	s7 =	sadd.s32 $0x1BA400, s31;
	[dreg:$0x17] =	wrdreg s6  }
0x14: {  	s11 =	sadd.s32 s13, s24;
	s24 =	simm.s32 $0x1A580;
	[dreg:$0x6] =	wrdreg s7  }
0x15: {  	s26 =	ssub.s32 s25, s14;
	s25 =	simm.s32 $0x1A600;
	[dreg:$0x10] =	wrdreg s24  }
0x16: {  	s21 =	simm.s32 $0x1F100;
	s31 =	simm.s32 $0x1A800;
	[dreg:$0x11] =	wrdreg s25  }
0x17: {  	s5 =	sadd.s32 $0x189400, s2;
	s9 =	sshrl.u32 s9, $0x3;
	[dreg:$0x15] =	wrdreg s31  }
0x18: {  	s11 =	sshrl.u32 s11, $0x3;
	s6 =	sadd.s32 s28, s1;
	[dreg:$0x19] =	wrdreg s20  }
0x19: {  	s28 =	simm.s32 $0x1A700;
	s9 =	sadd.s32 s9, s2;
	[dreg:$0x18] =	wrdreg s6  }
0x1a: {  	s2 =	sadd.s32 s11, s2;
	s11 =	smax.u32 s26, $0x1;
	[dreg:$0x13] =	wrdreg s28  }
0x1b: {  	s29 =	simm.s32 $0xE;
	s26 =	simm.s32 $0x1A680;
	[dreg:$0x16] =	wrdreg s11  }
0x1c: {  	s6 =	sshrl.u32 s30, $0x2;
	s30 =	simm.s32 $0x1A780;
	[dreg:$0x12] =	wrdreg s26  }
0x1d: {  	s18 =	simm.s32 $0x80;
	s6 =	sadd.s32 s6, s3;
	[dreg:$0x14] =	wrdreg s30  }
0x1e: {  	s23 =	simm.s32 $0x1F080;
	s10 =	sadd.s32 $0x256800, s9;
	[dreg:$0x1a] =	wrdreg s6  }
0x1f: {  	s19 =	simm.s32 $0x11;
	s11 =	simm.s32 $0x1A180;
	[dreg:$0x1b] =	wrdreg s10  }
0x20: {  	s22 =	simm.s32 $0x0;
	s12 =	sadd.s32 $0x250600, s2;
	[dreg:$0x8] =	wrdreg s11  }
0x21: {  	v0 =	vimm.f32 $1.000000000e+00;
	s13 =	simm.s32 $0x1B080;
	s14 =	simm.s32 $0x12;
	[dreg:$0x1c] =	wrdreg s12  }
.LBB2_1:
0x22: {  	[dreg:$0x1d] =	wrdreg s22  }
0x23: {  	s24 =	rddreg [dreg:$0x17]  }
0x24: {  	[tilespmem:s13], [sflag:$0x12] =	stream.linear.gather [hbm4b:s24+s4], $0x800, $0x38;
	[tilespmem:$0x1F180] =	vst v63  }
0x25: {  	_ =	swait.ge [sflag:s14], $0x800  }
0x26: {  	[sflag:s14] =	ssyncset.done $0x0  }
0x27: {  	s28 =	rddreg [dreg:$0x18];
	[sflag:s14] =	ssyncadd.s32 $0xFFFFF800  }
0x28: {  	[spmem:s28] =	stream.linear.scatter [tilespmem:s13], [sflag:$0x12], $0x800, $0x38;
	[tilespmem:$0x1F180] =	vst v63  }
0x29: {  	_ =	swait.ge [sflag:s14], $0x800  }
0x2a: {  	[sflag:s14] =	ssyncset.done $0x0  }
0x2b: {  	s30 =	sadd.s32 $0x0, s20;
	[sflag:s14] =	ssyncadd.s32 $0xFFFFF800  }
0x2c: {  	[tilespmem:s21], [sflag:$0x12] =	stream.linear.gather [hbm4b:s30+s4], $0x80, $0x38;
	[tilespmem:$0x1F180] =	vst v63  }
0x2d: {  	_ =	swait.ge [sflag:s14], $0x80  }
0x2e: {  	[sflag:s14] =	ssyncset.done $0x0  }
0x2f: {  	s4 =	simm.s32 $0x1F100;
	s31 =	rddreg [dreg:$0x1a];
	[sflag:s14] =	ssyncadd.s32 $0xFFFFFF80  }
0x30: {  	[spmem:s31] =	stream.linear.scatter [tilespmem:s4], [sflag:$0x12], $0x80, $0x38;
	[tilespmem:$0x1F180] =	vst v63  }
0x31: {  	s6 =	smov.u32 s20;
	s22 =	simm.s32 $0x0;
	_ =	swait.ge [sflag:s14], $0x80  }
0x32: {  	s20 =	simm.s32 $0x10;
	s21 =	sadd.s32 $0x80, s31;
	[sflag:s14] =	ssyncset.done $0x0  }
.LBB2_2:
0x33: {  	[sflag:s14] =	ssyncadd.s32 $0xFFFFFF80  }
0x34: {  	s24 =	sadd.s32 $0x100, s24;
	s28 =	sadd.s32 $0x800, s28;
	s31 =	smov.u32 s20  }
0x35: {  	[tilespmem:s13], [sflag:$0x12] =	stream.linear.gather [hbm4b:s24+s22], $0x800, $0x38;
	[tilespmem:$0x1F180] =	vst v63  }
0x36: {  	p0 =	sne.s32 s20, $0x300;
	s20 =	sadd.s32 $0x10, s20;
	_ =	swait.ge [sflag:s14], $0x800  }
0x37: {  	[sflag:s14] =	ssyncset.done $0x0  }
0x38: {  	[sflag:s14] =	ssyncadd.s32 $0xFFFFF800  }
0x39: {  	[spmem:s28] =	stream.linear.scatter [tilespmem:s13], [sflag:$0x12], $0x800, $0x38;
	[tilespmem:$0x1F180] =	vst v63  }
0x3a: {  	_ =	swait.ge [sflag:s14], $0x800  }
0x3b: {  	[sflag:s14] =	ssyncset.done $0x0  }
0x3c: {  	s31 =	sadd.s32 s31, s6;
	[sflag:s14] =	ssyncadd.s32 $0xFFFFF800  }
0x3d: {  	[tilespmem:s4], [sflag:$0x12] =	stream.linear.gather [hbm4b:s31+s22], $0x80, $0x38;
	[tilespmem:$0x1F180] =	vst v63  }
0x3e: {  	_ =	swait.ge [sflag:s14], $0x80  }
.Ltmp0:
0x3f: {  	[sflag:s14] =	ssyncset.done $0x0;
	(pc) =	sbr.rel @p0 .LBB2_2-.Ltmp0, $4  }
0x40: {  	[sflag:s14] =	ssyncadd.s32 $0xFFFFFF80  }
0x41: {  	[spmem:s21] =	stream.linear.scatter [tilespmem:s4], [sflag:$0x12], $0x80, $0x38;
	[tilespmem:$0x1F180] =	vst v63  }
0x42: {  	_ =	swait.ge [sflag:s14], $0x80  }
0x43: {  	s21 =	sadd.s32 $0x80, s21;
	[sflag:s14] =	ssyncset.done $0x0  }
0x44: {  	[sflag:s14] =	ssyncadd.s32 $0xFFFFFF80  }
0x45: {  	[tilespmem:$0x1F080] =	vst v0  }
0x46: {  	[tilespmem:$0x1F090] =	vst v0  }
0x47: {  	[tilespmem:$0x1F0A0] =	vst v0  }
0x48: {  	[tilespmem:$0x1F0B0] =	vst v0  }
0x49: {  	[tilespmem:$0x1F0C0] =	vst v0  }
0x4a: {  	[tilespmem:$0x1F0D0] =	vst v0  }
0x4b: {  	[tilespmem:$0x1F0E0] =	vst v0  }
0x4c: {  	[tilespmem:$0x1F0F0] =	vst v0  }
0x4d: {  	[bflag:$0x0] =	sbarrier.arrive $0xFFFF  }
0x4e: {  	s20 =	rddreg [dreg:$0x5]  }
0x4f: {  	s2 =	simm.s32 $0x1A080;
	s20 =	sadd.s32 $0x0, s20  }
0x50: {  	[tilespmem:s2], [sflag:$0x12] =	stream.linear.gather [hbm4b:s20+s22], $0x800, $0x38;
	[tilespmem:$0x1F180] =	vst v63  }
0x51: {  	_ =	swait.ge [sflag:s14], $0x800  }
0x52: {  	s8 =	rddreg [dreg:$0x6];
	[sflag:s14] =	ssyncset.done $0x0  }
0x53: {  	s4 =	simm.s32 $0x1A880;
	[sflag:s14] =	ssyncadd.s32 $0xFFFFF800;
	s20 =	sadd.s32 $0x0, s8  }
0x54: {  	[tilespmem:s4], [sflag:$0x12] =	stream.linear.gather [hbm4b:s20+s22], $0x800, $0x38;
	[tilespmem:$0x1F180] =	vst v63  }
0x55: {  	_ =	swait.ge [sflag:s14], $0x800  }
0x56: {  	[sflag:s14] =	ssyncset.done $0x0  }
0x57: {  	[sflag:s14] =	ssyncadd.s32 $0xFFFFF800  }
0x58: {  	[tilespmem:s13], [sflag:$0x1] =	stream.indirect.gather [hbm4b:s5+s18], $0x10, s2, s18, $0xb8;
	[tilespmem:$0x1F180] =	vst v63  }
0x59: {  	s8 =	simm.s32 $0x1B880;
	s9 =	rddreg [dreg:$0x7]  }
0x5a: {  	[tilespmem:s8], [sflag:$0x2] =	stream.indirect.gather [hbm4b:s5+s18], $0x10, s9, s18, $0xb8;
	[tilespmem:$0x1F180] =	vst v63  }
0x5b: {  	s24 =	simm.s32 $0x1C080;
	s21 =	rddreg [dreg:$0x8]  }
0x5c: {  	[tilespmem:s24], [sflag:$0x3] =	stream.indirect.gather [hbm4b:s5+s18], $0x10, s21, s18, $0xb8;
	[tilespmem:$0x1F180] =	vst v63  }
0x5d: {  	s6 =	simm.s32 $0x1C880;
	s10 =	rddreg [dreg:$0x9];
	s9 =	simm.s32 $0x1  }
0x5e: {  	[tilespmem:s6], [sflag:$0x4] =	stream.indirect.gather [hbm4b:s5+s18], $0x10, s10, s18, $0xb8;
	[tilespmem:$0x1F180] =	vst v63  }
0x5f: {  	_ =	swait.ge [sflag:s9], $0x800  }
0x60: {  	[sflag:s9] =	ssyncset.done $0x0  }
0x61: {  	s0 =	simm.s32 $0x1A880;
	[sflag:s9] =	ssyncadd.s32 $0xFFFFF800  }
0x62: {  	[spmem:s1] =	stream.indirect.scatter.add.f32 [tilespmem:s13], [sflag:$0x9], $0x10, s0, s18, $0xb8;
	[tilespmem:$0x1F180] =	vst v63  }
0x63: {  	_ = 	snop  }
0x64: {  	[spmem:s3] =	stream.indirect.scatter.add.f32 [tilespmem:s23], [sflag:$0x11], $0x1, s0, s18, $0xb8;
	[tilespmem:$0x1F180] =	vst v63  }
0x65: {  	s31 =	simm.s32 $0x2;
	s21 =	simm.s32 $0x1D080;
	s11 =	rddreg [dreg:$0xa]  }
0x66: {  	[tilespmem:s21], [sflag:$0x5] =	stream.indirect.gather [hbm4b:s5+s18], $0x10, s11, s18, $0xb8;
	[tilespmem:$0x1F180] =	vst v63  }
0x67: {  	_ =	swait.ge [sflag:s31], $0x800  }
0x68: {  	[sflag:s31] =	ssyncset.done $0x0  }
0x69: {  	s12 =	simm.s32 $0x1A900;
	[sflag:s31] =	ssyncadd.s32 $0xFFFFF800  }
0x6a: {  	[spmem:s1] =	stream.indirect.scatter.add.f32 [tilespmem:s8], [sflag:$0xA], $0x10, s12, s18, $0xb8;
	[tilespmem:$0x1F180] =	vst v63  }
0x6b: {  	_ = 	snop  }
0x6c: {  	[spmem:s3] =	stream.indirect.scatter.add.f32 [tilespmem:s23], [sflag:$0x11], $0x1, s12, s18, $0xb8;
	[tilespmem:$0x1F180] =	vst v63  }
0x6d: {  	s22 =	simm.s32 $0x1D880;
	s15 =	rddreg [dreg:$0xb]  }
0x6e: {  	[tilespmem:s22], [sflag:$0x6] =	stream.indirect.gather [hbm4b:s5+s18], $0x10, s15, s18, $0xb8;
	[tilespmem:$0x1F180] =	vst v63  }
0x6f: {  	s15 =	simm.s32 $0x3  }
0x70: {  	_ =	swait.ge [sflag:s15], $0x800  }
0x71: {  	[sflag:s15] =	ssyncset.done $0x0  }
0x72: {  	s16 =	simm.s32 $0x1A980;
	[sflag:s15] =	ssyncadd.s32 $0xFFFFF800  }
0x73: {  	[spmem:s1] =	stream.indirect.scatter.add.f32 [tilespmem:s24], [sflag:$0xB], $0x10, s16, s18, $0xb8;
	[tilespmem:$0x1F180] =	vst v63  }
0x74: {  	_ = 	snop  }
0x75: {  	[spmem:s3] =	stream.indirect.scatter.add.f32 [tilespmem:s23], [sflag:$0x11], $0x1, s16, s18, $0xb8;
	[tilespmem:$0x1F180] =	vst v63  }
0x76: {  	s25 =	simm.s32 $0x1E080;
	s2 =	simm.s32 $0x4;
	s17 =	rddreg [dreg:$0xc]  }
0x77: {  	[tilespmem:s25], [sflag:$0x7] =	stream.indirect.gather [hbm4b:s5+s18], $0x10, s17, s18, $0xb8;
	[tilespmem:$0x1F180] =	vst v63  }
0x78: {  	_ =	swait.ge [sflag:s2], $0x800  }
0x79: {  	[sflag:s2] =	ssyncset.done $0x0  }
0x7a: {  	s26 =	simm.s32 $0x1AA00;
	[sflag:s2] =	ssyncadd.s32 $0xFFFFF800  }
0x7b: {  	[spmem:s1] =	stream.indirect.scatter.add.f32 [tilespmem:s6], [sflag:$0xC], $0x10, s26, s18, $0xb8;
	[tilespmem:$0x1F180] =	vst v63  }
0x7c: {  	_ = 	snop  }
0x7d: {  	[spmem:s3] =	stream.indirect.scatter.add.f32 [tilespmem:s23], [sflag:$0x11], $0x1, s26, s18, $0xb8;
	[tilespmem:$0x1F180] =	vst v63  }
0x7e: {  	s12 =	simm.s32 $0x5;
	s17 =	simm.s32 $0x1E880;
	s28 =	rddreg [dreg:$0xd]  }
0x7f: {  	[tilespmem:s17], [sflag:$0x8] =	stream.indirect.gather [hbm4b:s5+s18], $0x10, s28, s18, $0xb8;
	[tilespmem:$0x1F180] =	vst v63  }
0x80: {  	_ =	swait.ge [sflag:s12], $0x800  }
0x81: {  	[sflag:s12] =	ssyncset.done $0x0  }
0x82: {  	s30 =	simm.s32 $0x1AA80;
	[sflag:s12] =	ssyncadd.s32 $0xFFFFF800  }
0x83: {  	[spmem:s1] =	stream.indirect.scatter.add.f32 [tilespmem:s21], [sflag:$0xD], $0x10, s30, s18, $0xb8;
	[tilespmem:$0x1F180] =	vst v63  }
0x84: {  	s10 =	simm.s32 $0x9  }
0x85: {  	[spmem:s3] =	stream.indirect.scatter.add.f32 [tilespmem:s23], [sflag:$0x11], $0x1, s30, s18, $0xb8;
	[tilespmem:$0x1F180] =	vst v63  }
0x86: {  	_ =	swait.ge [sflag:s10], $0x800  }
0x87: {  	[sflag:s10] =	ssyncset.done $0x0  }
0x88: {  	s11 =	simm.s32 $0x6;
	s4 =	rddreg [dreg:$0xe];
	[sflag:s10] =	ssyncadd.s32 $0xFFFFF800  }
0x89: {  	[tilespmem:s13], [sflag:$0x1] =	stream.indirect.gather [hbm4b:s5+s18], $0x10, s4, s18, $0xb8;
	[tilespmem:$0x1F180] =	vst v63  }
0x8a: {  	_ =	swait.ge [sflag:s11], $0x800  }
0x8b: {  	[sflag:s11] =	ssyncset.done $0x0  }
0x8c: {  	s7 =	simm.s32 $0x1AB00;
	[sflag:s11] =	ssyncadd.s32 $0xFFFFF800  }
0x8d: {  	[spmem:s1] =	stream.indirect.scatter.add.f32 [tilespmem:s22], [sflag:$0xE], $0x10, s7, s18, $0xb8;
	[tilespmem:$0x1F180] =	vst v63  }
0x8e: {  	s0 =	simm.s32 $0xA  }
0x8f: {  	[spmem:s3] =	stream.indirect.scatter.add.f32 [tilespmem:s23], [sflag:$0x11], $0x1, s7, s18, $0xb8;
	[tilespmem:$0x1F180] =	vst v63  }
0x90: {  	_ =	swait.ge [sflag:s0], $0x800  }
0x91: {  	[sflag:s0] =	ssyncset.done $0x0  }
0x92: {  	s16 =	rddreg [dreg:$0xf];
	[sflag:s0] =	ssyncadd.s32 $0xFFFFF800  }
0x93: {  	[tilespmem:s8], [sflag:$0x2] =	stream.indirect.gather [hbm4b:s5+s18], $0x10, s16, s18, $0xb8;
	[tilespmem:$0x1F180] =	vst v63  }
0x94: {  	s16 =	simm.s32 $0x7  }
0x95: {  	_ =	swait.ge [sflag:s16], $0x800  }
0x96: {  	[sflag:s16] =	ssyncset.done $0x0  }
0x97: {  	s20 =	simm.s32 $0x1AB80;
	[sflag:s16] =	ssyncadd.s32 $0xFFFFF800  }
0x98: {  	[spmem:s1] =	stream.indirect.scatter.add.f32 [tilespmem:s25], [sflag:$0xF], $0x10, s20, s18, $0xb8;
	[tilespmem:$0x1F180] =	vst v63  }
0x99: {  	s7 =	simm.s32 $0xB  }
0x9a: {  	[spmem:s3] =	stream.indirect.scatter.add.f32 [tilespmem:s23], [sflag:$0x11], $0x1, s20, s18, $0xb8;
	[tilespmem:$0x1F180] =	vst v63  }
0x9b: {  	_ =	swait.ge [sflag:s7], $0x800  }
0x9c: {  	[sflag:s7] =	ssyncset.done $0x0  }
0x9d: {  	s26 =	rddreg [dreg:$0x10];
	[sflag:s7] =	ssyncadd.s32 $0xFFFFF800  }
0x9e: {  	[tilespmem:s24], [sflag:$0x3] =	stream.indirect.gather [hbm4b:s5+s18], $0x10, s26, s18, $0xb8;
	[tilespmem:$0x1F180] =	vst v63  }
0x9f: {  	s26 =	simm.s32 $0x8  }
0xa0: {  	_ =	swait.ge [sflag:s26], $0x800  }
0xa1: {  	[sflag:s26] =	ssyncset.done $0x0  }
0xa2: {  	s28 =	simm.s32 $0x1AC00;
	[sflag:s26] =	ssyncadd.s32 $0xFFFFF800  }
0xa3: {  	[spmem:s1] =	stream.indirect.scatter.add.f32 [tilespmem:s17], [sflag:$0x10], $0x10, s28, s18, $0xb8;
	[tilespmem:$0x1F180] =	vst v63  }
0xa4: {  	s4 =	simm.s32 $0xC  }
0xa5: {  	[spmem:s3] =	stream.indirect.scatter.add.f32 [tilespmem:s23], [sflag:$0x11], $0x1, s28, s18, $0xb8;
	[tilespmem:$0x1F180] =	vst v63  }
0xa6: {  	_ =	swait.ge [sflag:s4], $0x800  }
0xa7: {  	[sflag:s4] =	ssyncset.done $0x0  }
0xa8: {  	s30 =	rddreg [dreg:$0x11];
	[sflag:s4] =	ssyncadd.s32 $0xFFFFF800  }
0xa9: {  	[tilespmem:s6], [sflag:$0x4] =	stream.indirect.gather [hbm4b:s5+s18], $0x10, s30, s18, $0xb8;
	[tilespmem:$0x1F180] =	vst v63  }
0xaa: {  	_ =	swait.ge [sflag:s9], $0x800  }
0xab: {  	[sflag:s9] =	ssyncset.done $0x0  }
0xac: {  	s20 =	simm.s32 $0x1AC80;
	[sflag:s9] =	ssyncadd.s32 $0xFFFFF800  }
0xad: {  	[spmem:s1] =	stream.indirect.scatter.add.f32 [tilespmem:s13], [sflag:$0x9], $0x10, s20, s18, $0xb8;
	[tilespmem:$0x1F180] =	vst v63  }
0xae: {  	s9 =	simm.s32 $0xD  }
0xaf: {  	[spmem:s3] =	stream.indirect.scatter.add.f32 [tilespmem:s23], [sflag:$0x11], $0x1, s20, s18, $0xb8;
	[tilespmem:$0x1F180] =	vst v63  }
0xb0: {  	_ =	swait.ge [sflag:s9], $0x800  }
0xb1: {  	[sflag:s9] =	ssyncset.done $0x0  }
0xb2: {  	s28 =	rddreg [dreg:$0x12];
	[sflag:s9] =	ssyncadd.s32 $0xFFFFF800  }
0xb3: {  	[tilespmem:s21], [sflag:$0x5] =	stream.indirect.gather [hbm4b:s5+s18], $0x10, s28, s18, $0xb8;
	[tilespmem:$0x1F180] =	vst v63  }
0xb4: {  	_ =	swait.ge [sflag:s31], $0x800  }
0xb5: {  	[sflag:s31] =	ssyncset.done $0x0  }
0xb6: {  	s30 =	simm.s32 $0x1AD00;
	[sflag:s31] =	ssyncadd.s32 $0xFFFFF800  }
0xb7: {  	[spmem:s1] =	stream.indirect.scatter.add.f32 [tilespmem:s8], [sflag:$0xA], $0x10, s30, s18, $0xb8;
	[tilespmem:$0x1F180] =	vst v63  }
0xb8: {  	_ = 	snop  }
0xb9: {  	[spmem:s3] =	stream.indirect.scatter.add.f32 [tilespmem:s23], [sflag:$0x11], $0x1, s30, s18, $0xb8;
	[tilespmem:$0x1F180] =	vst v63  }
0xba: {  	_ =	swait.ge [sflag:s29], $0x800  }
0xbb: {  	[sflag:s29] =	ssyncset.done $0x0  }
0xbc: {  	s13 =	rddreg [dreg:$0x13];
	[sflag:s29] =	ssyncadd.s32 $0xFFFFF800  }
0xbd: {  	[tilespmem:s22], [sflag:$0x6] =	stream.indirect.gather [hbm4b:s5+s18], $0x10, s13, s18, $0xb8;
	[tilespmem:$0x1F180] =	vst v63  }
0xbe: {  	_ =	swait.ge [sflag:s15], $0x800  }
0xbf: {  	[sflag:s15] =	ssyncset.done $0x0  }
0xc0: {  	s28 =	simm.s32 $0x1AD80;
	[sflag:s15] =	ssyncadd.s32 $0xFFFFF800  }
0xc1: {  	[spmem:s1] =	stream.indirect.scatter.add.f32 [tilespmem:s24], [sflag:$0xB], $0x10, s28, s18, $0xb8;
	[tilespmem:$0x1F180] =	vst v63  }
0xc2: {  	s8 =	simm.s32 $0xF  }
0xc3: {  	[spmem:s3] =	stream.indirect.scatter.add.f32 [tilespmem:s23], [sflag:$0x11], $0x1, s28, s18, $0xb8;
	[tilespmem:$0x1F180] =	vst v63  }
0xc4: {  	_ =	swait.ge [sflag:s8], $0x800  }
0xc5: {  	[sflag:s8] =	ssyncset.done $0x0  }
0xc6: {  	s30 =	rddreg [dreg:$0x14];
	[sflag:s8] =	ssyncadd.s32 $0xFFFFF800  }
0xc7: {  	[tilespmem:s25], [sflag:$0x7] =	stream.indirect.gather [hbm4b:s5+s18], $0x10, s30, s18, $0xb8;
	[tilespmem:$0x1F180] =	vst v63  }
0xc8: {  	_ =	swait.ge [sflag:s2], $0x800  }
0xc9: {  	[sflag:s2] =	ssyncset.done $0x0  }
0xca: {  	s13 =	simm.s32 $0x1AE00;
	[sflag:s2] =	ssyncadd.s32 $0xFFFFF800  }
0xcb: {  	[spmem:s1] =	stream.indirect.scatter.add.f32 [tilespmem:s6], [sflag:$0xC], $0x10, s13, s18, $0xb8;
	[tilespmem:$0x1F180] =	vst v63  }
0xcc: {  	_ = 	snop  }
0xcd: {  	[spmem:s3] =	stream.indirect.scatter.add.f32 [tilespmem:s23], [sflag:$0x11], $0x1, s13, s18, $0xb8;
	[tilespmem:$0x1F180] =	vst v63  }
0xce: {  	s13 =	simm.s32 $0x10  }
0xcf: {  	_ =	swait.ge [sflag:s13], $0x800  }
0xd0: {  	[sflag:s13] =	ssyncset.done $0x0  }
0xd1: {  	s15 =	rddreg [dreg:$0x15];
	[sflag:s13] =	ssyncadd.s32 $0xFFFFF800  }
0xd2: {  	[tilespmem:s17], [sflag:$0x8] =	stream.indirect.gather [hbm4b:s5+s18], $0x10, s15, s18, $0xb8;
	[tilespmem:$0x1F180] =	vst v63  }
0xd3: {  	_ =	swait.ge [sflag:s12], $0x800  }
0xd4: {  	[sflag:s12] =	ssyncset.done $0x0  }
0xd5: {  	s20 =	simm.s32 $0x1AE80;
	[sflag:s12] =	ssyncadd.s32 $0xFFFFF800  }
0xd6: {  	[spmem:s1] =	stream.indirect.scatter.add.f32 [tilespmem:s21], [sflag:$0xD], $0x10, s20, s18, $0xb8;
	[tilespmem:$0x1F180] =	vst v63  }
0xd7: {  	_ = 	snop  }
0xd8: {  	[spmem:s3] =	stream.indirect.scatter.add.f32 [tilespmem:s23], [sflag:$0x11], $0x1, s20, s18, $0xb8;
	[tilespmem:$0x1F180] =	vst v63  }
0xd9: {  	_ =	swait.ge [sflag:s11], $0x800  }
0xda: {  	[sflag:s11] =	ssyncset.done $0x0  }
0xdb: {  	s24 =	simm.s32 $0x1AF00;
	[sflag:s11] =	ssyncadd.s32 $0xFFFFF800  }
0xdc: {  	[spmem:s1] =	stream.indirect.scatter.add.f32 [tilespmem:s22], [sflag:$0xE], $0x10, s24, s18, $0xb8;
	[tilespmem:$0x1F180] =	vst v63  }
0xdd: {  	_ = 	snop  }
0xde: {  	[spmem:s3] =	stream.indirect.scatter.add.f32 [tilespmem:s23], [sflag:$0x11], $0x1, s24, s18, $0xb8;
	[tilespmem:$0x1F180] =	vst v63  }
0xdf: {  	_ =	swait.ge [sflag:s16], $0x800  }
0xe0: {  	[sflag:s16] =	ssyncset.done $0x0  }
0xe1: {  	s28 =	simm.s32 $0x1AF80;
	[sflag:s16] =	ssyncadd.s32 $0xFFFFF800  }
0xe2: {  	[spmem:s1] =	stream.indirect.scatter.add.f32 [tilespmem:s25], [sflag:$0xF], $0x10, s28, s18, $0xb8;
	[tilespmem:$0x1F180] =	vst v63  }
0xe3: {  	_ = 	snop  }
0xe4: {  	[spmem:s3] =	stream.indirect.scatter.add.f32 [tilespmem:s23], [sflag:$0x11], $0x1, s28, s18, $0xb8;
	[tilespmem:$0x1F180] =	vst v63  }
0xe5: {  	_ =	swait.ge [sflag:s26], $0x800  }
0xe6: {  	[sflag:s26] =	ssyncset.done $0x0  }
0xe7: {  	s30 =	simm.s32 $0x1B000;
	[sflag:s26] =	ssyncadd.s32 $0xFFFFF800  }
0xe8: {  	[spmem:s1] =	stream.indirect.scatter.add.f32 [tilespmem:s17], [sflag:$0x10], $0x10, s30, s18, $0xb8;
	[tilespmem:$0x1F180] =	vst v63  }
0xe9: {  	_ = 	snop  }
0xea: {  	[spmem:s3] =	stream.indirect.scatter.add.f32 [tilespmem:s23], [sflag:$0x11], $0x1, s30, s18, $0xb8;
	[tilespmem:$0x1F180] =	vst v63  }
0xeb: {  	_ =	swait.ge [sflag:s10], $0x800  }
0xec: {  	[sflag:s10] =	ssyncset.done $0x0  }
0xed: {  	[sflag:s10] =	ssyncadd.s32 $0xFFFFF800  }
0xee: {  	_ =	swait.ge [sflag:s0], $0x800  }
0xef: {  	[sflag:s0] =	ssyncset.done $0x0  }
0xf0: {  	[sflag:s0] =	ssyncadd.s32 $0xFFFFF800  }
0xf1: {  	_ =	swait.ge [sflag:s7], $0x800  }
0xf2: {  	[sflag:s7] =	ssyncset.done $0x0  }
0xf3: {  	[sflag:s7] =	ssyncadd.s32 $0xFFFFF800  }
0xf4: {  	_ =	swait.ge [sflag:s4], $0x800  }
0xf5: {  	[sflag:s4] =	ssyncset.done $0x0  }
0xf6: {  	[sflag:s4] =	ssyncadd.s32 $0xFFFFF800  }
0xf7: {  	_ =	swait.ge [sflag:s9], $0x800  }
0xf8: {  	[sflag:s9] =	ssyncset.done $0x0  }
0xf9: {  	[sflag:s9] =	ssyncadd.s32 $0xFFFFF800  }
0xfa: {  	_ =	swait.ge [sflag:s29], $0x800  }
0xfb: {  	[sflag:s29] =	ssyncset.done $0x0  }
0xfc: {  	[sflag:s29] =	ssyncadd.s32 $0xFFFFF800  }
0xfd: {  	_ =	swait.ge [sflag:s8], $0x800  }
0xfe: {  	[sflag:s8] =	ssyncset.done $0x0  }
0xff: {  	[sflag:s8] =	ssyncadd.s32 $0xFFFFF800  }
0x100: {  	_ =	swait.ge [sflag:s13], $0x800  }
0x101: {  	[sflag:s13] =	ssyncset.done $0x0  }
0x102: {  	[sflag:s13] =	ssyncadd.s32 $0xFFFFF800  }
0x103: {  	_ =	swait.ge [sflag:s19], $0x80  }
0x104: {  	[sflag:s19] =	ssyncset.done $0x0  }
0x105: {  	[sflag:s19] =	ssyncadd.s32 $0xFFFFFF80  }
0x106: {  	_ =	swait.ge [sflag:s19], $0x80  }
0x107: {  	[sflag:s19] =	ssyncset.done $0x0  }
0x108: {  	[sflag:s19] =	ssyncadd.s32 $0xFFFFFF80  }
0x109: {  	_ =	swait.ge [sflag:s19], $0x80  }
0x10a: {  	[sflag:s19] =	ssyncset.done $0x0  }
0x10b: {  	[sflag:s19] =	ssyncadd.s32 $0xFFFFFF80  }
0x10c: {  	_ =	swait.ge [sflag:s19], $0x80  }
0x10d: {  	[sflag:s19] =	ssyncset.done $0x0  }
0x10e: {  	[sflag:s19] =	ssyncadd.s32 $0xFFFFFF80  }
0x10f: {  	_ =	swait.ge [sflag:s19], $0x80  }
0x110: {  	[sflag:s19] =	ssyncset.done $0x0  }
0x111: {  	[sflag:s19] =	ssyncadd.s32 $0xFFFFFF80  }
0x112: {  	_ =	swait.ge [sflag:s19], $0x80  }
0x113: {  	[sflag:s19] =	ssyncset.done $0x0  }
0x114: {  	[sflag:s19] =	ssyncadd.s32 $0xFFFFFF80  }
0x115: {  	_ =	swait.ge [sflag:s19], $0x80  }
0x116: {  	[sflag:s19] =	ssyncset.done $0x0  }
0x117: {  	[sflag:s19] =	ssyncadd.s32 $0xFFFFFF80  }
0x118: {  	_ =	swait.ge [sflag:s19], $0x80  }
0x119: {  	[sflag:s19] =	ssyncset.done $0x0  }
0x11a: {  	[sflag:s19] =	ssyncadd.s32 $0xFFFFFF80  }
0x11b: {  	_ =	swait.ge [sflag:s19], $0x80  }
0x11c: {  	[sflag:s19] =	ssyncset.done $0x0  }
0x11d: {  	[sflag:s19] =	ssyncadd.s32 $0xFFFFFF80  }
0x11e: {  	_ =	swait.ge [sflag:s19], $0x80  }
0x11f: {  	[sflag:s19] =	ssyncset.done $0x0  }
0x120: {  	[sflag:s19] =	ssyncadd.s32 $0xFFFFFF80  }
0x121: {  	_ =	swait.ge [sflag:s19], $0x80  }
0x122: {  	[sflag:s19] =	ssyncset.done $0x0  }
0x123: {  	[sflag:s19] =	ssyncadd.s32 $0xFFFFFF80  }
0x124: {  	_ =	swait.ge [sflag:s19], $0x80  }
0x125: {  	[sflag:s19] =	ssyncset.done $0x0  }
0x126: {  	[sflag:s19] =	ssyncadd.s32 $0xFFFFFF80  }
0x127: {  	_ =	swait.ge [sflag:s19], $0x80  }
0x128: {  	[sflag:s19] =	ssyncset.done $0x0  }
0x129: {  	[sflag:s19] =	ssyncadd.s32 $0xFFFFFF80  }
0x12a: {  	_ =	swait.ge [sflag:s19], $0x80  }
0x12b: {  	[sflag:s19] =	ssyncset.done $0x0  }
0x12c: {  	[sflag:s19] =	ssyncadd.s32 $0xFFFFFF80  }
0x12d: {  	_ =	swait.ge [sflag:s19], $0x80  }
0x12e: {  	[sflag:s19] =	ssyncset.done $0x0  }
0x12f: {  	[sflag:s19] =	ssyncadd.s32 $0xFFFFFF80  }
0x130: {  	s21 =	simm.s32 $0x4000;
	_ =	swait.ge [sflag:s19], $0x80  }
0x131: {  	s20 =	simm.s32 $0x2000;
	s24 =	rddreg [dreg:$0x5];
	[sflag:s19] =	ssyncset.done $0x0  }
.LBB2_4:
0x132: {  	[sflag:s19] =	ssyncadd.s32 $0xFFFFFF80  }
0x133: {  	s24 =	sadd.s32 s20, s24;
	s2 =	simm.s32 $0x1A080;
	s4 =	simm.s32 $0x0  }
0x134: {  	[tilespmem:s2], [sflag:$0x12] =	stream.linear.gather [hbm4b:s24+s4], $0x800, $0x38;
	[tilespmem:$0x1F180] =	vst v63  }
0x135: {  	_ =	swait.ge [sflag:s14], $0x800  }
0x136: {  	s12 =	rddreg [dreg:$0x6];
	[sflag:s14] =	ssyncset.done $0x0  }
0x137: {  	s0 =	simm.s32 $0x1A880;
	[sflag:s14] =	ssyncadd.s32 $0xFFFFF800;
	s24 =	sadd.s32 s20, s12  }
0x138: {  	[tilespmem:s0], [sflag:$0x12] =	stream.linear.gather [hbm4b:s24+s4], $0x800, $0x38;
	[tilespmem:$0x1F180] =	vst v63  }
0x139: {  	_ =	swait.ge [sflag:s14], $0x800  }
0x13a: {  	[sflag:s14] =	ssyncset.done $0x0  }
0x13b: {  	s10 =	simm.s32 $0x1B080;
	[sflag:s14] =	ssyncadd.s32 $0xFFFFF800  }
0x13c: {  	[tilespmem:s10], [sflag:$0x1] =	stream.indirect.gather [hbm4b:s5+s18], $0x10, s2, s18, $0xb8;
	[tilespmem:$0x1F180] =	vst v63  }
0x13d: {  	s28 =	smov.u32 s21;
	s8 =	simm.s32 $0x1B880;
	s15 =	rddreg [dreg:$0x7]  }
0x13e: {  	[tilespmem:s8], [sflag:$0x2] =	stream.indirect.gather [hbm4b:s5+s18], $0x10, s15, s18, $0xb8;
	[tilespmem:$0x1F180] =	vst v63  }
0x13f: {  	s6 =	simm.s32 $0x1C080;
	s20 =	smov.u32 s28;
	s28 =	rddreg [dreg:$0x8]  }
0x140: {  	[tilespmem:s6], [sflag:$0x3] =	stream.indirect.gather [hbm4b:s5+s18], $0x10, s28, s18, $0xb8;
	[tilespmem:$0x1F180] =	vst v63  }
0x141: {  	s9 =	simm.s32 $0x1;
	s16 =	rddreg [dreg:$0x9];
	s6 =	simm.s32 $0x1C880  }
0x142: {  	[tilespmem:s6], [sflag:$0x4] =	stream.indirect.gather [hbm4b:s5+s18], $0x10, s16, s18, $0xb8;
	[tilespmem:$0x1F180] =	vst v63  }
0x143: {  	_ =	swait.ge [sflag:s9], $0x800  }
0x144: {  	[sflag:s9] =	ssyncset.done $0x0  }
0x145: {  	[sflag:s9] =	ssyncadd.s32 $0xFFFFF800  }
0x146: {  	[spmem:s1] =	stream.indirect.scatter.add.f32 [tilespmem:s10], [sflag:$0x9], $0x10, s0, s18, $0xb8;
	[tilespmem:$0x1F180] =	vst v63  }
0x147: {  	_ = 	snop  }
0x148: {  	[spmem:s3] =	stream.indirect.scatter.add.f32 [tilespmem:s23], [sflag:$0x11], $0x1, s0, s18, $0xb8;
	[tilespmem:$0x1F180] =	vst v63  }
0x149: {  	s22 =	simm.s32 $0x1D080;
	s17 =	rddreg [dreg:$0xa]  }
0x14a: {  	[tilespmem:s22], [sflag:$0x5] =	stream.indirect.gather [hbm4b:s5+s18], $0x10, s17, s18, $0xb8;
	[tilespmem:$0x1F180] =	vst v63  }
0x14b: {  	_ =	swait.ge [sflag:s31], $0x800  }
0x14c: {  	[sflag:s31] =	ssyncset.done $0x0  }
0x14d: {  	s24 =	simm.s32 $0x1A900;
	[sflag:s31] =	ssyncadd.s32 $0xFFFFF800  }
0x14e: {  	[spmem:s1] =	stream.indirect.scatter.add.f32 [tilespmem:s8], [sflag:$0xA], $0x10, s24, s18, $0xb8;
	[tilespmem:$0x1F180] =	vst v63  }
0x14f: {  	_ = 	snop  }
0x150: {  	[spmem:s3] =	stream.indirect.scatter.add.f32 [tilespmem:s23], [sflag:$0x11], $0x1, s24, s18, $0xb8;
	[tilespmem:$0x1F180] =	vst v63  }
0x151: {  	s30 =	simm.s32 $0x3;
	s25 =	rddreg [dreg:$0xb];
	s31 =	simm.s32 $0x1D880  }
0x152: {  	[tilespmem:s31], [sflag:$0x6] =	stream.indirect.gather [hbm4b:s5+s18], $0x10, s25, s18, $0xb8;
	[tilespmem:$0x1F180] =	vst v63  }
0x153: {  	_ =	swait.ge [sflag:s30], $0x800  }
0x154: {  	[sflag:s30] =	ssyncset.done $0x0  }
0x155: {  	s26 =	simm.s32 $0x1A980;
	s28 =	simm.s32 $0x1C080;
	[sflag:s30] =	ssyncadd.s32 $0xFFFFF800  }
0x156: {  	[spmem:s1] =	stream.indirect.scatter.add.f32 [tilespmem:s28], [sflag:$0xB], $0x10, s26, s18, $0xb8;
	[tilespmem:$0x1F180] =	vst v63  }
0x157: {  	_ = 	snop  }
0x158: {  	[spmem:s3] =	stream.indirect.scatter.add.f32 [tilespmem:s23], [sflag:$0x11], $0x1, s26, s18, $0xb8;
	[tilespmem:$0x1F180] =	vst v63  }
0x159: {  	s25 =	simm.s32 $0x1E080;
	s2 =	rddreg [dreg:$0xc]  }
0x15a: {  	[tilespmem:s25], [sflag:$0x7] =	stream.indirect.gather [hbm4b:s5+s18], $0x10, s2, s18, $0xb8;
	[tilespmem:$0x1F180] =	vst v63  }
0x15b: {  	s2 =	simm.s32 $0x4  }
0x15c: {  	_ =	swait.ge [sflag:s2], $0x800  }
0x15d: {  	[sflag:s2] =	ssyncset.done $0x0  }
0x15e: {  	s4 =	simm.s32 $0x1AA00;
	[sflag:s2] =	ssyncadd.s32 $0xFFFFF800  }
0x15f: {  	[spmem:s1] =	stream.indirect.scatter.add.f32 [tilespmem:s6], [sflag:$0xC], $0x10, s4, s18, $0xb8;
	[tilespmem:$0x1F180] =	vst v63  }
0x160: {  	_ = 	snop  }
0x161: {  	[spmem:s3] =	stream.indirect.scatter.add.f32 [tilespmem:s23], [sflag:$0x11], $0x1, s4, s18, $0xb8;
	[tilespmem:$0x1F180] =	vst v63  }
0x162: {  	s12 =	simm.s32 $0x5;
	s17 =	simm.s32 $0x1E880;
	s7 =	rddreg [dreg:$0xd]  }
0x163: {  	[tilespmem:s17], [sflag:$0x8] =	stream.indirect.gather [hbm4b:s5+s18], $0x10, s7, s18, $0xb8;
	[tilespmem:$0x1F180] =	vst v63  }
0x164: {  	_ =	swait.ge [sflag:s12], $0x800  }
0x165: {  	[sflag:s12] =	ssyncset.done $0x0  }
0x166: {  	s11 =	simm.s32 $0x1AA80;
	[sflag:s12] =	ssyncadd.s32 $0xFFFFF800  }
0x167: {  	[spmem:s1] =	stream.indirect.scatter.add.f32 [tilespmem:s22], [sflag:$0xD], $0x10, s11, s18, $0xb8;
	[tilespmem:$0x1F180] =	vst v63  }
0x168: {  	s16 =	simm.s32 $0x9  }
0x169: {  	[spmem:s3] =	stream.indirect.scatter.add.f32 [tilespmem:s23], [sflag:$0x11], $0x1, s11, s18, $0xb8;
	[tilespmem:$0x1F180] =	vst v63  }
0x16a: {  	_ =	swait.ge [sflag:s16], $0x800  }
0x16b: {  	[sflag:s16] =	ssyncset.done $0x0  }
0x16c: {  	s11 =	simm.s32 $0x6;
	s15 =	rddreg [dreg:$0xe];
	[sflag:s16] =	ssyncadd.s32 $0xFFFFF800  }
0x16d: {  	[tilespmem:s10], [sflag:$0x1] =	stream.indirect.gather [hbm4b:s5+s18], $0x10, s15, s18, $0xb8;
	[tilespmem:$0x1F180] =	vst v63  }
0x16e: {  	_ =	swait.ge [sflag:s11], $0x800  }
0x16f: {  	[sflag:s11] =	ssyncset.done $0x0  }
0x170: {  	s26 =	simm.s32 $0x1AB00;
	[sflag:s11] =	ssyncadd.s32 $0xFFFFF800  }
0x171: {  	[spmem:s1] =	stream.indirect.scatter.add.f32 [tilespmem:s31], [sflag:$0xE], $0x10, s26, s18, $0xb8;
	[tilespmem:$0x1F180] =	vst v63  }
0x172: {  	s0 =	simm.s32 $0xA  }
0x173: {  	[spmem:s3] =	stream.indirect.scatter.add.f32 [tilespmem:s23], [sflag:$0x11], $0x1, s26, s18, $0xb8;
	[tilespmem:$0x1F180] =	vst v63  }
0x174: {  	_ =	swait.ge [sflag:s0], $0x800  }
0x175: {  	[sflag:s0] =	ssyncset.done $0x0  }
0x176: {  	s26 =	simm.s32 $0x7;
	s4 =	rddreg [dreg:$0xf];
	[sflag:s0] =	ssyncadd.s32 $0xFFFFF800  }
0x177: {  	[tilespmem:s8], [sflag:$0x2] =	stream.indirect.gather [hbm4b:s5+s18], $0x10, s4, s18, $0xb8;
	[tilespmem:$0x1F180] =	vst v63  }
0x178: {  	_ =	swait.ge [sflag:s26], $0x800  }
0x179: {  	[sflag:s26] =	ssyncset.done $0x0  }
0x17a: {  	s7 =	simm.s32 $0x1AB80;
	[sflag:s26] =	ssyncadd.s32 $0xFFFFF800  }
0x17b: {  	[spmem:s1] =	stream.indirect.scatter.add.f32 [tilespmem:s25], [sflag:$0xF], $0x10, s7, s18, $0xb8;
	[tilespmem:$0x1F180] =	vst v63  }
0x17c: {  	_ = 	snop  }
0x17d: {  	[spmem:s3] =	stream.indirect.scatter.add.f32 [tilespmem:s23], [sflag:$0x11], $0x1, s7, s18, $0xb8;
	[tilespmem:$0x1F180] =	vst v63  }
0x17e: {  	s7 =	simm.s32 $0xB  }
0x17f: {  	_ =	swait.ge [sflag:s7], $0x800  }
0x180: {  	[sflag:s7] =	ssyncset.done $0x0  }
0x181: {  	s15 =	rddreg [dreg:$0x10];
	[sflag:s7] =	ssyncadd.s32 $0xFFFFF800  }
0x182: {  	[tilespmem:s28], [sflag:$0x3] =	stream.indirect.gather [hbm4b:s5+s18], $0x10, s15, s18, $0xb8;
	[tilespmem:$0x1F180] =	vst v63  }
0x183: {  	s15 =	simm.s32 $0x8  }
0x184: {  	_ =	swait.ge [sflag:s15], $0x800  }
0x185: {  	[sflag:s15] =	ssyncset.done $0x0  }
0x186: {  	s24 =	simm.s32 $0x1AC00;
	[sflag:s15] =	ssyncadd.s32 $0xFFFFF800  }
0x187: {  	[spmem:s1] =	stream.indirect.scatter.add.f32 [tilespmem:s17], [sflag:$0x10], $0x10, s24, s18, $0xb8;
	[tilespmem:$0x1F180] =	vst v63  }
0x188: {  	s4 =	simm.s32 $0xC  }
0x189: {  	[spmem:s3] =	stream.indirect.scatter.add.f32 [tilespmem:s23], [sflag:$0x11], $0x1, s24, s18, $0xb8;
	[tilespmem:$0x1F180] =	vst v63  }
0x18a: {  	_ =	swait.ge [sflag:s4], $0x800  }
0x18b: {  	[sflag:s4] =	ssyncset.done $0x0  }
0x18c: {  	s24 =	rddreg [dreg:$0x11];
	[sflag:s4] =	ssyncadd.s32 $0xFFFFF800  }
0x18d: {  	[tilespmem:s6], [sflag:$0x4] =	stream.indirect.gather [hbm4b:s5+s18], $0x10, s24, s18, $0xb8;
	[tilespmem:$0x1F180] =	vst v63  }
0x18e: {  	_ =	swait.ge [sflag:s9], $0x800  }
0x18f: {  	[sflag:s9] =	ssyncset.done $0x0  }
0x190: {  	s24 =	simm.s32 $0x1AC80;
	[sflag:s9] =	ssyncadd.s32 $0xFFFFF800  }
0x191: {  	[spmem:s1] =	stream.indirect.scatter.add.f32 [tilespmem:s10], [sflag:$0x9], $0x10, s24, s18, $0xb8;
	[tilespmem:$0x1F180] =	vst v63  }
0x192: {  	s9 =	simm.s32 $0xD  }
0x193: {  	[spmem:s3] =	stream.indirect.scatter.add.f32 [tilespmem:s23], [sflag:$0x11], $0x1, s24, s18, $0xb8;
	[tilespmem:$0x1F180] =	vst v63  }
0x194: {  	_ =	swait.ge [sflag:s9], $0x800  }
0x195: {  	[sflag:s9] =	ssyncset.done $0x0  }
0x196: {  	s29 =	simm.s32 $0x2;
	s10 =	rddreg [dreg:$0x12];
	[sflag:s9] =	ssyncadd.s32 $0xFFFFF800  }
0x197: {  	[tilespmem:s22], [sflag:$0x5] =	stream.indirect.gather [hbm4b:s5+s18], $0x10, s10, s18, $0xb8;
	[tilespmem:$0x1F180] =	vst v63  }
0x198: {  	_ =	swait.ge [sflag:s29], $0x800  }
0x199: {  	[sflag:s29] =	ssyncset.done $0x0  }
0x19a: {  	s24 =	simm.s32 $0x1AD00;
	[sflag:s29] =	ssyncadd.s32 $0xFFFFF800  }
0x19b: {  	[spmem:s1] =	stream.indirect.scatter.add.f32 [tilespmem:s8], [sflag:$0xA], $0x10, s24, s18, $0xb8;
	[tilespmem:$0x1F180] =	vst v63  }
0x19c: {  	s29 =	simm.s32 $0xE  }
0x19d: {  	[spmem:s3] =	stream.indirect.scatter.add.f32 [tilespmem:s23], [sflag:$0x11], $0x1, s24, s18, $0xb8;
	[tilespmem:$0x1F180] =	vst v63  }
0x19e: {  	_ =	swait.ge [sflag:s29], $0x800  }
0x19f: {  	[sflag:s29] =	ssyncset.done $0x0  }
0x1a0: {  	s10 =	rddreg [dreg:$0x13];
	[sflag:s29] =	ssyncadd.s32 $0xFFFFF800  }
0x1a1: {  	[tilespmem:s31], [sflag:$0x6] =	stream.indirect.gather [hbm4b:s5+s18], $0x10, s10, s18, $0xb8;
	[tilespmem:$0x1F180] =	vst v63  }
0x1a2: {  	_ =	swait.ge [sflag:s30], $0x800  }
0x1a3: {  	[sflag:s30] =	ssyncset.done $0x0  }
0x1a4: {  	[sflag:s30] =	ssyncadd.s32 $0xFFFFF800;
	s30 =	simm.s32 $0x1AD80  }
0x1a5: {  	[spmem:s1] =	stream.indirect.scatter.add.f32 [tilespmem:s28], [sflag:$0xB], $0x10, s30, s18, $0xb8;
	[tilespmem:$0x1F180] =	vst v63  }
0x1a6: {  	s8 =	simm.s32 $0xF  }
0x1a7: {  	[spmem:s3] =	stream.indirect.scatter.add.f32 [tilespmem:s23], [sflag:$0x11], $0x1, s30, s18, $0xb8;
	[tilespmem:$0x1F180] =	vst v63  }
0x1a8: {  	_ =	swait.ge [sflag:s8], $0x800  }
0x1a9: {  	[sflag:s8] =	ssyncset.done $0x0  }
0x1aa: {  	s10 =	rddreg [dreg:$0x14];
	[sflag:s8] =	ssyncadd.s32 $0xFFFFF800  }
0x1ab: {  	[tilespmem:s25], [sflag:$0x7] =	stream.indirect.gather [hbm4b:s5+s18], $0x10, s10, s18, $0xb8;
	[tilespmem:$0x1F180] =	vst v63  }
0x1ac: {  	_ =	swait.ge [sflag:s2], $0x800  }
0x1ad: {  	[sflag:s2] =	ssyncset.done $0x0  }
0x1ae: {  	s30 =	simm.s32 $0x1AE00;
	[sflag:s2] =	ssyncadd.s32 $0xFFFFF800  }
0x1af: {  	[spmem:s1] =	stream.indirect.scatter.add.f32 [tilespmem:s6], [sflag:$0xC], $0x10, s30, s18, $0xb8;
	[tilespmem:$0x1F180] =	vst v63  }
0x1b0: {  	_ = 	snop  }
0x1b1: {  	[spmem:s3] =	stream.indirect.scatter.add.f32 [tilespmem:s23], [sflag:$0x11], $0x1, s30, s18, $0xb8;
	[tilespmem:$0x1F180] =	vst v63  }
0x1b2: {  	_ =	swait.ge [sflag:s13], $0x800  }
0x1b3: {  	[sflag:s13] =	ssyncset.done $0x0  }
0x1b4: {  	s10 =	rddreg [dreg:$0x15];
	[sflag:s13] =	ssyncadd.s32 $0xFFFFF800  }
0x1b5: {  	[tilespmem:s17], [sflag:$0x8] =	stream.indirect.gather [hbm4b:s5+s18], $0x10, s10, s18, $0xb8;
	[tilespmem:$0x1F180] =	vst v63  }
0x1b6: {  	_ =	swait.ge [sflag:s12], $0x800  }
0x1b7: {  	[sflag:s12] =	ssyncset.done $0x0  }
0x1b8: {  	[sflag:s12] =	ssyncadd.s32 $0xFFFFF800;
	s12 =	simm.s32 $0x1AE80  }
0x1b9: {  	[spmem:s1] =	stream.indirect.scatter.add.f32 [tilespmem:s22], [sflag:$0xD], $0x10, s12, s18, $0xb8;
	[tilespmem:$0x1F180] =	vst v63  }
0x1ba: {  	_ = 	snop  }
0x1bb: {  	[spmem:s3] =	stream.indirect.scatter.add.f32 [tilespmem:s23], [sflag:$0x11], $0x1, s12, s18, $0xb8;
	[tilespmem:$0x1F180] =	vst v63  }
0x1bc: {  	_ =	swait.ge [sflag:s11], $0x800  }
0x1bd: {  	[sflag:s11] =	ssyncset.done $0x0  }
0x1be: {  	s24 =	simm.s32 $0x1AF00;
	[sflag:s11] =	ssyncadd.s32 $0xFFFFF800  }
0x1bf: {  	[spmem:s1] =	stream.indirect.scatter.add.f32 [tilespmem:s31], [sflag:$0xE], $0x10, s24, s18, $0xb8;
	[tilespmem:$0x1F180] =	vst v63  }
0x1c0: {  	_ = 	snop  }
0x1c1: {  	[spmem:s3] =	stream.indirect.scatter.add.f32 [tilespmem:s23], [sflag:$0x11], $0x1, s24, s18, $0xb8;
	[tilespmem:$0x1F180] =	vst v63  }
0x1c2: {  	_ =	swait.ge [sflag:s26], $0x800  }
0x1c3: {  	[sflag:s26] =	ssyncset.done $0x0  }
0x1c4: {  	[sflag:s26] =	ssyncadd.s32 $0xFFFFF800;
	s26 =	simm.s32 $0x1AF80  }
0x1c5: {  	[spmem:s1] =	stream.indirect.scatter.add.f32 [tilespmem:s25], [sflag:$0xF], $0x10, s26, s18, $0xb8;
	[tilespmem:$0x1F180] =	vst v63  }
0x1c6: {  	_ = 	snop  }
0x1c7: {  	[spmem:s3] =	stream.indirect.scatter.add.f32 [tilespmem:s23], [sflag:$0x11], $0x1, s26, s18, $0xb8;
	[tilespmem:$0x1F180] =	vst v63  }
0x1c8: {  	_ =	swait.ge [sflag:s15], $0x800  }
0x1c9: {  	[sflag:s15] =	ssyncset.done $0x0  }
0x1ca: {  	s30 =	simm.s32 $0x1B000;
	[sflag:s15] =	ssyncadd.s32 $0xFFFFF800  }
0x1cb: {  	[spmem:s1] =	stream.indirect.scatter.add.f32 [tilespmem:s17], [sflag:$0x10], $0x10, s30, s18, $0xb8;
	[tilespmem:$0x1F180] =	vst v63  }
0x1cc: {  	_ = 	snop  }
0x1cd: {  	[spmem:s3] =	stream.indirect.scatter.add.f32 [tilespmem:s23], [sflag:$0x11], $0x1, s30, s18, $0xb8;
	[tilespmem:$0x1F180] =	vst v63  }
0x1ce: {  	_ =	swait.ge [sflag:s16], $0x800  }
0x1cf: {  	[sflag:s16] =	ssyncset.done $0x0  }
0x1d0: {  	[sflag:s16] =	ssyncadd.s32 $0xFFFFF800  }
0x1d1: {  	_ =	swait.ge [sflag:s0], $0x800  }
0x1d2: {  	[sflag:s0] =	ssyncset.done $0x0  }
0x1d3: {  	[sflag:s0] =	ssyncadd.s32 $0xFFFFF800  }
0x1d4: {  	_ =	swait.ge [sflag:s7], $0x800  }
0x1d5: {  	[sflag:s7] =	ssyncset.done $0x0  }
0x1d6: {  	[sflag:s7] =	ssyncadd.s32 $0xFFFFF800  }
0x1d7: {  	_ =	swait.ge [sflag:s4], $0x800  }
0x1d8: {  	[sflag:s4] =	ssyncset.done $0x0  }
0x1d9: {  	[sflag:s4] =	ssyncadd.s32 $0xFFFFF800  }
0x1da: {  	_ =	swait.ge [sflag:s9], $0x800  }
0x1db: {  	[sflag:s9] =	ssyncset.done $0x0  }
0x1dc: {  	[sflag:s9] =	ssyncadd.s32 $0xFFFFF800  }
0x1dd: {  	_ =	swait.ge [sflag:s29], $0x800  }
0x1de: {  	[sflag:s29] =	ssyncset.done $0x0  }
0x1df: {  	[sflag:s29] =	ssyncadd.s32 $0xFFFFF800  }
0x1e0: {  	_ =	swait.ge [sflag:s8], $0x800  }
0x1e1: {  	[sflag:s8] =	ssyncset.done $0x0  }
0x1e2: {  	[sflag:s8] =	ssyncadd.s32 $0xFFFFF800  }
0x1e3: {  	_ =	swait.ge [sflag:s13], $0x800  }
0x1e4: {  	[sflag:s13] =	ssyncset.done $0x0  }
0x1e5: {  	[sflag:s13] =	ssyncadd.s32 $0xFFFFF800  }
0x1e6: {  	_ =	swait.ge [sflag:s19], $0x80  }
0x1e7: {  	[sflag:s19] =	ssyncset.done $0x0  }
0x1e8: {  	[sflag:s19] =	ssyncadd.s32 $0xFFFFFF80  }
0x1e9: {  	_ =	swait.ge [sflag:s19], $0x80  }
0x1ea: {  	[sflag:s19] =	ssyncset.done $0x0  }
0x1eb: {  	[sflag:s19] =	ssyncadd.s32 $0xFFFFFF80  }
0x1ec: {  	_ =	swait.ge [sflag:s19], $0x80  }
0x1ed: {  	[sflag:s19] =	ssyncset.done $0x0  }
0x1ee: {  	[sflag:s19] =	ssyncadd.s32 $0xFFFFFF80  }
0x1ef: {  	_ =	swait.ge [sflag:s19], $0x80  }
0x1f0: {  	[sflag:s19] =	ssyncset.done $0x0  }
0x1f1: {  	[sflag:s19] =	ssyncadd.s32 $0xFFFFFF80  }
0x1f2: {  	_ =	swait.ge [sflag:s19], $0x80  }
0x1f3: {  	[sflag:s19] =	ssyncset.done $0x0  }
0x1f4: {  	[sflag:s19] =	ssyncadd.s32 $0xFFFFFF80  }
0x1f5: {  	_ =	swait.ge [sflag:s19], $0x80  }
0x1f6: {  	[sflag:s19] =	ssyncset.done $0x0  }
0x1f7: {  	[sflag:s19] =	ssyncadd.s32 $0xFFFFFF80  }
0x1f8: {  	_ =	swait.ge [sflag:s19], $0x80  }
0x1f9: {  	[sflag:s19] =	ssyncset.done $0x0  }
0x1fa: {  	[sflag:s19] =	ssyncadd.s32 $0xFFFFFF80  }
0x1fb: {  	_ =	swait.ge [sflag:s19], $0x80  }
0x1fc: {  	[sflag:s19] =	ssyncset.done $0x0  }
0x1fd: {  	[sflag:s19] =	ssyncadd.s32 $0xFFFFFF80  }
0x1fe: {  	_ =	swait.ge [sflag:s19], $0x80  }
0x1ff: {  	[sflag:s19] =	ssyncset.done $0x0  }
0x200: {  	[sflag:s19] =	ssyncadd.s32 $0xFFFFFF80  }
0x201: {  	_ =	swait.ge [sflag:s19], $0x80  }
0x202: {  	[sflag:s19] =	ssyncset.done $0x0  }
0x203: {  	[sflag:s19] =	ssyncadd.s32 $0xFFFFFF80  }
0x204: {  	_ =	swait.ge [sflag:s19], $0x80  }
0x205: {  	[sflag:s19] =	ssyncset.done $0x0  }
0x206: {  	[sflag:s19] =	ssyncadd.s32 $0xFFFFFF80  }
0x207: {  	_ =	swait.ge [sflag:s19], $0x80  }
0x208: {  	[sflag:s19] =	ssyncset.done $0x0  }
0x209: {  	[sflag:s19] =	ssyncadd.s32 $0xFFFFFF80  }
0x20a: {  	_ =	swait.ge [sflag:s19], $0x80  }
0x20b: {  	[sflag:s19] =	ssyncset.done $0x0  }
0x20c: {  	[sflag:s19] =	ssyncadd.s32 $0xFFFFFF80  }
0x20d: {  	_ =	swait.ge [sflag:s19], $0x80  }
0x20e: {  	[sflag:s19] =	ssyncset.done $0x0  }
0x20f: {  	p0 =	sne.s32 s21, $0x60000;
	[sflag:s19] =	ssyncadd.s32 $0xFFFFFF80  }
.Ltmp1:
0x210: {  	_ =	swait.ge [sflag:s19], $0x80;
	(pc) =	sbr.rel @p0 .LBB2_4-.Ltmp1, $4  }
0x211: {  	[sflag:s19] =	ssyncset.done $0x0  }
0x212: {  	[sflag:s19] =	ssyncadd.s32 $0xFFFFFF80  }
0x213: {  	s21 =	sadd.s32 $0x2000, s21;
	_ =	swait.ge [sflag:s19], $0x80  }
0x214: {  	s31 =	simm.s32 $0x2;
	s24 =	rddreg [dreg:$0x5];
	[sflag:s19] =	ssyncset.done $0x0  }
0x215: {  	[sflag:s19] =	ssyncadd.s32 $0xFFFFFF80  }
0x216: {  	s21 =	sadd.s32 s20, s24;
	s2 =	simm.s32 $0x1A080;
	s30 =	simm.s32 $0x0  }
0x217: {  	[tilespmem:s2], [sflag:$0x12] =	stream.linear.gather [hbm4b:s21+s30], $0x800, $0x38;
	[tilespmem:$0x1F180] =	vst v63  }
0x218: {  	_ =	swait.ge [sflag:s14], $0x800  }
0x219: {  	s17 =	rddreg [dreg:$0x6];
	[sflag:s14] =	ssyncset.done $0x0  }
0x21a: {  	s0 =	simm.s32 $0x1A880;
	[sflag:s14] =	ssyncadd.s32 $0xFFFFF800;
	s21 =	sadd.s32 s20, s17  }
0x21b: {  	[tilespmem:s0], [sflag:$0x12] =	stream.linear.gather [hbm4b:s21+s30], $0x800, $0x38;
	[tilespmem:$0x1F180] =	vst v63  }
0x21c: {  	_ =	swait.ge [sflag:s14], $0x800  }
0x21d: {  	[sflag:s14] =	ssyncset.done $0x0  }
0x21e: {  	s25 =	simm.s32 $0x1B080;
	[sflag:s14] =	ssyncadd.s32 $0xFFFFF800  }
0x21f: {  	[tilespmem:s25], [sflag:$0x1] =	stream.indirect.gather [hbm4b:s5+s18], $0x10, s2, s18, $0xb8;
	[tilespmem:$0x1F180] =	vst v63  }
0x220: {  	s8 =	simm.s32 $0x1B880;
	s22 =	rddreg [dreg:$0x7]  }
0x221: {  	[tilespmem:s8], [sflag:$0x2] =	stream.indirect.gather [hbm4b:s5+s18], $0x10, s22, s18, $0xb8;
	[tilespmem:$0x1F180] =	vst v63  }
0x222: {  	s24 =	rddreg [dreg:$0x8]  }
0x223: {  	[tilespmem:s28], [sflag:$0x3] =	stream.indirect.gather [hbm4b:s5+s18], $0x10, s24, s18, $0xb8;
	[tilespmem:$0x1F180] =	vst v63  }
0x224: {  	s9 =	simm.s32 $0x1;
	s26 =	rddreg [dreg:$0x9]  }
0x225: {  	[tilespmem:s6], [sflag:$0x4] =	stream.indirect.gather [hbm4b:s5+s18], $0x10, s26, s18, $0xb8;
	[tilespmem:$0x1F180] =	vst v63  }
0x226: {  	_ =	swait.ge [sflag:s9], $0x800  }
0x227: {  	[sflag:s9] =	ssyncset.done $0x0  }
0x228: {  	[sflag:s9] =	ssyncadd.s32 $0xFFFFF800  }
0x229: {  	[spmem:s1] =	stream.indirect.scatter.add.f32 [tilespmem:s25], [sflag:$0x9], $0x10, s0, s18, $0xb8;
	[tilespmem:$0x1F180] =	vst v63  }
0x22a: {  	_ = 	snop  }
0x22b: {  	[spmem:s3] =	stream.indirect.scatter.add.f32 [tilespmem:s23], [sflag:$0x11], $0x1, s0, s18, $0xb8;
	[tilespmem:$0x1F180] =	vst v63  }
0x22c: {  	s21 =	simm.s32 $0x1D080;
	s2 =	rddreg [dreg:$0xa]  }
0x22d: {  	[tilespmem:s21], [sflag:$0x5] =	stream.indirect.gather [hbm4b:s5+s18], $0x10, s2, s18, $0xb8;
	[tilespmem:$0x1F180] =	vst v63  }
0x22e: {  	_ =	swait.ge [sflag:s31], $0x800  }
0x22f: {  	[sflag:s31] =	ssyncset.done $0x0  }
0x230: {  	s4 =	simm.s32 $0x1A900;
	[sflag:s31] =	ssyncadd.s32 $0xFFFFF800  }
0x231: {  	[spmem:s1] =	stream.indirect.scatter.add.f32 [tilespmem:s8], [sflag:$0xA], $0x10, s4, s18, $0xb8;
	[tilespmem:$0x1F180] =	vst v63  }
0x232: {  	_ = 	snop  }
0x233: {  	[spmem:s3] =	stream.indirect.scatter.add.f32 [tilespmem:s23], [sflag:$0x11], $0x1, s4, s18, $0xb8;
	[tilespmem:$0x1F180] =	vst v63  }
0x234: {  	s16 =	simm.s32 $0x3;
	s22 =	simm.s32 $0x1D880;
	s7 =	rddreg [dreg:$0xb]  }
0x235: {  	[tilespmem:s22], [sflag:$0x6] =	stream.indirect.gather [hbm4b:s5+s18], $0x10, s7, s18, $0xb8;
	[tilespmem:$0x1F180] =	vst v63  }
0x236: {  	_ =	swait.ge [sflag:s16], $0x800  }
0x237: {  	[sflag:s16] =	ssyncset.done $0x0  }
0x238: {  	s10 =	simm.s32 $0x1A980;
	[sflag:s16] =	ssyncadd.s32 $0xFFFFF800  }
0x239: {  	[spmem:s1] =	stream.indirect.scatter.add.f32 [tilespmem:s28], [sflag:$0xB], $0x10, s10, s18, $0xb8;
	[tilespmem:$0x1F180] =	vst v63  }
0x23a: {  	_ = 	snop  }
0x23b: {  	[spmem:s3] =	stream.indirect.scatter.add.f32 [tilespmem:s23], [sflag:$0x11], $0x1, s10, s18, $0xb8;
	[tilespmem:$0x1F180] =	vst v63  }
0x23c: {  	s24 =	simm.s32 $0x1E080;
	s2 =	simm.s32 $0x4;
	s11 =	rddreg [dreg:$0xc]  }
0x23d: {  	[tilespmem:s24], [sflag:$0x7] =	stream.indirect.gather [hbm4b:s5+s18], $0x10, s11, s18, $0xb8;
	[tilespmem:$0x1F180] =	vst v63  }
0x23e: {  	_ =	swait.ge [sflag:s2], $0x800  }
0x23f: {  	[sflag:s2] =	ssyncset.done $0x0  }
0x240: {  	s12 =	simm.s32 $0x1AA00;
	[sflag:s2] =	ssyncadd.s32 $0xFFFFF800  }
0x241: {  	[spmem:s1] =	stream.indirect.scatter.add.f32 [tilespmem:s6], [sflag:$0xC], $0x10, s12, s18, $0xb8;
	[tilespmem:$0x1F180] =	vst v63  }
0x242: {  	_ = 	snop  }
0x243: {  	[spmem:s3] =	stream.indirect.scatter.add.f32 [tilespmem:s23], [sflag:$0x11], $0x1, s12, s18, $0xb8;
	[tilespmem:$0x1F180] =	vst v63  }
0x244: {  	s17 =	simm.s32 $0x1E880;
	s15 =	rddreg [dreg:$0xd];
	s12 =	simm.s32 $0x5  }
0x245: {  	[tilespmem:s17], [sflag:$0x8] =	stream.indirect.gather [hbm4b:s5+s18], $0x10, s15, s18, $0xb8;
	[tilespmem:$0x1F180] =	vst v63  }
0x246: {  	_ =	swait.ge [sflag:s12], $0x800  }
0x247: {  	[sflag:s12] =	ssyncset.done $0x0  }
0x248: {  	s26 =	simm.s32 $0x1AA80;
	[sflag:s12] =	ssyncadd.s32 $0xFFFFF800  }
0x249: {  	[spmem:s1] =	stream.indirect.scatter.add.f32 [tilespmem:s21], [sflag:$0xD], $0x10, s26, s18, $0xb8;
	[tilespmem:$0x1F180] =	vst v63  }
0x24a: {  	s10 =	simm.s32 $0x9  }
0x24b: {  	[spmem:s3] =	stream.indirect.scatter.add.f32 [tilespmem:s23], [sflag:$0x11], $0x1, s26, s18, $0xb8;
	[tilespmem:$0x1F180] =	vst v63  }
0x24c: {  	_ =	swait.ge [sflag:s10], $0x800  }
0x24d: {  	[sflag:s10] =	ssyncset.done $0x0  }
0x24e: {  	s11 =	simm.s32 $0x6;
	s0 =	rddreg [dreg:$0xe];
	[sflag:s10] =	ssyncadd.s32 $0xFFFFF800  }
0x24f: {  	[tilespmem:s25], [sflag:$0x1] =	stream.indirect.gather [hbm4b:s5+s18], $0x10, s0, s18, $0xb8;
	[tilespmem:$0x1F180] =	vst v63  }
0x250: {  	_ =	swait.ge [sflag:s11], $0x800  }
0x251: {  	[sflag:s11] =	ssyncset.done $0x0  }
0x252: {  	s4 =	simm.s32 $0x1AB00;
	[sflag:s11] =	ssyncadd.s32 $0xFFFFF800  }
0x253: {  	[spmem:s1] =	stream.indirect.scatter.add.f32 [tilespmem:s22], [sflag:$0xE], $0x10, s4, s18, $0xb8;
	[tilespmem:$0x1F180] =	vst v63  }
0x254: {  	s0 =	simm.s32 $0xA  }
0x255: {  	[spmem:s3] =	stream.indirect.scatter.add.f32 [tilespmem:s23], [sflag:$0x11], $0x1, s4, s18, $0xb8;
	[tilespmem:$0x1F180] =	vst v63  }
0x256: {  	_ =	swait.ge [sflag:s0], $0x800  }
0x257: {  	[sflag:s0] =	ssyncset.done $0x0  }
0x258: {  	s26 =	simm.s32 $0x7;
	s7 =	rddreg [dreg:$0xf];
	[sflag:s0] =	ssyncadd.s32 $0xFFFFF800  }
0x259: {  	[tilespmem:s8], [sflag:$0x2] =	stream.indirect.gather [hbm4b:s5+s18], $0x10, s7, s18, $0xb8;
	[tilespmem:$0x1F180] =	vst v63  }
0x25a: {  	_ =	swait.ge [sflag:s26], $0x800  }
0x25b: {  	[sflag:s26] =	ssyncset.done $0x0  }
0x25c: {  	s4 =	simm.s32 $0x1AB80;
	[sflag:s26] =	ssyncadd.s32 $0xFFFFF800  }
0x25d: {  	[spmem:s1] =	stream.indirect.scatter.add.f32 [tilespmem:s24], [sflag:$0xF], $0x10, s4, s18, $0xb8;
	[tilespmem:$0x1F180] =	vst v63  }
0x25e: {  	s7 =	simm.s32 $0xB  }
0x25f: {  	[spmem:s3] =	stream.indirect.scatter.add.f32 [tilespmem:s23], [sflag:$0x11], $0x1, s4, s18, $0xb8;
	[tilespmem:$0x1F180] =	vst v63  }
0x260: {  	_ =	swait.ge [sflag:s7], $0x800  }
0x261: {  	[sflag:s7] =	ssyncset.done $0x0  }
0x262: {  	s15 =	rddreg [dreg:$0x10];
	[sflag:s7] =	ssyncadd.s32 $0xFFFFF800  }
0x263: {  	[tilespmem:s28], [sflag:$0x3] =	stream.indirect.gather [hbm4b:s5+s18], $0x10, s15, s18, $0xb8;
	[tilespmem:$0x1F180] =	vst v63  }
0x264: {  	s15 =	simm.s32 $0x8  }
0x265: {  	_ =	swait.ge [sflag:s15], $0x800  }
0x266: {  	[sflag:s15] =	ssyncset.done $0x0  }
0x267: {  	s20 =	simm.s32 $0x1AC00;
	[sflag:s15] =	ssyncadd.s32 $0xFFFFF800  }
0x268: {  	[spmem:s1] =	stream.indirect.scatter.add.f32 [tilespmem:s17], [sflag:$0x10], $0x10, s20, s18, $0xb8;
	[tilespmem:$0x1F180] =	vst v63  }
0x269: {  	s4 =	simm.s32 $0xC  }
0x26a: {  	[spmem:s3] =	stream.indirect.scatter.add.f32 [tilespmem:s23], [sflag:$0x11], $0x1, s20, s18, $0xb8;
	[tilespmem:$0x1F180] =	vst v63  }
0x26b: {  	_ =	swait.ge [sflag:s4], $0x800  }
0x26c: {  	[sflag:s4] =	ssyncset.done $0x0  }
0x26d: {  	s20 =	rddreg [dreg:$0x11];
	[sflag:s4] =	ssyncadd.s32 $0xFFFFF800  }
0x26e: {  	[tilespmem:s6], [sflag:$0x4] =	stream.indirect.gather [hbm4b:s5+s18], $0x10, s20, s18, $0xb8;
	[tilespmem:$0x1F180] =	vst v63  }
0x26f: {  	_ =	swait.ge [sflag:s9], $0x800  }
0x270: {  	[sflag:s9] =	ssyncset.done $0x0  }
0x271: {  	s20 =	simm.s32 $0x1AC80;
	[sflag:s9] =	ssyncadd.s32 $0xFFFFF800  }
0x272: {  	[spmem:s1] =	stream.indirect.scatter.add.f32 [tilespmem:s25], [sflag:$0x9], $0x10, s20, s18, $0xb8;
	[tilespmem:$0x1F180] =	vst v63  }
0x273: {  	s9 =	simm.s32 $0xD  }
0x274: {  	[spmem:s3] =	stream.indirect.scatter.add.f32 [tilespmem:s23], [sflag:$0x11], $0x1, s20, s18, $0xb8;
	[tilespmem:$0x1F180] =	vst v63  }
0x275: {  	_ =	swait.ge [sflag:s9], $0x800  }
0x276: {  	[sflag:s9] =	ssyncset.done $0x0  }
0x277: {  	s20 =	rddreg [dreg:$0x12];
	[sflag:s9] =	ssyncadd.s32 $0xFFFFF800  }
0x278: {  	[tilespmem:s21], [sflag:$0x5] =	stream.indirect.gather [hbm4b:s5+s18], $0x10, s20, s18, $0xb8;
	[tilespmem:$0x1F180] =	vst v63  }
0x279: {  	_ =	swait.ge [sflag:s31], $0x800  }
0x27a: {  	[sflag:s31] =	ssyncset.done $0x0  }
0x27b: {  	[sflag:s31] =	ssyncadd.s32 $0xFFFFF800;
	s31 =	simm.s32 $0x1AD00  }
0x27c: {  	[spmem:s1] =	stream.indirect.scatter.add.f32 [tilespmem:s8], [sflag:$0xA], $0x10, s31, s18, $0xb8;
	[tilespmem:$0x1F180] =	vst v63  }
0x27d: {  	_ = 	snop  }
0x27e: {  	[spmem:s3] =	stream.indirect.scatter.add.f32 [tilespmem:s23], [sflag:$0x11], $0x1, s31, s18, $0xb8;
	[tilespmem:$0x1F180] =	vst v63  }
0x27f: {  	_ =	swait.ge [sflag:s29], $0x800  }
0x280: {  	[sflag:s29] =	ssyncset.done $0x0  }
0x281: {  	s8 =	rddreg [dreg:$0x13];
	[sflag:s29] =	ssyncadd.s32 $0xFFFFF800  }
0x282: {  	[tilespmem:s22], [sflag:$0x6] =	stream.indirect.gather [hbm4b:s5+s18], $0x10, s8, s18, $0xb8;
	[tilespmem:$0x1F180] =	vst v63  }
0x283: {  	_ =	swait.ge [sflag:s16], $0x800  }
0x284: {  	[sflag:s16] =	ssyncset.done $0x0  }
0x285: {  	s31 =	simm.s32 $0x1AD80;
	[sflag:s16] =	ssyncadd.s32 $0xFFFFF800  }
0x286: {  	[spmem:s1] =	stream.indirect.scatter.add.f32 [tilespmem:s28], [sflag:$0xB], $0x10, s31, s18, $0xb8;
	[tilespmem:$0x1F180] =	vst v63  }
0x287: {  	s8 =	simm.s32 $0xF  }
0x288: {  	[spmem:s3] =	stream.indirect.scatter.add.f32 [tilespmem:s23], [sflag:$0x11], $0x1, s31, s18, $0xb8;
	[tilespmem:$0x1F180] =	vst v63  }
0x289: {  	_ =	swait.ge [sflag:s8], $0x800  }
0x28a: {  	[sflag:s8] =	ssyncset.done $0x0  }
0x28b: {  	s16 =	rddreg [dreg:$0x14];
	[sflag:s8] =	ssyncadd.s32 $0xFFFFF800  }
0x28c: {  	[tilespmem:s24], [sflag:$0x7] =	stream.indirect.gather [hbm4b:s5+s18], $0x10, s16, s18, $0xb8;
	[tilespmem:$0x1F180] =	vst v63  }
0x28d: {  	_ =	swait.ge [sflag:s2], $0x800  }
0x28e: {  	[sflag:s2] =	ssyncset.done $0x0  }
0x28f: {  	s31 =	simm.s32 $0x1AE00;
	[sflag:s2] =	ssyncadd.s32 $0xFFFFF800  }
0x290: {  	[spmem:s1] =	stream.indirect.scatter.add.f32 [tilespmem:s6], [sflag:$0xC], $0x10, s31, s18, $0xb8;
	[tilespmem:$0x1F180] =	vst v63  }
0x291: {  	_ = 	snop  }
0x292: {  	[spmem:s3] =	stream.indirect.scatter.add.f32 [tilespmem:s23], [sflag:$0x11], $0x1, s31, s18, $0xb8;
	[tilespmem:$0x1F180] =	vst v63  }
0x293: {  	_ =	swait.ge [sflag:s13], $0x800  }
0x294: {  	[sflag:s13] =	ssyncset.done $0x0  }
0x295: {  	s2 =	rddreg [dreg:$0x15];
	[sflag:s13] =	ssyncadd.s32 $0xFFFFF800  }
0x296: {  	[tilespmem:s17], [sflag:$0x8] =	stream.indirect.gather [hbm4b:s5+s18], $0x10, s2, s18, $0xb8;
	[tilespmem:$0x1F180] =	vst v63  }
0x297: {  	_ =	swait.ge [sflag:s12], $0x800  }
0x298: {  	[sflag:s12] =	ssyncset.done $0x0  }
0x299: {  	s6 =	simm.s32 $0x1AE80;
	[sflag:s12] =	ssyncadd.s32 $0xFFFFF800  }
0x29a: {  	[spmem:s1] =	stream.indirect.scatter.add.f32 [tilespmem:s21], [sflag:$0xD], $0x10, s6, s18, $0xb8;
	[tilespmem:$0x1F180] =	vst v63  }
0x29b: {  	_ = 	snop  }
0x29c: {  	[spmem:s3] =	stream.indirect.scatter.add.f32 [tilespmem:s23], [sflag:$0x11], $0x1, s6, s18, $0xb8;
	[tilespmem:$0x1F180] =	vst v63  }
0x29d: {  	_ =	swait.ge [sflag:s11], $0x800  }
0x29e: {  	[sflag:s11] =	ssyncset.done $0x0  }
0x29f: {  	s12 =	simm.s32 $0x1AF00;
	[sflag:s11] =	ssyncadd.s32 $0xFFFFF800  }
0x2a0: {  	[spmem:s1] =	stream.indirect.scatter.add.f32 [tilespmem:s22], [sflag:$0xE], $0x10, s12, s18, $0xb8;
	[tilespmem:$0x1F180] =	vst v63  }
0x2a1: {  	_ = 	snop  }
0x2a2: {  	[spmem:s3] =	stream.indirect.scatter.add.f32 [tilespmem:s23], [sflag:$0x11], $0x1, s12, s18, $0xb8;
	[tilespmem:$0x1F180] =	vst v63  }
0x2a3: {  	_ =	swait.ge [sflag:s26], $0x800  }
0x2a4: {  	[sflag:s26] =	ssyncset.done $0x0  }
0x2a5: {  	s16 =	simm.s32 $0x1AF80;
	[sflag:s26] =	ssyncadd.s32 $0xFFFFF800  }
0x2a6: {  	[spmem:s1] =	stream.indirect.scatter.add.f32 [tilespmem:s24], [sflag:$0xF], $0x10, s16, s18, $0xb8;
	[tilespmem:$0x1F180] =	vst v63  }
0x2a7: {  	_ = 	snop  }
0x2a8: {  	[spmem:s3] =	stream.indirect.scatter.add.f32 [tilespmem:s23], [sflag:$0x11], $0x1, s16, s18, $0xb8;
	[tilespmem:$0x1F180] =	vst v63  }
0x2a9: {  	_ =	swait.ge [sflag:s15], $0x800  }
0x2aa: {  	[sflag:s15] =	ssyncset.done $0x0  }
0x2ab: {  	s20 =	simm.s32 $0x1B000;
	[sflag:s15] =	ssyncadd.s32 $0xFFFFF800  }
0x2ac: {  	[spmem:s1] =	stream.indirect.scatter.add.f32 [tilespmem:s17], [sflag:$0x10], $0x10, s20, s18, $0xb8;
	[tilespmem:$0x1F180] =	vst v63  }
0x2ad: {  	_ = 	snop  }
0x2ae: {  	[spmem:s3] =	stream.indirect.scatter.add.f32 [tilespmem:s23], [sflag:$0x11], $0x1, s20, s18, $0xb8;
	[tilespmem:$0x1F180] =	vst v63  }
0x2af: {  	_ =	swait.ge [sflag:s10], $0x800  }
0x2b0: {  	[sflag:s10] =	ssyncset.done $0x0  }
0x2b1: {  	[sflag:s10] =	ssyncadd.s32 $0xFFFFF800  }
0x2b2: {  	_ =	swait.ge [sflag:s0], $0x800  }
0x2b3: {  	[sflag:s0] =	ssyncset.done $0x0  }
0x2b4: {  	[sflag:s0] =	ssyncadd.s32 $0xFFFFF800  }
0x2b5: {  	_ =	swait.ge [sflag:s7], $0x800  }
0x2b6: {  	[sflag:s7] =	ssyncset.done $0x0  }
0x2b7: {  	[sflag:s7] =	ssyncadd.s32 $0xFFFFF800  }
0x2b8: {  	_ =	swait.ge [sflag:s4], $0x800  }
0x2b9: {  	[sflag:s4] =	ssyncset.done $0x0  }
0x2ba: {  	[sflag:s4] =	ssyncadd.s32 $0xFFFFF800  }
0x2bb: {  	_ =	swait.ge [sflag:s9], $0x800  }
0x2bc: {  	[sflag:s9] =	ssyncset.done $0x0  }
0x2bd: {  	[sflag:s9] =	ssyncadd.s32 $0xFFFFF800  }
0x2be: {  	_ =	swait.ge [sflag:s29], $0x800  }
0x2bf: {  	[sflag:s29] =	ssyncset.done $0x0  }
0x2c0: {  	[sflag:s29] =	ssyncadd.s32 $0xFFFFF800  }
0x2c1: {  	_ =	swait.ge [sflag:s8], $0x800  }
0x2c2: {  	[sflag:s8] =	ssyncset.done $0x0  }
0x2c3: {  	[sflag:s8] =	ssyncadd.s32 $0xFFFFF800  }
0x2c4: {  	_ =	swait.ge [sflag:s13], $0x800  }
0x2c5: {  	[sflag:s13] =	ssyncset.done $0x0  }
0x2c6: {  	[sflag:s13] =	ssyncadd.s32 $0xFFFFF800  }
0x2c7: {  	_ =	swait.ge [sflag:s19], $0x80  }
0x2c8: {  	[sflag:s19] =	ssyncset.done $0x0  }
0x2c9: {  	[sflag:s19] =	ssyncadd.s32 $0xFFFFFF80  }
0x2ca: {  	_ =	swait.ge [sflag:s19], $0x80  }
0x2cb: {  	[sflag:s19] =	ssyncset.done $0x0  }
0x2cc: {  	[sflag:s19] =	ssyncadd.s32 $0xFFFFFF80  }
0x2cd: {  	_ =	swait.ge [sflag:s19], $0x80  }
0x2ce: {  	[sflag:s19] =	ssyncset.done $0x0  }
0x2cf: {  	[sflag:s19] =	ssyncadd.s32 $0xFFFFFF80  }
0x2d0: {  	_ =	swait.ge [sflag:s19], $0x80  }
0x2d1: {  	[sflag:s19] =	ssyncset.done $0x0  }
0x2d2: {  	[sflag:s19] =	ssyncadd.s32 $0xFFFFFF80  }
0x2d3: {  	_ =	swait.ge [sflag:s19], $0x80  }
0x2d4: {  	[sflag:s19] =	ssyncset.done $0x0  }
0x2d5: {  	[sflag:s19] =	ssyncadd.s32 $0xFFFFFF80  }
0x2d6: {  	_ =	swait.ge [sflag:s19], $0x80  }
0x2d7: {  	[sflag:s19] =	ssyncset.done $0x0  }
0x2d8: {  	[sflag:s19] =	ssyncadd.s32 $0xFFFFFF80  }
0x2d9: {  	_ =	swait.ge [sflag:s19], $0x80  }
0x2da: {  	[sflag:s19] =	ssyncset.done $0x0  }
0x2db: {  	[sflag:s19] =	ssyncadd.s32 $0xFFFFFF80  }
0x2dc: {  	_ =	swait.ge [sflag:s19], $0x80  }
0x2dd: {  	[sflag:s19] =	ssyncset.done $0x0  }
0x2de: {  	[sflag:s19] =	ssyncadd.s32 $0xFFFFFF80  }
0x2df: {  	_ =	swait.ge [sflag:s19], $0x80  }
0x2e0: {  	[sflag:s19] =	ssyncset.done $0x0  }
0x2e1: {  	[sflag:s19] =	ssyncadd.s32 $0xFFFFFF80  }
0x2e2: {  	_ =	swait.ge [sflag:s19], $0x80  }
0x2e3: {  	[sflag:s19] =	ssyncset.done $0x0  }
0x2e4: {  	[sflag:s19] =	ssyncadd.s32 $0xFFFFFF80  }
0x2e5: {  	_ =	swait.ge [sflag:s19], $0x80  }
0x2e6: {  	[sflag:s19] =	ssyncset.done $0x0  }
0x2e7: {  	[sflag:s19] =	ssyncadd.s32 $0xFFFFFF80  }
0x2e8: {  	_ =	swait.ge [sflag:s19], $0x80  }
0x2e9: {  	[sflag:s19] =	ssyncset.done $0x0  }
0x2ea: {  	[sflag:s19] =	ssyncadd.s32 $0xFFFFFF80  }
0x2eb: {  	_ =	swait.ge [sflag:s19], $0x80  }
0x2ec: {  	[sflag:s19] =	ssyncset.done $0x0  }
0x2ed: {  	[sflag:s19] =	ssyncadd.s32 $0xFFFFFF80  }
0x2ee: {  	_ =	swait.ge [sflag:s19], $0x80  }
0x2ef: {  	[sflag:s19] =	ssyncset.done $0x0  }
0x2f0: {  	[sflag:s19] =	ssyncadd.s32 $0xFFFFFF80  }
0x2f1: {  	_ =	swait.ge [sflag:s19], $0x80  }
0x2f2: {  	[sflag:s19] =	ssyncset.done $0x0  }
0x2f3: {  	[sflag:s19] =	ssyncadd.s32 $0xFFFFFF80  }
0x2f4: {  	_ =	swait.ge [sflag:s19], $0x80  }
0x2f5: {  	[sflag:s19] =	ssyncset.done $0x0  }
0x2f6: {  	[sflag:s19] =	ssyncadd.s32 $0xFFFFFF80  }
0x2f7: {  	[bflag:$0x0] =	sbarrier.arrive $0xFFFF  }
0x2f8: {  	s28 =	rddreg [dreg:$0x18]  }
0x2f9: {  	[tilespmem:s25], [sflag:$0x12] =	stream.linear.gather [spmem:s28], $0x800, $0x38;
	[tilespmem:$0x1F180] =	vst v63  }
0x2fa: {  	_ =	swait.ge [sflag:s14], $0x800  }
0x2fb: {  	[sflag:s14] =	ssyncset.done $0x0  }
0x2fc: {  	s21 =	rddreg [dreg:$0x1b];
	[sflag:s14] =	ssyncadd.s32 $0xFFFFF800  }
0x2fd: {  	[hbm4b:s21+s30] =	stream.linear.scatter [tilespmem:s25], [sflag:$0x12], $0x800, $0x38;
	[tilespmem:$0x1F180] =	vst v63  }
0x2fe: {  	_ =	swait.ge [sflag:s14], $0x800  }
0x2ff: {  	[sflag:s14] =	ssyncset.done $0x0  }
0x300: {  	s4 =	simm.s32 $0x1F100;
	s24 =	rddreg [dreg:$0x1a];
	[sflag:s14] =	ssyncadd.s32 $0xFFFFF800  }
0x301: {  	[tilespmem:s4], [sflag:$0x12] =	stream.linear.gather [spmem:s24], $0x80, $0x38;
	[tilespmem:$0x1F180] =	vst v63  }
0x302: {  	_ =	swait.ge [sflag:s14], $0x80  }
0x303: {  	[sflag:s14] =	ssyncset.done $0x0;
	s26 =	rddreg [dreg:$0x1c]  }
0x304: {  	s22 =	simm.s32 $0x0;
	[sflag:s14] =	ssyncadd.s32 $0xFFFFFF80;
	s30 =	sadd.s32 $0x0, s26  }
0x305: {  	[hbm4b:s30+s22] =	stream.linear.scatter [tilespmem:s4], [sflag:$0x12], $0x80, $0x38;
	[tilespmem:$0x1F180] =	vst v63  }
0x306: {  	s20 =	simm.s32 $0x10;
	s13 =	simm.s32 $0x1B080;
	_ =	swait.ge [sflag:s14], $0x80  }
0x307: {  	s21 =	sadd.s32 $0x100, s21;
	s6 =	smov.u32 s26;
	[sflag:s14] =	ssyncset.done $0x0  }
.LBB2_6:
0x308: {  	[sflag:s14] =	ssyncadd.s32 $0xFFFFFF80  }
0x309: {  	s24 =	sadd.s32 $0x80, s24;
	s28 =	sadd.s32 $0x800, s28;
	s31 =	smov.u32 s20  }
0x30a: {  	[tilespmem:s13], [sflag:$0x12] =	stream.linear.gather [spmem:s28], $0x800, $0x38;
	[tilespmem:$0x1F180] =	vst v63  }
0x30b: {  	p0 =	sne.s32 s20, $0x300;
	s20 =	sadd.s32 $0x10, s20;
	_ =	swait.ge [sflag:s14], $0x800  }
0x30c: {  	[sflag:s14] =	ssyncset.done $0x0  }
0x30d: {  	[sflag:s14] =	ssyncadd.s32 $0xFFFFF800  }
0x30e: {  	[hbm4b:s21+s22] =	stream.linear.scatter [tilespmem:s13], [sflag:$0x12], $0x800, $0x38;
	[tilespmem:$0x1F180] =	vst v63  }
0x30f: {  	_ =	swait.ge [sflag:s14], $0x800  }
0x310: {  	[sflag:s14] =	ssyncset.done $0x0  }
0x311: {  	[sflag:s14] =	ssyncadd.s32 $0xFFFFF800  }
0x312: {  	[tilespmem:s4], [sflag:$0x12] =	stream.linear.gather [spmem:s24], $0x80, $0x38;
	[tilespmem:$0x1F180] =	vst v63  }
0x313: {  	_ =	swait.ge [sflag:s14], $0x80  }
.Ltmp2:
0x314: {  	[sflag:s14] =	ssyncset.done $0x0;
	(pc) =	sbr.rel @p0 .LBB2_6-.Ltmp2, $4  }
0x315: {  	s31 =	sadd.s32 s31, s6;
	[sflag:s14] =	ssyncadd.s32 $0xFFFFFF80  }
0x316: {  	[hbm4b:s31+s22] =	stream.linear.scatter [tilespmem:s4], [sflag:$0x12], $0x80, $0x38;
	[tilespmem:$0x1F180] =	vst v63  }
0x317: {  	_ =	swait.ge [sflag:s14], $0x80  }
0x318: {  	s21 =	sadd.s32 $0x100, s21;
	[sflag:s14] =	ssyncset.done $0x0  }
0x319: {  	s22 =	rddreg [dreg:$0x1d]  }
0x31a: {  	s20 =	rddreg [dreg:$0x16];
	s22 =	sadd.s32 $0x1, s22  }
0x31b: {  	p0 =	sne.s32 s22, s20  }
.Ltmp3:
0x31c: {  	_ = 	snop;
	(pc) =	sbr.rel @p0 .LBB2_1-.Ltmp3, $3  }
0x31d: {  	_ =	sdelay $0x1  }
0x31e: {  	[sflag:s14] =	ssyncadd.s32 $0xFFFFFF80  }
0x31f: {  	s21 =	simm.s32 $0x1F100;
	s4 =	simm.s32 $0x0;
	s20 =	rddreg [dreg:$0x19]  }
0x320: {  	_ =	sfence.sel $0x180000  }
0x321: {  	[bflag:$0x0] =	sbarrier.arrive $0xFFFF  }
0x322: {  	_ =	strace $0x90000047  }
0x323: {  	s0 =	stileid.u32;
	[bflag:$0x2] =	sbarrier.arrive $0xFFFF  }
0x324: {  	p0 =	sne.s32 s0, $0x0;
	s0 =	rddreg [dreg:$0x4]  }
0x325: {  	s0 =	sadd.s32 @!p0 $0x100000, s0  }
0x326: {  	[sflag:s0] =	ssyncadd.tile.s32 @!p0 $0x1;
	_ =	shalt  }
.Lfunc_end2:
_tile_overlayer_lowered:
.L_overlay_start_2:
0x327: {  	(tag) =	ssettag $0x2  }
0x328: {  	s0 =	rddreg [dreg:$0x0];
	s2 =	stileid.u32  }
0x329: {  	s1 =	rddreg [dreg:$0x1];
	p0 =	sne.s32 s2, $0x0  }
0x32a: {  	s3 =	rddreg [dreg:$0x2];
	[bflag:$0x3] =	sbarrier.arrive $0xFFFF;
	s2 =	simm.s32 @!p0 $0x1C12  }
0x32b: {  	[timem:s3], [sflag:s2] =	dma.local @!p0 [hbm:s0], s1  }
0x32c: {  	s0 =	simm.s32 @!p0 $0x12  }
0x32d: {  	_ =	swait.ge @!p0 [sflag:s0], s1  }
0x32e: {  	s1 =	ssub.s32 @!p0 $0x0, s1;
	[sflag:s0] =	ssyncset.done @!p0 $0x0  }
0x32f: {  	[sflag:s0] =	ssyncadd.s32 @!p0 s1  }
0x330: {  	[bflag:$0x3] =	sbarrier.arrive $0xFFFF  }
0x331: {  	_ =	shalt  }

</sc_bundles>
